<compile_context>
chip_gen: v7x
topology: tpu7x:2x2x1
jax: 0.10.2.dev20260603
libtpu: 0.0.44.dev20260713+nightly
codegen_flags: <defaults>
</compile_context>

<pallas_src>
import functools

import numpy as np
import jax
import jax.numpy as jnp
from jax import lax
from jax.experimental import pallas as pl
from jax.experimental.pallas import tpu as pltpu
from jax.experimental.pallas import tpu_sc as plsc

_B, _L, _V, _D = 1024, 200, 100000, 64
_GAMMA = 0.7
_MASK_ID = _V
_NC, _NS = 2, 16
_NW = _NC * _NS
_RPW = _B // _NW
_NCHUNK = 13
_TW = 32


_TABLE_CACHE = None


def _tf2x32(k1, k2, x0, x1):
    rot0 = (13, 15, 26, 6)
    rot1 = (17, 29, 16, 24)
    k1 = np.uint32(k1)
    k2 = np.uint32(k2)
    ks = (k1, k2, np.uint32(k1 ^ k2 ^ np.uint32(0x1BD11BDA)))
    x0 = (x0 + ks[0]).astype(np.uint32)
    x1 = (x1 + ks[1]).astype(np.uint32)

    def rnds(x0, x1, rs):
        for r in rs:
            x0 = (x0 + x1).astype(np.uint32)
            x1 = ((x1 << np.uint32(r)) | (x1 >> np.uint32(32 - r))).astype(np.uint32)
            x1 = x0 ^ x1
        return x0, x1

    for g, rs in enumerate((rot0, rot1, rot0, rot1, rot0)):
        x0, x1 = rnds(x0, x1, rs)
        x0 = (x0 + ks[(g + 1) % 3]).astype(np.uint32)
        x1 = (x1 + ks[(g + 2) % 3] + np.uint32(g + 1)).astype(np.uint32)
    return x0, x1


def _scores_for(seed_const):
    with np.errstate(over="ignore"):
        b1, b2 = _tf2x32(np.uint32(0), np.uint32(seed_const),
                         np.zeros(_B, np.uint32), np.arange(_B, dtype=np.uint32))
        r1, r2 = _tf2x32(b1[:, None], b2[:, None],
                         np.zeros((_B, _L), np.uint32),
                         np.broadcast_to(np.arange(_L, dtype=np.uint32), (_B, _L)))
    bits = r1 ^ r2
    return ((bits >> np.uint32(9)) | np.uint32(0x3F800000)).view(np.float32) \
        - np.float32(1.0)


def _masks_for_view(scores):
    out = np.zeros((_B, _L, _L), bool)
    n_arr = np.arange(1, _L + 1)
    sub_len = np.floor(np.float32(_GAMMA) * n_arr.astype(np.float32)).astype(np.int32)
    qidx = np.arange(_L)
    for b0 in range(0, _B, 64):
        s = scores[b0:b0 + 64]
        lt = (s[:, None, :] < s[:, :, None]) | (
            (s[:, None, :] == s[:, :, None])
            & (qidx[None, None, :] < qidx[None, :, None]))
        cum = np.cumsum(lt, axis=2).astype(np.int32)
        msk = cum.transpose(0, 2, 1) < sub_len[None, :, None]
        msk &= qidx[None, None, :] < n_arr[None, :, None]
        out[b0:b0 + 64] = msk
    return out


def _pack16(bits):
    pad = np.zeros(bits.shape[:-1] + (_NCHUNK * 16 - _L,), bool)
    b = np.concatenate([bits, pad], -1).reshape(bits.shape[:-1] + (_NCHUNK, 16))
    return (b.astype(np.int64) << np.arange(16)).sum(-1)


def _build_table():
    mi = _masks_for_view(_scores_for(123))
    mj = _masks_for_view(_scores_for(456))
    n_arr = np.arange(1, _L + 1)
    sub_len = np.floor(np.float32(_GAMMA) * n_arr.astype(np.float32)).astype(np.int32)
    valid = np.broadcast_to(np.arange(_L)[None, :] < n_arr[:, None], (_B, _L, _L))
    words = np.zeros((_B, _L, _TW), np.int64)
    words[:, :, 0:_NCHUNK] = _pack16(valid) | (_pack16(mi) << 16)
    words[:, :, 16:16 + _NCHUNK] = _pack16(mj)
    words[:, :, 29] = sub_len[None, :]
    words[:, :, 30] = n_arr[None, :]
    return (words & 0xFFFFFFFF).astype(np.uint32).view(np.int32).reshape(_B * _L, _TW)


def _get_table():
    global _TABLE_CACHE
    if _TABLE_CACHE is None:
        _TABLE_CACHE = _build_table()
    return _TABLE_CACHE


def _sc_encode_body(tw_h, seq_h, emb_h,
                    repi_h, repj_h,
                    seq_v, tw_v, emb_a, emb_b, maskemb_v,
                    repi_v, repj_v, wp_v, wq_v, sem_a, sem_b):
    wid = lax.axis_index("s") * _NC + lax.axis_index("c")
    base = wid * _RPW

    pltpu.sync_copy(seq_h.at[pl.ds(base, _RPW)], seq_v)
    pltpu.sync_copy(tw_h.at[pl.ds(base, _RPW)], tw_v)
    pltpu.sync_copy(emb_h.at[pl.ds(_MASK_ID, 1)], maskemb_v)

    lane = lax.iota(jnp.int32, 16)

    _SIZES = (64, 112, 160, _L)

    def _quant_branches(r, op):
        n = tw_v[r, pl.ds(16, 16)][14]
        lo = 0
        for sz in _SIZES:
            cond = (n > lo) & (n <= sz) if lo else (n <= sz)

            @pl.when(cond)
            def _br(sz=sz):
                op(sz)

            lo = sz

    def fire(r, buf, s):
        def op(sz):
            pltpu.async_copy(emb_h.at[seq_v.at[r, pl.ds(0, sz)]],
                             buf.at[pl.ds(0, sz)], s)
        _quant_branches(r, op)

    def wait(r, buf, s):
        def op(sz):
            pltpu.make_async_copy(emb_h.at[seq_v.at[r, pl.ds(0, sz)]],
                                  buf.at[pl.ds(0, sz)], s).wait()
        _quant_branches(r, op)

    def compute_row(r, buf):
        wavec = tw_v[r, pl.ds(0, 16)]
        wbvec = tw_v[r, pl.ds(16, 16)]

        for c in range(_NCHUNK):
            wa = wavec[c]
            wb = wbvec[c]
            wt = (wa >> lane) & 1
            wp_v[pl.ds(16 * c, 16)] = (wt - ((wa >> (lane + 16)) & 1)).astype(jnp.float32)
            wq_v[pl.ds(16 * c, 16)] = (wt - ((wb >> lane) & 1)).astype(jnp.float32)

        n = wbvec[14]
        nch = (n + 15) >> 4

        def chunk_body(c, accs):
            wPv = wp_v[pl.ds(16 * c, 16)]
            wQv = wq_v[pl.ds(16 * c, 16)]
            accs = list(accs)
            for j in range(16):
                p = c * 16 + j
                fP = wPv[j]
                fQ = wQv[j]
                for d in range(4):
                    v = buf[p, pl.ds(16 * d, 16)]
                    accs[d] = accs[d] + v * fP
                    accs[4 + d] = accs[4 + d] + v * fQ
            return tuple(accs)

        zero = jnp.zeros((16,), jnp.float32)
        accs = lax.fori_loop(0, nch, chunk_body, (zero,) * 8)

        wbf = wbvec.astype(jnp.float32)
        sl_f = wbf[13]
        n_f = wbf[14]
        for d in range(4):
            extra = sl_f * maskemb_v[0, pl.ds(16 * d, 16)]
            repi_v[r, pl.ds(16 * d, 16)] = (accs[d] + extra) / n_f
            repj_v[r, pl.ds(16 * d, 16)] = (accs[4 + d] + extra) / n_f

    fire(0, emb_a, sem_a)

    def pair_body(rr, _):
        r0 = 2 * rr
        fire(r0 + 1, emb_b, sem_b)
        wait(r0, emb_a, sem_a)
        compute_row(r0, emb_a)

        @pl.when(rr < _RPW // 2 - 1)
        def _prefetch():
            fire(r0 + 2, emb_a, sem_a)

        wait(r0 + 1, emb_b, sem_b)
        compute_row(r0 + 1, emb_b)
        return 0

    lax.fori_loop(0, _RPW // 2, pair_body, 0)
    pltpu.sync_copy(repi_v, repi_h.at[pl.ds(base, _RPW)])
    pltpu.sync_copy(repj_v, repj_h.at[pl.ds(base, _RPW)])


def _sc_encode(tw_rows, sequences, item_emb):
    mesh = plsc.VectorSubcoreMesh(core_axis_name="c", subcore_axis_name="s")
    f = pl.kernel(
        _sc_encode_body,
        out_type=(jax.ShapeDtypeStruct((_B, _D), jnp.float32),
                  jax.ShapeDtypeStruct((_B, _D), jnp.float32)),
        mesh=mesh,
        scratch_types=[
            pltpu.VMEM((_RPW, _L), jnp.int32),
            pltpu.VMEM((_RPW, _TW), jnp.int32),
            pltpu.VMEM((_L, _D), jnp.float32),
            pltpu.VMEM((_L, _D), jnp.float32),
            pltpu.VMEM((1, _D), jnp.float32),
            pltpu.VMEM((_RPW, _D), jnp.float32),
            pltpu.VMEM((_RPW, _D), jnp.float32),
            pltpu.VMEM((16 * _NCHUNK,), jnp.float32),
            pltpu.VMEM((16 * _NCHUNK,), jnp.float32),
            pltpu.SemaphoreType.DMA,
            pltpu.SemaphoreType.DMA,
        ],
        compiler_params=pltpu.CompilerParams(use_tc_tiling_on_sc=False),
    )
    return f(tw_rows, sequences, item_emb)


_BLK = 512


def _tc_loss_body(ri_blk_ref, rit_ref, rjt_ref, out_ref):
    i = pl.program_id(0)
    blk = ri_blk_ref[...]
    sim_ij = jnp.dot(blk, rjt_ref[...], preferred_element_type=jnp.float32)
    sim_ii = jnp.dot(blk, rit_ref[...], preferred_element_type=jnp.float32)
    rows = lax.broadcasted_iota(jnp.int32, (_BLK, _B), 0) + i * _BLK
    cols = lax.broadcasted_iota(jnp.int32, (_BLK, _B), 1)
    diag = rows == cols
    sim_ii = jnp.where(diag, jnp.float32(-1e9), sim_ii)
    diag_ij = jnp.sum(jnp.where(diag, sim_ij, 0.0), axis=1)
    m = jnp.maximum(jnp.max(sim_ij, axis=1), jnp.max(sim_ii, axis=1))
    s = (jnp.sum(jnp.exp(sim_ij - m[:, None]), axis=1)
         + jnp.sum(jnp.exp(sim_ii - m[:, None]), axis=1))
    part = jnp.sum(m + jnp.log(s) - diag_ij)

    @pl.when(i == 0)
    def _init():
        out_ref[...] = jnp.zeros_like(out_ref)

    out_ref[...] = out_ref[...] + part

    @pl.when(i == _B // _BLK - 1)
    def _final():
        out_ref[...] = out_ref[...] / _B


def _tc_loss(repi, repj):
    return pl.pallas_call(
        _tc_loss_body,
        grid=(_B // _BLK,),
        in_specs=[
            pl.BlockSpec((_BLK, _D), lambda i: (i, 0)),
            pl.BlockSpec((_D, _B), lambda i: (0, 0)),
            pl.BlockSpec((_D, _B), lambda i: (0, 0)),
        ],
        out_specs=pl.BlockSpec((1, 1), lambda i: (0, 0)),
        out_shape=jax.ShapeDtypeStruct((1, 1), jnp.float32),
    )(repi, repi.T, repj.T)


def kernel(sequences, seq_lens, item_emb):
    table = jnp.asarray(_get_table())
    sequences = sequences.astype(jnp.int32)
    seq_lens = seq_lens.astype(jnp.int32)
    item_emb = item_emb.astype(jnp.float32)
    rowsel = jnp.arange(_B, dtype=jnp.int32) * _L + seq_lens - 1
    tw_rows = jnp.take(table, rowsel, axis=0, mode="clip")
    repi, repj = _sc_encode(tw_rows, sequences, item_emb)
    loss = _tc_loss(repi, repj)
    return loss[0, 0]

# --- scband reference (transcript-rebuilt; emitter-appended) ---
"""Pipeline reference for scband-cl4-srec-augmentation-16801912062160 (READ-ONLY COPY).

The authoritative reference and input builder live on the scoring server;
editing this copy changes nothing except your own understanding.
"""

import jax, jax.numpy as jnp
import numpy as np

B, L, V, D = 1024, 200, 100000, 64
GAMMA = 0.7
MASK_ID = V  # train_data.num_items
TEMPERATURE = 1.0


def setup_inputs(seed: int = 0) -> dict:
    key = jax.random.key(seed)
    k1, k2, k3 = jax.random.split(key, 3)
    sequences = jax.random.randint(k1, (B, L), 0, V)
    seq_lens = jax.random.randint(k2, (B,), 1, L + 1)  # at least length 1
    item_emb = jax.random.normal(k3, (V + 1, D), dtype=jnp.float32)
    return {"sequences": sequences, "seq_lens": seq_lens, "item_emb": item_emb}


def _item_mask_row(seq, seq_len, key):
    # Item_Mask: choose sub_len = int(gamma * seq_len) positions without
    # replacement from [0, seq_len) and overwrite with mask_id.
    scores = jax.random.uniform(key, (L,))
    pos = jnp.arange(L)
    valid = pos < seq_len
    scores = jnp.where(valid, scores, jnp.inf)
    ranks = jnp.argsort(jnp.argsort(scores))
    sub_len = jnp.floor(GAMMA * seq_len.astype(jnp.float32)).astype(jnp.int32)
    do_mask = ranks < sub_len
    return jnp.where(do_mask, MASK_ID, seq)


def _augment(sequences, seq_lens, key):
    keys = jax.random.split(key, B)
    return jax.vmap(_item_mask_row)(sequences, seq_lens, keys)


def _encode(seq_aug, seq_lens, item_emb):
    # simple mean-pool sequence encoder over valid positions (SparseCore gather)
    emb = jnp.take(item_emb, seq_aug, axis=0)  # [B, L, D]
    valid = (jnp.arange(L)[None, :] < seq_lens[:, None]).astype(emb.dtype)
    pooled = (emb * valid[:, :, None]).sum(axis=1) / seq_lens[:, None].astype(emb.dtype)
    return pooled


def reference(sequences, seq_lens, item_emb):
    # CL4SRec: two independent augmented views -> encoder -> InfoNCE (batch_both, inner_product)
    ka = jax.random.key(123)
    kb = jax.random.key(456)
    seq_i = _augment(sequences, seq_lens, ka)
    seq_j = _augment(sequences, seq_lens, kb)
    rep_i = _encode(seq_i, seq_lens, item_emb)
    rep_j = _encode(seq_j, seq_lens, item_emb)

    sim_ii = (rep_i @ rep_i.T) / TEMPERATURE
    sim_ij = (rep_i @ rep_j.T) / TEMPERATURE
    diag = jnp.arange(B)
    sim_ii = sim_ii.at[diag, diag].set(-1e9)  # mask self-similarity
    logits = jnp.concatenate([sim_ij, sim_ii], axis=-1)  # [B, 2B]
    logZ = jax.nn.logsumexp(logits, axis=-1)
    loss = jnp.mean(logZ - logits[diag, diag])  # cross_entropy with labels = arange(B)
    return loss

if __name__ == "__main__":
    import jax
    _d = setup_inputs()
    print(jax.jit(kernel)(*tuple(_d.values())))

</pallas_src>

<mosaic_0001>
#map = affine_map<(d0, d1) -> (0, 0)>
module attributes {stable_mosaic.version = 14 : i64} {
  func.func @_sc_encode_body(%arg0: i32, %arg1: i32, %arg2: memref<1024x32xi32, #tpu.memory_space<hbm>>, %arg3: memref<1024x200xi32, #tpu.memory_space<hbm>>, %arg4: memref<100001x64xf32, #tpu.memory_space<hbm>>, %arg5: memref<1024x64xf32, #tpu.memory_space<hbm>>, %arg6: memref<1024x64xf32, #tpu.memory_space<hbm>>, %arg7: memref<32x200xi32, #tpu.memory_space<vmem>>, %arg8: memref<32x32xi32, #tpu.memory_space<vmem>>, %arg9: memref<200x64xf32, #tpu.memory_space<vmem>>, %arg10: memref<200x64xf32, #tpu.memory_space<vmem>>, %arg11: memref<1x64xf32, #tpu.memory_space<vmem>>, %arg12: memref<32x64xf32, #tpu.memory_space<vmem>>, %arg13: memref<32x64xf32, #tpu.memory_space<vmem>>, %arg14: memref<208xf32, #tpu.memory_space<vmem>>, %arg15: memref<208xf32, #tpu.memory_space<vmem>>, %arg16: memref<!tpu.dma_semaphore, #tpu.memory_space<semaphore_mem>>, %arg17: memref<!tpu.dma_semaphore, #tpu.memory_space<semaphore_mem>>) attributes {dimension_semantics = [#tpu.dimension_semantics<core_parallel>, #tpu.dimension_semantics<subcore_parallel>], iteration_bounds = array<i64: 2, 16>, scalar_prefetch = 0 : i64, scratch_operands = 11 : i64, tpu.core_type = #tpu.core_type<sc_vector_subcore>, window_params = [{transform_indices = #map}, {transform_indices = #map}, {transform_indices = #map}, {transform_indices = #map}, {transform_indices = #map}]} {
    %mul3A = arith.constant 2 : i32
    %mul3A_0 = arith.muli %arg1, %mul3A : i32
    %add3A = arith.addi %mul3A_0, %arg0 : i32
    %mul3A_1 = arith.constant 32 : i32
    %mul3A_2 = arith.muli %add3A, %mul3A_1 : i32
    "tpu.region"() ({
      %run_scoped3A = tpu.sem_alloc : memref<!tpu.dma_semaphore, #tpu.memory_space<semaphore_mem>>
      %dma_start3A = arith.constant 0 : i32
      %dma_start3A_37 = tpu.memref_slice %arg3[%mul3A_2, %dma_start3A] : memref<1024x200xi32, #tpu.memory_space<hbm>> -> memref<32x200xi32, #tpu.memory_space<hbm>>
      %dma_start3A_38 = arith.constant 0 : i32
      %dma_start3A_39 = tpu.memref_slice %arg3[%mul3A_2, %dma_start3A_38] : memref<1024x200xi32, #tpu.memory_space<hbm>> -> memref<32x200xi32, #tpu.memory_space<hbm>>
      tpu.enqueue_dma source(%dma_start3A_39 : memref<32x200xi32, #tpu.memory_space<hbm>>) target(%arg7 : memref<32x200xi32, #tpu.memory_space<vmem>>) target_semaphore(%run_scoped3A : memref<!tpu.dma_semaphore, #tpu.memory_space<semaphore_mem>>)
      %dma_wait3A = arith.constant 0 : i32
      %dma_wait3A_40 = tpu.memref_slice %arg3[%mul3A_2, %dma_wait3A] : memref<1024x200xi32, #tpu.memory_space<hbm>> -> memref<32x200xi32, #tpu.memory_space<hbm>>
      %dma_wait3A_41 = arith.constant 0 : i32
      %dma_wait3A_42 = tpu.memref_slice %arg3[%mul3A_2, %dma_wait3A_41] : memref<1024x200xi32, #tpu.memory_space<hbm>> -> memref<32x200xi32, #tpu.memory_space<hbm>>
      tpu.wait_dma2 semaphore(%run_scoped3A : memref<!tpu.dma_semaphore, #tpu.memory_space<semaphore_mem>>) src(%dma_wait3A_42 : memref<32x200xi32, #tpu.memory_space<hbm>>) dst(%arg7 : memref<32x200xi32, #tpu.memory_space<vmem>>)
      tpu.yield
    }) : () -> ()
    "tpu.region"() ({
      %run_scoped3A = tpu.sem_alloc : memref<!tpu.dma_semaphore, #tpu.memory_space<semaphore_mem>>
      %dma_start3A = arith.constant 0 : i32
      %dma_start3A_37 = tpu.memref_slice %arg2[%mul3A_2, %dma_start3A] : memref<1024x32xi32, #tpu.memory_space<hbm>> -> memref<32x32xi32, #tpu.memory_space<hbm>>
      %dma_start3A_38 = arith.constant 0 : i32
      %dma_start3A_39 = tpu.memref_slice %arg2[%mul3A_2, %dma_start3A_38] : memref<1024x32xi32, #tpu.memory_space<hbm>> -> memref<32x32xi32, #tpu.memory_space<hbm>>
      tpu.enqueue_dma source(%dma_start3A_39 : memref<32x32xi32, #tpu.memory_space<hbm>>) target(%arg8 : memref<32x32xi32, #tpu.memory_space<vmem>>) target_semaphore(%run_scoped3A : memref<!tpu.dma_semaphore, #tpu.memory_space<semaphore_mem>>)
      %dma_wait3A = arith.constant 0 : i32
      %dma_wait3A_40 = tpu.memref_slice %arg2[%mul3A_2, %dma_wait3A] : memref<1024x32xi32, #tpu.memory_space<hbm>> -> memref<32x32xi32, #tpu.memory_space<hbm>>
      %dma_wait3A_41 = arith.constant 0 : i32
      %dma_wait3A_42 = tpu.memref_slice %arg2[%mul3A_2, %dma_wait3A_41] : memref<1024x32xi32, #tpu.memory_space<hbm>> -> memref<32x32xi32, #tpu.memory_space<hbm>>
      tpu.wait_dma2 semaphore(%run_scoped3A : memref<!tpu.dma_semaphore, #tpu.memory_space<semaphore_mem>>) src(%dma_wait3A_42 : memref<32x32xi32, #tpu.memory_space<hbm>>) dst(%arg8 : memref<32x32xi32, #tpu.memory_space<vmem>>)
      tpu.yield
    }) : () -> ()
    "tpu.region"() ({
      %run_scoped3A = tpu.sem_alloc : memref<!tpu.dma_semaphore, #tpu.memory_space<semaphore_mem>>
      %dma_start3A = arith.constant 100000 : i32
      %dma_start3A_37 = arith.constant 0 : i32
      %dma_start3A_38 = tpu.memref_slice %arg4[%dma_start3A, %dma_start3A_37] : memref<100001x64xf32, #tpu.memory_space<hbm>> -> memref<1x64xf32, #tpu.memory_space<hbm>>
      %dma_start3A_39 = arith.constant 100000 : i32
      %dma_start3A_40 = arith.constant 0 : i32
      %dma_start3A_41 = tpu.memref_slice %arg4[%dma_start3A_39, %dma_start3A_40] : memref<100001x64xf32, #tpu.memory_space<hbm>> -> memref<1x64xf32, #tpu.memory_space<hbm>>
      tpu.enqueue_dma source(%dma_start3A_41 : memref<1x64xf32, #tpu.memory_space<hbm>>) target(%arg11 : memref<1x64xf32, #tpu.memory_space<vmem>>) target_semaphore(%run_scoped3A : memref<!tpu.dma_semaphore, #tpu.memory_space<semaphore_mem>>)
      %dma_wait3A = arith.constant 100000 : i32
      %dma_wait3A_42 = arith.constant 0 : i32
      %dma_wait3A_43 = tpu.memref_slice %arg4[%dma_wait3A, %dma_wait3A_42] : memref<100001x64xf32, #tpu.memory_space<hbm>> -> memref<1x64xf32, #tpu.memory_space<hbm>>
      %dma_wait3A_44 = arith.constant 100000 : i32
      %dma_wait3A_45 = arith.constant 0 : i32
      %dma_wait3A_46 = tpu.memref_slice %arg4[%dma_wait3A_44, %dma_wait3A_45] : memref<100001x64xf32, #tpu.memory_space<hbm>> -> memref<1x64xf32, #tpu.memory_space<hbm>>
      tpu.wait_dma2 semaphore(%run_scoped3A : memref<!tpu.dma_semaphore, #tpu.memory_space<semaphore_mem>>) src(%dma_wait3A_46 : memref<1x64xf32, #tpu.memory_space<hbm>>) dst(%arg11 : memref<1x64xf32, #tpu.memory_space<vmem>>)
      tpu.yield
    }) : () -> ()
    %iota3A = tpu.iota {dimensions = array<i32: 0>} : vector<16xi32>
    %get3A = arith.constant 0 : i32
    %get3A_3 = arith.index_cast %get3A : i32 to index
    %get3A_4 = arith.constant 16 : index
    %get3A_5 = tpu.vector_load %arg8[%get3A_3, %get3A_4] {strides = array<i32>} : memref<32x32xi32, #tpu.memory_space<vmem>>, vector<1x16xi32>,
    %get3A_6 = vector.shape_cast %get3A_5 : vector<1x16xi32> to vector<16xi32>
    %slice3A = vector.extract_strided_slice %get3A_6 {offsets = [14], sizes = [1], strides = [1]} : vector<16xi32> to vector<1xi32>
    %squeeze3A = vector.extract %slice3A[0] : i32 from vector<1xi32>
    %le3A = arith.constant 64 : i32
    %le3A_7 = arith.cmpi sle, %squeeze3A, %le3A : i32
    %convert_element_type3A = arith.extui %le3A_7 : i1 to i32
    %cond3A = arith.constant 0 : i32
    %cond3A_8 = arith.cmpi ne, %convert_element_type3A, %cond3A : i32
    scf.if %cond3A_8 {
      %dma_start3A = arith.constant 0 : i32
      %dma_start3A_37 = arith.constant 0 : i32
      %dma_start3A_38 = arith.constant 0 : i32
      %dma_start3A_39 = tpu.memref_slice %arg9[%dma_start3A_37, %dma_start3A_38] : memref<200x64xf32, #tpu.memory_space<vmem>> -> memref<64x64xf32, #tpu.memory_space<vmem>>
      %dma_start3A_40 = arith.constant 0 : i32
      %dma_start3A_41 = tpu.memref_slice %arg7[%dma_start3A, %dma_start3A_40] : memref<32x200xi32, #tpu.memory_space<vmem>> -> memref<1x64xi32, #tpu.memory_space<vmem>>
      %dma_start3A_42 = tpu.memref_squeeze %dma_start3A_41 : memref<1x64xi32, #tpu.memory_space<vmem>> -> memref<64xi32, #tpu.memory_space<vmem>>
      %dma_start3A_43 = arith.constant 0 : i32
      %dma_start3A_44 = arith.constant 0 : i32
      %dma_start3A_45 = tpu.memref_slice %arg4[%dma_start3A_43, %dma_start3A_44] : memref<100001x64xf32, #tpu.memory_space<hbm>> -> memref<100001x64xf32, #tpu.memory_space<hbm>>
      tpu.enqueue_indirect_dma source(%dma_start3A_45 : memref<100001x64xf32, #tpu.memory_space<hbm>>) target(%dma_start3A_39 : memref<64x64xf32, #tpu.memory_space<vmem>>) offsets(%dma_start3A_42 : memref<64xi32, #tpu.memory_space<vmem>>) semaphore(%arg16 : memref<!tpu.dma_semaphore, #tpu.memory_space<semaphore_mem>>)
    } else {
    }
    %gt3A = arith.constant 64 : i32
    %gt3A_9 = arith.cmpi sgt, %squeeze3A, %gt3A : i32
    %le3A_10 = arith.constant 112 : i32
    %le3A_11 = arith.cmpi sle, %squeeze3A, %le3A_10 : i32
    %and3A = arith.andi %gt3A_9, %le3A_11 : i1
    %convert_element_type3A_12 = arith.extui %and3A : i1 to i32
    %cond3A_13 = arith.constant 0 : i32
    %cond3A_14 = arith.cmpi ne, %convert_element_type3A_12, %cond3A_13 : i32
    scf.if %cond3A_14 {
      %dma_start3A = arith.constant 0 : i32
      %dma_start3A_37 = arith.constant 0 : i32
      %dma_start3A_38 = arith.constant 0 : i32
      %dma_start3A_39 = tpu.memref_slice %arg9[%dma_start3A_37, %dma_start3A_38] : memref<200x64xf32, #tpu.memory_space<vmem>> -> memref<112x64xf32, #tpu.memory_space<vmem>>
      %dma_start3A_40 = arith.constant 0 : i32
      %dma_start3A_41 = tpu.memref_slice %arg7[%dma_start3A, %dma_start3A_40] : memref<32x200xi32, #tpu.memory_space<vmem>> -> memref<1x112xi32, #tpu.memory_space<vmem>>
      %dma_start3A_42 = tpu.memref_squeeze %dma_start3A_41 : memref<1x112xi32, #tpu.memory_space<vmem>> -> memref<112xi32, #tpu.memory_space<vmem>>
      %dma_start3A_43 = arith.constant 0 : i32
      %dma_start3A_44 = arith.constant 0 : i32
      %dma_start3A_45 = tpu.memref_slice %arg4[%dma_start3A_43, %dma_start3A_44] : memref<100001x64xf32, #tpu.memory_space<hbm>> -> memref<100001x64xf32, #tpu.memory_space<hbm>>
      tpu.enqueue_indirect_dma source(%dma_start3A_45 : memref<100001x64xf32, #tpu.memory_space<hbm>>) target(%dma_start3A_39 : memref<112x64xf32, #tpu.memory_space<vmem>>) offsets(%dma_start3A_42 : memref<112xi32, #tpu.memory_space<vmem>>) semaphore(%arg16 : memref<!tpu.dma_semaphore, #tpu.memory_space<semaphore_mem>>)
    } else {
    }
    %gt3A_15 = arith.constant 112 : i32
    %gt3A_16 = arith.cmpi sgt, %squeeze3A, %gt3A_15 : i32
    %le3A_17 = arith.constant 160 : i32
    %le3A_18 = arith.cmpi sle, %squeeze3A, %le3A_17 : i32
    %and3A_19 = arith.andi %gt3A_16, %le3A_18 : i1
    %convert_element_type3A_20 = arith.extui %and3A_19 : i1 to i32
    %cond3A_21 = arith.constant 0 : i32
    %cond3A_22 = arith.cmpi ne, %convert_element_type3A_20, %cond3A_21 : i32
    scf.if %cond3A_22 {
      %dma_start3A = arith.constant 0 : i32
      %dma_start3A_37 = arith.constant 0 : i32
      %dma_start3A_38 = arith.constant 0 : i32
      %dma_start3A_39 = tpu.memref_slice %arg9[%dma_start3A_37, %dma_start3A_38] : memref<200x64xf32, #tpu.memory_space<vmem>> -> memref<160x64xf32, #tpu.memory_space<vmem>>
      %dma_start3A_40 = arith.constant 0 : i32
      %dma_start3A_41 = tpu.memref_slice %arg7[%dma_start3A, %dma_start3A_40] : memref<32x200xi32, #tpu.memory_space<vmem>> -> memref<1x160xi32, #tpu.memory_space<vmem>>
      %dma_start3A_42 = tpu.memref_squeeze %dma_start3A_41 : memref<1x160xi32, #tpu.memory_space<vmem>> -> memref<160xi32, #tpu.memory_space<vmem>>
      %dma_start3A_43 = arith.constant 0 : i32
      %dma_start3A_44 = arith.constant 0 : i32
      %dma_start3A_45 = tpu.memref_slice %arg4[%dma_start3A_43, %dma_start3A_44] : memref<100001x64xf32, #tpu.memory_space<hbm>> -> memref<100001x64xf32, #tpu.memory_space<hbm>>
      tpu.enqueue_indirect_dma source(%dma_start3A_45 : memref<100001x64xf32, #tpu.memory_space<hbm>>) target(%dma_start3A_39 : memref<160x64xf32, #tpu.memory_space<vmem>>) offsets(%dma_start3A_42 : memref<160xi32, #tpu.memory_space<vmem>>) semaphore(%arg16 : memref<!tpu.dma_semaphore, #tpu.memory_space<semaphore_mem>>)
    } else {
    }
    %gt3A_23 = arith.constant 160 : i32
    %gt3A_24 = arith.cmpi sgt, %squeeze3A, %gt3A_23 : i32
    %le3A_25 = arith.constant 200 : i32
    %le3A_26 = arith.cmpi sle, %squeeze3A, %le3A_25 : i32
    %and3A_27 = arith.andi %gt3A_24, %le3A_26 : i1
    %convert_element_type3A_28 = arith.extui %and3A_27 : i1 to i32
    %cond3A_29 = arith.constant 0 : i32
    %cond3A_30 = arith.cmpi ne, %convert_element_type3A_28, %cond3A_29 : i32
    scf.if %cond3A_30 {
      %dma_start3A = arith.constant 0 : i32
      %dma_start3A_37 = arith.constant 0 : i32
      %dma_start3A_38 = arith.constant 0 : i32
      %dma_start3A_39 = tpu.memref_slice %arg9[%dma_start3A_37, %dma_start3A_38] : memref<200x64xf32, #tpu.memory_space<vmem>> -> memref<200x64xf32, #tpu.memory_space<vmem>>
      %dma_start3A_40 = arith.constant 0 : i32
      %dma_start3A_41 = tpu.memref_slice %arg7[%dma_start3A, %dma_start3A_40] : memref<32x200xi32, #tpu.memory_space<vmem>> -> memref<1x200xi32, #tpu.memory_space<vmem>>
      %dma_start3A_42 = tpu.memref_squeeze %dma_start3A_41 : memref<1x200xi32, #tpu.memory_space<vmem>> -> memref<200xi32, #tpu.memory_space<vmem>>
      %dma_start3A_43 = arith.constant 0 : i32
      %dma_start3A_44 = arith.constant 0 : i32
      %dma_start3A_45 = tpu.memref_slice %arg4[%dma_start3A_43, %dma_start3A_44] : memref<100001x64xf32, #tpu.memory_space<hbm>> -> memref<100001x64xf32, #tpu.memory_space<hbm>>
      tpu.enqueue_indirect_dma source(%dma_start3A_45 : memref<100001x64xf32, #tpu.memory_space<hbm>>) target(%dma_start3A_39 : memref<200x64xf32, #tpu.memory_space<vmem>>) offsets(%dma_start3A_42 : memref<200xi32, #tpu.memory_space<vmem>>) semaphore(%arg16 : memref<!tpu.dma_semaphore, #tpu.memory_space<semaphore_mem>>)
    } else {
    }
    %scan3A = arith.constant 0 : i32
    %scan3A_31 = arith.constant 0 : i32
    %scan3A_32 = arith.constant 16 : i32
    %scan3A_33 = arith.addi %scan3A_31, %scan3A_32 : i32
    %scan3A_34 = arith.constant 1 : i32
    %scan3A_35 = scf.for %scan3A_37 = %scan3A_31 to %scan3A_33 step %scan3A_34 iter_args(%scan3A_38 = %scan3A) -> (i32)  : i32 {
      %mul3A_39 = arith.constant 2 : i32
      %mul3A_40 = arith.muli %mul3A_39, %scan3A_37 : i32
      %add3A_41 = arith.constant 1 : i32
      %add3A_42 = arith.addi %mul3A_40, %add3A_41 : i32
      %get3A_43 = arith.index_cast %add3A_42 : i32 to index
      %get3A_44 = arith.constant 16 : index
      %get3A_45 = tpu.vector_load %arg8[%get3A_43, %get3A_44] {strides = array<i32>} : memref<32x32xi32, #tpu.memory_space<vmem>>, vector<1x16xi32>,
      %get3A_46 = vector.shape_cast %get3A_45 : vector<1x16xi32> to vector<16xi32>
      %slice3A_47 = vector.extract_strided_slice %get3A_46 {offsets = [14], sizes = [1], strides = [1]} : vector<16xi32> to vector<1xi32>
      %squeeze3A_48 = vector.extract %slice3A_47[0] : i32 from vector<1xi32>
      %le3A_49 = arith.constant 64 : i32
      %le3A_50 = arith.cmpi sle, %squeeze3A_48, %le3A_49 : i32
      %convert_element_type3A_51 = arith.extui %le3A_50 : i1 to i32
      %cond3A_52 = arith.constant 0 : i32
      %cond3A_53 = arith.cmpi ne, %convert_element_type3A_51, %cond3A_52 : i32
      scf.if %cond3A_53 {
        %dma_start3A = arith.constant 0 : i32
        %dma_start3A_1283 = arith.constant 0 : i32
        %dma_start3A_1284 = tpu.memref_slice %arg10[%dma_start3A, %dma_start3A_1283] : memref<200x64xf32, #tpu.memory_space<vmem>> -> memref<64x64xf32, #tpu.memory_space<vmem>>
        %dma_start3A_1285 = arith.constant 0 : i32
        %dma_start3A_1286 = tpu.memref_slice %arg7[%add3A_42, %dma_start3A_1285] : memref<32x200xi32, #tpu.memory_space<vmem>> -> memref<1x64xi32, #tpu.memory_space<vmem>>
        %dma_start3A_1287 = tpu.memref_squeeze %dma_start3A_1286 : memref<1x64xi32, #tpu.memory_space<vmem>> -> memref<64xi32, #tpu.memory_space<vmem>>
        %dma_start3A_1288 = arith.constant 0 : i32
        %dma_start3A_1289 = arith.constant 0 : i32
        %dma_start3A_1290 = tpu.memref_slice %arg4[%dma_start3A_1288, %dma_start3A_1289] : memref<100001x64xf32, #tpu.memory_space<hbm>> -> memref<100001x64xf32, #tpu.memory_space<hbm>>
        tpu.enqueue_indirect_dma source(%dma_start3A_1290 : memref<100001x64xf32, #tpu.memory_space<hbm>>) target(%dma_start3A_1284 : memref<64x64xf32, #tpu.memory_space<vmem>>) offsets(%dma_start3A_1287 : memref<64xi32, #tpu.memory_space<vmem>>) semaphore(%arg17 : memref<!tpu.dma_semaphore, #tpu.memory_space<semaphore_mem>>)
      } else {
      }
      %gt3A_54 = arith.constant 64 : i32
      %gt3A_55 = arith.cmpi sgt, %squeeze3A_48, %gt3A_54 : i32
      %le3A_56 = arith.constant 112 : i32
      %le3A_57 = arith.cmpi sle, %squeeze3A_48, %le3A_56 : i32
      %and3A_58 = arith.andi %gt3A_55, %le3A_57 : i1
      %convert_element_type3A_59 = arith.extui %and3A_58 : i1 to i32
      %cond3A_60 = arith.constant 0 : i32
      %cond3A_61 = arith.cmpi ne, %convert_element_type3A_59, %cond3A_60 : i32
      scf.if %cond3A_61 {
        %dma_start3A = arith.constant 0 : i32
        %dma_start3A_1283 = arith.constant 0 : i32
        %dma_start3A_1284 = tpu.memref_slice %arg10[%dma_start3A, %dma_start3A_1283] : memref<200x64xf32, #tpu.memory_space<vmem>> -> memref<112x64xf32, #tpu.memory_space<vmem>>
        %dma_start3A_1285 = arith.constant 0 : i32
        %dma_start3A_1286 = tpu.memref_slice %arg7[%add3A_42, %dma_start3A_1285] : memref<32x200xi32, #tpu.memory_space<vmem>> -> memref<1x112xi32, #tpu.memory_space<vmem>>
        %dma_start3A_1287 = tpu.memref_squeeze %dma_start3A_1286 : memref<1x112xi32, #tpu.memory_space<vmem>> -> memref<112xi32, #tpu.memory_space<vmem>>
        %dma_start3A_1288 = arith.constant 0 : i32
        %dma_start3A_1289 = arith.constant 0 : i32
        %dma_start3A_1290 = tpu.memref_slice %arg4[%dma_start3A_1288, %dma_start3A_1289] : memref<100001x64xf32, #tpu.memory_space<hbm>> -> memref<100001x64xf32, #tpu.memory_space<hbm>>
        tpu.enqueue_indirect_dma source(%dma_start3A_1290 : memref<100001x64xf32, #tpu.memory_space<hbm>>) target(%dma_start3A_1284 : memref<112x64xf32, #tpu.memory_space<vmem>>) offsets(%dma_start3A_1287 : memref<112xi32, #tpu.memory_space<vmem>>) semaphore(%arg17 : memref<!tpu.dma_semaphore, #tpu.memory_space<semaphore_mem>>)
      } else {
      }
      %gt3A_62 = arith.constant 112 : i32
      %gt3A_63 = arith.cmpi sgt, %squeeze3A_48, %gt3A_62 : i32
      %le3A_64 = arith.constant 160 : i32
      %le3A_65 = arith.cmpi sle, %squeeze3A_48, %le3A_64 : i32
      %and3A_66 = arith.andi %gt3A_63, %le3A_65 : i1
      %convert_element_type3A_67 = arith.extui %and3A_66 : i1 to i32
      %cond3A_68 = arith.constant 0 : i32
      %cond3A_69 = arith.cmpi ne, %convert_element_type3A_67, %cond3A_68 : i32
      scf.if %cond3A_69 {
        %dma_start3A = arith.constant 0 : i32
        %dma_start3A_1283 = arith.constant 0 : i32
        %dma_start3A_1284 = tpu.memref_slice %arg10[%dma_start3A, %dma_start3A_1283] : memref<200x64xf32, #tpu.memory_space<vmem>> -> memref<160x64xf32, #tpu.memory_space<vmem>>
        %dma_start3A_1285 = arith.constant 0 : i32
        %dma_start3A_1286 = tpu.memref_slice %arg7[%add3A_42, %dma_start3A_1285] : memref<32x200xi32, #tpu.memory_space<vmem>> -> memref<1x160xi32, #tpu.memory_space<vmem>>
        %dma_start3A_1287 = tpu.memref_squeeze %dma_start3A_1286 : memref<1x160xi32, #tpu.memory_space<vmem>> -> memref<160xi32, #tpu.memory_space<vmem>>
        %dma_start3A_1288 = arith.constant 0 : i32
        %dma_start3A_1289 = arith.constant 0 : i32
        %dma_start3A_1290 = tpu.memref_slice %arg4[%dma_start3A_1288, %dma_start3A_1289] : memref<100001x64xf32, #tpu.memory_space<hbm>> -> memref<100001x64xf32, #tpu.memory_space<hbm>>
        tpu.enqueue_indirect_dma source(%dma_start3A_1290 : memref<100001x64xf32, #tpu.memory_space<hbm>>) target(%dma_start3A_1284 : memref<160x64xf32, #tpu.memory_space<vmem>>) offsets(%dma_start3A_1287 : memref<160xi32, #tpu.memory_space<vmem>>) semaphore(%arg17 : memref<!tpu.dma_semaphore, #tpu.memory_space<semaphore_mem>>)
      } else {
      }
      %gt3A_70 = arith.constant 160 : i32
      %gt3A_71 = arith.cmpi sgt, %squeeze3A_48, %gt3A_70 : i32
      %le3A_72 = arith.constant 200 : i32
      %le3A_73 = arith.cmpi sle, %squeeze3A_48, %le3A_72 : i32
      %and3A_74 = arith.andi %gt3A_71, %le3A_73 : i1
      %convert_element_type3A_75 = arith.extui %and3A_74 : i1 to i32
      %cond3A_76 = arith.constant 0 : i32
      %cond3A_77 = arith.cmpi ne, %convert_element_type3A_75, %cond3A_76 : i32
      scf.if %cond3A_77 {
        %dma_start3A = arith.constant 0 : i32
        %dma_start3A_1283 = arith.constant 0 : i32
        %dma_start3A_1284 = tpu.memref_slice %arg10[%dma_start3A, %dma_start3A_1283] : memref<200x64xf32, #tpu.memory_space<vmem>> -> memref<200x64xf32, #tpu.memory_space<vmem>>
        %dma_start3A_1285 = arith.constant 0 : i32
        %dma_start3A_1286 = tpu.memref_slice %arg7[%add3A_42, %dma_start3A_1285] : memref<32x200xi32, #tpu.memory_space<vmem>> -> memref<1x200xi32, #tpu.memory_space<vmem>>
        %dma_start3A_1287 = tpu.memref_squeeze %dma_start3A_1286 : memref<1x200xi32, #tpu.memory_space<vmem>> -> memref<200xi32, #tpu.memory_space<vmem>>
        %dma_start3A_1288 = arith.constant 0 : i32
        %dma_start3A_1289 = arith.constant 0 : i32
        %dma_start3A_1290 = tpu.memref_slice %arg4[%dma_start3A_1288, %dma_start3A_1289] : memref<100001x64xf32, #tpu.memory_space<hbm>> -> memref<100001x64xf32, #tpu.memory_space<hbm>>
        tpu.enqueue_indirect_dma source(%dma_start3A_1290 : memref<100001x64xf32, #tpu.memory_space<hbm>>) target(%dma_start3A_1284 : memref<200x64xf32, #tpu.memory_space<vmem>>) offsets(%dma_start3A_1287 : memref<200xi32, #tpu.memory_space<vmem>>) semaphore(%arg17 : memref<!tpu.dma_semaphore, #tpu.memory_space<semaphore_mem>>)
      } else {
      }
      %get3A_78 = arith.index_cast %mul3A_40 : i32 to index
      %get3A_79 = arith.constant 16 : index
      %get3A_80 = tpu.vector_load %arg8[%get3A_78, %get3A_79] {strides = array<i32>} : memref<32x32xi32, #tpu.memory_space<vmem>>, vector<1x16xi32>,
      %get3A_81 = vector.shape_cast %get3A_80 : vector<1x16xi32> to vector<16xi32>
      %slice3A_82 = vector.extract_strided_slice %get3A_81 {offsets = [14], sizes = [1], strides = [1]} : vector<16xi32> to vector<1xi32>
      %squeeze3A_83 = vector.extract %slice3A_82[0] : i32 from vector<1xi32>
      %le3A_84 = arith.constant 64 : i32
      %le3A_85 = arith.cmpi sle, %squeeze3A_83, %le3A_84 : i32
      %convert_element_type3A_86 = arith.extui %le3A_85 : i1 to i32
      %cond3A_87 = arith.constant 0 : i32
      %cond3A_88 = arith.cmpi ne, %convert_element_type3A_86, %cond3A_87 : i32
      scf.if %cond3A_88 {
        %dma_wait3A = arith.constant 0 : i32
        %dma_wait3A_1283 = arith.constant 0 : i32
        %dma_wait3A_1284 = tpu.memref_slice %arg9[%dma_wait3A, %dma_wait3A_1283] : memref<200x64xf32, #tpu.memory_space<vmem>> -> memref<64x64xf32, #tpu.memory_space<vmem>>
        %dma_wait3A_1285 = arith.constant 0 : i32
        %dma_wait3A_1286 = tpu.memref_slice %arg7[%mul3A_40, %dma_wait3A_1285] : memref<32x200xi32, #tpu.memory_space<vmem>> -> memref<1x64xi32, #tpu.memory_space<vmem>>
        %dma_wait3A_1287 = tpu.memref_squeeze %dma_wait3A_1286 : memref<1x64xi32, #tpu.memory_space<vmem>> -> memref<64xi32, #tpu.memory_space<vmem>>
        %dma_wait3A_1288 = arith.constant 0 : i32
        %dma_wait3A_1289 = arith.constant 0 : i32
        %dma_wait3A_1290 = tpu.memref_slice %arg4[%dma_wait3A_1288, %dma_wait3A_1289] : memref<100001x64xf32, #tpu.memory_space<hbm>> -> memref<100001x64xf32, #tpu.memory_space<hbm>>
        tpu.wait_indirect_dma semaphore(%arg16 : memref<!tpu.dma_semaphore, #tpu.memory_space<semaphore_mem>>) src(%dma_wait3A_1290 : memref<100001x64xf32, #tpu.memory_space<hbm>>) dst(%dma_wait3A_1284 : memref<64x64xf32, #tpu.memory_space<vmem>>)
      } else {
      }
      %gt3A_89 = arith.constant 64 : i32
      %gt3A_90 = arith.cmpi sgt, %squeeze3A_83, %gt3A_89 : i32
      %le3A_91 = arith.constant 112 : i32
      %le3A_92 = arith.cmpi sle, %squeeze3A_83, %le3A_91 : i32
      %and3A_93 = arith.andi %gt3A_90, %le3A_92 : i1
      %convert_element_type3A_94 = arith.extui %and3A_93 : i1 to i32
      %cond3A_95 = arith.constant 0 : i32
      %cond3A_96 = arith.cmpi ne, %convert_element_type3A_94, %cond3A_95 : i32
      scf.if %cond3A_96 {
        %dma_wait3A = arith.constant 0 : i32
        %dma_wait3A_1283 = arith.constant 0 : i32
        %dma_wait3A_1284 = tpu.memref_slice %arg9[%dma_wait3A, %dma_wait3A_1283] : memref<200x64xf32, #tpu.memory_space<vmem>> -> memref<112x64xf32, #tpu.memory_space<vmem>>
        %dma_wait3A_1285 = arith.constant 0 : i32
        %dma_wait3A_1286 = tpu.memref_slice %arg7[%mul3A_40, %dma_wait3A_1285] : memref<32x200xi32, #tpu.memory_space<vmem>> -> memref<1x112xi32, #tpu.memory_space<vmem>>
        %dma_wait3A_1287 = tpu.memref_squeeze %dma_wait3A_1286 : memref<1x112xi32, #tpu.memory_space<vmem>> -> memref<112xi32, #tpu.memory_space<vmem>>
        %dma_wait3A_1288 = arith.constant 0 : i32
        %dma_wait3A_1289 = arith.constant 0 : i32
        %dma_wait3A_1290 = tpu.memref_slice %arg4[%dma_wait3A_1288, %dma_wait3A_1289] : memref<100001x64xf32, #tpu.memory_space<hbm>> -> memref<100001x64xf32, #tpu.memory_space<hbm>>
        tpu.wait_indirect_dma semaphore(%arg16 : memref<!tpu.dma_semaphore, #tpu.memory_space<semaphore_mem>>) src(%dma_wait3A_1290 : memref<100001x64xf32, #tpu.memory_space<hbm>>) dst(%dma_wait3A_1284 : memref<112x64xf32, #tpu.memory_space<vmem>>)
      } else {
      }
      %gt3A_97 = arith.constant 112 : i32
      %gt3A_98 = arith.cmpi sgt, %squeeze3A_83, %gt3A_97 : i32
      %le3A_99 = arith.constant 160 : i32
      %le3A_100 = arith.cmpi sle, %squeeze3A_83, %le3A_99 : i32
      %and3A_101 = arith.andi %gt3A_98, %le3A_100 : i1
      %convert_element_type3A_102 = arith.extui %and3A_101 : i1 to i32
      %cond3A_103 = arith.constant 0 : i32
      %cond3A_104 = arith.cmpi ne, %convert_element_type3A_102, %cond3A_103 : i32
      scf.if %cond3A_104 {
        %dma_wait3A = arith.constant 0 : i32
        %dma_wait3A_1283 = arith.constant 0 : i32
        %dma_wait3A_1284 = tpu.memref_slice %arg9[%dma_wait3A, %dma_wait3A_1283] : memref<200x64xf32, #tpu.memory_space<vmem>> -> memref<160x64xf32, #tpu.memory_space<vmem>>
        %dma_wait3A_1285 = arith.constant 0 : i32
        %dma_wait3A_1286 = tpu.memref_slice %arg7[%mul3A_40, %dma_wait3A_1285] : memref<32x200xi32, #tpu.memory_space<vmem>> -> memref<1x160xi32, #tpu.memory_space<vmem>>
        %dma_wait3A_1287 = tpu.memref_squeeze %dma_wait3A_1286 : memref<1x160xi32, #tpu.memory_space<vmem>> -> memref<160xi32, #tpu.memory_space<vmem>>
        %dma_wait3A_1288 = arith.constant 0 : i32
        %dma_wait3A_1289 = arith.constant 0 : i32
        %dma_wait3A_1290 = tpu.memref_slice %arg4[%dma_wait3A_1288, %dma_wait3A_1289] : memref<100001x64xf32, #tpu.memory_space<hbm>> -> memref<100001x64xf32, #tpu.memory_space<hbm>>
        tpu.wait_indirect_dma semaphore(%arg16 : memref<!tpu.dma_semaphore, #tpu.memory_space<semaphore_mem>>) src(%dma_wait3A_1290 : memref<100001x64xf32, #tpu.memory_space<hbm>>) dst(%dma_wait3A_1284 : memref<160x64xf32, #tpu.memory_space<vmem>>)
      } else {
      }
      %gt3A_105 = arith.constant 160 : i32
      %gt3A_106 = arith.cmpi sgt, %squeeze3A_83, %gt3A_105 : i32
      %le3A_107 = arith.constant 200 : i32
      %le3A_108 = arith.cmpi sle, %squeeze3A_83, %le3A_107 : i32
      %and3A_109 = arith.andi %gt3A_106, %le3A_108 : i1
      %convert_element_type3A_110 = arith.extui %and3A_109 : i1 to i32
      %cond3A_111 = arith.constant 0 : i32
      %cond3A_112 = arith.cmpi ne, %convert_element_type3A_110, %cond3A_111 : i32
      scf.if %cond3A_112 {
        %dma_wait3A = arith.constant 0 : i32
        %dma_wait3A_1283 = arith.constant 0 : i32
        %dma_wait3A_1284 = tpu.memref_slice %arg9[%dma_wait3A, %dma_wait3A_1283] : memref<200x64xf32, #tpu.memory_space<vmem>> -> memref<200x64xf32, #tpu.memory_space<vmem>>
        %dma_wait3A_1285 = arith.constant 0 : i32
        %dma_wait3A_1286 = tpu.memref_slice %arg7[%mul3A_40, %dma_wait3A_1285] : memref<32x200xi32, #tpu.memory_space<vmem>> -> memref<1x200xi32, #tpu.memory_space<vmem>>
        %dma_wait3A_1287 = tpu.memref_squeeze %dma_wait3A_1286 : memref<1x200xi32, #tpu.memory_space<vmem>> -> memref<200xi32, #tpu.memory_space<vmem>>
        %dma_wait3A_1288 = arith.constant 0 : i32
        %dma_wait3A_1289 = arith.constant 0 : i32
        %dma_wait3A_1290 = tpu.memref_slice %arg4[%dma_wait3A_1288, %dma_wait3A_1289] : memref<100001x64xf32, #tpu.memory_space<hbm>> -> memref<100001x64xf32, #tpu.memory_space<hbm>>
        tpu.wait_indirect_dma semaphore(%arg16 : memref<!tpu.dma_semaphore, #tpu.memory_space<semaphore_mem>>) src(%dma_wait3A_1290 : memref<100001x64xf32, #tpu.memory_space<hbm>>) dst(%dma_wait3A_1284 : memref<200x64xf32, #tpu.memory_space<vmem>>)
      } else {
      }
      %get3A_113 = arith.index_cast %mul3A_40 : i32 to index
      %get3A_114 = arith.constant 0 : index
      %get3A_115 = tpu.vector_load %arg8[%get3A_113, %get3A_114] {strides = array<i32>} : memref<32x32xi32, #tpu.memory_space<vmem>>, vector<1x16xi32>,
      %get3A_116 = vector.shape_cast %get3A_115 : vector<1x16xi32> to vector<16xi32>
      %get3A_117 = arith.index_cast %mul3A_40 : i32 to index
      %get3A_118 = arith.constant 16 : index
      %get3A_119 = tpu.vector_load %arg8[%get3A_117, %get3A_118] {strides = array<i32>} : memref<32x32xi32, #tpu.memory_space<vmem>>, vector<1x16xi32>,
      %get3A_120 = vector.shape_cast %get3A_119 : vector<1x16xi32> to vector<16xi32>
      %slice3A_121 = vector.extract_strided_slice %get3A_116 {offsets = [0], sizes = [1], strides = [1]} : vector<16xi32> to vector<1xi32>
      %squeeze3A_122 = vector.extract %slice3A_121[0] : i32 from vector<1xi32>
      %slice3A_123 = vector.extract_strided_slice %get3A_120 {offsets = [0], sizes = [1], strides = [1]} : vector<16xi32> to vector<1xi32>
      %squeeze3A_124 = vector.extract %slice3A_123[0] : i32 from vector<1xi32>
      %shift_right_arithmetic3A = vector.broadcast %squeeze3A_122 : i32 to vector<16xi32>
      %shift_right_arithmetic3A_125 = arith.shrsi %shift_right_arithmetic3A, %iota3A : vector<16xi32>
      %and3A_126 = arith.constant 1 : i32
      %and3A_127 = vector.broadcast %and3A_126 : i32 to vector<16xi32>
      %and3A_128 = arith.andi %shift_right_arithmetic3A_125, %and3A_127 : vector<16xi32>
      %add3A_129 = arith.constant 16 : i32
      %add3A_130 = vector.broadcast %add3A_129 : i32 to vector<16xi32>
      %add3A_131 = arith.addi %iota3A, %add3A_130 : vector<16xi32>
      %shift_right_arithmetic3A_132 = vector.broadcast %squeeze3A_122 : i32 to vector<16xi32>
      %shift_right_arithmetic3A_133 = arith.shrsi %shift_right_arithmetic3A_132, %add3A_131 : vector<16xi32>
      %and3A_134 = arith.constant 1 : i32
      %and3A_135 = vector.broadcast %and3A_134 : i32 to vector<16xi32>
      %and3A_136 = arith.andi %shift_right_arithmetic3A_133, %and3A_135 : vector<16xi32>
      %sub3A = arith.subi %and3A_128, %and3A_136 : vector<16xi32>
      %convert_element_type3A_137 = arith.sitofp %sub3A : vector<16xi32> to vector<16xf32>
      %swap3A = arith.constant 0 : index
      %swap3A_138 = tpu.vector_load %arg14[%swap3A] {strides = array<i32>} : memref<208xf32, #tpu.memory_space<vmem>>, vector<16xf32>,
      %swap3A_139 = vector.shape_cast %swap3A_138 : vector<16xf32> to vector<16xf32>
      %swap3A_140 = vector.shape_cast %convert_element_type3A_137 : vector<16xf32> to vector<16xf32>
      tpu.vector_store %arg14[%swap3A], %swap3A_140 {strides = array<i32>} : memref<208xf32, #tpu.memory_space<vmem>>, vector<16xf32>,
      %shift_right_arithmetic3A_141 = vector.broadcast %squeeze3A_124 : i32 to vector<16xi32>
      %shift_right_arithmetic3A_142 = arith.shrsi %shift_right_arithmetic3A_141, %iota3A : vector<16xi32>
      %and3A_143 = arith.constant 1 : i32
      %and3A_144 = vector.broadcast %and3A_143 : i32 to vector<16xi32>
      %and3A_145 = arith.andi %shift_right_arithmetic3A_142, %and3A_144 : vector<16xi32>
      %sub3A_146 = arith.subi %and3A_128, %and3A_145 : vector<16xi32>
      %convert_element_type3A_147 = arith.sitofp %sub3A_146 : vector<16xi32> to vector<16xf32>
      %swap3A_148 = arith.constant 0 : index
      %swap3A_149 = tpu.vector_load %arg15[%swap3A_148] {strides = array<i32>} : memref<208xf32, #tpu.memory_space<vmem>>, vector<16xf32>,
      %swap3A_150 = vector.shape_cast %swap3A_149 : vector<16xf32> to vector<16xf32>
      %swap3A_151 = vector.shape_cast %convert_element_type3A_147 : vector<16xf32> to vector<16xf32>
      tpu.vector_store %arg15[%swap3A_148], %swap3A_151 {strides = array<i32>} : memref<208xf32, #tpu.memory_space<vmem>>, vector<16xf32>,
      %slice3A_152 = vector.extract_strided_slice %get3A_116 {offsets = [1], sizes = [1], strides = [1]} : vector<16xi32> to vector<1xi32>
      %squeeze3A_153 = vector.extract %slice3A_152[0] : i32 from vector<1xi32>
      %slice3A_154 = vector.extract_strided_slice %get3A_120 {offsets = [1], sizes = [1], strides = [1]} : vector<16xi32> to vector<1xi32>
      %squeeze3A_155 = vector.extract %slice3A_154[0] : i32 from vector<1xi32>
      %shift_right_arithmetic3A_156 = vector.broadcast %squeeze3A_153 : i32 to vector<16xi32>
      %shift_right_arithmetic3A_157 = arith.shrsi %shift_right_arithmetic3A_156, %iota3A : vector<16xi32>
      %and3A_158 = arith.constant 1 : i32
      %and3A_159 = vector.broadcast %and3A_158 : i32 to vector<16xi32>
      %and3A_160 = arith.andi %shift_right_arithmetic3A_157, %and3A_159 : vector<16xi32>
      %add3A_161 = arith.constant 16 : i32
      %add3A_162 = vector.broadcast %add3A_161 : i32 to vector<16xi32>
      %add3A_163 = arith.addi %iota3A, %add3A_162 : vector<16xi32>
      %shift_right_arithmetic3A_164 = vector.broadcast %squeeze3A_153 : i32 to vector<16xi32>
      %shift_right_arithmetic3A_165 = arith.shrsi %shift_right_arithmetic3A_164, %add3A_163 : vector<16xi32>
      %and3A_166 = arith.constant 1 : i32
      %and3A_167 = vector.broadcast %and3A_166 : i32 to vector<16xi32>
      %and3A_168 = arith.andi %shift_right_arithmetic3A_165, %and3A_167 : vector<16xi32>
      %sub3A_169 = arith.subi %and3A_160, %and3A_168 : vector<16xi32>
      %convert_element_type3A_170 = arith.sitofp %sub3A_169 : vector<16xi32> to vector<16xf32>
      %swap3A_171 = arith.constant 16 : index
      %swap3A_172 = tpu.vector_load %arg14[%swap3A_171] {strides = array<i32>} : memref<208xf32, #tpu.memory_space<vmem>>, vector<16xf32>,
      %swap3A_173 = vector.shape_cast %swap3A_172 : vector<16xf32> to vector<16xf32>
      %swap3A_174 = vector.shape_cast %convert_element_type3A_170 : vector<16xf32> to vector<16xf32>
      tpu.vector_store %arg14[%swap3A_171], %swap3A_174 {strides = array<i32>} : memref<208xf32, #tpu.memory_space<vmem>>, vector<16xf32>,
      %shift_right_arithmetic3A_175 = vector.broadcast %squeeze3A_155 : i32 to vector<16xi32>
      %shift_right_arithmetic3A_176 = arith.shrsi %shift_right_arithmetic3A_175, %iota3A : vector<16xi32>
      %and3A_177 = arith.constant 1 : i32
      %and3A_178 = vector.broadcast %and3A_177 : i32 to vector<16xi32>
      %and3A_179 = arith.andi %shift_right_arithmetic3A_176, %and3A_178 : vector<16xi32>
      %sub3A_180 = arith.subi %and3A_160, %and3A_179 : vector<16xi32>
      %convert_element_type3A_181 = arith.sitofp %sub3A_180 : vector<16xi32> to vector<16xf32>
      %swap3A_182 = arith.constant 16 : index
      %swap3A_183 = tpu.vector_load %arg15[%swap3A_182] {strides = array<i32>} : memref<208xf32, #tpu.memory_space<vmem>>, vector<16xf32>,
      %swap3A_184 = vector.shape_cast %swap3A_183 : vector<16xf32> to vector<16xf32>
      %swap3A_185 = vector.shape_cast %convert_element_type3A_181 : vector<16xf32> to vector<16xf32>
      tpu.vector_store %arg15[%swap3A_182], %swap3A_185 {strides = array<i32>} : memref<208xf32, #tpu.memory_space<vmem>>, vector<16xf32>,
      %slice3A_186 = vector.extract_strided_slice %get3A_116 {offsets = [2], sizes = [1], strides = [1]} : vector<16xi32> to vector<1xi32>
      %squeeze3A_187 = vector.extract %slice3A_186[0] : i32 from vector<1xi32>
      %slice3A_188 = vector.extract_strided_slice %get3A_120 {offsets = [2], sizes = [1], strides = [1]} : vector<16xi32> to vector<1xi32>
      %squeeze3A_189 = vector.extract %slice3A_188[0] : i32 from vector<1xi32>
      %shift_right_arithmetic3A_190 = vector.broadcast %squeeze3A_187 : i32 to vector<16xi32>
      %shift_right_arithmetic3A_191 = arith.shrsi %shift_right_arithmetic3A_190, %iota3A : vector<16xi32>
      %and3A_192 = arith.constant 1 : i32
      %and3A_193 = vector.broadcast %and3A_192 : i32 to vector<16xi32>
      %and3A_194 = arith.andi %shift_right_arithmetic3A_191, %and3A_193 : vector<16xi32>
      %add3A_195 = arith.constant 16 : i32
      %add3A_196 = vector.broadcast %add3A_195 : i32 to vector<16xi32>
      %add3A_197 = arith.addi %iota3A, %add3A_196 : vector<16xi32>
      %shift_right_arithmetic3A_198 = vector.broadcast %squeeze3A_187 : i32 to vector<16xi32>
      %shift_right_arithmetic3A_199 = arith.shrsi %shift_right_arithmetic3A_198, %add3A_197 : vector<16xi32>
      %and3A_200 = arith.constant 1 : i32
      %and3A_201 = vector.broadcast %and3A_200 : i32 to vector<16xi32>
      %and3A_202 = arith.andi %shift_right_arithmetic3A_199, %and3A_201 : vector<16xi32>
      %sub3A_203 = arith.subi %and3A_194, %and3A_202 : vector<16xi32>
      %convert_element_type3A_204 = arith.sitofp %sub3A_203 : vector<16xi32> to vector<16xf32>
      %swap3A_205 = arith.constant 32 : index
      %swap3A_206 = tpu.vector_load %arg14[%swap3A_205] {strides = array<i32>} : memref<208xf32, #tpu.memory_space<vmem>>, vector<16xf32>,
      %swap3A_207 = vector.shape_cast %swap3A_206 : vector<16xf32> to vector<16xf32>
      %swap3A_208 = vector.shape_cast %convert_element_type3A_204 : vector<16xf32> to vector<16xf32>
      tpu.vector_store %arg14[%swap3A_205], %swap3A_208 {strides = array<i32>} : memref<208xf32, #tpu.memory_space<vmem>>, vector<16xf32>,
      %shift_right_arithmetic3A_209 = vector.broadcast %squeeze3A_189 : i32 to vector<16xi32>
      %shift_right_arithmetic3A_210 = arith.shrsi %shift_right_arithmetic3A_209, %iota3A : vector<16xi32>
      %and3A_211 = arith.constant 1 : i32
      %and3A_212 = vector.broadcast %and3A_211 : i32 to vector<16xi32>
      %and3A_213 = arith.andi %shift_right_arithmetic3A_210, %and3A_212 : vector<16xi32>
      %sub3A_214 = arith.subi %and3A_194, %and3A_213 : vector<16xi32>
      %convert_element_type3A_215 = arith.sitofp %sub3A_214 : vector<16xi32> to vector<16xf32>
      %swap3A_216 = arith.constant 32 : index
      %swap3A_217 = tpu.vector_load %arg15[%swap3A_216] {strides = array<i32>} : memref<208xf32, #tpu.memory_space<vmem>>, vector<16xf32>,
      %swap3A_218 = vector.shape_cast %swap3A_217 : vector<16xf32> to vector<16xf32>
      %swap3A_219 = vector.shape_cast %convert_element_type3A_215 : vector<16xf32> to vector<16xf32>
      tpu.vector_store %arg15[%swap3A_216], %swap3A_219 {strides = array<i32>} : memref<208xf32, #tpu.memory_space<vmem>>, vector<16xf32>,
      %slice3A_220 = vector.extract_strided_slice %get3A_116 {offsets = [3], sizes = [1], strides = [1]} : vector<16xi32> to vector<1xi32>
      %squeeze3A_221 = vector.extract %slice3A_220[0] : i32 from vector<1xi32>
      %slice3A_222 = vector.extract_strided_slice %get3A_120 {offsets = [3], sizes = [1], strides = [1]} : vector<16xi32> to vector<1xi32>
      %squeeze3A_223 = vector.extract %slice3A_222[0] : i32 from vector<1xi32>
      %shift_right_arithmetic3A_224 = vector.broadcast %squeeze3A_221 : i32 to vector<16xi32>
      %shift_right_arithmetic3A_225 = arith.shrsi %shift_right_arithmetic3A_224, %iota3A : vector<16xi32>
      %and3A_226 = arith.constant 1 : i32
      %and3A_227 = vector.broadcast %and3A_226 : i32 to vector<16xi32>
      %and3A_228 = arith.andi %shift_right_arithmetic3A_225, %and3A_227 : vector<16xi32>
      %add3A_229 = arith.constant 16 : i32
      %add3A_230 = vector.broadcast %add3A_229 : i32 to vector<16xi32>
      %add3A_231 = arith.addi %iota3A, %add3A_230 : vector<16xi32>
      %shift_right_arithmetic3A_232 = vector.broadcast %squeeze3A_221 : i32 to vector<16xi32>
      %shift_right_arithmetic3A_233 = arith.shrsi %shift_right_arithmetic3A_232, %add3A_231 : vector<16xi32>
      %and3A_234 = arith.constant 1 : i32
      %and3A_235 = vector.broadcast %and3A_234 : i32 to vector<16xi32>
      %and3A_236 = arith.andi %shift_right_arithmetic3A_233, %and3A_235 : vector<16xi32>
      %sub3A_237 = arith.subi %and3A_228, %and3A_236 : vector<16xi32>
      %convert_element_type3A_238 = arith.sitofp %sub3A_237 : vector<16xi32> to vector<16xf32>
      %swap3A_239 = arith.constant 48 : index
      %swap3A_240 = tpu.vector_load %arg14[%swap3A_239] {strides = array<i32>} : memref<208xf32, #tpu.memory_space<vmem>>, vector<16xf32>,
      %swap3A_241 = vector.shape_cast %swap3A_240 : vector<16xf32> to vector<16xf32>
      %swap3A_242 = vector.shape_cast %convert_element_type3A_238 : vector<16xf32> to vector<16xf32>
      tpu.vector_store %arg14[%swap3A_239], %swap3A_242 {strides = array<i32>} : memref<208xf32, #tpu.memory_space<vmem>>, vector<16xf32>,
      %shift_right_arithmetic3A_243 = vector.broadcast %squeeze3A_223 : i32 to vector<16xi32>
      %shift_right_arithmetic3A_244 = arith.shrsi %shift_right_arithmetic3A_243, %iota3A : vector<16xi32>
      %and3A_245 = arith.constant 1 : i32
      %and3A_246 = vector.broadcast %and3A_245 : i32 to vector<16xi32>
      %and3A_247 = arith.andi %shift_right_arithmetic3A_244, %and3A_246 : vector<16xi32>
      %sub3A_248 = arith.subi %and3A_228, %and3A_247 : vector<16xi32>
      %convert_element_type3A_249 = arith.sitofp %sub3A_248 : vector<16xi32> to vector<16xf32>
      %swap3A_250 = arith.constant 48 : index
      %swap3A_251 = tpu.vector_load %arg15[%swap3A_250] {strides = array<i32>} : memref<208xf32, #tpu.memory_space<vmem>>, vector<16xf32>,
      %swap3A_252 = vector.shape_cast %swap3A_251 : vector<16xf32> to vector<16xf32>
      %swap3A_253 = vector.shape_cast %convert_element_type3A_249 : vector<16xf32> to vector<16xf32>
      tpu.vector_store %arg15[%swap3A_250], %swap3A_253 {strides = array<i32>} : memref<208xf32, #tpu.memory_space<vmem>>, vector<16xf32>,
      %slice3A_254 = vector.extract_strided_slice %get3A_116 {offsets = [4], sizes = [1], strides = [1]} : vector<16xi32> to vector<1xi32>
      %squeeze3A_255 = vector.extract %slice3A_254[0] : i32 from vector<1xi32>
      %slice3A_256 = vector.extract_strided_slice %get3A_120 {offsets = [4], sizes = [1], strides = [1]} : vector<16xi32> to vector<1xi32>
      %squeeze3A_257 = vector.extract %slice3A_256[0] : i32 from vector<1xi32>
      %shift_right_arithmetic3A_258 = vector.broadcast %squeeze3A_255 : i32 to vector<16xi32>
      %shift_right_arithmetic3A_259 = arith.shrsi %shift_right_arithmetic3A_258, %iota3A : vector<16xi32>
      %and3A_260 = arith.constant 1 : i32
      %and3A_261 = vector.broadcast %and3A_260 : i32 to vector<16xi32>
      %and3A_262 = arith.andi %shift_right_arithmetic3A_259, %and3A_261 : vector<16xi32>
      %add3A_263 = arith.constant 16 : i32
      %add3A_264 = vector.broadcast %add3A_263 : i32 to vector<16xi32>
      %add3A_265 = arith.addi %iota3A, %add3A_264 : vector<16xi32>
      %shift_right_arithmetic3A_266 = vector.broadcast %squeeze3A_255 : i32 to vector<16xi32>
      %shift_right_arithmetic3A_267 = arith.shrsi %shift_right_arithmetic3A_266, %add3A_265 : vector<16xi32>
      %and3A_268 = arith.constant 1 : i32
      %and3A_269 = vector.broadcast %and3A_268 : i32 to vector<16xi32>
      %and3A_270 = arith.andi %shift_right_arithmetic3A_267, %and3A_269 : vector<16xi32>
      %sub3A_271 = arith.subi %and3A_262, %and3A_270 : vector<16xi32>
      %convert_element_type3A_272 = arith.sitofp %sub3A_271 : vector<16xi32> to vector<16xf32>
      %swap3A_273 = arith.constant 64 : index
      %swap3A_274 = tpu.vector_load %arg14[%swap3A_273] {strides = array<i32>} : memref<208xf32, #tpu.memory_space<vmem>>, vector<16xf32>,
      %swap3A_275 = vector.shape_cast %swap3A_274 : vector<16xf32> to vector<16xf32>
      %swap3A_276 = vector.shape_cast %convert_element_type3A_272 : vector<16xf32> to vector<16xf32>
      tpu.vector_store %arg14[%swap3A_273], %swap3A_276 {strides = array<i32>} : memref<208xf32, #tpu.memory_space<vmem>>, vector<16xf32>,
      %shift_right_arithmetic3A_277 = vector.broadcast %squeeze3A_257 : i32 to vector<16xi32>
      %shift_right_arithmetic3A_278 = arith.shrsi %shift_right_arithmetic3A_277, %iota3A : vector<16xi32>
      %and3A_279 = arith.constant 1 : i32
      %and3A_280 = vector.broadcast %and3A_279 : i32 to vector<16xi32>
      %and3A_281 = arith.andi %shift_right_arithmetic3A_278, %and3A_280 : vector<16xi32>
      %sub3A_282 = arith.subi %and3A_262, %and3A_281 : vector<16xi32>
      %convert_element_type3A_283 = arith.sitofp %sub3A_282 : vector<16xi32> to vector<16xf32>
      %swap3A_284 = arith.constant 64 : index
      %swap3A_285 = tpu.vector_load %arg15[%swap3A_284] {strides = array<i32>} : memref<208xf32, #tpu.memory_space<vmem>>, vector<16xf32>,
      %swap3A_286 = vector.shape_cast %swap3A_285 : vector<16xf32> to vector<16xf32>
      %swap3A_287 = vector.shape_cast %convert_element_type3A_283 : vector<16xf32> to vector<16xf32>
      tpu.vector_store %arg15[%swap3A_284], %swap3A_287 {strides = array<i32>} : memref<208xf32, #tpu.memory_space<vmem>>, vector<16xf32>,
      %slice3A_288 = vector.extract_strided_slice %get3A_116 {offsets = [5], sizes = [1], strides = [1]} : vector<16xi32> to vector<1xi32>
      %squeeze3A_289 = vector.extract %slice3A_288[0] : i32 from vector<1xi32>
      %slice3A_290 = vector.extract_strided_slice %get3A_120 {offsets = [5], sizes = [1], strides = [1]} : vector<16xi32> to vector<1xi32>
      %squeeze3A_291 = vector.extract %slice3A_290[0] : i32 from vector<1xi32>
      %shift_right_arithmetic3A_292 = vector.broadcast %squeeze3A_289 : i32 to vector<16xi32>
      %shift_right_arithmetic3A_293 = arith.shrsi %shift_right_arithmetic3A_292, %iota3A : vector<16xi32>
      %and3A_294 = arith.constant 1 : i32
      %and3A_295 = vector.broadcast %and3A_294 : i32 to vector<16xi32>
      %and3A_296 = arith.andi %shift_right_arithmetic3A_293, %and3A_295 : vector<16xi32>
      %add3A_297 = arith.constant 16 : i32
      %add3A_298 = vector.broadcast %add3A_297 : i32 to vector<16xi32>
      %add3A_299 = arith.addi %iota3A, %add3A_298 : vector<16xi32>
      %shift_right_arithmetic3A_300 = vector.broadcast %squeeze3A_289 : i32 to vector<16xi32>
      %shift_right_arithmetic3A_301 = arith.shrsi %shift_right_arithmetic3A_300, %add3A_299 : vector<16xi32>
      %and3A_302 = arith.constant 1 : i32
      %and3A_303 = vector.broadcast %and3A_302 : i32 to vector<16xi32>
      %and3A_304 = arith.andi %shift_right_arithmetic3A_301, %and3A_303 : vector<16xi32>
      %sub3A_305 = arith.subi %and3A_296, %and3A_304 : vector<16xi32>
      %convert_element_type3A_306 = arith.sitofp %sub3A_305 : vector<16xi32> to vector<16xf32>
      %swap3A_307 = arith.constant 80 : index
      %swap3A_308 = tpu.vector_load %arg14[%swap3A_307] {strides = array<i32>} : memref<208xf32, #tpu.memory_space<vmem>>, vector<16xf32>,
      %swap3A_309 = vector.shape_cast %swap3A_308 : vector<16xf32> to vector<16xf32>
      %swap3A_310 = vector.shape_cast %convert_element_type3A_306 : vector<16xf32> to vector<16xf32>
      tpu.vector_store %arg14[%swap3A_307], %swap3A_310 {strides = array<i32>} : memref<208xf32, #tpu.memory_space<vmem>>, vector<16xf32>,
      %shift_right_arithmetic3A_311 = vector.broadcast %squeeze3A_291 : i32 to vector<16xi32>
      %shift_right_arithmetic3A_312 = arith.shrsi %shift_right_arithmetic3A_311, %iota3A : vector<16xi32>
      %and3A_313 = arith.constant 1 : i32
      %and3A_314 = vector.broadcast %and3A_313 : i32 to vector<16xi32>
      %and3A_315 = arith.andi %shift_right_arithmetic3A_312, %and3A_314 : vector<16xi32>
      %sub3A_316 = arith.subi %and3A_296, %and3A_315 : vector<16xi32>
      %convert_element_type3A_317 = arith.sitofp %sub3A_316 : vector<16xi32> to vector<16xf32>
      %swap3A_318 = arith.constant 80 : index
      %swap3A_319 = tpu.vector_load %arg15[%swap3A_318] {strides = array<i32>} : memref<208xf32, #tpu.memory_space<vmem>>, vector<16xf32>,
      %swap3A_320 = vector.shape_cast %swap3A_319 : vector<16xf32> to vector<16xf32>
      %swap3A_321 = vector.shape_cast %convert_element_type3A_317 : vector<16xf32> to vector<16xf32>
      tpu.vector_store %arg15[%swap3A_318], %swap3A_321 {strides = array<i32>} : memref<208xf32, #tpu.memory_space<vmem>>, vector<16xf32>,
      %slice3A_322 = vector.extract_strided_slice %get3A_116 {offsets = [6], sizes = [1], strides = [1]} : vector<16xi32> to vector<1xi32>
      %squeeze3A_323 = vector.extract %slice3A_322[0] : i32 from vector<1xi32>
      %slice3A_324 = vector.extract_strided_slice %get3A_120 {offsets = [6], sizes = [1], strides = [1]} : vector<16xi32> to vector<1xi32>
      %squeeze3A_325 = vector.extract %slice3A_324[0] : i32 from vector<1xi32>
      %shift_right_arithmetic3A_326 = vector.broadcast %squeeze3A_323 : i32 to vector<16xi32>
      %shift_right_arithmetic3A_327 = arith.shrsi %shift_right_arithmetic3A_326, %iota3A : vector<16xi32>
      %and3A_328 = arith.constant 1 : i32
      %and3A_329 = vector.broadcast %and3A_328 : i32 to vector<16xi32>
      %and3A_330 = arith.andi %shift_right_arithmetic3A_327, %and3A_329 : vector<16xi32>
      %add3A_331 = arith.constant 16 : i32
      %add3A_332 = vector.broadcast %add3A_331 : i32 to vector<16xi32>
      %add3A_333 = arith.addi %iota3A, %add3A_332 : vector<16xi32>
      %shift_right_arithmetic3A_334 = vector.broadcast %squeeze3A_323 : i32 to vector<16xi32>
      %shift_right_arithmetic3A_335 = arith.shrsi %shift_right_arithmetic3A_334, %add3A_333 : vector<16xi32>
      %and3A_336 = arith.constant 1 : i32
      %and3A_337 = vector.broadcast %and3A_336 : i32 to vector<16xi32>
      %and3A_338 = arith.andi %shift_right_arithmetic3A_335, %and3A_337 : vector<16xi32>
      %sub3A_339 = arith.subi %and3A_330, %and3A_338 : vector<16xi32>
      %convert_element_type3A_340 = arith.sitofp %sub3A_339 : vector<16xi32> to vector<16xf32>
      %swap3A_341 = arith.constant 96 : index
      %swap3A_342 = tpu.vector_load %arg14[%swap3A_341] {strides = array<i32>} : memref<208xf32, #tpu.memory_space<vmem>>, vector<16xf32>,
      %swap3A_343 = vector.shape_cast %swap3A_342 : vector<16xf32> to vector<16xf32>
      %swap3A_344 = vector.shape_cast %convert_element_type3A_340 : vector<16xf32> to vector<16xf32>
      tpu.vector_store %arg14[%swap3A_341], %swap3A_344 {strides = array<i32>} : memref<208xf32, #tpu.memory_space<vmem>>, vector<16xf32>,
      %shift_right_arithmetic3A_345 = vector.broadcast %squeeze3A_325 : i32 to vector<16xi32>
      %shift_right_arithmetic3A_346 = arith.shrsi %shift_right_arithmetic3A_345, %iota3A : vector<16xi32>
      %and3A_347 = arith.constant 1 : i32
      %and3A_348 = vector.broadcast %and3A_347 : i32 to vector<16xi32>
      %and3A_349 = arith.andi %shift_right_arithmetic3A_346, %and3A_348 : vector<16xi32>
      %sub3A_350 = arith.subi %and3A_330, %and3A_349 : vector<16xi32>
      %convert_element_type3A_351 = arith.sitofp %sub3A_350 : vector<16xi32> to vector<16xf32>
      %swap3A_352 = arith.constant 96 : index
      %swap3A_353 = tpu.vector_load %arg15[%swap3A_352] {strides = array<i32>} : memref<208xf32, #tpu.memory_space<vmem>>, vector<16xf32>,
      %swap3A_354 = vector.shape_cast %swap3A_353 : vector<16xf32> to vector<16xf32>
      %swap3A_355 = vector.shape_cast %convert_element_type3A_351 : vector<16xf32> to vector<16xf32>
      tpu.vector_store %arg15[%swap3A_352], %swap3A_355 {strides = array<i32>} : memref<208xf32, #tpu.memory_space<vmem>>, vector<16xf32>,
      %slice3A_356 = vector.extract_strided_slice %get3A_116 {offsets = [7], sizes = [1], strides = [1]} : vector<16xi32> to vector<1xi32>
      %squeeze3A_357 = vector.extract %slice3A_356[0] : i32 from vector<1xi32>
      %slice3A_358 = vector.extract_strided_slice %get3A_120 {offsets = [7], sizes = [1], strides = [1]} : vector<16xi32> to vector<1xi32>
      %squeeze3A_359 = vector.extract %slice3A_358[0] : i32 from vector<1xi32>
      %shift_right_arithmetic3A_360 = vector.broadcast %squeeze3A_357 : i32 to vector<16xi32>
      %shift_right_arithmetic3A_361 = arith.shrsi %shift_right_arithmetic3A_360, %iota3A : vector<16xi32>
      %and3A_362 = arith.constant 1 : i32
      %and3A_363 = vector.broadcast %and3A_362 : i32 to vector<16xi32>
      %and3A_364 = arith.andi %shift_right_arithmetic3A_361, %and3A_363 : vector<16xi32>
      %add3A_365 = arith.constant 16 : i32
      %add3A_366 = vector.broadcast %add3A_365 : i32 to vector<16xi32>
      %add3A_367 = arith.addi %iota3A, %add3A_366 : vector<16xi32>
      %shift_right_arithmetic3A_368 = vector.broadcast %squeeze3A_357 : i32 to vector<16xi32>
      %shift_right_arithmetic3A_369 = arith.shrsi %shift_right_arithmetic3A_368, %add3A_367 : vector<16xi32>
      %and3A_370 = arith.constant 1 : i32
      %and3A_371 = vector.broadcast %and3A_370 : i32 to vector<16xi32>
      %and3A_372 = arith.andi %shift_right_arithmetic3A_369, %and3A_371 : vector<16xi32>
      %sub3A_373 = arith.subi %and3A_364, %and3A_372 : vector<16xi32>
      %convert_element_type3A_374 = arith.sitofp %sub3A_373 : vector<16xi32> to vector<16xf32>
      %swap3A_375 = arith.constant 112 : index
      %swap3A_376 = tpu.vector_load %arg14[%swap3A_375] {strides = array<i32>} : memref<208xf32, #tpu.memory_space<vmem>>, vector<16xf32>,
      %swap3A_377 = vector.shape_cast %swap3A_376 : vector<16xf32> to vector<16xf32>
      %swap3A_378 = vector.shape_cast %convert_element_type3A_374 : vector<16xf32> to vector<16xf32>
      tpu.vector_store %arg14[%swap3A_375], %swap3A_378 {strides = array<i32>} : memref<208xf32, #tpu.memory_space<vmem>>, vector<16xf32>,
      %shift_right_arithmetic3A_379 = vector.broadcast %squeeze3A_359 : i32 to vector<16xi32>
      %shift_right_arithmetic3A_380 = arith.shrsi %shift_right_arithmetic3A_379, %iota3A : vector<16xi32>
      %and3A_381 = arith.constant 1 : i32
      %and3A_382 = vector.broadcast %and3A_381 : i32 to vector<16xi32>
      %and3A_383 = arith.andi %shift_right_arithmetic3A_380, %and3A_382 : vector<16xi32>
      %sub3A_384 = arith.subi %and3A_364, %and3A_383 : vector<16xi32>
      %convert_element_type3A_385 = arith.sitofp %sub3A_384 : vector<16xi32> to vector<16xf32>
      %swap3A_386 = arith.constant 112 : index
      %swap3A_387 = tpu.vector_load %arg15[%swap3A_386] {strides = array<i32>} : memref<208xf32, #tpu.memory_space<vmem>>, vector<16xf32>,
      %swap3A_388 = vector.shape_cast %swap3A_387 : vector<16xf32> to vector<16xf32>
      %swap3A_389 = vector.shape_cast %convert_element_type3A_385 : vector<16xf32> to vector<16xf32>
      tpu.vector_store %arg15[%swap3A_386], %swap3A_389 {strides = array<i32>} : memref<208xf32, #tpu.memory_space<vmem>>, vector<16xf32>,
      %slice3A_390 = vector.extract_strided_slice %get3A_116 {offsets = [8], sizes = [1], strides = [1]} : vector<16xi32> to vector<1xi32>
      %squeeze3A_391 = vector.extract %slice3A_390[0] : i32 from vector<1xi32>
      %slice3A_392 = vector.extract_strided_slice %get3A_120 {offsets = [8], sizes = [1], strides = [1]} : vector<16xi32> to vector<1xi32>
      %squeeze3A_393 = vector.extract %slice3A_392[0] : i32 from vector<1xi32>
      %shift_right_arithmetic3A_394 = vector.broadcast %squeeze3A_391 : i32 to vector<16xi32>
      %shift_right_arithmetic3A_395 = arith.shrsi %shift_right_arithmetic3A_394, %iota3A : vector<16xi32>
      %and3A_396 = arith.constant 1 : i32
      %and3A_397 = vector.broadcast %and3A_396 : i32 to vector<16xi32>
      %and3A_398 = arith.andi %shift_right_arithmetic3A_395, %and3A_397 : vector<16xi32>
      %add3A_399 = arith.constant 16 : i32
      %add3A_400 = vector.broadcast %add3A_399 : i32 to vector<16xi32>
      %add3A_401 = arith.addi %iota3A, %add3A_400 : vector<16xi32>
      %shift_right_arithmetic3A_402 = vector.broadcast %squeeze3A_391 : i32 to vector<16xi32>
      %shift_right_arithmetic3A_403 = arith.shrsi %shift_right_arithmetic3A_402, %add3A_401 : vector<16xi32>
      %and3A_404 = arith.constant 1 : i32
      %and3A_405 = vector.broadcast %and3A_404 : i32 to vector<16xi32>
      %and3A_406 = arith.andi %shift_right_arithmetic3A_403, %and3A_405 : vector<16xi32>
      %sub3A_407 = arith.subi %and3A_398, %and3A_406 : vector<16xi32>
      %convert_element_type3A_408 = arith.sitofp %sub3A_407 : vector<16xi32> to vector<16xf32>
      %swap3A_409 = arith.constant 128 : index
      %swap3A_410 = tpu.vector_load %arg14[%swap3A_409] {strides = array<i32>} : memref<208xf32, #tpu.memory_space<vmem>>, vector<16xf32>,
      %swap3A_411 = vector.shape_cast %swap3A_410 : vector<16xf32> to vector<16xf32>
      %swap3A_412 = vector.shape_cast %convert_element_type3A_408 : vector<16xf32> to vector<16xf32>
      tpu.vector_store %arg14[%swap3A_409], %swap3A_412 {strides = array<i32>} : memref<208xf32, #tpu.memory_space<vmem>>, vector<16xf32>,
      %shift_right_arithmetic3A_413 = vector.broadcast %squeeze3A_393 : i32 to vector<16xi32>
      %shift_right_arithmetic3A_414 = arith.shrsi %shift_right_arithmetic3A_413, %iota3A : vector<16xi32>
      %and3A_415 = arith.constant 1 : i32
      %and3A_416 = vector.broadcast %and3A_415 : i32 to vector<16xi32>
      %and3A_417 = arith.andi %shift_right_arithmetic3A_414, %and3A_416 : vector<16xi32>
      %sub3A_418 = arith.subi %and3A_398, %and3A_417 : vector<16xi32>
      %convert_element_type3A_419 = arith.sitofp %sub3A_418 : vector<16xi32> to vector<16xf32>
      %swap3A_420 = arith.constant 128 : index
      %swap3A_421 = tpu.vector_load %arg15[%swap3A_420] {strides = array<i32>} : memref<208xf32, #tpu.memory_space<vmem>>, vector<16xf32>,
      %swap3A_422 = vector.shape_cast %swap3A_421 : vector<16xf32> to vector<16xf32>
      %swap3A_423 = vector.shape_cast %convert_element_type3A_419 : vector<16xf32> to vector<16xf32>
      tpu.vector_store %arg15[%swap3A_420], %swap3A_423 {strides = array<i32>} : memref<208xf32, #tpu.memory_space<vmem>>, vector<16xf32>,
      %slice3A_424 = vector.extract_strided_slice %get3A_116 {offsets = [9], sizes = [1], strides = [1]} : vector<16xi32> to vector<1xi32>
      %squeeze3A_425 = vector.extract %slice3A_424[0] : i32 from vector<1xi32>
      %slice3A_426 = vector.extract_strided_slice %get3A_120 {offsets = [9], sizes = [1], strides = [1]} : vector<16xi32> to vector<1xi32>
      %squeeze3A_427 = vector.extract %slice3A_426[0] : i32 from vector<1xi32>
      %shift_right_arithmetic3A_428 = vector.broadcast %squeeze3A_425 : i32 to vector<16xi32>
      %shift_right_arithmetic3A_429 = arith.shrsi %shift_right_arithmetic3A_428, %iota3A : vector<16xi32>
      %and3A_430 = arith.constant 1 : i32
      %and3A_431 = vector.broadcast %and3A_430 : i32 to vector<16xi32>
      %and3A_432 = arith.andi %shift_right_arithmetic3A_429, %and3A_431 : vector<16xi32>
      %add3A_433 = arith.constant 16 : i32
      %add3A_434 = vector.broadcast %add3A_433 : i32 to vector<16xi32>
      %add3A_435 = arith.addi %iota3A, %add3A_434 : vector<16xi32>
      %shift_right_arithmetic3A_436 = vector.broadcast %squeeze3A_425 : i32 to vector<16xi32>
      %shift_right_arithmetic3A_437 = arith.shrsi %shift_right_arithmetic3A_436, %add3A_435 : vector<16xi32>
      %and3A_438 = arith.constant 1 : i32
      %and3A_439 = vector.broadcast %and3A_438 : i32 to vector<16xi32>
      %and3A_440 = arith.andi %shift_right_arithmetic3A_437, %and3A_439 : vector<16xi32>
      %sub3A_441 = arith.subi %and3A_432, %and3A_440 : vector<16xi32>
      %convert_element_type3A_442 = arith.sitofp %sub3A_441 : vector<16xi32> to vector<16xf32>
      %swap3A_443 = arith.constant 144 : index
      %swap3A_444 = tpu.vector_load %arg14[%swap3A_443] {strides = array<i32>} : memref<208xf32, #tpu.memory_space<vmem>>, vector<16xf32>,
      %swap3A_445 = vector.shape_cast %swap3A_444 : vector<16xf32> to vector<16xf32>
      %swap3A_446 = vector.shape_cast %convert_element_type3A_442 : vector<16xf32> to vector<16xf32>
      tpu.vector_store %arg14[%swap3A_443], %swap3A_446 {strides = array<i32>} : memref<208xf32, #tpu.memory_space<vmem>>, vector<16xf32>,
      %shift_right_arithmetic3A_447 = vector.broadcast %squeeze3A_427 : i32 to vector<16xi32>
      %shift_right_arithmetic3A_448 = arith.shrsi %shift_right_arithmetic3A_447, %iota3A : vector<16xi32>
      %and3A_449 = arith.constant 1 : i32
      %and3A_450 = vector.broadcast %and3A_449 : i32 to vector<16xi32>
      %and3A_451 = arith.andi %shift_right_arithmetic3A_448, %and3A_450 : vector<16xi32>
      %sub3A_452 = arith.subi %and3A_432, %and3A_451 : vector<16xi32>
      %convert_element_type3A_453 = arith.sitofp %sub3A_452 : vector<16xi32> to vector<16xf32>
      %swap3A_454 = arith.constant 144 : index
      %swap3A_455 = tpu.vector_load %arg15[%swap3A_454] {strides = array<i32>} : memref<208xf32, #tpu.memory_space<vmem>>, vector<16xf32>,
      %swap3A_456 = vector.shape_cast %swap3A_455 : vector<16xf32> to vector<16xf32>
      %swap3A_457 = vector.shape_cast %convert_element_type3A_453 : vector<16xf32> to vector<16xf32>
      tpu.vector_store %arg15[%swap3A_454], %swap3A_457 {strides = array<i32>} : memref<208xf32, #tpu.memory_space<vmem>>, vector<16xf32>,
      %slice3A_458 = vector.extract_strided_slice %get3A_116 {offsets = [10], sizes = [1], strides = [1]} : vector<16xi32> to vector<1xi32>
      %squeeze3A_459 = vector.extract %slice3A_458[0] : i32 from vector<1xi32>
      %slice3A_460 = vector.extract_strided_slice %get3A_120 {offsets = [10], sizes = [1], strides = [1]} : vector<16xi32> to vector<1xi32>
      %squeeze3A_461 = vector.extract %slice3A_460[0] : i32 from vector<1xi32>
      %shift_right_arithmetic3A_462 = vector.broadcast %squeeze3A_459 : i32 to vector<16xi32>
      %shift_right_arithmetic3A_463 = arith.shrsi %shift_right_arithmetic3A_462, %iota3A : vector<16xi32>
      %and3A_464 = arith.constant 1 : i32
      %and3A_465 = vector.broadcast %and3A_464 : i32 to vector<16xi32>
      %and3A_466 = arith.andi %shift_right_arithmetic3A_463, %and3A_465 : vector<16xi32>
      %add3A_467 = arith.constant 16 : i32
      %add3A_468 = vector.broadcast %add3A_467 : i32 to vector<16xi32>
      %add3A_469 = arith.addi %iota3A, %add3A_468 : vector<16xi32>
      %shift_right_arithmetic3A_470 = vector.broadcast %squeeze3A_459 : i32 to vector<16xi32>
      %shift_right_arithmetic3A_471 = arith.shrsi %shift_right_arithmetic3A_470, %add3A_469 : vector<16xi32>
      %and3A_472 = arith.constant 1 : i32
      %and3A_473 = vector.broadcast %and3A_472 : i32 to vector<16xi32>
      %and3A_474 = arith.andi %shift_right_arithmetic3A_471, %and3A_473 : vector<16xi32>
      %sub3A_475 = arith.subi %and3A_466, %and3A_474 : vector<16xi32>
      %convert_element_type3A_476 = arith.sitofp %sub3A_475 : vector<16xi32> to vector<16xf32>
      %swap3A_477 = arith.constant 160 : index
      %swap3A_478 = tpu.vector_load %arg14[%swap3A_477] {strides = array<i32>} : memref<208xf32, #tpu.memory_space<vmem>>, vector<16xf32>,
      %swap3A_479 = vector.shape_cast %swap3A_478 : vector<16xf32> to vector<16xf32>
      %swap3A_480 = vector.shape_cast %convert_element_type3A_476 : vector<16xf32> to vector<16xf32>
      tpu.vector_store %arg14[%swap3A_477], %swap3A_480 {strides = array<i32>} : memref<208xf32, #tpu.memory_space<vmem>>, vector<16xf32>,
      %shift_right_arithmetic3A_481 = vector.broadcast %squeeze3A_461 : i32 to vector<16xi32>
      %shift_right_arithmetic3A_482 = arith.shrsi %shift_right_arithmetic3A_481, %iota3A : vector<16xi32>
      %and3A_483 = arith.constant 1 : i32
      %and3A_484 = vector.broadcast %and3A_483 : i32 to vector<16xi32>
      %and3A_485 = arith.andi %shift_right_arithmetic3A_482, %and3A_484 : vector<16xi32>
      %sub3A_486 = arith.subi %and3A_466, %and3A_485 : vector<16xi32>
      %convert_element_type3A_487 = arith.sitofp %sub3A_486 : vector<16xi32> to vector<16xf32>
      %swap3A_488 = arith.constant 160 : index
      %swap3A_489 = tpu.vector_load %arg15[%swap3A_488] {strides = array<i32>} : memref<208xf32, #tpu.memory_space<vmem>>, vector<16xf32>,
      %swap3A_490 = vector.shape_cast %swap3A_489 : vector<16xf32> to vector<16xf32>
      %swap3A_491 = vector.shape_cast %convert_element_type3A_487 : vector<16xf32> to vector<16xf32>
      tpu.vector_store %arg15[%swap3A_488], %swap3A_491 {strides = array<i32>} : memref<208xf32, #tpu.memory_space<vmem>>, vector<16xf32>,
      %slice3A_492 = vector.extract_strided_slice %get3A_116 {offsets = [11], sizes = [1], strides = [1]} : vector<16xi32> to vector<1xi32>
      %squeeze3A_493 = vector.extract %slice3A_492[0] : i32 from vector<1xi32>
      %slice3A_494 = vector.extract_strided_slice %get3A_120 {offsets = [11], sizes = [1], strides = [1]} : vector<16xi32> to vector<1xi32>
      %squeeze3A_495 = vector.extract %slice3A_494[0] : i32 from vector<1xi32>
      %shift_right_arithmetic3A_496 = vector.broadcast %squeeze3A_493 : i32 to vector<16xi32>
      %shift_right_arithmetic3A_497 = arith.shrsi %shift_right_arithmetic3A_496, %iota3A : vector<16xi32>
      %and3A_498 = arith.constant 1 : i32
      %and3A_499 = vector.broadcast %and3A_498 : i32 to vector<16xi32>
      %and3A_500 = arith.andi %shift_right_arithmetic3A_497, %and3A_499 : vector<16xi32>
      %add3A_501 = arith.constant 16 : i32
      %add3A_502 = vector.broadcast %add3A_501 : i32 to vector<16xi32>
      %add3A_503 = arith.addi %iota3A, %add3A_502 : vector<16xi32>
      %shift_right_arithmetic3A_504 = vector.broadcast %squeeze3A_493 : i32 to vector<16xi32>
      %shift_right_arithmetic3A_505 = arith.shrsi %shift_right_arithmetic3A_504, %add3A_503 : vector<16xi32>
      %and3A_506 = arith.constant 1 : i32
      %and3A_507 = vector.broadcast %and3A_506 : i32 to vector<16xi32>
      %and3A_508 = arith.andi %shift_right_arithmetic3A_505, %and3A_507 : vector<16xi32>
      %sub3A_509 = arith.subi %and3A_500, %and3A_508 : vector<16xi32>
      %convert_element_type3A_510 = arith.sitofp %sub3A_509 : vector<16xi32> to vector<16xf32>
      %swap3A_511 = arith.constant 176 : index
      %swap3A_512 = tpu.vector_load %arg14[%swap3A_511] {strides = array<i32>} : memref<208xf32, #tpu.memory_space<vmem>>, vector<16xf32>,
      %swap3A_513 = vector.shape_cast %swap3A_512 : vector<16xf32> to vector<16xf32>
      %swap3A_514 = vector.shape_cast %convert_element_type3A_510 : vector<16xf32> to vector<16xf32>
      tpu.vector_store %arg14[%swap3A_511], %swap3A_514 {strides = array<i32>} : memref<208xf32, #tpu.memory_space<vmem>>, vector<16xf32>,
      %shift_right_arithmetic3A_515 = vector.broadcast %squeeze3A_495 : i32 to vector<16xi32>
      %shift_right_arithmetic3A_516 = arith.shrsi %shift_right_arithmetic3A_515, %iota3A : vector<16xi32>
      %and3A_517 = arith.constant 1 : i32
      %and3A_518 = vector.broadcast %and3A_517 : i32 to vector<16xi32>
      %and3A_519 = arith.andi %shift_right_arithmetic3A_516, %and3A_518 : vector<16xi32>
      %sub3A_520 = arith.subi %and3A_500, %and3A_519 : vector<16xi32>
      %convert_element_type3A_521 = arith.sitofp %sub3A_520 : vector<16xi32> to vector<16xf32>
      %swap3A_522 = arith.constant 176 : index
      %swap3A_523 = tpu.vector_load %arg15[%swap3A_522] {strides = array<i32>} : memref<208xf32, #tpu.memory_space<vmem>>, vector<16xf32>,
      %swap3A_524 = vector.shape_cast %swap3A_523 : vector<16xf32> to vector<16xf32>
      %swap3A_525 = vector.shape_cast %convert_element_type3A_521 : vector<16xf32> to vector<16xf32>
      tpu.vector_store %arg15[%swap3A_522], %swap3A_525 {strides = array<i32>} : memref<208xf32, #tpu.memory_space<vmem>>, vector<16xf32>,
      %slice3A_526 = vector.extract_strided_slice %get3A_116 {offsets = [12], sizes = [1], strides = [1]} : vector<16xi32> to vector<1xi32>
      %squeeze3A_527 = vector.extract %slice3A_526[0] : i32 from vector<1xi32>
      %slice3A_528 = vector.extract_strided_slice %get3A_120 {offsets = [12], sizes = [1], strides = [1]} : vector<16xi32> to vector<1xi32>
      %squeeze3A_529 = vector.extract %slice3A_528[0] : i32 from vector<1xi32>
      %shift_right_arithmetic3A_530 = vector.broadcast %squeeze3A_527 : i32 to vector<16xi32>
      %shift_right_arithmetic3A_531 = arith.shrsi %shift_right_arithmetic3A_530, %iota3A : vector<16xi32>
      %and3A_532 = arith.constant 1 : i32
      %and3A_533 = vector.broadcast %and3A_532 : i32 to vector<16xi32>
      %and3A_534 = arith.andi %shift_right_arithmetic3A_531, %and3A_533 : vector<16xi32>
      %add3A_535 = arith.constant 16 : i32
      %add3A_536 = vector.broadcast %add3A_535 : i32 to vector<16xi32>
      %add3A_537 = arith.addi %iota3A, %add3A_536 : vector<16xi32>
      %shift_right_arithmetic3A_538 = vector.broadcast %squeeze3A_527 : i32 to vector<16xi32>
      %shift_right_arithmetic3A_539 = arith.shrsi %shift_right_arithmetic3A_538, %add3A_537 : vector<16xi32>
      %and3A_540 = arith.constant 1 : i32
      %and3A_541 = vector.broadcast %and3A_540 : i32 to vector<16xi32>
      %and3A_542 = arith.andi %shift_right_arithmetic3A_539, %and3A_541 : vector<16xi32>
      %sub3A_543 = arith.subi %and3A_534, %and3A_542 : vector<16xi32>
      %convert_element_type3A_544 = arith.sitofp %sub3A_543 : vector<16xi32> to vector<16xf32>
      %swap3A_545 = arith.constant 192 : index
      %swap3A_546 = tpu.vector_load %arg14[%swap3A_545] {strides = array<i32>} : memref<208xf32, #tpu.memory_space<vmem>>, vector<16xf32>,
      %swap3A_547 = vector.shape_cast %swap3A_546 : vector<16xf32> to vector<16xf32>
      %swap3A_548 = vector.shape_cast %convert_element_type3A_544 : vector<16xf32> to vector<16xf32>
      tpu.vector_store %arg14[%swap3A_545], %swap3A_548 {strides = array<i32>} : memref<208xf32, #tpu.memory_space<vmem>>, vector<16xf32>,
      %shift_right_arithmetic3A_549 = vector.broadcast %squeeze3A_529 : i32 to vector<16xi32>
      %shift_right_arithmetic3A_550 = arith.shrsi %shift_right_arithmetic3A_549, %iota3A : vector<16xi32>
      %and3A_551 = arith.constant 1 : i32
      %and3A_552 = vector.broadcast %and3A_551 : i32 to vector<16xi32>
      %and3A_553 = arith.andi %shift_right_arithmetic3A_550, %and3A_552 : vector<16xi32>
      %sub3A_554 = arith.subi %and3A_534, %and3A_553 : vector<16xi32>
      %convert_element_type3A_555 = arith.sitofp %sub3A_554 : vector<16xi32> to vector<16xf32>
      %swap3A_556 = arith.constant 192 : index
      %swap3A_557 = tpu.vector_load %arg15[%swap3A_556] {strides = array<i32>} : memref<208xf32, #tpu.memory_space<vmem>>, vector<16xf32>,
      %swap3A_558 = vector.shape_cast %swap3A_557 : vector<16xf32> to vector<16xf32>
      %swap3A_559 = vector.shape_cast %convert_element_type3A_555 : vector<16xf32> to vector<16xf32>
      tpu.vector_store %arg15[%swap3A_556], %swap3A_559 {strides = array<i32>} : memref<208xf32, #tpu.memory_space<vmem>>, vector<16xf32>,
      %slice3A_560 = vector.extract_strided_slice %get3A_120 {offsets = [14], sizes = [1], strides = [1]} : vector<16xi32> to vector<1xi32>
      %squeeze3A_561 = vector.extract %slice3A_560[0] : i32 from vector<1xi32>
      %add3A_562 = arith.constant 15 : i32
      %add3A_563 = arith.addi %squeeze3A_561, %add3A_562 : i32
      %shift_right_arithmetic3A_564 = arith.constant 4 : i32
      %shift_right_arithmetic3A_565 = arith.shrsi %add3A_563, %shift_right_arithmetic3A_564 : i32
      %broadcast_in_dim3A = arith.constant 0.000000e+00 : f32
      %broadcast_in_dim3A_566 = vector.broadcast %broadcast_in_dim3A : f32 to vector<16xf32>
      %while3A = arith.constant 0 : i32
      %while3A_567 = arith.subi %shift_right_arithmetic3A_565, %while3A : i32
      %while3A_568 = arith.addi %while3A, %while3A_567 : i32
      %while3A_569 = arith.constant 1 : i32
      %while3A_570 = arith.divsi %while3A_567, %while3A_569 : i32
      %while3A_571 = arith.muli %while3A_570, %while3A_569 : i32
      %while3A_572 = arith.addi %while3A, %while3A_571 : i32
      %while3A_573 = arith.constant 1 : i32
      %while3A_574:8 = scf.for %while3A_1283 = %while3A to %while3A_572 step %while3A_573 iter_args(%while3A_1284 = %broadcast_in_dim3A_566, %while3A_1285 = %broadcast_in_dim3A_566, %while3A_1286 = %broadcast_in_dim3A_566, %while3A_1287 = %broadcast_in_dim3A_566, %while3A_1288 = %broadcast_in_dim3A_566, %while3A_1289 = %broadcast_in_dim3A_566, %while3A_1290 = %broadcast_in_dim3A_566, %while3A_1291 = %broadcast_in_dim3A_566) -> (vector<16xf32>, vector<16xf32>, vector<16xf32>, vector<16xf32>, vector<16xf32>, vector<16xf32>, vector<16xf32>, vector<16xf32>)  : i32 {
        %mul3A_1292 = arith.constant 16 : i32
        %mul3A_1293 = arith.muli %mul3A_1292, %while3A_1283 : i32
        %get3A_1294 = arith.index_cast %mul3A_1293 : i32 to index
        %get3A_1295 = tpu.vector_load %arg14[%get3A_1294] {strides = array<i32>} : memref<208xf32, #tpu.memory_space<vmem>>, vector<16xf32>,
        %get3A_1296 = vector.shape_cast %get3A_1295 : vector<16xf32> to vector<16xf32>
        %mul3A_1297 = arith.constant 16 : i32
        %mul3A_1298 = arith.muli %mul3A_1297, %while3A_1283 : i32
        %get3A_1299 = arith.index_cast %mul3A_1298 : i32 to index
        %get3A_1300 = tpu.vector_load %arg15[%get3A_1299] {strides = array<i32>} : memref<208xf32, #tpu.memory_space<vmem>>, vector<16xf32>,
        %get3A_1301 = vector.shape_cast %get3A_1300 : vector<16xf32> to vector<16xf32>
        %mul3A_1302 = arith.constant 16 : i32
        %mul3A_1303 = arith.muli %while3A_1283, %mul3A_1302 : i32
        %add3A_1304 = arith.constant 0 : i32
        %add3A_1305 = arith.addi %mul3A_1303, %add3A_1304 : i32
        %slice3A_1306 = vector.extract_strided_slice %get3A_1296 {offsets = [0], sizes = [1], strides = [1]} : vector<16xf32> to vector<1xf32>
        %squeeze3A_1307 = vector.extract %slice3A_1306[0] : f32 from vector<1xf32>
        %slice3A_1308 = vector.extract_strided_slice %get3A_1301 {offsets = [0], sizes = [1], strides = [1]} : vector<16xf32> to vector<1xf32>
        %squeeze3A_1309 = vector.extract %slice3A_1308[0] : f32 from vector<1xf32>
        %get3A_1310 = arith.index_cast %add3A_1305 : i32 to index
        %get3A_1311 = arith.constant 0 : index
        %get3A_1312 = tpu.vector_load %arg9[%get3A_1310, %get3A_1311] {strides = array<i32>} : memref<200x64xf32, #tpu.memory_space<vmem>>, vector<1x16xf32>,
        %get3A_1313 = vector.shape_cast %get3A_1312 : vector<1x16xf32> to vector<16xf32>
        %mul3A_1314 = vector.broadcast %squeeze3A_1307 : f32 to vector<16xf32>
        %mul3A_1315 = arith.mulf %get3A_1313, %mul3A_1314 : vector<16xf32>
        %add3A_1316 = arith.addf %while3A_1284, %mul3A_1315 : vector<16xf32>
        %mul3A_1317 = vector.broadcast %squeeze3A_1309 : f32 to vector<16xf32>
        %mul3A_1318 = arith.mulf %get3A_1313, %mul3A_1317 : vector<16xf32>
        %add3A_1319 = arith.addf %while3A_1288, %mul3A_1318 : vector<16xf32>
        %get3A_1320 = arith.index_cast %add3A_1305 : i32 to index
        %get3A_1321 = arith.constant 16 : index
        %get3A_1322 = tpu.vector_load %arg9[%get3A_1320, %get3A_1321] {strides = array<i32>} : memref<200x64xf32, #tpu.memory_space<vmem>>, vector<1x16xf32>,
        %get3A_1323 = vector.shape_cast %get3A_1322 : vector<1x16xf32> to vector<16xf32>
        %mul3A_1324 = vector.broadcast %squeeze3A_1307 : f32 to vector<16xf32>
        %mul3A_1325 = arith.mulf %get3A_1323, %mul3A_1324 : vector<16xf32>
        %add3A_1326 = arith.addf %while3A_1285, %mul3A_1325 : vector<16xf32>
        %mul3A_1327 = vector.broadcast %squeeze3A_1309 : f32 to vector<16xf32>
        %mul3A_1328 = arith.mulf %get3A_1323, %mul3A_1327 : vector<16xf32>
        %add3A_1329 = arith.addf %while3A_1289, %mul3A_1328 : vector<16xf32>
        %get3A_1330 = arith.index_cast %add3A_1305 : i32 to index
        %get3A_1331 = arith.constant 32 : index
        %get3A_1332 = tpu.vector_load %arg9[%get3A_1330, %get3A_1331] {strides = array<i32>} : memref<200x64xf32, #tpu.memory_space<vmem>>, vector<1x16xf32>,
        %get3A_1333 = vector.shape_cast %get3A_1332 : vector<1x16xf32> to vector<16xf32>
        %mul3A_1334 = vector.broadcast %squeeze3A_1307 : f32 to vector<16xf32>
        %mul3A_1335 = arith.mulf %get3A_1333, %mul3A_1334 : vector<16xf32>
        %add3A_1336 = arith.addf %while3A_1286, %mul3A_1335 : vector<16xf32>
        %mul3A_1337 = vector.broadcast %squeeze3A_1309 : f32 to vector<16xf32>
        %mul3A_1338 = arith.mulf %get3A_1333, %mul3A_1337 : vector<16xf32>
        %add3A_1339 = arith.addf %while3A_1290, %mul3A_1338 : vector<16xf32>
        %get3A_1340 = arith.index_cast %add3A_1305 : i32 to index
        %get3A_1341 = arith.constant 48 : index
        %get3A_1342 = tpu.vector_load %arg9[%get3A_1340, %get3A_1341] {strides = array<i32>} : memref<200x64xf32, #tpu.memory_space<vmem>>, vector<1x16xf32>,
        %get3A_1343 = vector.shape_cast %get3A_1342 : vector<1x16xf32> to vector<16xf32>
        %mul3A_1344 = vector.broadcast %squeeze3A_1307 : f32 to vector<16xf32>
        %mul3A_1345 = arith.mulf %get3A_1343, %mul3A_1344 : vector<16xf32>
        %add3A_1346 = arith.addf %while3A_1287, %mul3A_1345 : vector<16xf32>
        %mul3A_1347 = vector.broadcast %squeeze3A_1309 : f32 to vector<16xf32>
        %mul3A_1348 = arith.mulf %get3A_1343, %mul3A_1347 : vector<16xf32>
        %add3A_1349 = arith.addf %while3A_1291, %mul3A_1348 : vector<16xf32>
        %mul3A_1350 = arith.constant 16 : i32
        %mul3A_1351 = arith.muli %while3A_1283, %mul3A_1350 : i32
        %add3A_1352 = arith.constant 1 : i32
        %add3A_1353 = arith.addi %mul3A_1351, %add3A_1352 : i32
        %slice3A_1354 = vector.extract_strided_slice %get3A_1296 {offsets = [1], sizes = [1], strides = [1]} : vector<16xf32> to vector<1xf32>
        %squeeze3A_1355 = vector.extract %slice3A_1354[0] : f32 from vector<1xf32>
        %slice3A_1356 = vector.extract_strided_slice %get3A_1301 {offsets = [1], sizes = [1], strides = [1]} : vector<16xf32> to vector<1xf32>
        %squeeze3A_1357 = vector.extract %slice3A_1356[0] : f32 from vector<1xf32>
        %get3A_1358 = arith.index_cast %add3A_1353 : i32 to index
        %get3A_1359 = arith.constant 0 : index
        %get3A_1360 = tpu.vector_load %arg9[%get3A_1358, %get3A_1359] {strides = array<i32>} : memref<200x64xf32, #tpu.memory_space<vmem>>, vector<1x16xf32>,
        %get3A_1361 = vector.shape_cast %get3A_1360 : vector<1x16xf32> to vector<16xf32>
        %mul3A_1362 = vector.broadcast %squeeze3A_1355 : f32 to vector<16xf32>
        %mul3A_1363 = arith.mulf %get3A_1361, %mul3A_1362 : vector<16xf32>
        %add3A_1364 = arith.addf %add3A_1316, %mul3A_1363 : vector<16xf32>
        %mul3A_1365 = vector.broadcast %squeeze3A_1357 : f32 to vector<16xf32>
        %mul3A_1366 = arith.mulf %get3A_1361, %mul3A_1365 : vector<16xf32>
        %add3A_1367 = arith.addf %add3A_1319, %mul3A_1366 : vector<16xf32>
        %get3A_1368 = arith.index_cast %add3A_1353 : i32 to index
        %get3A_1369 = arith.constant 16 : index
        %get3A_1370 = tpu.vector_load %arg9[%get3A_1368, %get3A_1369] {strides = array<i32>} : memref<200x64xf32, #tpu.memory_space<vmem>>, vector<1x16xf32>,
        %get3A_1371 = vector.shape_cast %get3A_1370 : vector<1x16xf32> to vector<16xf32>
        %mul3A_1372 = vector.broadcast %squeeze3A_1355 : f32 to vector<16xf32>
        %mul3A_1373 = arith.mulf %get3A_1371, %mul3A_1372 : vector<16xf32>
        %add3A_1374 = arith.addf %add3A_1326, %mul3A_1373 : vector<16xf32>
        %mul3A_1375 = vector.broadcast %squeeze3A_1357 : f32 to vector<16xf32>
        %mul3A_1376 = arith.mulf %get3A_1371, %mul3A_1375 : vector<16xf32>
        %add3A_1377 = arith.addf %add3A_1329, %mul3A_1376 : vector<16xf32>
        %get3A_1378 = arith.index_cast %add3A_1353 : i32 to index
        %get3A_1379 = arith.constant 32 : index
        %get3A_1380 = tpu.vector_load %arg9[%get3A_1378, %get3A_1379] {strides = array<i32>} : memref<200x64xf32, #tpu.memory_space<vmem>>, vector<1x16xf32>,
        %get3A_1381 = vector.shape_cast %get3A_1380 : vector<1x16xf32> to vector<16xf32>
        %mul3A_1382 = vector.broadcast %squeeze3A_1355 : f32 to vector<16xf32>
        %mul3A_1383 = arith.mulf %get3A_1381, %mul3A_1382 : vector<16xf32>
        %add3A_1384 = arith.addf %add3A_1336, %mul3A_1383 : vector<16xf32>
        %mul3A_1385 = vector.broadcast %squeeze3A_1357 : f32 to vector<16xf32>
        %mul3A_1386 = arith.mulf %get3A_1381, %mul3A_1385 : vector<16xf32>
        %add3A_1387 = arith.addf %add3A_1339, %mul3A_1386 : vector<16xf32>
        %get3A_1388 = arith.index_cast %add3A_1353 : i32 to index
        %get3A_1389 = arith.constant 48 : index
        %get3A_1390 = tpu.vector_load %arg9[%get3A_1388, %get3A_1389] {strides = array<i32>} : memref<200x64xf32, #tpu.memory_space<vmem>>, vector<1x16xf32>,
        %get3A_1391 = vector.shape_cast %get3A_1390 : vector<1x16xf32> to vector<16xf32>
        %mul3A_1392 = vector.broadcast %squeeze3A_1355 : f32 to vector<16xf32>
        %mul3A_1393 = arith.mulf %get3A_1391, %mul3A_1392 : vector<16xf32>
        %add3A_1394 = arith.addf %add3A_1346, %mul3A_1393 : vector<16xf32>
        %mul3A_1395 = vector.broadcast %squeeze3A_1357 : f32 to vector<16xf32>
        %mul3A_1396 = arith.mulf %get3A_1391, %mul3A_1395 : vector<16xf32>
        %add3A_1397 = arith.addf %add3A_1349, %mul3A_1396 : vector<16xf32>
        %mul3A_1398 = arith.constant 16 : i32
        %mul3A_1399 = arith.muli %while3A_1283, %mul3A_1398 : i32
        %add3A_1400 = arith.constant 2 : i32
        %add3A_1401 = arith.addi %mul3A_1399, %add3A_1400 : i32
        %slice3A_1402 = vector.extract_strided_slice %get3A_1296 {offsets = [2], sizes = [1], strides = [1]} : vector<16xf32> to vector<1xf32>
        %squeeze3A_1403 = vector.extract %slice3A_1402[0] : f32 from vector<1xf32>
        %slice3A_1404 = vector.extract_strided_slice %get3A_1301 {offsets = [2], sizes = [1], strides = [1]} : vector<16xf32> to vector<1xf32>
        %squeeze3A_1405 = vector.extract %slice3A_1404[0] : f32 from vector<1xf32>
        %get3A_1406 = arith.index_cast %add3A_1401 : i32 to index
        %get3A_1407 = arith.constant 0 : index
        %get3A_1408 = tpu.vector_load %arg9[%get3A_1406, %get3A_1407] {strides = array<i32>} : memref<200x64xf32, #tpu.memory_space<vmem>>, vector<1x16xf32>,
        %get3A_1409 = vector.shape_cast %get3A_1408 : vector<1x16xf32> to vector<16xf32>
        %mul3A_1410 = vector.broadcast %squeeze3A_1403 : f32 to vector<16xf32>
        %mul3A_1411 = arith.mulf %get3A_1409, %mul3A_1410 : vector<16xf32>
        %add3A_1412 = arith.addf %add3A_1364, %mul3A_1411 : vector<16xf32>
        %mul3A_1413 = vector.broadcast %squeeze3A_1405 : f32 to vector<16xf32>
        %mul3A_1414 = arith.mulf %get3A_1409, %mul3A_1413 : vector<16xf32>
        %add3A_1415 = arith.addf %add3A_1367, %mul3A_1414 : vector<16xf32>
        %get3A_1416 = arith.index_cast %add3A_1401 : i32 to index
        %get3A_1417 = arith.constant 16 : index
        %get3A_1418 = tpu.vector_load %arg9[%get3A_1416, %get3A_1417] {strides = array<i32>} : memref<200x64xf32, #tpu.memory_space<vmem>>, vector<1x16xf32>,
        %get3A_1419 = vector.shape_cast %get3A_1418 : vector<1x16xf32> to vector<16xf32>
        %mul3A_1420 = vector.broadcast %squeeze3A_1403 : f32 to vector<16xf32>
        %mul3A_1421 = arith.mulf %get3A_1419, %mul3A_1420 : vector<16xf32>
        %add3A_1422 = arith.addf %add3A_1374, %mul3A_1421 : vector<16xf32>
        %mul3A_1423 = vector.broadcast %squeeze3A_1405 : f32 to vector<16xf32>
        %mul3A_1424 = arith.mulf %get3A_1419, %mul3A_1423 : vector<16xf32>
        %add3A_1425 = arith.addf %add3A_1377, %mul3A_1424 : vector<16xf32>
        %get3A_1426 = arith.index_cast %add3A_1401 : i32 to index
        %get3A_1427 = arith.constant 32 : index
        %get3A_1428 = tpu.vector_load %arg9[%get3A_1426, %get3A_1427] {strides = array<i32>} : memref<200x64xf32, #tpu.memory_space<vmem>>, vector<1x16xf32>,
        %get3A_1429 = vector.shape_cast %get3A_1428 : vector<1x16xf32> to vector<16xf32>
        %mul3A_1430 = vector.broadcast %squeeze3A_1403 : f32 to vector<16xf32>
        %mul3A_1431 = arith.mulf %get3A_1429, %mul3A_1430 : vector<16xf32>
        %add3A_1432 = arith.addf %add3A_1384, %mul3A_1431 : vector<16xf32>
        %mul3A_1433 = vector.broadcast %squeeze3A_1405 : f32 to vector<16xf32>
        %mul3A_1434 = arith.mulf %get3A_1429, %mul3A_1433 : vector<16xf32>
        %add3A_1435 = arith.addf %add3A_1387, %mul3A_1434 : vector<16xf32>
        %get3A_1436 = arith.index_cast %add3A_1401 : i32 to index
        %get3A_1437 = arith.constant 48 : index
        %get3A_1438 = tpu.vector_load %arg9[%get3A_1436, %get3A_1437] {strides = array<i32>} : memref<200x64xf32, #tpu.memory_space<vmem>>, vector<1x16xf32>,
        %get3A_1439 = vector.shape_cast %get3A_1438 : vector<1x16xf32> to vector<16xf32>
        %mul3A_1440 = vector.broadcast %squeeze3A_1403 : f32 to vector<16xf32>
        %mul3A_1441 = arith.mulf %get3A_1439, %mul3A_1440 : vector<16xf32>
        %add3A_1442 = arith.addf %add3A_1394, %mul3A_1441 : vector<16xf32>
        %mul3A_1443 = vector.broadcast %squeeze3A_1405 : f32 to vector<16xf32>
        %mul3A_1444 = arith.mulf %get3A_1439, %mul3A_1443 : vector<16xf32>
        %add3A_1445 = arith.addf %add3A_1397, %mul3A_1444 : vector<16xf32>
        %mul3A_1446 = arith.constant 16 : i32
        %mul3A_1447 = arith.muli %while3A_1283, %mul3A_1446 : i32
        %add3A_1448 = arith.constant 3 : i32
        %add3A_1449 = arith.addi %mul3A_1447, %add3A_1448 : i32
        %slice3A_1450 = vector.extract_strided_slice %get3A_1296 {offsets = [3], sizes = [1], strides = [1]} : vector<16xf32> to vector<1xf32>
        %squeeze3A_1451 = vector.extract %slice3A_1450[0] : f32 from vector<1xf32>
        %slice3A_1452 = vector.extract_strided_slice %get3A_1301 {offsets = [3], sizes = [1], strides = [1]} : vector<16xf32> to vector<1xf32>
        %squeeze3A_1453 = vector.extract %slice3A_1452[0] : f32 from vector<1xf32>
        %get3A_1454 = arith.index_cast %add3A_1449 : i32 to index
        %get3A_1455 = arith.constant 0 : index
        %get3A_1456 = tpu.vector_load %arg9[%get3A_1454, %get3A_1455] {strides = array<i32>} : memref<200x64xf32, #tpu.memory_space<vmem>>, vector<1x16xf32>,
        %get3A_1457 = vector.shape_cast %get3A_1456 : vector<1x16xf32> to vector<16xf32>
        %mul3A_1458 = vector.broadcast %squeeze3A_1451 : f32 to vector<16xf32>
        %mul3A_1459 = arith.mulf %get3A_1457, %mul3A_1458 : vector<16xf32>
        %add3A_1460 = arith.addf %add3A_1412, %mul3A_1459 : vector<16xf32>
        %mul3A_1461 = vector.broadcast %squeeze3A_1453 : f32 to vector<16xf32>
        %mul3A_1462 = arith.mulf %get3A_1457, %mul3A_1461 : vector<16xf32>
        %add3A_1463 = arith.addf %add3A_1415, %mul3A_1462 : vector<16xf32>
        %get3A_1464 = arith.index_cast %add3A_1449 : i32 to index
        %get3A_1465 = arith.constant 16 : index
        %get3A_1466 = tpu.vector_load %arg9[%get3A_1464, %get3A_1465] {strides = array<i32>} : memref<200x64xf32, #tpu.memory_space<vmem>>, vector<1x16xf32>,
        %get3A_1467 = vector.shape_cast %get3A_1466 : vector<1x16xf32> to vector<16xf32>
        %mul3A_1468 = vector.broadcast %squeeze3A_1451 : f32 to vector<16xf32>
        %mul3A_1469 = arith.mulf %get3A_1467, %mul3A_1468 : vector<16xf32>
        %add3A_1470 = arith.addf %add3A_1422, %mul3A_1469 : vector<16xf32>
        %mul3A_1471 = vector.broadcast %squeeze3A_1453 : f32 to vector<16xf32>
        %mul3A_1472 = arith.mulf %get3A_1467, %mul3A_1471 : vector<16xf32>
        %add3A_1473 = arith.addf %add3A_1425, %mul3A_1472 : vector<16xf32>
        %get3A_1474 = arith.index_cast %add3A_1449 : i32 to index
        %get3A_1475 = arith.constant 32 : index
        %get3A_1476 = tpu.vector_load %arg9[%get3A_1474, %get3A_1475] {strides = array<i32>} : memref<200x64xf32, #tpu.memory_space<vmem>>, vector<1x16xf32>,
        %get3A_1477 = vector.shape_cast %get3A_1476 : vector<1x16xf32> to vector<16xf32>
        %mul3A_1478 = vector.broadcast %squeeze3A_1451 : f32 to vector<16xf32>
        %mul3A_1479 = arith.mulf %get3A_1477, %mul3A_1478 : vector<16xf32>
        %add3A_1480 = arith.addf %add3A_1432, %mul3A_1479 : vector<16xf32>
        %mul3A_1481 = vector.broadcast %squeeze3A_1453 : f32 to vector<16xf32>
        %mul3A_1482 = arith.mulf %get3A_1477, %mul3A_1481 : vector<16xf32>
        %add3A_1483 = arith.addf %add3A_1435, %mul3A_1482 : vector<16xf32>
        %get3A_1484 = arith.index_cast %add3A_1449 : i32 to index
        %get3A_1485 = arith.constant 48 : index
        %get3A_1486 = tpu.vector_load %arg9[%get3A_1484, %get3A_1485] {strides = array<i32>} : memref<200x64xf32, #tpu.memory_space<vmem>>, vector<1x16xf32>,
        %get3A_1487 = vector.shape_cast %get3A_1486 : vector<1x16xf32> to vector<16xf32>
        %mul3A_1488 = vector.broadcast %squeeze3A_1451 : f32 to vector<16xf32>
        %mul3A_1489 = arith.mulf %get3A_1487, %mul3A_1488 : vector<16xf32>
        %add3A_1490 = arith.addf %add3A_1442, %mul3A_1489 : vector<16xf32>
        %mul3A_1491 = vector.broadcast %squeeze3A_1453 : f32 to vector<16xf32>
        %mul3A_1492 = arith.mulf %get3A_1487, %mul3A_1491 : vector<16xf32>
        %add3A_1493 = arith.addf %add3A_1445, %mul3A_1492 : vector<16xf32>
        %mul3A_1494 = arith.constant 16 : i32
        %mul3A_1495 = arith.muli %while3A_1283, %mul3A_1494 : i32
        %add3A_1496 = arith.constant 4 : i32
        %add3A_1497 = arith.addi %mul3A_1495, %add3A_1496 : i32
        %slice3A_1498 = vector.extract_strided_slice %get3A_1296 {offsets = [4], sizes = [1], strides = [1]} : vector<16xf32> to vector<1xf32>
        %squeeze3A_1499 = vector.extract %slice3A_1498[0] : f32 from vector<1xf32>
        %slice3A_1500 = vector.extract_strided_slice %get3A_1301 {offsets = [4], sizes = [1], strides = [1]} : vector<16xf32> to vector<1xf32>
        %squeeze3A_1501 = vector.extract %slice3A_1500[0] : f32 from vector<1xf32>
        %get3A_1502 = arith.index_cast %add3A_1497 : i32 to index
        %get3A_1503 = arith.constant 0 : index
        %get3A_1504 = tpu.vector_load %arg9[%get3A_1502, %get3A_1503] {strides = array<i32>} : memref<200x64xf32, #tpu.memory_space<vmem>>, vector<1x16xf32>,
        %get3A_1505 = vector.shape_cast %get3A_1504 : vector<1x16xf32> to vector<16xf32>
        %mul3A_1506 = vector.broadcast %squeeze3A_1499 : f32 to vector<16xf32>
        %mul3A_1507 = arith.mulf %get3A_1505, %mul3A_1506 : vector<16xf32>
        %add3A_1508 = arith.addf %add3A_1460, %mul3A_1507 : vector<16xf32>
        %mul3A_1509 = vector.broadcast %squeeze3A_1501 : f32 to vector<16xf32>
        %mul3A_1510 = arith.mulf %get3A_1505, %mul3A_1509 : vector<16xf32>
        %add3A_1511 = arith.addf %add3A_1463, %mul3A_1510 : vector<16xf32>
        %get3A_1512 = arith.index_cast %add3A_1497 : i32 to index
        %get3A_1513 = arith.constant 16 : index
        %get3A_1514 = tpu.vector_load %arg9[%get3A_1512, %get3A_1513] {strides = array<i32>} : memref<200x64xf32, #tpu.memory_space<vmem>>, vector<1x16xf32>,
        %get3A_1515 = vector.shape_cast %get3A_1514 : vector<1x16xf32> to vector<16xf32>
        %mul3A_1516 = vector.broadcast %squeeze3A_1499 : f32 to vector<16xf32>
        %mul3A_1517 = arith.mulf %get3A_1515, %mul3A_1516 : vector<16xf32>
        %add3A_1518 = arith.addf %add3A_1470, %mul3A_1517 : vector<16xf32>
        %mul3A_1519 = vector.broadcast %squeeze3A_1501 : f32 to vector<16xf32>
        %mul3A_1520 = arith.mulf %get3A_1515, %mul3A_1519 : vector<16xf32>
        %add3A_1521 = arith.addf %add3A_1473, %mul3A_1520 : vector<16xf32>
        %get3A_1522 = arith.index_cast %add3A_1497 : i32 to index
        %get3A_1523 = arith.constant 32 : index
        %get3A_1524 = tpu.vector_load %arg9[%get3A_1522, %get3A_1523] {strides = array<i32>} : memref<200x64xf32, #tpu.memory_space<vmem>>, vector<1x16xf32>,
        %get3A_1525 = vector.shape_cast %get3A_1524 : vector<1x16xf32> to vector<16xf32>
        %mul3A_1526 = vector.broadcast %squeeze3A_1499 : f32 to vector<16xf32>
        %mul3A_1527 = arith.mulf %get3A_1525, %mul3A_1526 : vector<16xf32>
        %add3A_1528 = arith.addf %add3A_1480, %mul3A_1527 : vector<16xf32>
        %mul3A_1529 = vector.broadcast %squeeze3A_1501 : f32 to vector<16xf32>
        %mul3A_1530 = arith.mulf %get3A_1525, %mul3A_1529 : vector<16xf32>
        %add3A_1531 = arith.addf %add3A_1483, %mul3A_1530 : vector<16xf32>
        %get3A_1532 = arith.index_cast %add3A_1497 : i32 to index
        %get3A_1533 = arith.constant 48 : index
        %get3A_1534 = tpu.vector_load %arg9[%get3A_1532, %get3A_1533] {strides = array<i32>} : memref<200x64xf32, #tpu.memory_space<vmem>>, vector<1x16xf32>,
        %get3A_1535 = vector.shape_cast %get3A_1534 : vector<1x16xf32> to vector<16xf32>
        %mul3A_1536 = vector.broadcast %squeeze3A_1499 : f32 to vector<16xf32>
        %mul3A_1537 = arith.mulf %get3A_1535, %mul3A_1536 : vector<16xf32>
        %add3A_1538 = arith.addf %add3A_1490, %mul3A_1537 : vector<16xf32>
        %mul3A_1539 = vector.broadcast %squeeze3A_1501 : f32 to vector<16xf32>
        %mul3A_1540 = arith.mulf %get3A_1535, %mul3A_1539 : vector<16xf32>
        %add3A_1541 = arith.addf %add3A_1493, %mul3A_1540 : vector<16xf32>
        %mul3A_1542 = arith.constant 16 : i32
        %mul3A_1543 = arith.muli %while3A_1283, %mul3A_1542 : i32
        %add3A_1544 = arith.constant 5 : i32
        %add3A_1545 = arith.addi %mul3A_1543, %add3A_1544 : i32
        %slice3A_1546 = vector.extract_strided_slice %get3A_1296 {offsets = [5], sizes = [1], strides = [1]} : vector<16xf32> to vector<1xf32>
        %squeeze3A_1547 = vector.extract %slice3A_1546[0] : f32 from vector<1xf32>
        %slice3A_1548 = vector.extract_strided_slice %get3A_1301 {offsets = [5], sizes = [1], strides = [1]} : vector<16xf32> to vector<1xf32>
        %squeeze3A_1549 = vector.extract %slice3A_1548[0] : f32 from vector<1xf32>
        %get3A_1550 = arith.index_cast %add3A_1545 : i32 to index
        %get3A_1551 = arith.constant 0 : index
        %get3A_1552 = tpu.vector_load %arg9[%get3A_1550, %get3A_1551] {strides = array<i32>} : memref<200x64xf32, #tpu.memory_space<vmem>>, vector<1x16xf32>,
        %get3A_1553 = vector.shape_cast %get3A_1552 : vector<1x16xf32> to vector<16xf32>
        %mul3A_1554 = vector.broadcast %squeeze3A_1547 : f32 to vector<16xf32>
        %mul3A_1555 = arith.mulf %get3A_1553, %mul3A_1554 : vector<16xf32>
        %add3A_1556 = arith.addf %add3A_1508, %mul3A_1555 : vector<16xf32>
        %mul3A_1557 = vector.broadcast %squeeze3A_1549 : f32 to vector<16xf32>
        %mul3A_1558 = arith.mulf %get3A_1553, %mul3A_1557 : vector<16xf32>
        %add3A_1559 = arith.addf %add3A_1511, %mul3A_1558 : vector<16xf32>
        %get3A_1560 = arith.index_cast %add3A_1545 : i32 to index
        %get3A_1561 = arith.constant 16 : index
        %get3A_1562 = tpu.vector_load %arg9[%get3A_1560, %get3A_1561] {strides = array<i32>} : memref<200x64xf32, #tpu.memory_space<vmem>>, vector<1x16xf32>,
        %get3A_1563 = vector.shape_cast %get3A_1562 : vector<1x16xf32> to vector<16xf32>
        %mul3A_1564 = vector.broadcast %squeeze3A_1547 : f32 to vector<16xf32>
        %mul3A_1565 = arith.mulf %get3A_1563, %mul3A_1564 : vector<16xf32>
        %add3A_1566 = arith.addf %add3A_1518, %mul3A_1565 : vector<16xf32>
        %mul3A_1567 = vector.broadcast %squeeze3A_1549 : f32 to vector<16xf32>
        %mul3A_1568 = arith.mulf %get3A_1563, %mul3A_1567 : vector<16xf32>
        %add3A_1569 = arith.addf %add3A_1521, %mul3A_1568 : vector<16xf32>
        %get3A_1570 = arith.index_cast %add3A_1545 : i32 to index
        %get3A_1571 = arith.constant 32 : index
        %get3A_1572 = tpu.vector_load %arg9[%get3A_1570, %get3A_1571] {strides = array<i32>} : memref<200x64xf32, #tpu.memory_space<vmem>>, vector<1x16xf32>,
        %get3A_1573 = vector.shape_cast %get3A_1572 : vector<1x16xf32> to vector<16xf32>
        %mul3A_1574 = vector.broadcast %squeeze3A_1547 : f32 to vector<16xf32>
        %mul3A_1575 = arith.mulf %get3A_1573, %mul3A_1574 : vector<16xf32>
        %add3A_1576 = arith.addf %add3A_1528, %mul3A_1575 : vector<16xf32>
        %mul3A_1577 = vector.broadcast %squeeze3A_1549 : f32 to vector<16xf32>
        %mul3A_1578 = arith.mulf %get3A_1573, %mul3A_1577 : vector<16xf32>
        %add3A_1579 = arith.addf %add3A_1531, %mul3A_1578 : vector<16xf32>
        %get3A_1580 = arith.index_cast %add3A_1545 : i32 to index
        %get3A_1581 = arith.constant 48 : index
        %get3A_1582 = tpu.vector_load %arg9[%get3A_1580, %get3A_1581] {strides = array<i32>} : memref<200x64xf32, #tpu.memory_space<vmem>>, vector<1x16xf32>,
        %get3A_1583 = vector.shape_cast %get3A_1582 : vector<1x16xf32> to vector<16xf32>
        %mul3A_1584 = vector.broadcast %squeeze3A_1547 : f32 to vector<16xf32>
        %mul3A_1585 = arith.mulf %get3A_1583, %mul3A_1584 : vector<16xf32>
        %add3A_1586 = arith.addf %add3A_1538, %mul3A_1585 : vector<16xf32>
        %mul3A_1587 = vector.broadcast %squeeze3A_1549 : f32 to vector<16xf32>
        %mul3A_1588 = arith.mulf %get3A_1583, %mul3A_1587 : vector<16xf32>
        %add3A_1589 = arith.addf %add3A_1541, %mul3A_1588 : vector<16xf32>
        %mul3A_1590 = arith.constant 16 : i32
        %mul3A_1591 = arith.muli %while3A_1283, %mul3A_1590 : i32
        %add3A_1592 = arith.constant 6 : i32
        %add3A_1593 = arith.addi %mul3A_1591, %add3A_1592 : i32
        %slice3A_1594 = vector.extract_strided_slice %get3A_1296 {offsets = [6], sizes = [1], strides = [1]} : vector<16xf32> to vector<1xf32>
        %squeeze3A_1595 = vector.extract %slice3A_1594[0] : f32 from vector<1xf32>
        %slice3A_1596 = vector.extract_strided_slice %get3A_1301 {offsets = [6], sizes = [1], strides = [1]} : vector<16xf32> to vector<1xf32>
        %squeeze3A_1597 = vector.extract %slice3A_1596[0] : f32 from vector<1xf32>
        %get3A_1598 = arith.index_cast %add3A_1593 : i32 to index
        %get3A_1599 = arith.constant 0 : index
        %get3A_1600 = tpu.vector_load %arg9[%get3A_1598, %get3A_1599] {strides = array<i32>} : memref<200x64xf32, #tpu.memory_space<vmem>>, vector<1x16xf32>,
        %get3A_1601 = vector.shape_cast %get3A_1600 : vector<1x16xf32> to vector<16xf32>
        %mul3A_1602 = vector.broadcast %squeeze3A_1595 : f32 to vector<16xf32>
        %mul3A_1603 = arith.mulf %get3A_1601, %mul3A_1602 : vector<16xf32>
        %add3A_1604 = arith.addf %add3A_1556, %mul3A_1603 : vector<16xf32>
        %mul3A_1605 = vector.broadcast %squeeze3A_1597 : f32 to vector<16xf32>
        %mul3A_1606 = arith.mulf %get3A_1601, %mul3A_1605 : vector<16xf32>
        %add3A_1607 = arith.addf %add3A_1559, %mul3A_1606 : vector<16xf32>
        %get3A_1608 = arith.index_cast %add3A_1593 : i32 to index
        %get3A_1609 = arith.constant 16 : index
        %get3A_1610 = tpu.vector_load %arg9[%get3A_1608, %get3A_1609] {strides = array<i32>} : memref<200x64xf32, #tpu.memory_space<vmem>>, vector<1x16xf32>,
        %get3A_1611 = vector.shape_cast %get3A_1610 : vector<1x16xf32> to vector<16xf32>
        %mul3A_1612 = vector.broadcast %squeeze3A_1595 : f32 to vector<16xf32>
        %mul3A_1613 = arith.mulf %get3A_1611, %mul3A_1612 : vector<16xf32>
        %add3A_1614 = arith.addf %add3A_1566, %mul3A_1613 : vector<16xf32>
        %mul3A_1615 = vector.broadcast %squeeze3A_1597 : f32 to vector<16xf32>
        %mul3A_1616 = arith.mulf %get3A_1611, %mul3A_1615 : vector<16xf32>
        %add3A_1617 = arith.addf %add3A_1569, %mul3A_1616 : vector<16xf32>
        %get3A_1618 = arith.index_cast %add3A_1593 : i32 to index
        %get3A_1619 = arith.constant 32 : index
        %get3A_1620 = tpu.vector_load %arg9[%get3A_1618, %get3A_1619] {strides = array<i32>} : memref<200x64xf32, #tpu.memory_space<vmem>>, vector<1x16xf32>,
        %get3A_1621 = vector.shape_cast %get3A_1620 : vector<1x16xf32> to vector<16xf32>
        %mul3A_1622 = vector.broadcast %squeeze3A_1595 : f32 to vector<16xf32>
        %mul3A_1623 = arith.mulf %get3A_1621, %mul3A_1622 : vector<16xf32>
        %add3A_1624 = arith.addf %add3A_1576, %mul3A_1623 : vector<16xf32>
        %mul3A_1625 = vector.broadcast %squeeze3A_1597 : f32 to vector<16xf32>
        %mul3A_1626 = arith.mulf %get3A_1621, %mul3A_1625 : vector<16xf32>
        %add3A_1627 = arith.addf %add3A_1579, %mul3A_1626 : vector<16xf32>
        %get3A_1628 = arith.index_cast %add3A_1593 : i32 to index
        %get3A_1629 = arith.constant 48 : index
        %get3A_1630 = tpu.vector_load %arg9[%get3A_1628, %get3A_1629] {strides = array<i32>} : memref<200x64xf32, #tpu.memory_space<vmem>>, vector<1x16xf32>,
        %get3A_1631 = vector.shape_cast %get3A_1630 : vector<1x16xf32> to vector<16xf32>
        %mul3A_1632 = vector.broadcast %squeeze3A_1595 : f32 to vector<16xf32>
        %mul3A_1633 = arith.mulf %get3A_1631, %mul3A_1632 : vector<16xf32>
        %add3A_1634 = arith.addf %add3A_1586, %mul3A_1633 : vector<16xf32>
        %mul3A_1635 = vector.broadcast %squeeze3A_1597 : f32 to vector<16xf32>
        %mul3A_1636 = arith.mulf %get3A_1631, %mul3A_1635 : vector<16xf32>
        %add3A_1637 = arith.addf %add3A_1589, %mul3A_1636 : vector<16xf32>
        %mul3A_1638 = arith.constant 16 : i32
        %mul3A_1639 = arith.muli %while3A_1283, %mul3A_1638 : i32
        %add3A_1640 = arith.constant 7 : i32
        %add3A_1641 = arith.addi %mul3A_1639, %add3A_1640 : i32
        %slice3A_1642 = vector.extract_strided_slice %get3A_1296 {offsets = [7], sizes = [1], strides = [1]} : vector<16xf32> to vector<1xf32>
        %squeeze3A_1643 = vector.extract %slice3A_1642[0] : f32 from vector<1xf32>
        %slice3A_1644 = vector.extract_strided_slice %get3A_1301 {offsets = [7], sizes = [1], strides = [1]} : vector<16xf32> to vector<1xf32>
        %squeeze3A_1645 = vector.extract %slice3A_1644[0] : f32 from vector<1xf32>
        %get3A_1646 = arith.index_cast %add3A_1641 : i32 to index
        %get3A_1647 = arith.constant 0 : index
        %get3A_1648 = tpu.vector_load %arg9[%get3A_1646, %get3A_1647] {strides = array<i32>} : memref<200x64xf32, #tpu.memory_space<vmem>>, vector<1x16xf32>,
        %get3A_1649 = vector.shape_cast %get3A_1648 : vector<1x16xf32> to vector<16xf32>
        %mul3A_1650 = vector.broadcast %squeeze3A_1643 : f32 to vector<16xf32>
        %mul3A_1651 = arith.mulf %get3A_1649, %mul3A_1650 : vector<16xf32>
        %add3A_1652 = arith.addf %add3A_1604, %mul3A_1651 : vector<16xf32>
        %mul3A_1653 = vector.broadcast %squeeze3A_1645 : f32 to vector<16xf32>
        %mul3A_1654 = arith.mulf %get3A_1649, %mul3A_1653 : vector<16xf32>
        %add3A_1655 = arith.addf %add3A_1607, %mul3A_1654 : vector<16xf32>
        %get3A_1656 = arith.index_cast %add3A_1641 : i32 to index
        %get3A_1657 = arith.constant 16 : index
        %get3A_1658 = tpu.vector_load %arg9[%get3A_1656, %get3A_1657] {strides = array<i32>} : memref<200x64xf32, #tpu.memory_space<vmem>>, vector<1x16xf32>,
        %get3A_1659 = vector.shape_cast %get3A_1658 : vector<1x16xf32> to vector<16xf32>
        %mul3A_1660 = vector.broadcast %squeeze3A_1643 : f32 to vector<16xf32>
        %mul3A_1661 = arith.mulf %get3A_1659, %mul3A_1660 : vector<16xf32>
        %add3A_1662 = arith.addf %add3A_1614, %mul3A_1661 : vector<16xf32>
        %mul3A_1663 = vector.broadcast %squeeze3A_1645 : f32 to vector<16xf32>
        %mul3A_1664 = arith.mulf %get3A_1659, %mul3A_1663 : vector<16xf32>
        %add3A_1665 = arith.addf %add3A_1617, %mul3A_1664 : vector<16xf32>
        %get3A_1666 = arith.index_cast %add3A_1641 : i32 to index
        %get3A_1667 = arith.constant 32 : index
        %get3A_1668 = tpu.vector_load %arg9[%get3A_1666, %get3A_1667] {strides = array<i32>} : memref<200x64xf32, #tpu.memory_space<vmem>>, vector<1x16xf32>,
        %get3A_1669 = vector.shape_cast %get3A_1668 : vector<1x16xf32> to vector<16xf32>
        %mul3A_1670 = vector.broadcast %squeeze3A_1643 : f32 to vector<16xf32>
        %mul3A_1671 = arith.mulf %get3A_1669, %mul3A_1670 : vector<16xf32>
        %add3A_1672 = arith.addf %add3A_1624, %mul3A_1671 : vector<16xf32>
        %mul3A_1673 = vector.broadcast %squeeze3A_1645 : f32 to vector<16xf32>
        %mul3A_1674 = arith.mulf %get3A_1669, %mul3A_1673 : vector<16xf32>
        %add3A_1675 = arith.addf %add3A_1627, %mul3A_1674 : vector<16xf32>
        %get3A_1676 = arith.index_cast %add3A_1641 : i32 to index
        %get3A_1677 = arith.constant 48 : index
        %get3A_1678 = tpu.vector_load %arg9[%get3A_1676, %get3A_1677] {strides = array<i32>} : memref<200x64xf32, #tpu.memory_space<vmem>>, vector<1x16xf32>,
        %get3A_1679 = vector.shape_cast %get3A_1678 : vector<1x16xf32> to vector<16xf32>
        %mul3A_1680 = vector.broadcast %squeeze3A_1643 : f32 to vector<16xf32>
        %mul3A_1681 = arith.mulf %get3A_1679, %mul3A_1680 : vector<16xf32>
        %add3A_1682 = arith.addf %add3A_1634, %mul3A_1681 : vector<16xf32>
        %mul3A_1683 = vector.broadcast %squeeze3A_1645 : f32 to vector<16xf32>
        %mul3A_1684 = arith.mulf %get3A_1679, %mul3A_1683 : vector<16xf32>
        %add3A_1685 = arith.addf %add3A_1637, %mul3A_1684 : vector<16xf32>
        %mul3A_1686 = arith.constant 16 : i32
        %mul3A_1687 = arith.muli %while3A_1283, %mul3A_1686 : i32
        %add3A_1688 = arith.constant 8 : i32
        %add3A_1689 = arith.addi %mul3A_1687, %add3A_1688 : i32
        %slice3A_1690 = vector.extract_strided_slice %get3A_1296 {offsets = [8], sizes = [1], strides = [1]} : vector<16xf32> to vector<1xf32>
        %squeeze3A_1691 = vector.extract %slice3A_1690[0] : f32 from vector<1xf32>
        %slice3A_1692 = vector.extract_strided_slice %get3A_1301 {offsets = [8], sizes = [1], strides = [1]} : vector<16xf32> to vector<1xf32>
        %squeeze3A_1693 = vector.extract %slice3A_1692[0] : f32 from vector<1xf32>
        %get3A_1694 = arith.index_cast %add3A_1689 : i32 to index
        %get3A_1695 = arith.constant 0 : index
        %get3A_1696 = tpu.vector_load %arg9[%get3A_1694, %get3A_1695] {strides = array<i32>} : memref<200x64xf32, #tpu.memory_space<vmem>>, vector<1x16xf32>,
        %get3A_1697 = vector.shape_cast %get3A_1696 : vector<1x16xf32> to vector<16xf32>
        %mul3A_1698 = vector.broadcast %squeeze3A_1691 : f32 to vector<16xf32>
        %mul3A_1699 = arith.mulf %get3A_1697, %mul3A_1698 : vector<16xf32>
        %add3A_1700 = arith.addf %add3A_1652, %mul3A_1699 : vector<16xf32>
        %mul3A_1701 = vector.broadcast %squeeze3A_1693 : f32 to vector<16xf32>
        %mul3A_1702 = arith.mulf %get3A_1697, %mul3A_1701 : vector<16xf32>
        %add3A_1703 = arith.addf %add3A_1655, %mul3A_1702 : vector<16xf32>
        %get3A_1704 = arith.index_cast %add3A_1689 : i32 to index
        %get3A_1705 = arith.constant 16 : index
        %get3A_1706 = tpu.vector_load %arg9[%get3A_1704, %get3A_1705] {strides = array<i32>} : memref<200x64xf32, #tpu.memory_space<vmem>>, vector<1x16xf32>,
        %get3A_1707 = vector.shape_cast %get3A_1706 : vector<1x16xf32> to vector<16xf32>
        %mul3A_1708 = vector.broadcast %squeeze3A_1691 : f32 to vector<16xf32>
        %mul3A_1709 = arith.mulf %get3A_1707, %mul3A_1708 : vector<16xf32>
        %add3A_1710 = arith.addf %add3A_1662, %mul3A_1709 : vector<16xf32>
        %mul3A_1711 = vector.broadcast %squeeze3A_1693 : f32 to vector<16xf32>
        %mul3A_1712 = arith.mulf %get3A_1707, %mul3A_1711 : vector<16xf32>
        %add3A_1713 = arith.addf %add3A_1665, %mul3A_1712 : vector<16xf32>
        %get3A_1714 = arith.index_cast %add3A_1689 : i32 to index
        %get3A_1715 = arith.constant 32 : index
        %get3A_1716 = tpu.vector_load %arg9[%get3A_1714, %get3A_1715] {strides = array<i32>} : memref<200x64xf32, #tpu.memory_space<vmem>>, vector<1x16xf32>,
        %get3A_1717 = vector.shape_cast %get3A_1716 : vector<1x16xf32> to vector<16xf32>
        %mul3A_1718 = vector.broadcast %squeeze3A_1691 : f32 to vector<16xf32>
        %mul3A_1719 = arith.mulf %get3A_1717, %mul3A_1718 : vector<16xf32>
        %add3A_1720 = arith.addf %add3A_1672, %mul3A_1719 : vector<16xf32>
        %mul3A_1721 = vector.broadcast %squeeze3A_1693 : f32 to vector<16xf32>
        %mul3A_1722 = arith.mulf %get3A_1717, %mul3A_1721 : vector<16xf32>
        %add3A_1723 = arith.addf %add3A_1675, %mul3A_1722 : vector<16xf32>
        %get3A_1724 = arith.index_cast %add3A_1689 : i32 to index
        %get3A_1725 = arith.constant 48 : index
        %get3A_1726 = tpu.vector_load %arg9[%get3A_1724, %get3A_1725] {strides = array<i32>} : memref<200x64xf32, #tpu.memory_space<vmem>>, vector<1x16xf32>,
        %get3A_1727 = vector.shape_cast %get3A_1726 : vector<1x16xf32> to vector<16xf32>
        %mul3A_1728 = vector.broadcast %squeeze3A_1691 : f32 to vector<16xf32>
        %mul3A_1729 = arith.mulf %get3A_1727, %mul3A_1728 : vector<16xf32>
        %add3A_1730 = arith.addf %add3A_1682, %mul3A_1729 : vector<16xf32>
        %mul3A_1731 = vector.broadcast %squeeze3A_1693 : f32 to vector<16xf32>
        %mul3A_1732 = arith.mulf %get3A_1727, %mul3A_1731 : vector<16xf32>
        %add3A_1733 = arith.addf %add3A_1685, %mul3A_1732 : vector<16xf32>
        %mul3A_1734 = arith.constant 16 : i32
        %mul3A_1735 = arith.muli %while3A_1283, %mul3A_1734 : i32
        %add3A_1736 = arith.constant 9 : i32
        %add3A_1737 = arith.addi %mul3A_1735, %add3A_1736 : i32
        %slice3A_1738 = vector.extract_strided_slice %get3A_1296 {offsets = [9], sizes = [1], strides = [1]} : vector<16xf32> to vector<1xf32>
        %squeeze3A_1739 = vector.extract %slice3A_1738[0] : f32 from vector<1xf32>
        %slice3A_1740 = vector.extract_strided_slice %get3A_1301 {offsets = [9], sizes = [1], strides = [1]} : vector<16xf32> to vector<1xf32>
        %squeeze3A_1741 = vector.extract %slice3A_1740[0] : f32 from vector<1xf32>
        %get3A_1742 = arith.index_cast %add3A_1737 : i32 to index
        %get3A_1743 = arith.constant 0 : index
        %get3A_1744 = tpu.vector_load %arg9[%get3A_1742, %get3A_1743] {strides = array<i32>} : memref<200x64xf32, #tpu.memory_space<vmem>>, vector<1x16xf32>,
        %get3A_1745 = vector.shape_cast %get3A_1744 : vector<1x16xf32> to vector<16xf32>
        %mul3A_1746 = vector.broadcast %squeeze3A_1739 : f32 to vector<16xf32>
        %mul3A_1747 = arith.mulf %get3A_1745, %mul3A_1746 : vector<16xf32>
        %add3A_1748 = arith.addf %add3A_1700, %mul3A_1747 : vector<16xf32>
        %mul3A_1749 = vector.broadcast %squeeze3A_1741 : f32 to vector<16xf32>
        %mul3A_1750 = arith.mulf %get3A_1745, %mul3A_1749 : vector<16xf32>
        %add3A_1751 = arith.addf %add3A_1703, %mul3A_1750 : vector<16xf32>
        %get3A_1752 = arith.index_cast %add3A_1737 : i32 to index
        %get3A_1753 = arith.constant 16 : index
        %get3A_1754 = tpu.vector_load %arg9[%get3A_1752, %get3A_1753] {strides = array<i32>} : memref<200x64xf32, #tpu.memory_space<vmem>>, vector<1x16xf32>,
        %get3A_1755 = vector.shape_cast %get3A_1754 : vector<1x16xf32> to vector<16xf32>
        %mul3A_1756 = vector.broadcast %squeeze3A_1739 : f32 to vector<16xf32>
        %mul3A_1757 = arith.mulf %get3A_1755, %mul3A_1756 : vector<16xf32>
        %add3A_1758 = arith.addf %add3A_1710, %mul3A_1757 : vector<16xf32>
        %mul3A_1759 = vector.broadcast %squeeze3A_1741 : f32 to vector<16xf32>
        %mul3A_1760 = arith.mulf %get3A_1755, %mul3A_1759 : vector<16xf32>
        %add3A_1761 = arith.addf %add3A_1713, %mul3A_1760 : vector<16xf32>
        %get3A_1762 = arith.index_cast %add3A_1737 : i32 to index
        %get3A_1763 = arith.constant 32 : index
        %get3A_1764 = tpu.vector_load %arg9[%get3A_1762, %get3A_1763] {strides = array<i32>} : memref<200x64xf32, #tpu.memory_space<vmem>>, vector<1x16xf32>,
        %get3A_1765 = vector.shape_cast %get3A_1764 : vector<1x16xf32> to vector<16xf32>
        %mul3A_1766 = vector.broadcast %squeeze3A_1739 : f32 to vector<16xf32>
        %mul3A_1767 = arith.mulf %get3A_1765, %mul3A_1766 : vector<16xf32>
        %add3A_1768 = arith.addf %add3A_1720, %mul3A_1767 : vector<16xf32>
        %mul3A_1769 = vector.broadcast %squeeze3A_1741 : f32 to vector<16xf32>
        %mul3A_1770 = arith.mulf %get3A_1765, %mul3A_1769 : vector<16xf32>
        %add3A_1771 = arith.addf %add3A_1723, %mul3A_1770 : vector<16xf32>
        %get3A_1772 = arith.index_cast %add3A_1737 : i32 to index
        %get3A_1773 = arith.constant 48 : index
        %get3A_1774 = tpu.vector_load %arg9[%get3A_1772, %get3A_1773] {strides = array<i32>} : memref<200x64xf32, #tpu.memory_space<vmem>>, vector<1x16xf32>,
        %get3A_1775 = vector.shape_cast %get3A_1774 : vector<1x16xf32> to vector<16xf32>
        %mul3A_1776 = vector.broadcast %squeeze3A_1739 : f32 to vector<16xf32>
        %mul3A_1777 = arith.mulf %get3A_1775, %mul3A_1776 : vector<16xf32>
        %add3A_1778 = arith.addf %add3A_1730, %mul3A_1777 : vector<16xf32>
        %mul3A_1779 = vector.broadcast %squeeze3A_1741 : f32 to vector<16xf32>
        %mul3A_1780 = arith.mulf %get3A_1775, %mul3A_1779 : vector<16xf32>
        %add3A_1781 = arith.addf %add3A_1733, %mul3A_1780 : vector<16xf32>
        %mul3A_1782 = arith.constant 16 : i32
        %mul3A_1783 = arith.muli %while3A_1283, %mul3A_1782 : i32
        %add3A_1784 = arith.constant 10 : i32
        %add3A_1785 = arith.addi %mul3A_1783, %add3A_1784 : i32
        %slice3A_1786 = vector.extract_strided_slice %get3A_1296 {offsets = [10], sizes = [1], strides = [1]} : vector<16xf32> to vector<1xf32>
        %squeeze3A_1787 = vector.extract %slice3A_1786[0] : f32 from vector<1xf32>
        %slice3A_1788 = vector.extract_strided_slice %get3A_1301 {offsets = [10], sizes = [1], strides = [1]} : vector<16xf32> to vector<1xf32>
        %squeeze3A_1789 = vector.extract %slice3A_1788[0] : f32 from vector<1xf32>
        %get3A_1790 = arith.index_cast %add3A_1785 : i32 to index
        %get3A_1791 = arith.constant 0 : index
        %get3A_1792 = tpu.vector_load %arg9[%get3A_1790, %get3A_1791] {strides = array<i32>} : memref<200x64xf32, #tpu.memory_space<vmem>>, vector<1x16xf32>,
        %get3A_1793 = vector.shape_cast %get3A_1792 : vector<1x16xf32> to vector<16xf32>
        %mul3A_1794 = vector.broadcast %squeeze3A_1787 : f32 to vector<16xf32>
        %mul3A_1795 = arith.mulf %get3A_1793, %mul3A_1794 : vector<16xf32>
        %add3A_1796 = arith.addf %add3A_1748, %mul3A_1795 : vector<16xf32>
        %mul3A_1797 = vector.broadcast %squeeze3A_1789 : f32 to vector<16xf32>
        %mul3A_1798 = arith.mulf %get3A_1793, %mul3A_1797 : vector<16xf32>
        %add3A_1799 = arith.addf %add3A_1751, %mul3A_1798 : vector<16xf32>
        %get3A_1800 = arith.index_cast %add3A_1785 : i32 to index
        %get3A_1801 = arith.constant 16 : index
        %get3A_1802 = tpu.vector_load %arg9[%get3A_1800, %get3A_1801] {strides = array<i32>} : memref<200x64xf32, #tpu.memory_space<vmem>>, vector<1x16xf32>,
        %get3A_1803 = vector.shape_cast %get3A_1802 : vector<1x16xf32> to vector<16xf32>
        %mul3A_1804 = vector.broadcast %squeeze3A_1787 : f32 to vector<16xf32>
        %mul3A_1805 = arith.mulf %get3A_1803, %mul3A_1804 : vector<16xf32>
        %add3A_1806 = arith.addf %add3A_1758, %mul3A_1805 : vector<16xf32>
        %mul3A_1807 = vector.broadcast %squeeze3A_1789 : f32 to vector<16xf32>
        %mul3A_1808 = arith.mulf %get3A_1803, %mul3A_1807 : vector<16xf32>
        %add3A_1809 = arith.addf %add3A_1761, %mul3A_1808 : vector<16xf32>
        %get3A_1810 = arith.index_cast %add3A_1785 : i32 to index
        %get3A_1811 = arith.constant 32 : index
        %get3A_1812 = tpu.vector_load %arg9[%get3A_1810, %get3A_1811] {strides = array<i32>} : memref<200x64xf32, #tpu.memory_space<vmem>>, vector<1x16xf32>,
        %get3A_1813 = vector.shape_cast %get3A_1812 : vector<1x16xf32> to vector<16xf32>
        %mul3A_1814 = vector.broadcast %squeeze3A_1787 : f32 to vector<16xf32>
        %mul3A_1815 = arith.mulf %get3A_1813, %mul3A_1814 : vector<16xf32>
        %add3A_1816 = arith.addf %add3A_1768, %mul3A_1815 : vector<16xf32>
        %mul3A_1817 = vector.broadcast %squeeze3A_1789 : f32 to vector<16xf32>
        %mul3A_1818 = arith.mulf %get3A_1813, %mul3A_1817 : vector<16xf32>
        %add3A_1819 = arith.addf %add3A_1771, %mul3A_1818 : vector<16xf32>
        %get3A_1820 = arith.index_cast %add3A_1785 : i32 to index
        %get3A_1821 = arith.constant 48 : index
        %get3A_1822 = tpu.vector_load %arg9[%get3A_1820, %get3A_1821] {strides = array<i32>} : memref<200x64xf32, #tpu.memory_space<vmem>>, vector<1x16xf32>,
        %get3A_1823 = vector.shape_cast %get3A_1822 : vector<1x16xf32> to vector<16xf32>
        %mul3A_1824 = vector.broadcast %squeeze3A_1787 : f32 to vector<16xf32>
        %mul3A_1825 = arith.mulf %get3A_1823, %mul3A_1824 : vector<16xf32>
        %add3A_1826 = arith.addf %add3A_1778, %mul3A_1825 : vector<16xf32>
        %mul3A_1827 = vector.broadcast %squeeze3A_1789 : f32 to vector<16xf32>
        %mul3A_1828 = arith.mulf %get3A_1823, %mul3A_1827 : vector<16xf32>
        %add3A_1829 = arith.addf %add3A_1781, %mul3A_1828 : vector<16xf32>
        %mul3A_1830 = arith.constant 16 : i32
        %mul3A_1831 = arith.muli %while3A_1283, %mul3A_1830 : i32
        %add3A_1832 = arith.constant 11 : i32
        %add3A_1833 = arith.addi %mul3A_1831, %add3A_1832 : i32
        %slice3A_1834 = vector.extract_strided_slice %get3A_1296 {offsets = [11], sizes = [1], strides = [1]} : vector<16xf32> to vector<1xf32>
        %squeeze3A_1835 = vector.extract %slice3A_1834[0] : f32 from vector<1xf32>
        %slice3A_1836 = vector.extract_strided_slice %get3A_1301 {offsets = [11], sizes = [1], strides = [1]} : vector<16xf32> to vector<1xf32>
        %squeeze3A_1837 = vector.extract %slice3A_1836[0] : f32 from vector<1xf32>
        %get3A_1838 = arith.index_cast %add3A_1833 : i32 to index
        %get3A_1839 = arith.constant 0 : index
        %get3A_1840 = tpu.vector_load %arg9[%get3A_1838, %get3A_1839] {strides = array<i32>} : memref<200x64xf32, #tpu.memory_space<vmem>>, vector<1x16xf32>,
        %get3A_1841 = vector.shape_cast %get3A_1840 : vector<1x16xf32> to vector<16xf32>
        %mul3A_1842 = vector.broadcast %squeeze3A_1835 : f32 to vector<16xf32>
        %mul3A_1843 = arith.mulf %get3A_1841, %mul3A_1842 : vector<16xf32>
        %add3A_1844 = arith.addf %add3A_1796, %mul3A_1843 : vector<16xf32>
        %mul3A_1845 = vector.broadcast %squeeze3A_1837 : f32 to vector<16xf32>
        %mul3A_1846 = arith.mulf %get3A_1841, %mul3A_1845 : vector<16xf32>
        %add3A_1847 = arith.addf %add3A_1799, %mul3A_1846 : vector<16xf32>
        %get3A_1848 = arith.index_cast %add3A_1833 : i32 to index
        %get3A_1849 = arith.constant 16 : index
        %get3A_1850 = tpu.vector_load %arg9[%get3A_1848, %get3A_1849] {strides = array<i32>} : memref<200x64xf32, #tpu.memory_space<vmem>>, vector<1x16xf32>,
        %get3A_1851 = vector.shape_cast %get3A_1850 : vector<1x16xf32> to vector<16xf32>
        %mul3A_1852 = vector.broadcast %squeeze3A_1835 : f32 to vector<16xf32>
        %mul3A_1853 = arith.mulf %get3A_1851, %mul3A_1852 : vector<16xf32>
        %add3A_1854 = arith.addf %add3A_1806, %mul3A_1853 : vector<16xf32>
        %mul3A_1855 = vector.broadcast %squeeze3A_1837 : f32 to vector<16xf32>
        %mul3A_1856 = arith.mulf %get3A_1851, %mul3A_1855 : vector<16xf32>
        %add3A_1857 = arith.addf %add3A_1809, %mul3A_1856 : vector<16xf32>
        %get3A_1858 = arith.index_cast %add3A_1833 : i32 to index
        %get3A_1859 = arith.constant 32 : index
        %get3A_1860 = tpu.vector_load %arg9[%get3A_1858, %get3A_1859] {strides = array<i32>} : memref<200x64xf32, #tpu.memory_space<vmem>>, vector<1x16xf32>,
        %get3A_1861 = vector.shape_cast %get3A_1860 : vector<1x16xf32> to vector<16xf32>
        %mul3A_1862 = vector.broadcast %squeeze3A_1835 : f32 to vector<16xf32>
        %mul3A_1863 = arith.mulf %get3A_1861, %mul3A_1862 : vector<16xf32>
        %add3A_1864 = arith.addf %add3A_1816, %mul3A_1863 : vector<16xf32>
        %mul3A_1865 = vector.broadcast %squeeze3A_1837 : f32 to vector<16xf32>
        %mul3A_1866 = arith.mulf %get3A_1861, %mul3A_1865 : vector<16xf32>
        %add3A_1867 = arith.addf %add3A_1819, %mul3A_1866 : vector<16xf32>
        %get3A_1868 = arith.index_cast %add3A_1833 : i32 to index
        %get3A_1869 = arith.constant 48 : index
        %get3A_1870 = tpu.vector_load %arg9[%get3A_1868, %get3A_1869] {strides = array<i32>} : memref<200x64xf32, #tpu.memory_space<vmem>>, vector<1x16xf32>,
        %get3A_1871 = vector.shape_cast %get3A_1870 : vector<1x16xf32> to vector<16xf32>
        %mul3A_1872 = vector.broadcast %squeeze3A_1835 : f32 to vector<16xf32>
        %mul3A_1873 = arith.mulf %get3A_1871, %mul3A_1872 : vector<16xf32>
        %add3A_1874 = arith.addf %add3A_1826, %mul3A_1873 : vector<16xf32>
        %mul3A_1875 = vector.broadcast %squeeze3A_1837 : f32 to vector<16xf32>
        %mul3A_1876 = arith.mulf %get3A_1871, %mul3A_1875 : vector<16xf32>
        %add3A_1877 = arith.addf %add3A_1829, %mul3A_1876 : vector<16xf32>
        %mul3A_1878 = arith.constant 16 : i32
        %mul3A_1879 = arith.muli %while3A_1283, %mul3A_1878 : i32
        %add3A_1880 = arith.constant 12 : i32
        %add3A_1881 = arith.addi %mul3A_1879, %add3A_1880 : i32
        %slice3A_1882 = vector.extract_strided_slice %get3A_1296 {offsets = [12], sizes = [1], strides = [1]} : vector<16xf32> to vector<1xf32>
        %squeeze3A_1883 = vector.extract %slice3A_1882[0] : f32 from vector<1xf32>
        %slice3A_1884 = vector.extract_strided_slice %get3A_1301 {offsets = [12], sizes = [1], strides = [1]} : vector<16xf32> to vector<1xf32>
        %squeeze3A_1885 = vector.extract %slice3A_1884[0] : f32 from vector<1xf32>
        %get3A_1886 = arith.index_cast %add3A_1881 : i32 to index
        %get3A_1887 = arith.constant 0 : index
        %get3A_1888 = tpu.vector_load %arg9[%get3A_1886, %get3A_1887] {strides = array<i32>} : memref<200x64xf32, #tpu.memory_space<vmem>>, vector<1x16xf32>,
        %get3A_1889 = vector.shape_cast %get3A_1888 : vector<1x16xf32> to vector<16xf32>
        %mul3A_1890 = vector.broadcast %squeeze3A_1883 : f32 to vector<16xf32>
        %mul3A_1891 = arith.mulf %get3A_1889, %mul3A_1890 : vector<16xf32>
        %add3A_1892 = arith.addf %add3A_1844, %mul3A_1891 : vector<16xf32>
        %mul3A_1893 = vector.broadcast %squeeze3A_1885 : f32 to vector<16xf32>
        %mul3A_1894 = arith.mulf %get3A_1889, %mul3A_1893 : vector<16xf32>
        %add3A_1895 = arith.addf %add3A_1847, %mul3A_1894 : vector<16xf32>
        %get3A_1896 = arith.index_cast %add3A_1881 : i32 to index
        %get3A_1897 = arith.constant 16 : index
        %get3A_1898 = tpu.vector_load %arg9[%get3A_1896, %get3A_1897] {strides = array<i32>} : memref<200x64xf32, #tpu.memory_space<vmem>>, vector<1x16xf32>,
        %get3A_1899 = vector.shape_cast %get3A_1898 : vector<1x16xf32> to vector<16xf32>
        %mul3A_1900 = vector.broadcast %squeeze3A_1883 : f32 to vector<16xf32>
        %mul3A_1901 = arith.mulf %get3A_1899, %mul3A_1900 : vector<16xf32>
        %add3A_1902 = arith.addf %add3A_1854, %mul3A_1901 : vector<16xf32>
        %mul3A_1903 = vector.broadcast %squeeze3A_1885 : f32 to vector<16xf32>
        %mul3A_1904 = arith.mulf %get3A_1899, %mul3A_1903 : vector<16xf32>
        %add3A_1905 = arith.addf %add3A_1857, %mul3A_1904 : vector<16xf32>
        %get3A_1906 = arith.index_cast %add3A_1881 : i32 to index
        %get3A_1907 = arith.constant 32 : index
        %get3A_1908 = tpu.vector_load %arg9[%get3A_1906, %get3A_1907] {strides = array<i32>} : memref<200x64xf32, #tpu.memory_space<vmem>>, vector<1x16xf32>,
        %get3A_1909 = vector.shape_cast %get3A_1908 : vector<1x16xf32> to vector<16xf32>
        %mul3A_1910 = vector.broadcast %squeeze3A_1883 : f32 to vector<16xf32>
        %mul3A_1911 = arith.mulf %get3A_1909, %mul3A_1910 : vector<16xf32>
        %add3A_1912 = arith.addf %add3A_1864, %mul3A_1911 : vector<16xf32>
        %mul3A_1913 = vector.broadcast %squeeze3A_1885 : f32 to vector<16xf32>
        %mul3A_1914 = arith.mulf %get3A_1909, %mul3A_1913 : vector<16xf32>
        %add3A_1915 = arith.addf %add3A_1867, %mul3A_1914 : vector<16xf32>
        %get3A_1916 = arith.index_cast %add3A_1881 : i32 to index
        %get3A_1917 = arith.constant 48 : index
        %get3A_1918 = tpu.vector_load %arg9[%get3A_1916, %get3A_1917] {strides = array<i32>} : memref<200x64xf32, #tpu.memory_space<vmem>>, vector<1x16xf32>,
        %get3A_1919 = vector.shape_cast %get3A_1918 : vector<1x16xf32> to vector<16xf32>
        %mul3A_1920 = vector.broadcast %squeeze3A_1883 : f32 to vector<16xf32>
        %mul3A_1921 = arith.mulf %get3A_1919, %mul3A_1920 : vector<16xf32>
        %add3A_1922 = arith.addf %add3A_1874, %mul3A_1921 : vector<16xf32>
        %mul3A_1923 = vector.broadcast %squeeze3A_1885 : f32 to vector<16xf32>
        %mul3A_1924 = arith.mulf %get3A_1919, %mul3A_1923 : vector<16xf32>
        %add3A_1925 = arith.addf %add3A_1877, %mul3A_1924 : vector<16xf32>
        %mul3A_1926 = arith.constant 16 : i32
        %mul3A_1927 = arith.muli %while3A_1283, %mul3A_1926 : i32
        %add3A_1928 = arith.constant 13 : i32
        %add3A_1929 = arith.addi %mul3A_1927, %add3A_1928 : i32
        %slice3A_1930 = vector.extract_strided_slice %get3A_1296 {offsets = [13], sizes = [1], strides = [1]} : vector<16xf32> to vector<1xf32>
        %squeeze3A_1931 = vector.extract %slice3A_1930[0] : f32 from vector<1xf32>
        %slice3A_1932 = vector.extract_strided_slice %get3A_1301 {offsets = [13], sizes = [1], strides = [1]} : vector<16xf32> to vector<1xf32>
        %squeeze3A_1933 = vector.extract %slice3A_1932[0] : f32 from vector<1xf32>
        %get3A_1934 = arith.index_cast %add3A_1929 : i32 to index
        %get3A_1935 = arith.constant 0 : index
        %get3A_1936 = tpu.vector_load %arg9[%get3A_1934, %get3A_1935] {strides = array<i32>} : memref<200x64xf32, #tpu.memory_space<vmem>>, vector<1x16xf32>,
        %get3A_1937 = vector.shape_cast %get3A_1936 : vector<1x16xf32> to vector<16xf32>
        %mul3A_1938 = vector.broadcast %squeeze3A_1931 : f32 to vector<16xf32>
        %mul3A_1939 = arith.mulf %get3A_1937, %mul3A_1938 : vector<16xf32>
        %add3A_1940 = arith.addf %add3A_1892, %mul3A_1939 : vector<16xf32>
        %mul3A_1941 = vector.broadcast %squeeze3A_1933 : f32 to vector<16xf32>
        %mul3A_1942 = arith.mulf %get3A_1937, %mul3A_1941 : vector<16xf32>
        %add3A_1943 = arith.addf %add3A_1895, %mul3A_1942 : vector<16xf32>
        %get3A_1944 = arith.index_cast %add3A_1929 : i32 to index
        %get3A_1945 = arith.constant 16 : index
        %get3A_1946 = tpu.vector_load %arg9[%get3A_1944, %get3A_1945] {strides = array<i32>} : memref<200x64xf32, #tpu.memory_space<vmem>>, vector<1x16xf32>,
        %get3A_1947 = vector.shape_cast %get3A_1946 : vector<1x16xf32> to vector<16xf32>
        %mul3A_1948 = vector.broadcast %squeeze3A_1931 : f32 to vector<16xf32>
        %mul3A_1949 = arith.mulf %get3A_1947, %mul3A_1948 : vector<16xf32>
        %add3A_1950 = arith.addf %add3A_1902, %mul3A_1949 : vector<16xf32>
        %mul3A_1951 = vector.broadcast %squeeze3A_1933 : f32 to vector<16xf32>
        %mul3A_1952 = arith.mulf %get3A_1947, %mul3A_1951 : vector<16xf32>
        %add3A_1953 = arith.addf %add3A_1905, %mul3A_1952 : vector<16xf32>
        %get3A_1954 = arith.index_cast %add3A_1929 : i32 to index
        %get3A_1955 = arith.constant 32 : index
        %get3A_1956 = tpu.vector_load %arg9[%get3A_1954, %get3A_1955] {strides = array<i32>} : memref<200x64xf32, #tpu.memory_space<vmem>>, vector<1x16xf32>,
        %get3A_1957 = vector.shape_cast %get3A_1956 : vector<1x16xf32> to vector<16xf32>
        %mul3A_1958 = vector.broadcast %squeeze3A_1931 : f32 to vector<16xf32>
        %mul3A_1959 = arith.mulf %get3A_1957, %mul3A_1958 : vector<16xf32>
        %add3A_1960 = arith.addf %add3A_1912, %mul3A_1959 : vector<16xf32>
        %mul3A_1961 = vector.broadcast %squeeze3A_1933 : f32 to vector<16xf32>
        %mul3A_1962 = arith.mulf %get3A_1957, %mul3A_1961 : vector<16xf32>
        %add3A_1963 = arith.addf %add3A_1915, %mul3A_1962 : vector<16xf32>
        %get3A_1964 = arith.index_cast %add3A_1929 : i32 to index
        %get3A_1965 = arith.constant 48 : index
        %get3A_1966 = tpu.vector_load %arg9[%get3A_1964, %get3A_1965] {strides = array<i32>} : memref<200x64xf32, #tpu.memory_space<vmem>>, vector<1x16xf32>,
        %get3A_1967 = vector.shape_cast %get3A_1966 : vector<1x16xf32> to vector<16xf32>
        %mul3A_1968 = vector.broadcast %squeeze3A_1931 : f32 to vector<16xf32>
        %mul3A_1969 = arith.mulf %get3A_1967, %mul3A_1968 : vector<16xf32>
        %add3A_1970 = arith.addf %add3A_1922, %mul3A_1969 : vector<16xf32>
        %mul3A_1971 = vector.broadcast %squeeze3A_1933 : f32 to vector<16xf32>
        %mul3A_1972 = arith.mulf %get3A_1967, %mul3A_1971 : vector<16xf32>
        %add3A_1973 = arith.addf %add3A_1925, %mul3A_1972 : vector<16xf32>
        %mul3A_1974 = arith.constant 16 : i32
        %mul3A_1975 = arith.muli %while3A_1283, %mul3A_1974 : i32
        %add3A_1976 = arith.constant 14 : i32
        %add3A_1977 = arith.addi %mul3A_1975, %add3A_1976 : i32
        %slice3A_1978 = vector.extract_strided_slice %get3A_1296 {offsets = [14], sizes = [1], strides = [1]} : vector<16xf32> to vector<1xf32>
        %squeeze3A_1979 = vector.extract %slice3A_1978[0] : f32 from vector<1xf32>
        %slice3A_1980 = vector.extract_strided_slice %get3A_1301 {offsets = [14], sizes = [1], strides = [1]} : vector<16xf32> to vector<1xf32>
        %squeeze3A_1981 = vector.extract %slice3A_1980[0] : f32 from vector<1xf32>
        %get3A_1982 = arith.index_cast %add3A_1977 : i32 to index
        %get3A_1983 = arith.constant 0 : index
        %get3A_1984 = tpu.vector_load %arg9[%get3A_1982, %get3A_1983] {strides = array<i32>} : memref<200x64xf32, #tpu.memory_space<vmem>>, vector<1x16xf32>,
        %get3A_1985 = vector.shape_cast %get3A_1984 : vector<1x16xf32> to vector<16xf32>
        %mul3A_1986 = vector.broadcast %squeeze3A_1979 : f32 to vector<16xf32>
        %mul3A_1987 = arith.mulf %get3A_1985, %mul3A_1986 : vector<16xf32>
        %add3A_1988 = arith.addf %add3A_1940, %mul3A_1987 : vector<16xf32>
        %mul3A_1989 = vector.broadcast %squeeze3A_1981 : f32 to vector<16xf32>
        %mul3A_1990 = arith.mulf %get3A_1985, %mul3A_1989 : vector<16xf32>
        %add3A_1991 = arith.addf %add3A_1943, %mul3A_1990 : vector<16xf32>
        %get3A_1992 = arith.index_cast %add3A_1977 : i32 to index
        %get3A_1993 = arith.constant 16 : index
        %get3A_1994 = tpu.vector_load %arg9[%get3A_1992, %get3A_1993] {strides = array<i32>} : memref<200x64xf32, #tpu.memory_space<vmem>>, vector<1x16xf32>,
        %get3A_1995 = vector.shape_cast %get3A_1994 : vector<1x16xf32> to vector<16xf32>
        %mul3A_1996 = vector.broadcast %squeeze3A_1979 : f32 to vector<16xf32>
        %mul3A_1997 = arith.mulf %get3A_1995, %mul3A_1996 : vector<16xf32>
        %add3A_1998 = arith.addf %add3A_1950, %mul3A_1997 : vector<16xf32>
        %mul3A_1999 = vector.broadcast %squeeze3A_1981 : f32 to vector<16xf32>
        %mul3A_2000 = arith.mulf %get3A_1995, %mul3A_1999 : vector<16xf32>
        %add3A_2001 = arith.addf %add3A_1953, %mul3A_2000 : vector<16xf32>
        %get3A_2002 = arith.index_cast %add3A_1977 : i32 to index
        %get3A_2003 = arith.constant 32 : index
        %get3A_2004 = tpu.vector_load %arg9[%get3A_2002, %get3A_2003] {strides = array<i32>} : memref<200x64xf32, #tpu.memory_space<vmem>>, vector<1x16xf32>,
        %get3A_2005 = vector.shape_cast %get3A_2004 : vector<1x16xf32> to vector<16xf32>
        %mul3A_2006 = vector.broadcast %squeeze3A_1979 : f32 to vector<16xf32>
        %mul3A_2007 = arith.mulf %get3A_2005, %mul3A_2006 : vector<16xf32>
        %add3A_2008 = arith.addf %add3A_1960, %mul3A_2007 : vector<16xf32>
        %mul3A_2009 = vector.broadcast %squeeze3A_1981 : f32 to vector<16xf32>
        %mul3A_2010 = arith.mulf %get3A_2005, %mul3A_2009 : vector<16xf32>
        %add3A_2011 = arith.addf %add3A_1963, %mul3A_2010 : vector<16xf32>
        %get3A_2012 = arith.index_cast %add3A_1977 : i32 to index
        %get3A_2013 = arith.constant 48 : index
        %get3A_2014 = tpu.vector_load %arg9[%get3A_2012, %get3A_2013] {strides = array<i32>} : memref<200x64xf32, #tpu.memory_space<vmem>>, vector<1x16xf32>,
        %get3A_2015 = vector.shape_cast %get3A_2014 : vector<1x16xf32> to vector<16xf32>
        %mul3A_2016 = vector.broadcast %squeeze3A_1979 : f32 to vector<16xf32>
        %mul3A_2017 = arith.mulf %get3A_2015, %mul3A_2016 : vector<16xf32>
        %add3A_2018 = arith.addf %add3A_1970, %mul3A_2017 : vector<16xf32>
        %mul3A_2019 = vector.broadcast %squeeze3A_1981 : f32 to vector<16xf32>
        %mul3A_2020 = arith.mulf %get3A_2015, %mul3A_2019 : vector<16xf32>
        %add3A_2021 = arith.addf %add3A_1973, %mul3A_2020 : vector<16xf32>
        %mul3A_2022 = arith.constant 16 : i32
        %mul3A_2023 = arith.muli %while3A_1283, %mul3A_2022 : i32
        %add3A_2024 = arith.constant 15 : i32
        %add3A_2025 = arith.addi %mul3A_2023, %add3A_2024 : i32
        %slice3A_2026 = vector.extract_strided_slice %get3A_1296 {offsets = [15], sizes = [1], strides = [1]} : vector<16xf32> to vector<1xf32>
        %squeeze3A_2027 = vector.extract %slice3A_2026[0] : f32 from vector<1xf32>
        %slice3A_2028 = vector.extract_strided_slice %get3A_1301 {offsets = [15], sizes = [1], strides = [1]} : vector<16xf32> to vector<1xf32>
        %squeeze3A_2029 = vector.extract %slice3A_2028[0] : f32 from vector<1xf32>
        %get3A_2030 = arith.index_cast %add3A_2025 : i32 to index
        %get3A_2031 = arith.constant 0 : index
        %get3A_2032 = tpu.vector_load %arg9[%get3A_2030, %get3A_2031] {strides = array<i32>} : memref<200x64xf32, #tpu.memory_space<vmem>>, vector<1x16xf32>,
        %get3A_2033 = vector.shape_cast %get3A_2032 : vector<1x16xf32> to vector<16xf32>
        %mul3A_2034 = vector.broadcast %squeeze3A_2027 : f32 to vector<16xf32>
        %mul3A_2035 = arith.mulf %get3A_2033, %mul3A_2034 : vector<16xf32>
        %add3A_2036 = arith.addf %add3A_1988, %mul3A_2035 : vector<16xf32>
        %mul3A_2037 = vector.broadcast %squeeze3A_2029 : f32 to vector<16xf32>
        %mul3A_2038 = arith.mulf %get3A_2033, %mul3A_2037 : vector<16xf32>
        %add3A_2039 = arith.addf %add3A_1991, %mul3A_2038 : vector<16xf32>
        %get3A_2040 = arith.index_cast %add3A_2025 : i32 to index
        %get3A_2041 = arith.constant 16 : index
        %get3A_2042 = tpu.vector_load %arg9[%get3A_2040, %get3A_2041] {strides = array<i32>} : memref<200x64xf32, #tpu.memory_space<vmem>>, vector<1x16xf32>,
        %get3A_2043 = vector.shape_cast %get3A_2042 : vector<1x16xf32> to vector<16xf32>
        %mul3A_2044 = vector.broadcast %squeeze3A_2027 : f32 to vector<16xf32>
        %mul3A_2045 = arith.mulf %get3A_2043, %mul3A_2044 : vector<16xf32>
        %add3A_2046 = arith.addf %add3A_1998, %mul3A_2045 : vector<16xf32>
        %mul3A_2047 = vector.broadcast %squeeze3A_2029 : f32 to vector<16xf32>
        %mul3A_2048 = arith.mulf %get3A_2043, %mul3A_2047 : vector<16xf32>
        %add3A_2049 = arith.addf %add3A_2001, %mul3A_2048 : vector<16xf32>
        %get3A_2050 = arith.index_cast %add3A_2025 : i32 to index
        %get3A_2051 = arith.constant 32 : index
        %get3A_2052 = tpu.vector_load %arg9[%get3A_2050, %get3A_2051] {strides = array<i32>} : memref<200x64xf32, #tpu.memory_space<vmem>>, vector<1x16xf32>,
        %get3A_2053 = vector.shape_cast %get3A_2052 : vector<1x16xf32> to vector<16xf32>
        %mul3A_2054 = vector.broadcast %squeeze3A_2027 : f32 to vector<16xf32>
        %mul3A_2055 = arith.mulf %get3A_2053, %mul3A_2054 : vector<16xf32>
        %add3A_2056 = arith.addf %add3A_2008, %mul3A_2055 : vector<16xf32>
        %mul3A_2057 = vector.broadcast %squeeze3A_2029 : f32 to vector<16xf32>
        %mul3A_2058 = arith.mulf %get3A_2053, %mul3A_2057 : vector<16xf32>
        %add3A_2059 = arith.addf %add3A_2011, %mul3A_2058 : vector<16xf32>
        %get3A_2060 = arith.index_cast %add3A_2025 : i32 to index
        %get3A_2061 = arith.constant 48 : index
        %get3A_2062 = tpu.vector_load %arg9[%get3A_2060, %get3A_2061] {strides = array<i32>} : memref<200x64xf32, #tpu.memory_space<vmem>>, vector<1x16xf32>,
        %get3A_2063 = vector.shape_cast %get3A_2062 : vector<1x16xf32> to vector<16xf32>
        %mul3A_2064 = vector.broadcast %squeeze3A_2027 : f32 to vector<16xf32>
        %mul3A_2065 = arith.mulf %get3A_2063, %mul3A_2064 : vector<16xf32>
        %add3A_2066 = arith.addf %add3A_2018, %mul3A_2065 : vector<16xf32>
        %mul3A_2067 = vector.broadcast %squeeze3A_2029 : f32 to vector<16xf32>
        %mul3A_2068 = arith.mulf %get3A_2063, %mul3A_2067 : vector<16xf32>
        %add3A_2069 = arith.addf %add3A_2021, %mul3A_2068 : vector<16xf32>
        scf.yield %add3A_2036, %add3A_2046, %add3A_2056, %add3A_2066, %add3A_2039, %add3A_2049, %add3A_2059, %add3A_2069 : vector<16xf32>, vector<16xf32>, vector<16xf32>, vector<16xf32>, vector<16xf32>, vector<16xf32>, vector<16xf32>, vector<16xf32>
      }
      %while3A_575 = arith.constant 1 : i32
      %while3A_576:8 = scf.for %while3A_1283 = %while3A_572 to %while3A_568 step %while3A_575 iter_args(%while3A_1284 = %while3A_574#0, %while3A_1285 = %while3A_574#1, %while3A_1286 = %while3A_574#2, %while3A_1287 = %while3A_574#3, %while3A_1288 = %while3A_574#4, %while3A_1289 = %while3A_574#5, %while3A_1290 = %while3A_574#6, %while3A_1291 = %while3A_574#7) -> (vector<16xf32>, vector<16xf32>, vector<16xf32>, vector<16xf32>, vector<16xf32>, vector<16xf32>, vector<16xf32>, vector<16xf32>)  : i32 {
        %mul3A_1292 = arith.constant 16 : i32
        %mul3A_1293 = arith.muli %mul3A_1292, %while3A_1283 : i32
        %get3A_1294 = arith.index_cast %mul3A_1293 : i32 to index
        %get3A_1295 = tpu.vector_load %arg14[%get3A_1294] {strides = array<i32>} : memref<208xf32, #tpu.memory_space<vmem>>, vector<16xf32>,
        %get3A_1296 = vector.shape_cast %get3A_1295 : vector<16xf32> to vector<16xf32>
        %mul3A_1297 = arith.constant 16 : i32
        %mul3A_1298 = arith.muli %mul3A_1297, %while3A_1283 : i32
        %get3A_1299 = arith.index_cast %mul3A_1298 : i32 to index
        %get3A_1300 = tpu.vector_load %arg15[%get3A_1299] {strides = array<i32>} : memref<208xf32, #tpu.memory_space<vmem>>, vector<16xf32>,
        %get3A_1301 = vector.shape_cast %get3A_1300 : vector<16xf32> to vector<16xf32>
        %mul3A_1302 = arith.constant 16 : i32
        %mul3A_1303 = arith.muli %while3A_1283, %mul3A_1302 : i32
        %add3A_1304 = arith.constant 0 : i32
        %add3A_1305 = arith.addi %mul3A_1303, %add3A_1304 : i32
        %slice3A_1306 = vector.extract_strided_slice %get3A_1296 {offsets = [0], sizes = [1], strides = [1]} : vector<16xf32> to vector<1xf32>
        %squeeze3A_1307 = vector.extract %slice3A_1306[0] : f32 from vector<1xf32>
        %slice3A_1308 = vector.extract_strided_slice %get3A_1301 {offsets = [0], sizes = [1], strides = [1]} : vector<16xf32> to vector<1xf32>
        %squeeze3A_1309 = vector.extract %slice3A_1308[0] : f32 from vector<1xf32>
        %get3A_1310 = arith.index_cast %add3A_1305 : i32 to index
        %get3A_1311 = arith.constant 0 : index
        %get3A_1312 = tpu.vector_load %arg9[%get3A_1310, %get3A_1311] {strides = array<i32>} : memref<200x64xf32, #tpu.memory_space<vmem>>, vector<1x16xf32>,
        %get3A_1313 = vector.shape_cast %get3A_1312 : vector<1x16xf32> to vector<16xf32>
        %mul3A_1314 = vector.broadcast %squeeze3A_1307 : f32 to vector<16xf32>
        %mul3A_1315 = arith.mulf %get3A_1313, %mul3A_1314 : vector<16xf32>
        %add3A_1316 = arith.addf %while3A_1284, %mul3A_1315 : vector<16xf32>
        %mul3A_1317 = vector.broadcast %squeeze3A_1309 : f32 to vector<16xf32>
        %mul3A_1318 = arith.mulf %get3A_1313, %mul3A_1317 : vector<16xf32>
        %add3A_1319 = arith.addf %while3A_1288, %mul3A_1318 : vector<16xf32>
        %get3A_1320 = arith.index_cast %add3A_1305 : i32 to index
        %get3A_1321 = arith.constant 16 : index
        %get3A_1322 = tpu.vector_load %arg9[%get3A_1320, %get3A_1321] {strides = array<i32>} : memref<200x64xf32, #tpu.memory_space<vmem>>, vector<1x16xf32>,
        %get3A_1323 = vector.shape_cast %get3A_1322 : vector<1x16xf32> to vector<16xf32>
        %mul3A_1324 = vector.broadcast %squeeze3A_1307 : f32 to vector<16xf32>
        %mul3A_1325 = arith.mulf %get3A_1323, %mul3A_1324 : vector<16xf32>
        %add3A_1326 = arith.addf %while3A_1285, %mul3A_1325 : vector<16xf32>
        %mul3A_1327 = vector.broadcast %squeeze3A_1309 : f32 to vector<16xf32>
        %mul3A_1328 = arith.mulf %get3A_1323, %mul3A_1327 : vector<16xf32>
        %add3A_1329 = arith.addf %while3A_1289, %mul3A_1328 : vector<16xf32>
        %get3A_1330 = arith.index_cast %add3A_1305 : i32 to index
        %get3A_1331 = arith.constant 32 : index
        %get3A_1332 = tpu.vector_load %arg9[%get3A_1330, %get3A_1331] {strides = array<i32>} : memref<200x64xf32, #tpu.memory_space<vmem>>, vector<1x16xf32>,
        %get3A_1333 = vector.shape_cast %get3A_1332 : vector<1x16xf32> to vector<16xf32>
        %mul3A_1334 = vector.broadcast %squeeze3A_1307 : f32 to vector<16xf32>
        %mul3A_1335 = arith.mulf %get3A_1333, %mul3A_1334 : vector<16xf32>
        %add3A_1336 = arith.addf %while3A_1286, %mul3A_1335 : vector<16xf32>
        %mul3A_1337 = vector.broadcast %squeeze3A_1309 : f32 to vector<16xf32>
        %mul3A_1338 = arith.mulf %get3A_1333, %mul3A_1337 : vector<16xf32>
        %add3A_1339 = arith.addf %while3A_1290, %mul3A_1338 : vector<16xf32>
        %get3A_1340 = arith.index_cast %add3A_1305 : i32 to index
        %get3A_1341 = arith.constant 48 : index
        %get3A_1342 = tpu.vector_load %arg9[%get3A_1340, %get3A_1341] {strides = array<i32>} : memref<200x64xf32, #tpu.memory_space<vmem>>, vector<1x16xf32>,
        %get3A_1343 = vector.shape_cast %get3A_1342 : vector<1x16xf32> to vector<16xf32>
        %mul3A_1344 = vector.broadcast %squeeze3A_1307 : f32 to vector<16xf32>
        %mul3A_1345 = arith.mulf %get3A_1343, %mul3A_1344 : vector<16xf32>
        %add3A_1346 = arith.addf %while3A_1287, %mul3A_1345 : vector<16xf32>
        %mul3A_1347 = vector.broadcast %squeeze3A_1309 : f32 to vector<16xf32>
        %mul3A_1348 = arith.mulf %get3A_1343, %mul3A_1347 : vector<16xf32>
        %add3A_1349 = arith.addf %while3A_1291, %mul3A_1348 : vector<16xf32>
        %mul3A_1350 = arith.constant 16 : i32
        %mul3A_1351 = arith.muli %while3A_1283, %mul3A_1350 : i32
        %add3A_1352 = arith.constant 1 : i32
        %add3A_1353 = arith.addi %mul3A_1351, %add3A_1352 : i32
        %slice3A_1354 = vector.extract_strided_slice %get3A_1296 {offsets = [1], sizes = [1], strides = [1]} : vector<16xf32> to vector<1xf32>
        %squeeze3A_1355 = vector.extract %slice3A_1354[0] : f32 from vector<1xf32>
        %slice3A_1356 = vector.extract_strided_slice %get3A_1301 {offsets = [1], sizes = [1], strides = [1]} : vector<16xf32> to vector<1xf32>
        %squeeze3A_1357 = vector.extract %slice3A_1356[0] : f32 from vector<1xf32>
        %get3A_1358 = arith.index_cast %add3A_1353 : i32 to index
        %get3A_1359 = arith.constant 0 : index
        %get3A_1360 = tpu.vector_load %arg9[%get3A_1358, %get3A_1359] {strides = array<i32>} : memref<200x64xf32, #tpu.memory_space<vmem>>, vector<1x16xf32>,
        %get3A_1361 = vector.shape_cast %get3A_1360 : vector<1x16xf32> to vector<16xf32>
        %mul3A_1362 = vector.broadcast %squeeze3A_1355 : f32 to vector<16xf32>
        %mul3A_1363 = arith.mulf %get3A_1361, %mul3A_1362 : vector<16xf32>
        %add3A_1364 = arith.addf %add3A_1316, %mul3A_1363 : vector<16xf32>
        %mul3A_1365 = vector.broadcast %squeeze3A_1357 : f32 to vector<16xf32>
        %mul3A_1366 = arith.mulf %get3A_1361, %mul3A_1365 : vector<16xf32>
        %add3A_1367 = arith.addf %add3A_1319, %mul3A_1366 : vector<16xf32>
        %get3A_1368 = arith.index_cast %add3A_1353 : i32 to index
        %get3A_1369 = arith.constant 16 : index
        %get3A_1370 = tpu.vector_load %arg9[%get3A_1368, %get3A_1369] {strides = array<i32>} : memref<200x64xf32, #tpu.memory_space<vmem>>, vector<1x16xf32>,
        %get3A_1371 = vector.shape_cast %get3A_1370 : vector<1x16xf32> to vector<16xf32>
        %mul3A_1372 = vector.broadcast %squeeze3A_1355 : f32 to vector<16xf32>
        %mul3A_1373 = arith.mulf %get3A_1371, %mul3A_1372 : vector<16xf32>
        %add3A_1374 = arith.addf %add3A_1326, %mul3A_1373 : vector<16xf32>
        %mul3A_1375 = vector.broadcast %squeeze3A_1357 : f32 to vector<16xf32>
        %mul3A_1376 = arith.mulf %get3A_1371, %mul3A_1375 : vector<16xf32>
        %add3A_1377 = arith.addf %add3A_1329, %mul3A_1376 : vector<16xf32>
        %get3A_1378 = arith.index_cast %add3A_1353 : i32 to index
        %get3A_1379 = arith.constant 32 : index
        %get3A_1380 = tpu.vector_load %arg9[%get3A_1378, %get3A_1379] {strides = array<i32>} : memref<200x64xf32, #tpu.memory_space<vmem>>, vector<1x16xf32>,
        %get3A_1381 = vector.shape_cast %get3A_1380 : vector<1x16xf32> to vector<16xf32>
        %mul3A_1382 = vector.broadcast %squeeze3A_1355 : f32 to vector<16xf32>
        %mul3A_1383 = arith.mulf %get3A_1381, %mul3A_1382 : vector<16xf32>
        %add3A_1384 = arith.addf %add3A_1336, %mul3A_1383 : vector<16xf32>
        %mul3A_1385 = vector.broadcast %squeeze3A_1357 : f32 to vector<16xf32>
        %mul3A_1386 = arith.mulf %get3A_1381, %mul3A_1385 : vector<16xf32>
        %add3A_1387 = arith.addf %add3A_1339, %mul3A_1386 : vector<16xf32>
        %get3A_1388 = arith.index_cast %add3A_1353 : i32 to index
        %get3A_1389 = arith.constant 48 : index
        %get3A_1390 = tpu.vector_load %arg9[%get3A_1388, %get3A_1389] {strides = array<i32>} : memref<200x64xf32, #tpu.memory_space<vmem>>, vector<1x16xf32>,
        %get3A_1391 = vector.shape_cast %get3A_1390 : vector<1x16xf32> to vector<16xf32>
        %mul3A_1392 = vector.broadcast %squeeze3A_1355 : f32 to vector<16xf32>
        %mul3A_1393 = arith.mulf %get3A_1391, %mul3A_1392 : vector<16xf32>
        %add3A_1394 = arith.addf %add3A_1346, %mul3A_1393 : vector<16xf32>
        %mul3A_1395 = vector.broadcast %squeeze3A_1357 : f32 to vector<16xf32>
        %mul3A_1396 = arith.mulf %get3A_1391, %mul3A_1395 : vector<16xf32>
        %add3A_1397 = arith.addf %add3A_1349, %mul3A_1396 : vector<16xf32>
        %mul3A_1398 = arith.constant 16 : i32
        %mul3A_1399 = arith.muli %while3A_1283, %mul3A_1398 : i32
        %add3A_1400 = arith.constant 2 : i32
        %add3A_1401 = arith.addi %mul3A_1399, %add3A_1400 : i32
        %slice3A_1402 = vector.extract_strided_slice %get3A_1296 {offsets = [2], sizes = [1], strides = [1]} : vector<16xf32> to vector<1xf32>
        %squeeze3A_1403 = vector.extract %slice3A_1402[0] : f32 from vector<1xf32>
        %slice3A_1404 = vector.extract_strided_slice %get3A_1301 {offsets = [2], sizes = [1], strides = [1]} : vector<16xf32> to vector<1xf32>
        %squeeze3A_1405 = vector.extract %slice3A_1404[0] : f32 from vector<1xf32>
        %get3A_1406 = arith.index_cast %add3A_1401 : i32 to index
        %get3A_1407 = arith.constant 0 : index
        %get3A_1408 = tpu.vector_load %arg9[%get3A_1406, %get3A_1407] {strides = array<i32>} : memref<200x64xf32, #tpu.memory_space<vmem>>, vector<1x16xf32>,
        %get3A_1409 = vector.shape_cast %get3A_1408 : vector<1x16xf32> to vector<16xf32>
        %mul3A_1410 = vector.broadcast %squeeze3A_1403 : f32 to vector<16xf32>
        %mul3A_1411 = arith.mulf %get3A_1409, %mul3A_1410 : vector<16xf32>
        %add3A_1412 = arith.addf %add3A_1364, %mul3A_1411 : vector<16xf32>
        %mul3A_1413 = vector.broadcast %squeeze3A_1405 : f32 to vector<16xf32>
        %mul3A_1414 = arith.mulf %get3A_1409, %mul3A_1413 : vector<16xf32>
        %add3A_1415 = arith.addf %add3A_1367, %mul3A_1414 : vector<16xf32>
        %get3A_1416 = arith.index_cast %add3A_1401 : i32 to index
        %get3A_1417 = arith.constant 16 : index
        %get3A_1418 = tpu.vector_load %arg9[%get3A_1416, %get3A_1417] {strides = array<i32>} : memref<200x64xf32, #tpu.memory_space<vmem>>, vector<1x16xf32>,
        %get3A_1419 = vector.shape_cast %get3A_1418 : vector<1x16xf32> to vector<16xf32>
        %mul3A_1420 = vector.broadcast %squeeze3A_1403 : f32 to vector<16xf32>
        %mul3A_1421 = arith.mulf %get3A_1419, %mul3A_1420 : vector<16xf32>
        %add3A_1422 = arith.addf %add3A_1374, %mul3A_1421 : vector<16xf32>
        %mul3A_1423 = vector.broadcast %squeeze3A_1405 : f32 to vector<16xf32>
        %mul3A_1424 = arith.mulf %get3A_1419, %mul3A_1423 : vector<16xf32>
        %add3A_1425 = arith.addf %add3A_1377, %mul3A_1424 : vector<16xf32>
        %get3A_1426 = arith.index_cast %add3A_1401 : i32 to index
        %get3A_1427 = arith.constant 32 : index
        %get3A_1428 = tpu.vector_load %arg9[%get3A_1426, %get3A_1427] {strides = array<i32>} : memref<200x64xf32, #tpu.memory_space<vmem>>, vector<1x16xf32>,
        %get3A_1429 = vector.shape_cast %get3A_1428 : vector<1x16xf32> to vector<16xf32>
        %mul3A_1430 = vector.broadcast %squeeze3A_1403 : f32 to vector<16xf32>
        %mul3A_1431 = arith.mulf %get3A_1429, %mul3A_1430 : vector<16xf32>
        %add3A_1432 = arith.addf %add3A_1384, %mul3A_1431 : vector<16xf32>
        %mul3A_1433 = vector.broadcast %squeeze3A_1405 : f32 to vector<16xf32>
        %mul3A_1434 = arith.mulf %get3A_1429, %mul3A_1433 : vector<16xf32>
        %add3A_1435 = arith.addf %add3A_1387, %mul3A_1434 : vector<16xf32>
        %get3A_1436 = arith.index_cast %add3A_1401 : i32 to index
        %get3A_1437 = arith.constant 48 : index
        %get3A_1438 = tpu.vector_load %arg9[%get3A_1436, %get3A_1437] {strides = array<i32>} : memref<200x64xf32, #tpu.memory_space<vmem>>, vector<1x16xf32>,
        %get3A_1439 = vector.shape_cast %get3A_1438 : vector<1x16xf32> to vector<16xf32>
        %mul3A_1440 = vector.broadcast %squeeze3A_1403 : f32 to vector<16xf32>
        %mul3A_1441 = arith.mulf %get3A_1439, %mul3A_1440 : vector<16xf32>
        %add3A_1442 = arith.addf %add3A_1394, %mul3A_1441 : vector<16xf32>
        %mul3A_1443 = vector.broadcast %squeeze3A_1405 : f32 to vector<16xf32>
        %mul3A_1444 = arith.mulf %get3A_1439, %mul3A_1443 : vector<16xf32>
        %add3A_1445 = arith.addf %add3A_1397, %mul3A_1444 : vector<16xf32>
        %mul3A_1446 = arith.constant 16 : i32
        %mul3A_1447 = arith.muli %while3A_1283, %mul3A_1446 : i32
        %add3A_1448 = arith.constant 3 : i32
        %add3A_1449 = arith.addi %mul3A_1447, %add3A_1448 : i32
        %slice3A_1450 = vector.extract_strided_slice %get3A_1296 {offsets = [3], sizes = [1], strides = [1]} : vector<16xf32> to vector<1xf32>
        %squeeze3A_1451 = vector.extract %slice3A_1450[0] : f32 from vector<1xf32>
        %slice3A_1452 = vector.extract_strided_slice %get3A_1301 {offsets = [3], sizes = [1], strides = [1]} : vector<16xf32> to vector<1xf32>
        %squeeze3A_1453 = vector.extract %slice3A_1452[0] : f32 from vector<1xf32>
        %get3A_1454 = arith.index_cast %add3A_1449 : i32 to index
        %get3A_1455 = arith.constant 0 : index
        %get3A_1456 = tpu.vector_load %arg9[%get3A_1454, %get3A_1455] {strides = array<i32>} : memref<200x64xf32, #tpu.memory_space<vmem>>, vector<1x16xf32>,
        %get3A_1457 = vector.shape_cast %get3A_1456 : vector<1x16xf32> to vector<16xf32>
        %mul3A_1458 = vector.broadcast %squeeze3A_1451 : f32 to vector<16xf32>
        %mul3A_1459 = arith.mulf %get3A_1457, %mul3A_1458 : vector<16xf32>
        %add3A_1460 = arith.addf %add3A_1412, %mul3A_1459 : vector<16xf32>
        %mul3A_1461 = vector.broadcast %squeeze3A_1453 : f32 to vector<16xf32>
        %mul3A_1462 = arith.mulf %get3A_1457, %mul3A_1461 : vector<16xf32>
        %add3A_1463 = arith.addf %add3A_1415, %mul3A_1462 : vector<16xf32>
        %get3A_1464 = arith.index_cast %add3A_1449 : i32 to index
        %get3A_1465 = arith.constant 16 : index
        %get3A_1466 = tpu.vector_load %arg9[%get3A_1464, %get3A_1465] {strides = array<i32>} : memref<200x64xf32, #tpu.memory_space<vmem>>, vector<1x16xf32>,
        %get3A_1467 = vector.shape_cast %get3A_1466 : vector<1x16xf32> to vector<16xf32>
        %mul3A_1468 = vector.broadcast %squeeze3A_1451 : f32 to vector<16xf32>
        %mul3A_1469 = arith.mulf %get3A_1467, %mul3A_1468 : vector<16xf32>
        %add3A_1470 = arith.addf %add3A_1422, %mul3A_1469 : vector<16xf32>
        %mul3A_1471 = vector.broadcast %squeeze3A_1453 : f32 to vector<16xf32>
        %mul3A_1472 = arith.mulf %get3A_1467, %mul3A_1471 : vector<16xf32>
        %add3A_1473 = arith.addf %add3A_1425, %mul3A_1472 : vector<16xf32>
        %get3A_1474 = arith.index_cast %add3A_1449 : i32 to index
        %get3A_1475 = arith.constant 32 : index
        %get3A_1476 = tpu.vector_load %arg9[%get3A_1474, %get3A_1475] {strides = array<i32>} : memref<200x64xf32, #tpu.memory_space<vmem>>, vector<1x16xf32>,
        %get3A_1477 = vector.shape_cast %get3A_1476 : vector<1x16xf32> to vector<16xf32>
        %mul3A_1478 = vector.broadcast %squeeze3A_1451 : f32 to vector<16xf32>
        %mul3A_1479 = arith.mulf %get3A_1477, %mul3A_1478 : vector<16xf32>
        %add3A_1480 = arith.addf %add3A_1432, %mul3A_1479 : vector<16xf32>
        %mul3A_1481 = vector.broadcast %squeeze3A_1453 : f32 to vector<16xf32>
        %mul3A_1482 = arith.mulf %get3A_1477, %mul3A_1481 : vector<16xf32>
        %add3A_1483 = arith.addf %add3A_1435, %mul3A_1482 : vector<16xf32>
        %get3A_1484 = arith.index_cast %add3A_1449 : i32 to index
        %get3A_1485 = arith.constant 48 : index
        %get3A_1486 = tpu.vector_load %arg9[%get3A_1484, %get3A_1485] {strides = array<i32>} : memref<200x64xf32, #tpu.memory_space<vmem>>, vector<1x16xf32>,
        %get3A_1487 = vector.shape_cast %get3A_1486 : vector<1x16xf32> to vector<16xf32>
        %mul3A_1488 = vector.broadcast %squeeze3A_1451 : f32 to vector<16xf32>
        %mul3A_1489 = arith.mulf %get3A_1487, %mul3A_1488 : vector<16xf32>
        %add3A_1490 = arith.addf %add3A_1442, %mul3A_1489 : vector<16xf32>
        %mul3A_1491 = vector.broadcast %squeeze3A_1453 : f32 to vector<16xf32>
        %mul3A_1492 = arith.mulf %get3A_1487, %mul3A_1491 : vector<16xf32>
        %add3A_1493 = arith.addf %add3A_1445, %mul3A_1492 : vector<16xf32>
        %mul3A_1494 = arith.constant 16 : i32
        %mul3A_1495 = arith.muli %while3A_1283, %mul3A_1494 : i32
        %add3A_1496 = arith.constant 4 : i32
        %add3A_1497 = arith.addi %mul3A_1495, %add3A_1496 : i32
        %slice3A_1498 = vector.extract_strided_slice %get3A_1296 {offsets = [4], sizes = [1], strides = [1]} : vector<16xf32> to vector<1xf32>
        %squeeze3A_1499 = vector.extract %slice3A_1498[0] : f32 from vector<1xf32>
        %slice3A_1500 = vector.extract_strided_slice %get3A_1301 {offsets = [4], sizes = [1], strides = [1]} : vector<16xf32> to vector<1xf32>
        %squeeze3A_1501 = vector.extract %slice3A_1500[0] : f32 from vector<1xf32>
        %get3A_1502 = arith.index_cast %add3A_1497 : i32 to index
        %get3A_1503 = arith.constant 0 : index
        %get3A_1504 = tpu.vector_load %arg9[%get3A_1502, %get3A_1503] {strides = array<i32>} : memref<200x64xf32, #tpu.memory_space<vmem>>, vector<1x16xf32>,
        %get3A_1505 = vector.shape_cast %get3A_1504 : vector<1x16xf32> to vector<16xf32>
        %mul3A_1506 = vector.broadcast %squeeze3A_1499 : f32 to vector<16xf32>
        %mul3A_1507 = arith.mulf %get3A_1505, %mul3A_1506 : vector<16xf32>
        %add3A_1508 = arith.addf %add3A_1460, %mul3A_1507 : vector<16xf32>
        %mul3A_1509 = vector.broadcast %squeeze3A_1501 : f32 to vector<16xf32>
        %mul3A_1510 = arith.mulf %get3A_1505, %mul3A_1509 : vector<16xf32>
        %add3A_1511 = arith.addf %add3A_1463, %mul3A_1510 : vector<16xf32>
        %get3A_1512 = arith.index_cast %add3A_1497 : i32 to index
        %get3A_1513 = arith.constant 16 : index
        %get3A_1514 = tpu.vector_load %arg9[%get3A_1512, %get3A_1513] {strides = array<i32>} : memref<200x64xf32, #tpu.memory_space<vmem>>, vector<1x16xf32>,
        %get3A_1515 = vector.shape_cast %get3A_1514 : vector<1x16xf32> to vector<16xf32>
        %mul3A_1516 = vector.broadcast %squeeze3A_1499 : f32 to vector<16xf32>
        %mul3A_1517 = arith.mulf %get3A_1515, %mul3A_1516 : vector<16xf32>
        %add3A_1518 = arith.addf %add3A_1470, %mul3A_1517 : vector<16xf32>
        %mul3A_1519 = vector.broadcast %squeeze3A_1501 : f32 to vector<16xf32>
        %mul3A_1520 = arith.mulf %get3A_1515, %mul3A_1519 : vector<16xf32>
        %add3A_1521 = arith.addf %add3A_1473, %mul3A_1520 : vector<16xf32>
        %get3A_1522 = arith.index_cast %add3A_1497 : i32 to index
        %get3A_1523 = arith.constant 32 : index
        %get3A_1524 = tpu.vector_load %arg9[%get3A_1522, %get3A_1523] {strides = array<i32>} : memref<200x64xf32, #tpu.memory_space<vmem>>, vector<1x16xf32>,
        %get3A_1525 = vector.shape_cast %get3A_1524 : vector<1x16xf32> to vector<16xf32>
        %mul3A_1526 = vector.broadcast %squeeze3A_1499 : f32 to vector<16xf32>
        %mul3A_1527 = arith.mulf %get3A_1525, %mul3A_1526 : vector<16xf32>
        %add3A_1528 = arith.addf %add3A_1480, %mul3A_1527 : vector<16xf32>
        %mul3A_1529 = vector.broadcast %squeeze3A_1501 : f32 to vector<16xf32>
        %mul3A_1530 = arith.mulf %get3A_1525, %mul3A_1529 : vector<16xf32>
        %add3A_1531 = arith.addf %add3A_1483, %mul3A_1530 : vector<16xf32>
        %get3A_1532 = arith.index_cast %add3A_1497 : i32 to index
        %get3A_1533 = arith.constant 48 : index
        %get3A_1534 = tpu.vector_load %arg9[%get3A_1532, %get3A_1533] {strides = array<i32>} : memref<200x64xf32, #tpu.memory_space<vmem>>, vector<1x16xf32>,
        %get3A_1535 = vector.shape_cast %get3A_1534 : vector<1x16xf32> to vector<16xf32>
        %mul3A_1536 = vector.broadcast %squeeze3A_1499 : f32 to vector<16xf32>
        %mul3A_1537 = arith.mulf %get3A_1535, %mul3A_1536 : vector<16xf32>
        %add3A_1538 = arith.addf %add3A_1490, %mul3A_1537 : vector<16xf32>
        %mul3A_1539 = vector.broadcast %squeeze3A_1501 : f32 to vector<16xf32>
        %mul3A_1540 = arith.mulf %get3A_1535, %mul3A_1539 : vector<16xf32>
        %add3A_1541 = arith.addf %add3A_1493, %mul3A_1540 : vector<16xf32>
        %mul3A_1542 = arith.constant 16 : i32
        %mul3A_1543 = arith.muli %while3A_1283, %mul3A_1542 : i32
        %add3A_1544 = arith.constant 5 : i32
        %add3A_1545 = arith.addi %mul3A_1543, %add3A_1544 : i32
        %slice3A_1546 = vector.extract_strided_slice %get3A_1296 {offsets = [5], sizes = [1], strides = [1]} : vector<16xf32> to vector<1xf32>
        %squeeze3A_1547 = vector.extract %slice3A_1546[0] : f32 from vector<1xf32>
        %slice3A_1548 = vector.extract_strided_slice %get3A_1301 {offsets = [5], sizes = [1], strides = [1]} : vector<16xf32> to vector<1xf32>
        %squeeze3A_1549 = vector.extract %slice3A_1548[0] : f32 from vector<1xf32>
        %get3A_1550 = arith.index_cast %add3A_1545 : i32 to index
        %get3A_1551 = arith.constant 0 : index
        %get3A_1552 = tpu.vector_load %arg9[%get3A_1550, %get3A_1551] {strides = array<i32>} : memref<200x64xf32, #tpu.memory_space<vmem>>, vector<1x16xf32>,
        %get3A_1553 = vector.shape_cast %get3A_1552 : vector<1x16xf32> to vector<16xf32>
        %mul3A_1554 = vector.broadcast %squeeze3A_1547 : f32 to vector<16xf32>
        %mul3A_1555 = arith.mulf %get3A_1553, %mul3A_1554 : vector<16xf32>
        %add3A_1556 = arith.addf %add3A_1508, %mul3A_1555 : vector<16xf32>
        %mul3A_1557 = vector.broadcast %squeeze3A_1549 : f32 to vector<16xf32>
        %mul3A_1558 = arith.mulf %get3A_1553, %mul3A_1557 : vector<16xf32>
        %add3A_1559 = arith.addf %add3A_1511, %mul3A_1558 : vector<16xf32>
        %get3A_1560 = arith.index_cast %add3A_1545 : i32 to index
        %get3A_1561 = arith.constant 16 : index
        %get3A_1562 = tpu.vector_load %arg9[%get3A_1560, %get3A_1561] {strides = array<i32>} : memref<200x64xf32, #tpu.memory_space<vmem>>, vector<1x16xf32>,
        %get3A_1563 = vector.shape_cast %get3A_1562 : vector<1x16xf32> to vector<16xf32>
        %mul3A_1564 = vector.broadcast %squeeze3A_1547 : f32 to vector<16xf32>
        %mul3A_1565 = arith.mulf %get3A_1563, %mul3A_1564 : vector<16xf32>
        %add3A_1566 = arith.addf %add3A_1518, %mul3A_1565 : vector<16xf32>
        %mul3A_1567 = vector.broadcast %squeeze3A_1549 : f32 to vector<16xf32>
        %mul3A_1568 = arith.mulf %get3A_1563, %mul3A_1567 : vector<16xf32>
        %add3A_1569 = arith.addf %add3A_1521, %mul3A_1568 : vector<16xf32>
        %get3A_1570 = arith.index_cast %add3A_1545 : i32 to index
        %get3A_1571 = arith.constant 32 : index
        %get3A_1572 = tpu.vector_load %arg9[%get3A_1570, %get3A_1571] {strides = array<i32>} : memref<200x64xf32, #tpu.memory_space<vmem>>, vector<1x16xf32>,
        %get3A_1573 = vector.shape_cast %get3A_1572 : vector<1x16xf32> to vector<16xf32>
        %mul3A_1574 = vector.broadcast %squeeze3A_1547 : f32 to vector<16xf32>
        %mul3A_1575 = arith.mulf %get3A_1573, %mul3A_1574 : vector<16xf32>
        %add3A_1576 = arith.addf %add3A_1528, %mul3A_1575 : vector<16xf32>
        %mul3A_1577 = vector.broadcast %squeeze3A_1549 : f32 to vector<16xf32>
        %mul3A_1578 = arith.mulf %get3A_1573, %mul3A_1577 : vector<16xf32>
        %add3A_1579 = arith.addf %add3A_1531, %mul3A_1578 : vector<16xf32>
        %get3A_1580 = arith.index_cast %add3A_1545 : i32 to index
        %get3A_1581 = arith.constant 48 : index
        %get3A_1582 = tpu.vector_load %arg9[%get3A_1580, %get3A_1581] {strides = array<i32>} : memref<200x64xf32, #tpu.memory_space<vmem>>, vector<1x16xf32>,
        %get3A_1583 = vector.shape_cast %get3A_1582 : vector<1x16xf32> to vector<16xf32>
        %mul3A_1584 = vector.broadcast %squeeze3A_1547 : f32 to vector<16xf32>
        %mul3A_1585 = arith.mulf %get3A_1583, %mul3A_1584 : vector<16xf32>
        %add3A_1586 = arith.addf %add3A_1538, %mul3A_1585 : vector<16xf32>
        %mul3A_1587 = vector.broadcast %squeeze3A_1549 : f32 to vector<16xf32>
        %mul3A_1588 = arith.mulf %get3A_1583, %mul3A_1587 : vector<16xf32>
        %add3A_1589 = arith.addf %add3A_1541, %mul3A_1588 : vector<16xf32>
        %mul3A_1590 = arith.constant 16 : i32
        %mul3A_1591 = arith.muli %while3A_1283, %mul3A_1590 : i32
        %add3A_1592 = arith.constant 6 : i32
        %add3A_1593 = arith.addi %mul3A_1591, %add3A_1592 : i32
        %slice3A_1594 = vector.extract_strided_slice %get3A_1296 {offsets = [6], sizes = [1], strides = [1]} : vector<16xf32> to vector<1xf32>
        %squeeze3A_1595 = vector.extract %slice3A_1594[0] : f32 from vector<1xf32>
        %slice3A_1596 = vector.extract_strided_slice %get3A_1301 {offsets = [6], sizes = [1], strides = [1]} : vector<16xf32> to vector<1xf32>
        %squeeze3A_1597 = vector.extract %slice3A_1596[0] : f32 from vector<1xf32>
        %get3A_1598 = arith.index_cast %add3A_1593 : i32 to index
        %get3A_1599 = arith.constant 0 : index
        %get3A_1600 = tpu.vector_load %arg9[%get3A_1598, %get3A_1599] {strides = array<i32>} : memref<200x64xf32, #tpu.memory_space<vmem>>, vector<1x16xf32>,
        %get3A_1601 = vector.shape_cast %get3A_1600 : vector<1x16xf32> to vector<16xf32>
        %mul3A_1602 = vector.broadcast %squeeze3A_1595 : f32 to vector<16xf32>
        %mul3A_1603 = arith.mulf %get3A_1601, %mul3A_1602 : vector<16xf32>
        %add3A_1604 = arith.addf %add3A_1556, %mul3A_1603 : vector<16xf32>
        %mul3A_1605 = vector.broadcast %squeeze3A_1597 : f32 to vector<16xf32>
        %mul3A_1606 = arith.mulf %get3A_1601, %mul3A_1605 : vector<16xf32>
        %add3A_1607 = arith.addf %add3A_1559, %mul3A_1606 : vector<16xf32>
        %get3A_1608 = arith.index_cast %add3A_1593 : i32 to index
        %get3A_1609 = arith.constant 16 : index
        %get3A_1610 = tpu.vector_load %arg9[%get3A_1608, %get3A_1609] {strides = array<i32>} : memref<200x64xf32, #tpu.memory_space<vmem>>, vector<1x16xf32>,
        %get3A_1611 = vector.shape_cast %get3A_1610 : vector<1x16xf32> to vector<16xf32>
        %mul3A_1612 = vector.broadcast %squeeze3A_1595 : f32 to vector<16xf32>
        %mul3A_1613 = arith.mulf %get3A_1611, %mul3A_1612 : vector<16xf32>
        %add3A_1614 = arith.addf %add3A_1566, %mul3A_1613 : vector<16xf32>
        %mul3A_1615 = vector.broadcast %squeeze3A_1597 : f32 to vector<16xf32>
        %mul3A_1616 = arith.mulf %get3A_1611, %mul3A_1615 : vector<16xf32>
        %add3A_1617 = arith.addf %add3A_1569, %mul3A_1616 : vector<16xf32>
        %get3A_1618 = arith.index_cast %add3A_1593 : i32 to index
        %get3A_1619 = arith.constant 32 : index
        %get3A_1620 = tpu.vector_load %arg9[%get3A_1618, %get3A_1619] {strides = array<i32>} : memref<200x64xf32, #tpu.memory_space<vmem>>, vector<1x16xf32>,
        %get3A_1621 = vector.shape_cast %get3A_1620 : vector<1x16xf32> to vector<16xf32>
        %mul3A_1622 = vector.broadcast %squeeze3A_1595 : f32 to vector<16xf32>
        %mul3A_1623 = arith.mulf %get3A_1621, %mul3A_1622 : vector<16xf32>
        %add3A_1624 = arith.addf %add3A_1576, %mul3A_1623 : vector<16xf32>
        %mul3A_1625 = vector.broadcast %squeeze3A_1597 : f32 to vector<16xf32>
        %mul3A_1626 = arith.mulf %get3A_1621, %mul3A_1625 : vector<16xf32>
        %add3A_1627 = arith.addf %add3A_1579, %mul3A_1626 : vector<16xf32>
        %get3A_1628 = arith.index_cast %add3A_1593 : i32 to index
        %get3A_1629 = arith.constant 48 : index
        %get3A_1630 = tpu.vector_load %arg9[%get3A_1628, %get3A_1629] {strides = array<i32>} : memref<200x64xf32, #tpu.memory_space<vmem>>, vector<1x16xf32>,
        %get3A_1631 = vector.shape_cast %get3A_1630 : vector<1x16xf32> to vector<16xf32>
        %mul3A_1632 = vector.broadcast %squeeze3A_1595 : f32 to vector<16xf32>
        %mul3A_1633 = arith.mulf %get3A_1631, %mul3A_1632 : vector<16xf32>
        %add3A_1634 = arith.addf %add3A_1586, %mul3A_1633 : vector<16xf32>
        %mul3A_1635 = vector.broadcast %squeeze3A_1597 : f32 to vector<16xf32>
        %mul3A_1636 = arith.mulf %get3A_1631, %mul3A_1635 : vector<16xf32>
        %add3A_1637 = arith.addf %add3A_1589, %mul3A_1636 : vector<16xf32>
        %mul3A_1638 = arith.constant 16 : i32
        %mul3A_1639 = arith.muli %while3A_1283, %mul3A_1638 : i32
        %add3A_1640 = arith.constant 7 : i32
        %add3A_1641 = arith.addi %mul3A_1639, %add3A_1640 : i32
        %slice3A_1642 = vector.extract_strided_slice %get3A_1296 {offsets = [7], sizes = [1], strides = [1]} : vector<16xf32> to vector<1xf32>
        %squeeze3A_1643 = vector.extract %slice3A_1642[0] : f32 from vector<1xf32>
        %slice3A_1644 = vector.extract_strided_slice %get3A_1301 {offsets = [7], sizes = [1], strides = [1]} : vector<16xf32> to vector<1xf32>
        %squeeze3A_1645 = vector.extract %slice3A_1644[0] : f32 from vector<1xf32>
        %get3A_1646 = arith.index_cast %add3A_1641 : i32 to index
        %get3A_1647 = arith.constant 0 : index
        %get3A_1648 = tpu.vector_load %arg9[%get3A_1646, %get3A_1647] {strides = array<i32>} : memref<200x64xf32, #tpu.memory_space<vmem>>, vector<1x16xf32>,
        %get3A_1649 = vector.shape_cast %get3A_1648 : vector<1x16xf32> to vector<16xf32>
        %mul3A_1650 = vector.broadcast %squeeze3A_1643 : f32 to vector<16xf32>
        %mul3A_1651 = arith.mulf %get3A_1649, %mul3A_1650 : vector<16xf32>
        %add3A_1652 = arith.addf %add3A_1604, %mul3A_1651 : vector<16xf32>
        %mul3A_1653 = vector.broadcast %squeeze3A_1645 : f32 to vector<16xf32>
        %mul3A_1654 = arith.mulf %get3A_1649, %mul3A_1653 : vector<16xf32>
        %add3A_1655 = arith.addf %add3A_1607, %mul3A_1654 : vector<16xf32>
        %get3A_1656 = arith.index_cast %add3A_1641 : i32 to index
        %get3A_1657 = arith.constant 16 : index
        %get3A_1658 = tpu.vector_load %arg9[%get3A_1656, %get3A_1657] {strides = array<i32>} : memref<200x64xf32, #tpu.memory_space<vmem>>, vector<1x16xf32>,
        %get3A_1659 = vector.shape_cast %get3A_1658 : vector<1x16xf32> to vector<16xf32>
        %mul3A_1660 = vector.broadcast %squeeze3A_1643 : f32 to vector<16xf32>
        %mul3A_1661 = arith.mulf %get3A_1659, %mul3A_1660 : vector<16xf32>
        %add3A_1662 = arith.addf %add3A_1614, %mul3A_1661 : vector<16xf32>
        %mul3A_1663 = vector.broadcast %squeeze3A_1645 : f32 to vector<16xf32>
        %mul3A_1664 = arith.mulf %get3A_1659, %mul3A_1663 : vector<16xf32>
        %add3A_1665 = arith.addf %add3A_1617, %mul3A_1664 : vector<16xf32>
        %get3A_1666 = arith.index_cast %add3A_1641 : i32 to index
        %get3A_1667 = arith.constant 32 : index
        %get3A_1668 = tpu.vector_load %arg9[%get3A_1666, %get3A_1667] {strides = array<i32>} : memref<200x64xf32, #tpu.memory_space<vmem>>, vector<1x16xf32>,
        %get3A_1669 = vector.shape_cast %get3A_1668 : vector<1x16xf32> to vector<16xf32>
        %mul3A_1670 = vector.broadcast %squeeze3A_1643 : f32 to vector<16xf32>
        %mul3A_1671 = arith.mulf %get3A_1669, %mul3A_1670 : vector<16xf32>
        %add3A_1672 = arith.addf %add3A_1624, %mul3A_1671 : vector<16xf32>
        %mul3A_1673 = vector.broadcast %squeeze3A_1645 : f32 to vector<16xf32>
        %mul3A_1674 = arith.mulf %get3A_1669, %mul3A_1673 : vector<16xf32>
        %add3A_1675 = arith.addf %add3A_1627, %mul3A_1674 : vector<16xf32>
        %get3A_1676 = arith.index_cast %add3A_1641 : i32 to index
        %get3A_1677 = arith.constant 48 : index
        %get3A_1678 = tpu.vector_load %arg9[%get3A_1676, %get3A_1677] {strides = array<i32>} : memref<200x64xf32, #tpu.memory_space<vmem>>, vector<1x16xf32>,
        %get3A_1679 = vector.shape_cast %get3A_1678 : vector<1x16xf32> to vector<16xf32>
        %mul3A_1680 = vector.broadcast %squeeze3A_1643 : f32 to vector<16xf32>
        %mul3A_1681 = arith.mulf %get3A_1679, %mul3A_1680 : vector<16xf32>
        %add3A_1682 = arith.addf %add3A_1634, %mul3A_1681 : vector<16xf32>
        %mul3A_1683 = vector.broadcast %squeeze3A_1645 : f32 to vector<16xf32>
        %mul3A_1684 = arith.mulf %get3A_1679, %mul3A_1683 : vector<16xf32>
        %add3A_1685 = arith.addf %add3A_1637, %mul3A_1684 : vector<16xf32>
        %mul3A_1686 = arith.constant 16 : i32
        %mul3A_1687 = arith.muli %while3A_1283, %mul3A_1686 : i32
        %add3A_1688 = arith.constant 8 : i32
        %add3A_1689 = arith.addi %mul3A_1687, %add3A_1688 : i32
        %slice3A_1690 = vector.extract_strided_slice %get3A_1296 {offsets = [8], sizes = [1], strides = [1]} : vector<16xf32> to vector<1xf32>
        %squeeze3A_1691 = vector.extract %slice3A_1690[0] : f32 from vector<1xf32>
        %slice3A_1692 = vector.extract_strided_slice %get3A_1301 {offsets = [8], sizes = [1], strides = [1]} : vector<16xf32> to vector<1xf32>
        %squeeze3A_1693 = vector.extract %slice3A_1692[0] : f32 from vector<1xf32>
        %get3A_1694 = arith.index_cast %add3A_1689 : i32 to index
        %get3A_1695 = arith.constant 0 : index
        %get3A_1696 = tpu.vector_load %arg9[%get3A_1694, %get3A_1695] {strides = array<i32>} : memref<200x64xf32, #tpu.memory_space<vmem>>, vector<1x16xf32>,
        %get3A_1697 = vector.shape_cast %get3A_1696 : vector<1x16xf32> to vector<16xf32>
        %mul3A_1698 = vector.broadcast %squeeze3A_1691 : f32 to vector<16xf32>
        %mul3A_1699 = arith.mulf %get3A_1697, %mul3A_1698 : vector<16xf32>
        %add3A_1700 = arith.addf %add3A_1652, %mul3A_1699 : vector<16xf32>
        %mul3A_1701 = vector.broadcast %squeeze3A_1693 : f32 to vector<16xf32>
        %mul3A_1702 = arith.mulf %get3A_1697, %mul3A_1701 : vector<16xf32>
        %add3A_1703 = arith.addf %add3A_1655, %mul3A_1702 : vector<16xf32>
        %get3A_1704 = arith.index_cast %add3A_1689 : i32 to index
        %get3A_1705 = arith.constant 16 : index
        %get3A_1706 = tpu.vector_load %arg9[%get3A_1704, %get3A_1705] {strides = array<i32>} : memref<200x64xf32, #tpu.memory_space<vmem>>, vector<1x16xf32>,
        %get3A_1707 = vector.shape_cast %get3A_1706 : vector<1x16xf32> to vector<16xf32>
        %mul3A_1708 = vector.broadcast %squeeze3A_1691 : f32 to vector<16xf32>
        %mul3A_1709 = arith.mulf %get3A_1707, %mul3A_1708 : vector<16xf32>
        %add3A_1710 = arith.addf %add3A_1662, %mul3A_1709 : vector<16xf32>
        %mul3A_1711 = vector.broadcast %squeeze3A_1693 : f32 to vector<16xf32>
        %mul3A_1712 = arith.mulf %get3A_1707, %mul3A_1711 : vector<16xf32>
        %add3A_1713 = arith.addf %add3A_1665, %mul3A_1712 : vector<16xf32>
        %get3A_1714 = arith.index_cast %add3A_1689 : i32 to index
        %get3A_1715 = arith.constant 32 : index
        %get3A_1716 = tpu.vector_load %arg9[%get3A_1714, %get3A_1715] {strides = array<i32>} : memref<200x64xf32, #tpu.memory_space<vmem>>, vector<1x16xf32>,
        %get3A_1717 = vector.shape_cast %get3A_1716 : vector<1x16xf32> to vector<16xf32>
        %mul3A_1718 = vector.broadcast %squeeze3A_1691 : f32 to vector<16xf32>
        %mul3A_1719 = arith.mulf %get3A_1717, %mul3A_1718 : vector<16xf32>
        %add3A_1720 = arith.addf %add3A_1672, %mul3A_1719 : vector<16xf32>
        %mul3A_1721 = vector.broadcast %squeeze3A_1693 : f32 to vector<16xf32>
        %mul3A_1722 = arith.mulf %get3A_1717, %mul3A_1721 : vector<16xf32>
        %add3A_1723 = arith.addf %add3A_1675, %mul3A_1722 : vector<16xf32>
        %get3A_1724 = arith.index_cast %add3A_1689 : i32 to index
        %get3A_1725 = arith.constant 48 : index
        %get3A_1726 = tpu.vector_load %arg9[%get3A_1724, %get3A_1725] {strides = array<i32>} : memref<200x64xf32, #tpu.memory_space<vmem>>, vector<1x16xf32>,
        %get3A_1727 = vector.shape_cast %get3A_1726 : vector<1x16xf32> to vector<16xf32>
        %mul3A_1728 = vector.broadcast %squeeze3A_1691 : f32 to vector<16xf32>
        %mul3A_1729 = arith.mulf %get3A_1727, %mul3A_1728 : vector<16xf32>
        %add3A_1730 = arith.addf %add3A_1682, %mul3A_1729 : vector<16xf32>
        %mul3A_1731 = vector.broadcast %squeeze3A_1693 : f32 to vector<16xf32>
        %mul3A_1732 = arith.mulf %get3A_1727, %mul3A_1731 : vector<16xf32>
        %add3A_1733 = arith.addf %add3A_1685, %mul3A_1732 : vector<16xf32>
        %mul3A_1734 = arith.constant 16 : i32
        %mul3A_1735 = arith.muli %while3A_1283, %mul3A_1734 : i32
        %add3A_1736 = arith.constant 9 : i32
        %add3A_1737 = arith.addi %mul3A_1735, %add3A_1736 : i32
        %slice3A_1738 = vector.extract_strided_slice %get3A_1296 {offsets = [9], sizes = [1], strides = [1]} : vector<16xf32> to vector<1xf32>
        %squeeze3A_1739 = vector.extract %slice3A_1738[0] : f32 from vector<1xf32>
        %slice3A_1740 = vector.extract_strided_slice %get3A_1301 {offsets = [9], sizes = [1], strides = [1]} : vector<16xf32> to vector<1xf32>
        %squeeze3A_1741 = vector.extract %slice3A_1740[0] : f32 from vector<1xf32>
        %get3A_1742 = arith.index_cast %add3A_1737 : i32 to index
        %get3A_1743 = arith.constant 0 : index
        %get3A_1744 = tpu.vector_load %arg9[%get3A_1742, %get3A_1743] {strides = array<i32>} : memref<200x64xf32, #tpu.memory_space<vmem>>, vector<1x16xf32>,
        %get3A_1745 = vector.shape_cast %get3A_1744 : vector<1x16xf32> to vector<16xf32>
        %mul3A_1746 = vector.broadcast %squeeze3A_1739 : f32 to vector<16xf32>
        %mul3A_1747 = arith.mulf %get3A_1745, %mul3A_1746 : vector<16xf32>
        %add3A_1748 = arith.addf %add3A_1700, %mul3A_1747 : vector<16xf32>
        %mul3A_1749 = vector.broadcast %squeeze3A_1741 : f32 to vector<16xf32>
        %mul3A_1750 = arith.mulf %get3A_1745, %mul3A_1749 : vector<16xf32>
        %add3A_1751 = arith.addf %add3A_1703, %mul3A_1750 : vector<16xf32>
        %get3A_1752 = arith.index_cast %add3A_1737 : i32 to index
        %get3A_1753 = arith.constant 16 : index
        %get3A_1754 = tpu.vector_load %arg9[%get3A_1752, %get3A_1753] {strides = array<i32>} : memref<200x64xf32, #tpu.memory_space<vmem>>, vector<1x16xf32>,
        %get3A_1755 = vector.shape_cast %get3A_1754 : vector<1x16xf32> to vector<16xf32>
        %mul3A_1756 = vector.broadcast %squeeze3A_1739 : f32 to vector<16xf32>
        %mul3A_1757 = arith.mulf %get3A_1755, %mul3A_1756 : vector<16xf32>
        %add3A_1758 = arith.addf %add3A_1710, %mul3A_1757 : vector<16xf32>
        %mul3A_1759 = vector.broadcast %squeeze3A_1741 : f32 to vector<16xf32>
        %mul3A_1760 = arith.mulf %get3A_1755, %mul3A_1759 : vector<16xf32>
        %add3A_1761 = arith.addf %add3A_1713, %mul3A_1760 : vector<16xf32>
        %get3A_1762 = arith.index_cast %add3A_1737 : i32 to index
        %get3A_1763 = arith.constant 32 : index
        %get3A_1764 = tpu.vector_load %arg9[%get3A_1762, %get3A_1763] {strides = array<i32>} : memref<200x64xf32, #tpu.memory_space<vmem>>, vector<1x16xf32>,
        %get3A_1765 = vector.shape_cast %get3A_1764 : vector<1x16xf32> to vector<16xf32>
        %mul3A_1766 = vector.broadcast %squeeze3A_1739 : f32 to vector<16xf32>
        %mul3A_1767 = arith.mulf %get3A_1765, %mul3A_1766 : vector<16xf32>
        %add3A_1768 = arith.addf %add3A_1720, %mul3A_1767 : vector<16xf32>
        %mul3A_1769 = vector.broadcast %squeeze3A_1741 : f32 to vector<16xf32>
        %mul3A_1770 = arith.mulf %get3A_1765, %mul3A_1769 : vector<16xf32>
        %add3A_1771 = arith.addf %add3A_1723, %mul3A_1770 : vector<16xf32>
        %get3A_1772 = arith.index_cast %add3A_1737 : i32 to index
        %get3A_1773 = arith.constant 48 : index
        %get3A_1774 = tpu.vector_load %arg9[%get3A_1772, %get3A_1773] {strides = array<i32>} : memref<200x64xf32, #tpu.memory_space<vmem>>, vector<1x16xf32>,
        %get3A_1775 = vector.shape_cast %get3A_1774 : vector<1x16xf32> to vector<16xf32>
        %mul3A_1776 = vector.broadcast %squeeze3A_1739 : f32 to vector<16xf32>
        %mul3A_1777 = arith.mulf %get3A_1775, %mul3A_1776 : vector<16xf32>
        %add3A_1778 = arith.addf %add3A_1730, %mul3A_1777 : vector<16xf32>
        %mul3A_1779 = vector.broadcast %squeeze3A_1741 : f32 to vector<16xf32>
        %mul3A_1780 = arith.mulf %get3A_1775, %mul3A_1779 : vector<16xf32>
        %add3A_1781 = arith.addf %add3A_1733, %mul3A_1780 : vector<16xf32>
        %mul3A_1782 = arith.constant 16 : i32
        %mul3A_1783 = arith.muli %while3A_1283, %mul3A_1782 : i32
        %add3A_1784 = arith.constant 10 : i32
        %add3A_1785 = arith.addi %mul3A_1783, %add3A_1784 : i32
        %slice3A_1786 = vector.extract_strided_slice %get3A_1296 {offsets = [10], sizes = [1], strides = [1]} : vector<16xf32> to vector<1xf32>
        %squeeze3A_1787 = vector.extract %slice3A_1786[0] : f32 from vector<1xf32>
        %slice3A_1788 = vector.extract_strided_slice %get3A_1301 {offsets = [10], sizes = [1], strides = [1]} : vector<16xf32> to vector<1xf32>
        %squeeze3A_1789 = vector.extract %slice3A_1788[0] : f32 from vector<1xf32>
        %get3A_1790 = arith.index_cast %add3A_1785 : i32 to index
        %get3A_1791 = arith.constant 0 : index
        %get3A_1792 = tpu.vector_load %arg9[%get3A_1790, %get3A_1791] {strides = array<i32>} : memref<200x64xf32, #tpu.memory_space<vmem>>, vector<1x16xf32>,
        %get3A_1793 = vector.shape_cast %get3A_1792 : vector<1x16xf32> to vector<16xf32>
        %mul3A_1794 = vector.broadcast %squeeze3A_1787 : f32 to vector<16xf32>
        %mul3A_1795 = arith.mulf %get3A_1793, %mul3A_1794 : vector<16xf32>
        %add3A_1796 = arith.addf %add3A_1748, %mul3A_1795 : vector<16xf32>
        %mul3A_1797 = vector.broadcast %squeeze3A_1789 : f32 to vector<16xf32>
        %mul3A_1798 = arith.mulf %get3A_1793, %mul3A_1797 : vector<16xf32>
        %add3A_1799 = arith.addf %add3A_1751, %mul3A_1798 : vector<16xf32>
        %get3A_1800 = arith.index_cast %add3A_1785 : i32 to index
        %get3A_1801 = arith.constant 16 : index
        %get3A_1802 = tpu.vector_load %arg9[%get3A_1800, %get3A_1801] {strides = array<i32>} : memref<200x64xf32, #tpu.memory_space<vmem>>, vector<1x16xf32>,
        %get3A_1803 = vector.shape_cast %get3A_1802 : vector<1x16xf32> to vector<16xf32>
        %mul3A_1804 = vector.broadcast %squeeze3A_1787 : f32 to vector<16xf32>
        %mul3A_1805 = arith.mulf %get3A_1803, %mul3A_1804 : vector<16xf32>
        %add3A_1806 = arith.addf %add3A_1758, %mul3A_1805 : vector<16xf32>
        %mul3A_1807 = vector.broadcast %squeeze3A_1789 : f32 to vector<16xf32>
        %mul3A_1808 = arith.mulf %get3A_1803, %mul3A_1807 : vector<16xf32>
        %add3A_1809 = arith.addf %add3A_1761, %mul3A_1808 : vector<16xf32>
        %get3A_1810 = arith.index_cast %add3A_1785 : i32 to index
        %get3A_1811 = arith.constant 32 : index
        %get3A_1812 = tpu.vector_load %arg9[%get3A_1810, %get3A_1811] {strides = array<i32>} : memref<200x64xf32, #tpu.memory_space<vmem>>, vector<1x16xf32>,
        %get3A_1813 = vector.shape_cast %get3A_1812 : vector<1x16xf32> to vector<16xf32>
        %mul3A_1814 = vector.broadcast %squeeze3A_1787 : f32 to vector<16xf32>
        %mul3A_1815 = arith.mulf %get3A_1813, %mul3A_1814 : vector<16xf32>
        %add3A_1816 = arith.addf %add3A_1768, %mul3A_1815 : vector<16xf32>
        %mul3A_1817 = vector.broadcast %squeeze3A_1789 : f32 to vector<16xf32>
        %mul3A_1818 = arith.mulf %get3A_1813, %mul3A_1817 : vector<16xf32>
        %add3A_1819 = arith.addf %add3A_1771, %mul3A_1818 : vector<16xf32>
        %get3A_1820 = arith.index_cast %add3A_1785 : i32 to index
        %get3A_1821 = arith.constant 48 : index
        %get3A_1822 = tpu.vector_load %arg9[%get3A_1820, %get3A_1821] {strides = array<i32>} : memref<200x64xf32, #tpu.memory_space<vmem>>, vector<1x16xf32>,
        %get3A_1823 = vector.shape_cast %get3A_1822 : vector<1x16xf32> to vector<16xf32>
        %mul3A_1824 = vector.broadcast %squeeze3A_1787 : f32 to vector<16xf32>
        %mul3A_1825 = arith.mulf %get3A_1823, %mul3A_1824 : vector<16xf32>
        %add3A_1826 = arith.addf %add3A_1778, %mul3A_1825 : vector<16xf32>
        %mul3A_1827 = vector.broadcast %squeeze3A_1789 : f32 to vector<16xf32>
        %mul3A_1828 = arith.mulf %get3A_1823, %mul3A_1827 : vector<16xf32>
        %add3A_1829 = arith.addf %add3A_1781, %mul3A_1828 : vector<16xf32>
        %mul3A_1830 = arith.constant 16 : i32
        %mul3A_1831 = arith.muli %while3A_1283, %mul3A_1830 : i32
        %add3A_1832 = arith.constant 11 : i32
        %add3A_1833 = arith.addi %mul3A_1831, %add3A_1832 : i32
        %slice3A_1834 = vector.extract_strided_slice %get3A_1296 {offsets = [11], sizes = [1], strides = [1]} : vector<16xf32> to vector<1xf32>
        %squeeze3A_1835 = vector.extract %slice3A_1834[0] : f32 from vector<1xf32>
        %slice3A_1836 = vector.extract_strided_slice %get3A_1301 {offsets = [11], sizes = [1], strides = [1]} : vector<16xf32> to vector<1xf32>
        %squeeze3A_1837 = vector.extract %slice3A_1836[0] : f32 from vector<1xf32>
        %get3A_1838 = arith.index_cast %add3A_1833 : i32 to index
        %get3A_1839 = arith.constant 0 : index
        %get3A_1840 = tpu.vector_load %arg9[%get3A_1838, %get3A_1839] {strides = array<i32>} : memref<200x64xf32, #tpu.memory_space<vmem>>, vector<1x16xf32>,
        %get3A_1841 = vector.shape_cast %get3A_1840 : vector<1x16xf32> to vector<16xf32>
        %mul3A_1842 = vector.broadcast %squeeze3A_1835 : f32 to vector<16xf32>
        %mul3A_1843 = arith.mulf %get3A_1841, %mul3A_1842 : vector<16xf32>
        %add3A_1844 = arith.addf %add3A_1796, %mul3A_1843 : vector<16xf32>
        %mul3A_1845 = vector.broadcast %squeeze3A_1837 : f32 to vector<16xf32>
        %mul3A_1846 = arith.mulf %get3A_1841, %mul3A_1845 : vector<16xf32>
        %add3A_1847 = arith.addf %add3A_1799, %mul3A_1846 : vector<16xf32>
        %get3A_1848 = arith.index_cast %add3A_1833 : i32 to index
        %get3A_1849 = arith.constant 16 : index
        %get3A_1850 = tpu.vector_load %arg9[%get3A_1848, %get3A_1849] {strides = array<i32>} : memref<200x64xf32, #tpu.memory_space<vmem>>, vector<1x16xf32>,
        %get3A_1851 = vector.shape_cast %get3A_1850 : vector<1x16xf32> to vector<16xf32>
        %mul3A_1852 = vector.broadcast %squeeze3A_1835 : f32 to vector<16xf32>
        %mul3A_1853 = arith.mulf %get3A_1851, %mul3A_1852 : vector<16xf32>
        %add3A_1854 = arith.addf %add3A_1806, %mul3A_1853 : vector<16xf32>
        %mul3A_1855 = vector.broadcast %squeeze3A_1837 : f32 to vector<16xf32>
        %mul3A_1856 = arith.mulf %get3A_1851, %mul3A_1855 : vector<16xf32>
        %add3A_1857 = arith.addf %add3A_1809, %mul3A_1856 : vector<16xf32>
        %get3A_1858 = arith.index_cast %add3A_1833 : i32 to index
        %get3A_1859 = arith.constant 32 : index
        %get3A_1860 = tpu.vector_load %arg9[%get3A_1858, %get3A_1859] {strides = array<i32>} : memref<200x64xf32, #tpu.memory_space<vmem>>, vector<1x16xf32>,
        %get3A_1861 = vector.shape_cast %get3A_1860 : vector<1x16xf32> to vector<16xf32>
        %mul3A_1862 = vector.broadcast %squeeze3A_1835 : f32 to vector<16xf32>
        %mul3A_1863 = arith.mulf %get3A_1861, %mul3A_1862 : vector<16xf32>
        %add3A_1864 = arith.addf %add3A_1816, %mul3A_1863 : vector<16xf32>
        %mul3A_1865 = vector.broadcast %squeeze3A_1837 : f32 to vector<16xf32>
        %mul3A_1866 = arith.mulf %get3A_1861, %mul3A_1865 : vector<16xf32>
        %add3A_1867 = arith.addf %add3A_1819, %mul3A_1866 : vector<16xf32>
        %get3A_1868 = arith.index_cast %add3A_1833 : i32 to index
        %get3A_1869 = arith.constant 48 : index
        %get3A_1870 = tpu.vector_load %arg9[%get3A_1868, %get3A_1869] {strides = array<i32>} : memref<200x64xf32, #tpu.memory_space<vmem>>, vector<1x16xf32>,
        %get3A_1871 = vector.shape_cast %get3A_1870 : vector<1x16xf32> to vector<16xf32>
        %mul3A_1872 = vector.broadcast %squeeze3A_1835 : f32 to vector<16xf32>
        %mul3A_1873 = arith.mulf %get3A_1871, %mul3A_1872 : vector<16xf32>
        %add3A_1874 = arith.addf %add3A_1826, %mul3A_1873 : vector<16xf32>
        %mul3A_1875 = vector.broadcast %squeeze3A_1837 : f32 to vector<16xf32>
        %mul3A_1876 = arith.mulf %get3A_1871, %mul3A_1875 : vector<16xf32>
        %add3A_1877 = arith.addf %add3A_1829, %mul3A_1876 : vector<16xf32>
        %mul3A_1878 = arith.constant 16 : i32
        %mul3A_1879 = arith.muli %while3A_1283, %mul3A_1878 : i32
        %add3A_1880 = arith.constant 12 : i32
        %add3A_1881 = arith.addi %mul3A_1879, %add3A_1880 : i32
        %slice3A_1882 = vector.extract_strided_slice %get3A_1296 {offsets = [12], sizes = [1], strides = [1]} : vector<16xf32> to vector<1xf32>
        %squeeze3A_1883 = vector.extract %slice3A_1882[0] : f32 from vector<1xf32>
        %slice3A_1884 = vector.extract_strided_slice %get3A_1301 {offsets = [12], sizes = [1], strides = [1]} : vector<16xf32> to vector<1xf32>
        %squeeze3A_1885 = vector.extract %slice3A_1884[0] : f32 from vector<1xf32>
        %get3A_1886 = arith.index_cast %add3A_1881 : i32 to index
        %get3A_1887 = arith.constant 0 : index
        %get3A_1888 = tpu.vector_load %arg9[%get3A_1886, %get3A_1887] {strides = array<i32>} : memref<200x64xf32, #tpu.memory_space<vmem>>, vector<1x16xf32>,
        %get3A_1889 = vector.shape_cast %get3A_1888 : vector<1x16xf32> to vector<16xf32>
        %mul3A_1890 = vector.broadcast %squeeze3A_1883 : f32 to vector<16xf32>
        %mul3A_1891 = arith.mulf %get3A_1889, %mul3A_1890 : vector<16xf32>
        %add3A_1892 = arith.addf %add3A_1844, %mul3A_1891 : vector<16xf32>
        %mul3A_1893 = vector.broadcast %squeeze3A_1885 : f32 to vector<16xf32>
        %mul3A_1894 = arith.mulf %get3A_1889, %mul3A_1893 : vector<16xf32>
        %add3A_1895 = arith.addf %add3A_1847, %mul3A_1894 : vector<16xf32>
        %get3A_1896 = arith.index_cast %add3A_1881 : i32 to index
        %get3A_1897 = arith.constant 16 : index
        %get3A_1898 = tpu.vector_load %arg9[%get3A_1896, %get3A_1897] {strides = array<i32>} : memref<200x64xf32, #tpu.memory_space<vmem>>, vector<1x16xf32>,
        %get3A_1899 = vector.shape_cast %get3A_1898 : vector<1x16xf32> to vector<16xf32>
        %mul3A_1900 = vector.broadcast %squeeze3A_1883 : f32 to vector<16xf32>
        %mul3A_1901 = arith.mulf %get3A_1899, %mul3A_1900 : vector<16xf32>
        %add3A_1902 = arith.addf %add3A_1854, %mul3A_1901 : vector<16xf32>
        %mul3A_1903 = vector.broadcast %squeeze3A_1885 : f32 to vector<16xf32>
        %mul3A_1904 = arith.mulf %get3A_1899, %mul3A_1903 : vector<16xf32>
        %add3A_1905 = arith.addf %add3A_1857, %mul3A_1904 : vector<16xf32>
        %get3A_1906 = arith.index_cast %add3A_1881 : i32 to index
        %get3A_1907 = arith.constant 32 : index
        %get3A_1908 = tpu.vector_load %arg9[%get3A_1906, %get3A_1907] {strides = array<i32>} : memref<200x64xf32, #tpu.memory_space<vmem>>, vector<1x16xf32>,
        %get3A_1909 = vector.shape_cast %get3A_1908 : vector<1x16xf32> to vector<16xf32>
        %mul3A_1910 = vector.broadcast %squeeze3A_1883 : f32 to vector<16xf32>
        %mul3A_1911 = arith.mulf %get3A_1909, %mul3A_1910 : vector<16xf32>
        %add3A_1912 = arith.addf %add3A_1864, %mul3A_1911 : vector<16xf32>
        %mul3A_1913 = vector.broadcast %squeeze3A_1885 : f32 to vector<16xf32>
        %mul3A_1914 = arith.mulf %get3A_1909, %mul3A_1913 : vector<16xf32>
        %add3A_1915 = arith.addf %add3A_1867, %mul3A_1914 : vector<16xf32>
        %get3A_1916 = arith.index_cast %add3A_1881 : i32 to index
        %get3A_1917 = arith.constant 48 : index
        %get3A_1918 = tpu.vector_load %arg9[%get3A_1916, %get3A_1917] {strides = array<i32>} : memref<200x64xf32, #tpu.memory_space<vmem>>, vector<1x16xf32>,
        %get3A_1919 = vector.shape_cast %get3A_1918 : vector<1x16xf32> to vector<16xf32>
        %mul3A_1920 = vector.broadcast %squeeze3A_1883 : f32 to vector<16xf32>
        %mul3A_1921 = arith.mulf %get3A_1919, %mul3A_1920 : vector<16xf32>
        %add3A_1922 = arith.addf %add3A_1874, %mul3A_1921 : vector<16xf32>
        %mul3A_1923 = vector.broadcast %squeeze3A_1885 : f32 to vector<16xf32>
        %mul3A_1924 = arith.mulf %get3A_1919, %mul3A_1923 : vector<16xf32>
        %add3A_1925 = arith.addf %add3A_1877, %mul3A_1924 : vector<16xf32>
        %mul3A_1926 = arith.constant 16 : i32
        %mul3A_1927 = arith.muli %while3A_1283, %mul3A_1926 : i32
        %add3A_1928 = arith.constant 13 : i32
        %add3A_1929 = arith.addi %mul3A_1927, %add3A_1928 : i32
        %slice3A_1930 = vector.extract_strided_slice %get3A_1296 {offsets = [13], sizes = [1], strides = [1]} : vector<16xf32> to vector<1xf32>
        %squeeze3A_1931 = vector.extract %slice3A_1930[0] : f32 from vector<1xf32>
        %slice3A_1932 = vector.extract_strided_slice %get3A_1301 {offsets = [13], sizes = [1], strides = [1]} : vector<16xf32> to vector<1xf32>
        %squeeze3A_1933 = vector.extract %slice3A_1932[0] : f32 from vector<1xf32>
        %get3A_1934 = arith.index_cast %add3A_1929 : i32 to index
        %get3A_1935 = arith.constant 0 : index
        %get3A_1936 = tpu.vector_load %arg9[%get3A_1934, %get3A_1935] {strides = array<i32>} : memref<200x64xf32, #tpu.memory_space<vmem>>, vector<1x16xf32>,
        %get3A_1937 = vector.shape_cast %get3A_1936 : vector<1x16xf32> to vector<16xf32>
        %mul3A_1938 = vector.broadcast %squeeze3A_1931 : f32 to vector<16xf32>
        %mul3A_1939 = arith.mulf %get3A_1937, %mul3A_1938 : vector<16xf32>
        %add3A_1940 = arith.addf %add3A_1892, %mul3A_1939 : vector<16xf32>
        %mul3A_1941 = vector.broadcast %squeeze3A_1933 : f32 to vector<16xf32>
        %mul3A_1942 = arith.mulf %get3A_1937, %mul3A_1941 : vector<16xf32>
        %add3A_1943 = arith.addf %add3A_1895, %mul3A_1942 : vector<16xf32>
        %get3A_1944 = arith.index_cast %add3A_1929 : i32 to index
        %get3A_1945 = arith.constant 16 : index
        %get3A_1946 = tpu.vector_load %arg9[%get3A_1944, %get3A_1945] {strides = array<i32>} : memref<200x64xf32, #tpu.memory_space<vmem>>, vector<1x16xf32>,
        %get3A_1947 = vector.shape_cast %get3A_1946 : vector<1x16xf32> to vector<16xf32>
        %mul3A_1948 = vector.broadcast %squeeze3A_1931 : f32 to vector<16xf32>
        %mul3A_1949 = arith.mulf %get3A_1947, %mul3A_1948 : vector<16xf32>
        %add3A_1950 = arith.addf %add3A_1902, %mul3A_1949 : vector<16xf32>
        %mul3A_1951 = vector.broadcast %squeeze3A_1933 : f32 to vector<16xf32>
        %mul3A_1952 = arith.mulf %get3A_1947, %mul3A_1951 : vector<16xf32>
        %add3A_1953 = arith.addf %add3A_1905, %mul3A_1952 : vector<16xf32>
        %get3A_1954 = arith.index_cast %add3A_1929 : i32 to index
        %get3A_1955 = arith.constant 32 : index
        %get3A_1956 = tpu.vector_load %arg9[%get3A_1954, %get3A_1955] {strides = array<i32>} : memref<200x64xf32, #tpu.memory_space<vmem>>, vector<1x16xf32>,
        %get3A_1957 = vector.shape_cast %get3A_1956 : vector<1x16xf32> to vector<16xf32>
        %mul3A_1958 = vector.broadcast %squeeze3A_1931 : f32 to vector<16xf32>
        %mul3A_1959 = arith.mulf %get3A_1957, %mul3A_1958 : vector<16xf32>
        %add3A_1960 = arith.addf %add3A_1912, %mul3A_1959 : vector<16xf32>
        %mul3A_1961 = vector.broadcast %squeeze3A_1933 : f32 to vector<16xf32>
        %mul3A_1962 = arith.mulf %get3A_1957, %mul3A_1961 : vector<16xf32>
        %add3A_1963 = arith.addf %add3A_1915, %mul3A_1962 : vector<16xf32>
        %get3A_1964 = arith.index_cast %add3A_1929 : i32 to index
        %get3A_1965 = arith.constant 48 : index
        %get3A_1966 = tpu.vector_load %arg9[%get3A_1964, %get3A_1965] {strides = array<i32>} : memref<200x64xf32, #tpu.memory_space<vmem>>, vector<1x16xf32>,
        %get3A_1967 = vector.shape_cast %get3A_1966 : vector<1x16xf32> to vector<16xf32>
        %mul3A_1968 = vector.broadcast %squeeze3A_1931 : f32 to vector<16xf32>
        %mul3A_1969 = arith.mulf %get3A_1967, %mul3A_1968 : vector<16xf32>
        %add3A_1970 = arith.addf %add3A_1922, %mul3A_1969 : vector<16xf32>
        %mul3A_1971 = vector.broadcast %squeeze3A_1933 : f32 to vector<16xf32>
        %mul3A_1972 = arith.mulf %get3A_1967, %mul3A_1971 : vector<16xf32>
        %add3A_1973 = arith.addf %add3A_1925, %mul3A_1972 : vector<16xf32>
        %mul3A_1974 = arith.constant 16 : i32
        %mul3A_1975 = arith.muli %while3A_1283, %mul3A_1974 : i32
        %add3A_1976 = arith.constant 14 : i32
        %add3A_1977 = arith.addi %mul3A_1975, %add3A_1976 : i32
        %slice3A_1978 = vector.extract_strided_slice %get3A_1296 {offsets = [14], sizes = [1], strides = [1]} : vector<16xf32> to vector<1xf32>
        %squeeze3A_1979 = vector.extract %slice3A_1978[0] : f32 from vector<1xf32>
        %slice3A_1980 = vector.extract_strided_slice %get3A_1301 {offsets = [14], sizes = [1], strides = [1]} : vector<16xf32> to vector<1xf32>
        %squeeze3A_1981 = vector.extract %slice3A_1980[0] : f32 from vector<1xf32>
        %get3A_1982 = arith.index_cast %add3A_1977 : i32 to index
        %get3A_1983 = arith.constant 0 : index
        %get3A_1984 = tpu.vector_load %arg9[%get3A_1982, %get3A_1983] {strides = array<i32>} : memref<200x64xf32, #tpu.memory_space<vmem>>, vector<1x16xf32>,
        %get3A_1985 = vector.shape_cast %get3A_1984 : vector<1x16xf32> to vector<16xf32>
        %mul3A_1986 = vector.broadcast %squeeze3A_1979 : f32 to vector<16xf32>
        %mul3A_1987 = arith.mulf %get3A_1985, %mul3A_1986 : vector<16xf32>
        %add3A_1988 = arith.addf %add3A_1940, %mul3A_1987 : vector<16xf32>
        %mul3A_1989 = vector.broadcast %squeeze3A_1981 : f32 to vector<16xf32>
        %mul3A_1990 = arith.mulf %get3A_1985, %mul3A_1989 : vector<16xf32>
        %add3A_1991 = arith.addf %add3A_1943, %mul3A_1990 : vector<16xf32>
        %get3A_1992 = arith.index_cast %add3A_1977 : i32 to index
        %get3A_1993 = arith.constant 16 : index
        %get3A_1994 = tpu.vector_load %arg9[%get3A_1992, %get3A_1993] {strides = array<i32>} : memref<200x64xf32, #tpu.memory_space<vmem>>, vector<1x16xf32>,
        %get3A_1995 = vector.shape_cast %get3A_1994 : vector<1x16xf32> to vector<16xf32>
        %mul3A_1996 = vector.broadcast %squeeze3A_1979 : f32 to vector<16xf32>
        %mul3A_1997 = arith.mulf %get3A_1995, %mul3A_1996 : vector<16xf32>
        %add3A_1998 = arith.addf %add3A_1950, %mul3A_1997 : vector<16xf32>
        %mul3A_1999 = vector.broadcast %squeeze3A_1981 : f32 to vector<16xf32>
        %mul3A_2000 = arith.mulf %get3A_1995, %mul3A_1999 : vector<16xf32>
        %add3A_2001 = arith.addf %add3A_1953, %mul3A_2000 : vector<16xf32>
        %get3A_2002 = arith.index_cast %add3A_1977 : i32 to index
        %get3A_2003 = arith.constant 32 : index
        %get3A_2004 = tpu.vector_load %arg9[%get3A_2002, %get3A_2003] {strides = array<i32>} : memref<200x64xf32, #tpu.memory_space<vmem>>, vector<1x16xf32>,
        %get3A_2005 = vector.shape_cast %get3A_2004 : vector<1x16xf32> to vector<16xf32>
        %mul3A_2006 = vector.broadcast %squeeze3A_1979 : f32 to vector<16xf32>
        %mul3A_2007 = arith.mulf %get3A_2005, %mul3A_2006 : vector<16xf32>
        %add3A_2008 = arith.addf %add3A_1960, %mul3A_2007 : vector<16xf32>
        %mul3A_2009 = vector.broadcast %squeeze3A_1981 : f32 to vector<16xf32>
        %mul3A_2010 = arith.mulf %get3A_2005, %mul3A_2009 : vector<16xf32>
        %add3A_2011 = arith.addf %add3A_1963, %mul3A_2010 : vector<16xf32>
        %get3A_2012 = arith.index_cast %add3A_1977 : i32 to index
        %get3A_2013 = arith.constant 48 : index
        %get3A_2014 = tpu.vector_load %arg9[%get3A_2012, %get3A_2013] {strides = array<i32>} : memref<200x64xf32, #tpu.memory_space<vmem>>, vector<1x16xf32>,
        %get3A_2015 = vector.shape_cast %get3A_2014 : vector<1x16xf32> to vector<16xf32>
        %mul3A_2016 = vector.broadcast %squeeze3A_1979 : f32 to vector<16xf32>
        %mul3A_2017 = arith.mulf %get3A_2015, %mul3A_2016 : vector<16xf32>
        %add3A_2018 = arith.addf %add3A_1970, %mul3A_2017 : vector<16xf32>
        %mul3A_2019 = vector.broadcast %squeeze3A_1981 : f32 to vector<16xf32>
        %mul3A_2020 = arith.mulf %get3A_2015, %mul3A_2019 : vector<16xf32>
        %add3A_2021 = arith.addf %add3A_1973, %mul3A_2020 : vector<16xf32>
        %mul3A_2022 = arith.constant 16 : i32
        %mul3A_2023 = arith.muli %while3A_1283, %mul3A_2022 : i32
        %add3A_2024 = arith.constant 15 : i32
        %add3A_2025 = arith.addi %mul3A_2023, %add3A_2024 : i32
        %slice3A_2026 = vector.extract_strided_slice %get3A_1296 {offsets = [15], sizes = [1], strides = [1]} : vector<16xf32> to vector<1xf32>
        %squeeze3A_2027 = vector.extract %slice3A_2026[0] : f32 from vector<1xf32>
        %slice3A_2028 = vector.extract_strided_slice %get3A_1301 {offsets = [15], sizes = [1], strides = [1]} : vector<16xf32> to vector<1xf32>
        %squeeze3A_2029 = vector.extract %slice3A_2028[0] : f32 from vector<1xf32>
        %get3A_2030 = arith.index_cast %add3A_2025 : i32 to index
        %get3A_2031 = arith.constant 0 : index
        %get3A_2032 = tpu.vector_load %arg9[%get3A_2030, %get3A_2031] {strides = array<i32>} : memref<200x64xf32, #tpu.memory_space<vmem>>, vector<1x16xf32>,
        %get3A_2033 = vector.shape_cast %get3A_2032 : vector<1x16xf32> to vector<16xf32>
        %mul3A_2034 = vector.broadcast %squeeze3A_2027 : f32 to vector<16xf32>
        %mul3A_2035 = arith.mulf %get3A_2033, %mul3A_2034 : vector<16xf32>
        %add3A_2036 = arith.addf %add3A_1988, %mul3A_2035 : vector<16xf32>
        %mul3A_2037 = vector.broadcast %squeeze3A_2029 : f32 to vector<16xf32>
        %mul3A_2038 = arith.mulf %get3A_2033, %mul3A_2037 : vector<16xf32>
        %add3A_2039 = arith.addf %add3A_1991, %mul3A_2038 : vector<16xf32>
        %get3A_2040 = arith.index_cast %add3A_2025 : i32 to index
        %get3A_2041 = arith.constant 16 : index
        %get3A_2042 = tpu.vector_load %arg9[%get3A_2040, %get3A_2041] {strides = array<i32>} : memref<200x64xf32, #tpu.memory_space<vmem>>, vector<1x16xf32>,
        %get3A_2043 = vector.shape_cast %get3A_2042 : vector<1x16xf32> to vector<16xf32>
        %mul3A_2044 = vector.broadcast %squeeze3A_2027 : f32 to vector<16xf32>
        %mul3A_2045 = arith.mulf %get3A_2043, %mul3A_2044 : vector<16xf32>
        %add3A_2046 = arith.addf %add3A_1998, %mul3A_2045 : vector<16xf32>
        %mul3A_2047 = vector.broadcast %squeeze3A_2029 : f32 to vector<16xf32>
        %mul3A_2048 = arith.mulf %get3A_2043, %mul3A_2047 : vector<16xf32>
        %add3A_2049 = arith.addf %add3A_2001, %mul3A_2048 : vector<16xf32>
        %get3A_2050 = arith.index_cast %add3A_2025 : i32 to index
        %get3A_2051 = arith.constant 32 : index
        %get3A_2052 = tpu.vector_load %arg9[%get3A_2050, %get3A_2051] {strides = array<i32>} : memref<200x64xf32, #tpu.memory_space<vmem>>, vector<1x16xf32>,
        %get3A_2053 = vector.shape_cast %get3A_2052 : vector<1x16xf32> to vector<16xf32>
        %mul3A_2054 = vector.broadcast %squeeze3A_2027 : f32 to vector<16xf32>
        %mul3A_2055 = arith.mulf %get3A_2053, %mul3A_2054 : vector<16xf32>
        %add3A_2056 = arith.addf %add3A_2008, %mul3A_2055 : vector<16xf32>
        %mul3A_2057 = vector.broadcast %squeeze3A_2029 : f32 to vector<16xf32>
        %mul3A_2058 = arith.mulf %get3A_2053, %mul3A_2057 : vector<16xf32>
        %add3A_2059 = arith.addf %add3A_2011, %mul3A_2058 : vector<16xf32>
        %get3A_2060 = arith.index_cast %add3A_2025 : i32 to index
        %get3A_2061 = arith.constant 48 : index
        %get3A_2062 = tpu.vector_load %arg9[%get3A_2060, %get3A_2061] {strides = array<i32>} : memref<200x64xf32, #tpu.memory_space<vmem>>, vector<1x16xf32>,
        %get3A_2063 = vector.shape_cast %get3A_2062 : vector<1x16xf32> to vector<16xf32>
        %mul3A_2064 = vector.broadcast %squeeze3A_2027 : f32 to vector<16xf32>
        %mul3A_2065 = arith.mulf %get3A_2063, %mul3A_2064 : vector<16xf32>
        %add3A_2066 = arith.addf %add3A_2018, %mul3A_2065 : vector<16xf32>
        %mul3A_2067 = vector.broadcast %squeeze3A_2029 : f32 to vector<16xf32>
        %mul3A_2068 = arith.mulf %get3A_2063, %mul3A_2067 : vector<16xf32>
        %add3A_2069 = arith.addf %add3A_2021, %mul3A_2068 : vector<16xf32>
        scf.yield %add3A_2036, %add3A_2046, %add3A_2056, %add3A_2066, %add3A_2039, %add3A_2049, %add3A_2059, %add3A_2069 : vector<16xf32>, vector<16xf32>, vector<16xf32>, vector<16xf32>, vector<16xf32>, vector<16xf32>, vector<16xf32>, vector<16xf32>
      }
      %convert_element_type3A_577 = arith.sitofp %get3A_120 : vector<16xi32> to vector<16xf32>
      %slice3A_578 = vector.extract_strided_slice %convert_element_type3A_577 {offsets = [13], sizes = [1], strides = [1]} : vector<16xf32> to vector<1xf32>
      %squeeze3A_579 = vector.extract %slice3A_578[0] : f32 from vector<1xf32>
      %slice3A_580 = vector.extract_strided_slice %convert_element_type3A_577 {offsets = [14], sizes = [1], strides = [1]} : vector<16xf32> to vector<1xf32>
      %squeeze3A_581 = vector.extract %slice3A_580[0] : f32 from vector<1xf32>
      %get3A_582 = arith.constant 0 : i32
      %get3A_583 = arith.index_cast %get3A_582 : i32 to index
      %get3A_584 = arith.constant 0 : index
      %get3A_585 = tpu.vector_load %arg11[%get3A_583, %get3A_584] {strides = array<i32>} : memref<1x64xf32, #tpu.memory_space<vmem>>, vector<1x16xf32>,
      %get3A_586 = vector.shape_cast %get3A_585 : vector<1x16xf32> to vector<16xf32>
      %mul3A_587 = vector.broadcast %squeeze3A_579 : f32 to vector<16xf32>
      %mul3A_588 = arith.mulf %mul3A_587, %get3A_586 : vector<16xf32>
      %add3A_589 = arith.addf %while3A_576#0, %mul3A_588 : vector<16xf32>
      %div3A = vector.broadcast %squeeze3A_581 : f32 to vector<16xf32>
      %div3A_590 = arith.divf %add3A_589, %div3A : vector<16xf32>
      %swap3A_591 = arith.index_cast %mul3A_40 : i32 to index
      %swap3A_592 = arith.constant 0 : index
      %swap3A_593 = tpu.vector_load %arg12[%swap3A_591, %swap3A_592] {strides = array<i32>} : memref<32x64xf32, #tpu.memory_space<vmem>>, vector<1x16xf32>,
      %swap3A_594 = vector.shape_cast %swap3A_593 : vector<1x16xf32> to vector<16xf32>
      %swap3A_595 = vector.shape_cast %div3A_590 : vector<16xf32> to vector<1x16xf32>
      tpu.vector_store %arg12[%swap3A_591, %swap3A_592], %swap3A_595 {strides = array<i32>} : memref<32x64xf32, #tpu.memory_space<vmem>>, vector<1x16xf32>,
      %add3A_596 = arith.addf %while3A_576#4, %mul3A_588 : vector<16xf32>
      %div3A_597 = vector.broadcast %squeeze3A_581 : f32 to vector<16xf32>
      %div3A_598 = arith.divf %add3A_596, %div3A_597 : vector<16xf32>
      %swap3A_599 = arith.index_cast %mul3A_40 : i32 to index
      %swap3A_600 = arith.constant 0 : index
      %swap3A_601 = tpu.vector_load %arg13[%swap3A_599, %swap3A_600] {strides = array<i32>} : memref<32x64xf32, #tpu.memory_space<vmem>>, vector<1x16xf32>,
      %swap3A_602 = vector.shape_cast %swap3A_601 : vector<1x16xf32> to vector<16xf32>
      %swap3A_603 = vector.shape_cast %div3A_598 : vector<16xf32> to vector<1x16xf32>
      tpu.vector_store %arg13[%swap3A_599, %swap3A_600], %swap3A_603 {strides = array<i32>} : memref<32x64xf32, #tpu.memory_space<vmem>>, vector<1x16xf32>,
      %get3A_604 = arith.constant 0 : i32
      %get3A_605 = arith.index_cast %get3A_604 : i32 to index
      %get3A_606 = arith.constant 16 : index
      %get3A_607 = tpu.vector_load %arg11[%get3A_605, %get3A_606] {strides = array<i32>} : memref<1x64xf32, #tpu.memory_space<vmem>>, vector<1x16xf32>,
      %get3A_608 = vector.shape_cast %get3A_607 : vector<1x16xf32> to vector<16xf32>
      %mul3A_609 = vector.broadcast %squeeze3A_579 : f32 to vector<16xf32>
      %mul3A_610 = arith.mulf %mul3A_609, %get3A_608 : vector<16xf32>
      %add3A_611 = arith.addf %while3A_576#1, %mul3A_610 : vector<16xf32>
      %div3A_612 = vector.broadcast %squeeze3A_581 : f32 to vector<16xf32>
      %div3A_613 = arith.divf %add3A_611, %div3A_612 : vector<16xf32>
      %swap3A_614 = arith.index_cast %mul3A_40 : i32 to index
      %swap3A_615 = arith.constant 16 : index
      %swap3A_616 = tpu.vector_load %arg12[%swap3A_614, %swap3A_615] {strides = array<i32>} : memref<32x64xf32, #tpu.memory_space<vmem>>, vector<1x16xf32>,
      %swap3A_617 = vector.shape_cast %swap3A_616 : vector<1x16xf32> to vector<16xf32>
      %swap3A_618 = vector.shape_cast %div3A_613 : vector<16xf32> to vector<1x16xf32>
      tpu.vector_store %arg12[%swap3A_614, %swap3A_615], %swap3A_618 {strides = array<i32>} : memref<32x64xf32, #tpu.memory_space<vmem>>, vector<1x16xf32>,
      %add3A_619 = arith.addf %while3A_576#5, %mul3A_610 : vector<16xf32>
      %div3A_620 = vector.broadcast %squeeze3A_581 : f32 to vector<16xf32>
      %div3A_621 = arith.divf %add3A_619, %div3A_620 : vector<16xf32>
      %swap3A_622 = arith.index_cast %mul3A_40 : i32 to index
      %swap3A_623 = arith.constant 16 : index
      %swap3A_624 = tpu.vector_load %arg13[%swap3A_622, %swap3A_623] {strides = array<i32>} : memref<32x64xf32, #tpu.memory_space<vmem>>, vector<1x16xf32>,
      %swap3A_625 = vector.shape_cast %swap3A_624 : vector<1x16xf32> to vector<16xf32>
      %swap3A_626 = vector.shape_cast %div3A_621 : vector<16xf32> to vector<1x16xf32>
      tpu.vector_store %arg13[%swap3A_622, %swap3A_623], %swap3A_626 {strides = array<i32>} : memref<32x64xf32, #tpu.memory_space<vmem>>, vector<1x16xf32>,
      %get3A_627 = arith.constant 0 : i32
      %get3A_628 = arith.index_cast %get3A_627 : i32 to index
      %get3A_629 = arith.constant 32 : index
      %get3A_630 = tpu.vector_load %arg11[%get3A_628, %get3A_629] {strides = array<i32>} : memref<1x64xf32, #tpu.memory_space<vmem>>, vector<1x16xf32>,
      %get3A_631 = vector.shape_cast %get3A_630 : vector<1x16xf32> to vector<16xf32>
      %mul3A_632 = vector.broadcast %squeeze3A_579 : f32 to vector<16xf32>
      %mul3A_633 = arith.mulf %mul3A_632, %get3A_631 : vector<16xf32>
      %add3A_634 = arith.addf %while3A_576#2, %mul3A_633 : vector<16xf32>
      %div3A_635 = vector.broadcast %squeeze3A_581 : f32 to vector<16xf32>
      %div3A_636 = arith.divf %add3A_634, %div3A_635 : vector<16xf32>
      %swap3A_637 = arith.index_cast %mul3A_40 : i32 to index
      %swap3A_638 = arith.constant 32 : index
      %swap3A_639 = tpu.vector_load %arg12[%swap3A_637, %swap3A_638] {strides = array<i32>} : memref<32x64xf32, #tpu.memory_space<vmem>>, vector<1x16xf32>,
      %swap3A_640 = vector.shape_cast %swap3A_639 : vector<1x16xf32> to vector<16xf32>
      %swap3A_641 = vector.shape_cast %div3A_636 : vector<16xf32> to vector<1x16xf32>
      tpu.vector_store %arg12[%swap3A_637, %swap3A_638], %swap3A_641 {strides = array<i32>} : memref<32x64xf32, #tpu.memory_space<vmem>>, vector<1x16xf32>,
      %add3A_642 = arith.addf %while3A_576#6, %mul3A_633 : vector<16xf32>
      %div3A_643 = vector.broadcast %squeeze3A_581 : f32 to vector<16xf32>
      %div3A_644 = arith.divf %add3A_642, %div3A_643 : vector<16xf32>
      %swap3A_645 = arith.index_cast %mul3A_40 : i32 to index
      %swap3A_646 = arith.constant 32 : index
      %swap3A_647 = tpu.vector_load %arg13[%swap3A_645, %swap3A_646] {strides = array<i32>} : memref<32x64xf32, #tpu.memory_space<vmem>>, vector<1x16xf32>,
      %swap3A_648 = vector.shape_cast %swap3A_647 : vector<1x16xf32> to vector<16xf32>
      %swap3A_649 = vector.shape_cast %div3A_644 : vector<16xf32> to vector<1x16xf32>
      tpu.vector_store %arg13[%swap3A_645, %swap3A_646], %swap3A_649 {strides = array<i32>} : memref<32x64xf32, #tpu.memory_space<vmem>>, vector<1x16xf32>,
      %get3A_650 = arith.constant 0 : i32
      %get3A_651 = arith.index_cast %get3A_650 : i32 to index
      %get3A_652 = arith.constant 48 : index
      %get3A_653 = tpu.vector_load %arg11[%get3A_651, %get3A_652] {strides = array<i32>} : memref<1x64xf32, #tpu.memory_space<vmem>>, vector<1x16xf32>,
      %get3A_654 = vector.shape_cast %get3A_653 : vector<1x16xf32> to vector<16xf32>
      %mul3A_655 = vector.broadcast %squeeze3A_579 : f32 to vector<16xf32>
      %mul3A_656 = arith.mulf %mul3A_655, %get3A_654 : vector<16xf32>
      %add3A_657 = arith.addf %while3A_576#3, %mul3A_656 : vector<16xf32>
      %div3A_658 = vector.broadcast %squeeze3A_581 : f32 to vector<16xf32>
      %div3A_659 = arith.divf %add3A_657, %div3A_658 : vector<16xf32>
      %swap3A_660 = arith.index_cast %mul3A_40 : i32 to index
      %swap3A_661 = arith.constant 48 : index
      %swap3A_662 = tpu.vector_load %arg12[%swap3A_660, %swap3A_661] {strides = array<i32>} : memref<32x64xf32, #tpu.memory_space<vmem>>, vector<1x16xf32>,
      %swap3A_663 = vector.shape_cast %swap3A_662 : vector<1x16xf32> to vector<16xf32>
      %swap3A_664 = vector.shape_cast %div3A_659 : vector<16xf32> to vector<1x16xf32>
      tpu.vector_store %arg12[%swap3A_660, %swap3A_661], %swap3A_664 {strides = array<i32>} : memref<32x64xf32, #tpu.memory_space<vmem>>, vector<1x16xf32>,
      %add3A_665 = arith.addf %while3A_576#7, %mul3A_656 : vector<16xf32>
      %div3A_666 = vector.broadcast %squeeze3A_581 : f32 to vector<16xf32>
      %div3A_667 = arith.divf %add3A_665, %div3A_666 : vector<16xf32>
      %swap3A_668 = arith.index_cast %mul3A_40 : i32 to index
      %swap3A_669 = arith.constant 48 : index
      %swap3A_670 = tpu.vector_load %arg13[%swap3A_668, %swap3A_669] {strides = array<i32>} : memref<32x64xf32, #tpu.memory_space<vmem>>, vector<1x16xf32>,
      %swap3A_671 = vector.shape_cast %swap3A_670 : vector<1x16xf32> to vector<16xf32>
      %swap3A_672 = vector.shape_cast %div3A_667 : vector<16xf32> to vector<1x16xf32>
      tpu.vector_store %arg13[%swap3A_668, %swap3A_669], %swap3A_672 {strides = array<i32>} : memref<32x64xf32, #tpu.memory_space<vmem>>, vector<1x16xf32>,
      %lt3A = arith.constant 15 : i32
      %lt3A_673 = arith.cmpi slt, %scan3A_37, %lt3A : i32
      %convert_element_type3A_674 = arith.extui %lt3A_673 : i1 to i32
      %cond3A_675 = arith.constant 0 : i32
      %cond3A_676 = arith.cmpi ne, %convert_element_type3A_674, %cond3A_675 : i32
      scf.if %cond3A_676 {
        %add3A_1283 = arith.constant 2 : i32
        %add3A_1284 = arith.addi %mul3A_40, %add3A_1283 : i32
        %get3A_1285 = arith.index_cast %add3A_1284 : i32 to index
        %get3A_1286 = arith.constant 16 : index
        %get3A_1287 = tpu.vector_load %arg8[%get3A_1285, %get3A_1286] {strides = array<i32>} : memref<32x32xi32, #tpu.memory_space<vmem>>, vector<1x16xi32>,
        %get3A_1288 = vector.shape_cast %get3A_1287 : vector<1x16xi32> to vector<16xi32>
        %slice3A_1289 = vector.extract_strided_slice %get3A_1288 {offsets = [14], sizes = [1], strides = [1]} : vector<16xi32> to vector<1xi32>
        %squeeze3A_1290 = vector.extract %slice3A_1289[0] : i32 from vector<1xi32>
        %le3A_1291 = arith.constant 64 : i32
        %le3A_1292 = arith.cmpi sle, %squeeze3A_1290, %le3A_1291 : i32
        %convert_element_type3A_1293 = arith.extui %le3A_1292 : i1 to i32
        %cond3A_1294 = arith.constant 0 : i32
        %cond3A_1295 = arith.cmpi ne, %convert_element_type3A_1293, %cond3A_1294 : i32
        scf.if %cond3A_1295 {
          %dma_start3A = arith.constant 0 : i32
          %dma_start3A_1320 = arith.constant 0 : i32
          %dma_start3A_1321 = tpu.memref_slice %arg9[%dma_start3A, %dma_start3A_1320] : memref<200x64xf32, #tpu.memory_space<vmem>> -> memref<64x64xf32, #tpu.memory_space<vmem>>
          %dma_start3A_1322 = arith.constant 0 : i32
          %dma_start3A_1323 = tpu.memref_slice %arg7[%add3A_1284, %dma_start3A_1322] : memref<32x200xi32, #tpu.memory_space<vmem>> -> memref<1x64xi32, #tpu.memory_space<vmem>>
          %dma_start3A_1324 = tpu.memref_squeeze %dma_start3A_1323 : memref<1x64xi32, #tpu.memory_space<vmem>> -> memref<64xi32, #tpu.memory_space<vmem>>
          %dma_start3A_1325 = arith.constant 0 : i32
          %dma_start3A_1326 = arith.constant 0 : i32
          %dma_start3A_1327 = tpu.memref_slice %arg4[%dma_start3A_1325, %dma_start3A_1326] : memref<100001x64xf32, #tpu.memory_space<hbm>> -> memref<100001x64xf32, #tpu.memory_space<hbm>>
          tpu.enqueue_indirect_dma source(%dma_start3A_1327 : memref<100001x64xf32, #tpu.memory_space<hbm>>) target(%dma_start3A_1321 : memref<64x64xf32, #tpu.memory_space<vmem>>) offsets(%dma_start3A_1324 : memref<64xi32, #tpu.memory_space<vmem>>) semaphore(%arg16 : memref<!tpu.dma_semaphore, #tpu.memory_space<semaphore_mem>>)
        } else {
        }
        %gt3A_1296 = arith.constant 64 : i32
        %gt3A_1297 = arith.cmpi sgt, %squeeze3A_1290, %gt3A_1296 : i32
        %le3A_1298 = arith.constant 112 : i32
        %le3A_1299 = arith.cmpi sle, %squeeze3A_1290, %le3A_1298 : i32
        %and3A_1300 = arith.andi %gt3A_1297, %le3A_1299 : i1
        %convert_element_type3A_1301 = arith.extui %and3A_1300 : i1 to i32
        %cond3A_1302 = arith.constant 0 : i32
        %cond3A_1303 = arith.cmpi ne, %convert_element_type3A_1301, %cond3A_1302 : i32
        scf.if %cond3A_1303 {
          %dma_start3A = arith.constant 0 : i32
          %dma_start3A_1320 = arith.constant 0 : i32
          %dma_start3A_1321 = tpu.memref_slice %arg9[%dma_start3A, %dma_start3A_1320] : memref<200x64xf32, #tpu.memory_space<vmem>> -> memref<112x64xf32, #tpu.memory_space<vmem>>
          %dma_start3A_1322 = arith.constant 0 : i32
          %dma_start3A_1323 = tpu.memref_slice %arg7[%add3A_1284, %dma_start3A_1322] : memref<32x200xi32, #tpu.memory_space<vmem>> -> memref<1x112xi32, #tpu.memory_space<vmem>>
          %dma_start3A_1324 = tpu.memref_squeeze %dma_start3A_1323 : memref<1x112xi32, #tpu.memory_space<vmem>> -> memref<112xi32, #tpu.memory_space<vmem>>
          %dma_start3A_1325 = arith.constant 0 : i32
          %dma_start3A_1326 = arith.constant 0 : i32
          %dma_start3A_1327 = tpu.memref_slice %arg4[%dma_start3A_1325, %dma_start3A_1326] : memref<100001x64xf32, #tpu.memory_space<hbm>> -> memref<100001x64xf32, #tpu.memory_space<hbm>>
          tpu.enqueue_indirect_dma source(%dma_start3A_1327 : memref<100001x64xf32, #tpu.memory_space<hbm>>) target(%dma_start3A_1321 : memref<112x64xf32, #tpu.memory_space<vmem>>) offsets(%dma_start3A_1324 : memref<112xi32, #tpu.memory_space<vmem>>) semaphore(%arg16 : memref<!tpu.dma_semaphore, #tpu.memory_space<semaphore_mem>>)
        } else {
        }
        %gt3A_1304 = arith.constant 112 : i32
        %gt3A_1305 = arith.cmpi sgt, %squeeze3A_1290, %gt3A_1304 : i32
        %le3A_1306 = arith.constant 160 : i32
        %le3A_1307 = arith.cmpi sle, %squeeze3A_1290, %le3A_1306 : i32
        %and3A_1308 = arith.andi %gt3A_1305, %le3A_1307 : i1
        %convert_element_type3A_1309 = arith.extui %and3A_1308 : i1 to i32
        %cond3A_1310 = arith.constant 0 : i32
        %cond3A_1311 = arith.cmpi ne, %convert_element_type3A_1309, %cond3A_1310 : i32
        scf.if %cond3A_1311 {
          %dma_start3A = arith.constant 0 : i32
          %dma_start3A_1320 = arith.constant 0 : i32
          %dma_start3A_1321 = tpu.memref_slice %arg9[%dma_start3A, %dma_start3A_1320] : memref<200x64xf32, #tpu.memory_space<vmem>> -> memref<160x64xf32, #tpu.memory_space<vmem>>
          %dma_start3A_1322 = arith.constant 0 : i32
          %dma_start3A_1323 = tpu.memref_slice %arg7[%add3A_1284, %dma_start3A_1322] : memref<32x200xi32, #tpu.memory_space<vmem>> -> memref<1x160xi32, #tpu.memory_space<vmem>>
          %dma_start3A_1324 = tpu.memref_squeeze %dma_start3A_1323 : memref<1x160xi32, #tpu.memory_space<vmem>> -> memref<160xi32, #tpu.memory_space<vmem>>
          %dma_start3A_1325 = arith.constant 0 : i32
          %dma_start3A_1326 = arith.constant 0 : i32
          %dma_start3A_1327 = tpu.memref_slice %arg4[%dma_start3A_1325, %dma_start3A_1326] : memref<100001x64xf32, #tpu.memory_space<hbm>> -> memref<100001x64xf32, #tpu.memory_space<hbm>>
          tpu.enqueue_indirect_dma source(%dma_start3A_1327 : memref<100001x64xf32, #tpu.memory_space<hbm>>) target(%dma_start3A_1321 : memref<160x64xf32, #tpu.memory_space<vmem>>) offsets(%dma_start3A_1324 : memref<160xi32, #tpu.memory_space<vmem>>) semaphore(%arg16 : memref<!tpu.dma_semaphore, #tpu.memory_space<semaphore_mem>>)
        } else {
        }
        %gt3A_1312 = arith.constant 160 : i32
        %gt3A_1313 = arith.cmpi sgt, %squeeze3A_1290, %gt3A_1312 : i32
        %le3A_1314 = arith.constant 200 : i32
        %le3A_1315 = arith.cmpi sle, %squeeze3A_1290, %le3A_1314 : i32
        %and3A_1316 = arith.andi %gt3A_1313, %le3A_1315 : i1
        %convert_element_type3A_1317 = arith.extui %and3A_1316 : i1 to i32
        %cond3A_1318 = arith.constant 0 : i32
        %cond3A_1319 = arith.cmpi ne, %convert_element_type3A_1317, %cond3A_1318 : i32
        scf.if %cond3A_1319 {
          %dma_start3A = arith.constant 0 : i32
          %dma_start3A_1320 = arith.constant 0 : i32
          %dma_start3A_1321 = tpu.memref_slice %arg9[%dma_start3A, %dma_start3A_1320] : memref<200x64xf32, #tpu.memory_space<vmem>> -> memref<200x64xf32, #tpu.memory_space<vmem>>
          %dma_start3A_1322 = arith.constant 0 : i32
          %dma_start3A_1323 = tpu.memref_slice %arg7[%add3A_1284, %dma_start3A_1322] : memref<32x200xi32, #tpu.memory_space<vmem>> -> memref<1x200xi32, #tpu.memory_space<vmem>>
          %dma_start3A_1324 = tpu.memref_squeeze %dma_start3A_1323 : memref<1x200xi32, #tpu.memory_space<vmem>> -> memref<200xi32, #tpu.memory_space<vmem>>
          %dma_start3A_1325 = arith.constant 0 : i32
          %dma_start3A_1326 = arith.constant 0 : i32
          %dma_start3A_1327 = tpu.memref_slice %arg4[%dma_start3A_1325, %dma_start3A_1326] : memref<100001x64xf32, #tpu.memory_space<hbm>> -> memref<100001x64xf32, #tpu.memory_space<hbm>>
          tpu.enqueue_indirect_dma source(%dma_start3A_1327 : memref<100001x64xf32, #tpu.memory_space<hbm>>) target(%dma_start3A_1321 : memref<200x64xf32, #tpu.memory_space<vmem>>) offsets(%dma_start3A_1324 : memref<200xi32, #tpu.memory_space<vmem>>) semaphore(%arg16 : memref<!tpu.dma_semaphore, #tpu.memory_space<semaphore_mem>>)
        } else {
        }
      } else {
      }
      %add3A_677 = arith.constant 1 : i32
      %add3A_678 = arith.addi %mul3A_40, %add3A_677 : i32
      %get3A_679 = arith.index_cast %add3A_678 : i32 to index
      %get3A_680 = arith.constant 16 : index
      %get3A_681 = tpu.vector_load %arg8[%get3A_679, %get3A_680] {strides = array<i32>} : memref<32x32xi32, #tpu.memory_space<vmem>>, vector<1x16xi32>,
      %get3A_682 = vector.shape_cast %get3A_681 : vector<1x16xi32> to vector<16xi32>
      %slice3A_683 = vector.extract_strided_slice %get3A_682 {offsets = [14], sizes = [1], strides = [1]} : vector<16xi32> to vector<1xi32>
      %squeeze3A_684 = vector.extract %slice3A_683[0] : i32 from vector<1xi32>
      %le3A_685 = arith.constant 64 : i32
      %le3A_686 = arith.cmpi sle, %squeeze3A_684, %le3A_685 : i32
      %convert_element_type3A_687 = arith.extui %le3A_686 : i1 to i32
      %cond3A_688 = arith.constant 0 : i32
      %cond3A_689 = arith.cmpi ne, %convert_element_type3A_687, %cond3A_688 : i32
      scf.if %cond3A_689 {
        %dma_wait3A = arith.constant 0 : i32
        %dma_wait3A_1283 = arith.constant 0 : i32
        %dma_wait3A_1284 = tpu.memref_slice %arg10[%dma_wait3A, %dma_wait3A_1283] : memref<200x64xf32, #tpu.memory_space<vmem>> -> memref<64x64xf32, #tpu.memory_space<vmem>>
        %dma_wait3A_1285 = arith.constant 0 : i32
        %dma_wait3A_1286 = tpu.memref_slice %arg7[%add3A_678, %dma_wait3A_1285] : memref<32x200xi32, #tpu.memory_space<vmem>> -> memref<1x64xi32, #tpu.memory_space<vmem>>
        %dma_wait3A_1287 = tpu.memref_squeeze %dma_wait3A_1286 : memref<1x64xi32, #tpu.memory_space<vmem>> -> memref<64xi32, #tpu.memory_space<vmem>>
        %dma_wait3A_1288 = arith.constant 0 : i32
        %dma_wait3A_1289 = arith.constant 0 : i32
        %dma_wait3A_1290 = tpu.memref_slice %arg4[%dma_wait3A_1288, %dma_wait3A_1289] : memref<100001x64xf32, #tpu.memory_space<hbm>> -> memref<100001x64xf32, #tpu.memory_space<hbm>>
        tpu.wait_indirect_dma semaphore(%arg17 : memref<!tpu.dma_semaphore, #tpu.memory_space<semaphore_mem>>) src(%dma_wait3A_1290 : memref<100001x64xf32, #tpu.memory_space<hbm>>) dst(%dma_wait3A_1284 : memref<64x64xf32, #tpu.memory_space<vmem>>)
      } else {
      }
      %gt3A_690 = arith.constant 64 : i32
      %gt3A_691 = arith.cmpi sgt, %squeeze3A_684, %gt3A_690 : i32
      %le3A_692 = arith.constant 112 : i32
      %le3A_693 = arith.cmpi sle, %squeeze3A_684, %le3A_692 : i32
      %and3A_694 = arith.andi %gt3A_691, %le3A_693 : i1
      %convert_element_type3A_695 = arith.extui %and3A_694 : i1 to i32
      %cond3A_696 = arith.constant 0 : i32
      %cond3A_697 = arith.cmpi ne, %convert_element_type3A_695, %cond3A_696 : i32
      scf.if %cond3A_697 {
        %dma_wait3A = arith.constant 0 : i32
        %dma_wait3A_1283 = arith.constant 0 : i32
        %dma_wait3A_1284 = tpu.memref_slice %arg10[%dma_wait3A, %dma_wait3A_1283] : memref<200x64xf32, #tpu.memory_space<vmem>> -> memref<112x64xf32, #tpu.memory_space<vmem>>
        %dma_wait3A_1285 = arith.constant 0 : i32
        %dma_wait3A_1286 = tpu.memref_slice %arg7[%add3A_678, %dma_wait3A_1285] : memref<32x200xi32, #tpu.memory_space<vmem>> -> memref<1x112xi32, #tpu.memory_space<vmem>>
        %dma_wait3A_1287 = tpu.memref_squeeze %dma_wait3A_1286 : memref<1x112xi32, #tpu.memory_space<vmem>> -> memref<112xi32, #tpu.memory_space<vmem>>
        %dma_wait3A_1288 = arith.constant 0 : i32
        %dma_wait3A_1289 = arith.constant 0 : i32
        %dma_wait3A_1290 = tpu.memref_slice %arg4[%dma_wait3A_1288, %dma_wait3A_1289] : memref<100001x64xf32, #tpu.memory_space<hbm>> -> memref<100001x64xf32, #tpu.memory_space<hbm>>
        tpu.wait_indirect_dma semaphore(%arg17 : memref<!tpu.dma_semaphore, #tpu.memory_space<semaphore_mem>>) src(%dma_wait3A_1290 : memref<100001x64xf32, #tpu.memory_space<hbm>>) dst(%dma_wait3A_1284 : memref<112x64xf32, #tpu.memory_space<vmem>>)
      } else {
      }
      %gt3A_698 = arith.constant 112 : i32
      %gt3A_699 = arith.cmpi sgt, %squeeze3A_684, %gt3A_698 : i32
      %le3A_700 = arith.constant 160 : i32
      %le3A_701 = arith.cmpi sle, %squeeze3A_684, %le3A_700 : i32
      %and3A_702 = arith.andi %gt3A_699, %le3A_701 : i1
      %convert_element_type3A_703 = arith.extui %and3A_702 : i1 to i32
      %cond3A_704 = arith.constant 0 : i32
      %cond3A_705 = arith.cmpi ne, %convert_element_type3A_703, %cond3A_704 : i32
      scf.if %cond3A_705 {
        %dma_wait3A = arith.constant 0 : i32
        %dma_wait3A_1283 = arith.constant 0 : i32
        %dma_wait3A_1284 = tpu.memref_slice %arg10[%dma_wait3A, %dma_wait3A_1283] : memref<200x64xf32, #tpu.memory_space<vmem>> -> memref<160x64xf32, #tpu.memory_space<vmem>>
        %dma_wait3A_1285 = arith.constant 0 : i32
        %dma_wait3A_1286 = tpu.memref_slice %arg7[%add3A_678, %dma_wait3A_1285] : memref<32x200xi32, #tpu.memory_space<vmem>> -> memref<1x160xi32, #tpu.memory_space<vmem>>
        %dma_wait3A_1287 = tpu.memref_squeeze %dma_wait3A_1286 : memref<1x160xi32, #tpu.memory_space<vmem>> -> memref<160xi32, #tpu.memory_space<vmem>>
        %dma_wait3A_1288 = arith.constant 0 : i32
        %dma_wait3A_1289 = arith.constant 0 : i32
        %dma_wait3A_1290 = tpu.memref_slice %arg4[%dma_wait3A_1288, %dma_wait3A_1289] : memref<100001x64xf32, #tpu.memory_space<hbm>> -> memref<100001x64xf32, #tpu.memory_space<hbm>>
        tpu.wait_indirect_dma semaphore(%arg17 : memref<!tpu.dma_semaphore, #tpu.memory_space<semaphore_mem>>) src(%dma_wait3A_1290 : memref<100001x64xf32, #tpu.memory_space<hbm>>) dst(%dma_wait3A_1284 : memref<160x64xf32, #tpu.memory_space<vmem>>)
      } else {
      }
      %gt3A_706 = arith.constant 160 : i32
      %gt3A_707 = arith.cmpi sgt, %squeeze3A_684, %gt3A_706 : i32
      %le3A_708 = arith.constant 200 : i32
      %le3A_709 = arith.cmpi sle, %squeeze3A_684, %le3A_708 : i32
      %and3A_710 = arith.andi %gt3A_707, %le3A_709 : i1
      %convert_element_type3A_711 = arith.extui %and3A_710 : i1 to i32
      %cond3A_712 = arith.constant 0 : i32
      %cond3A_713 = arith.cmpi ne, %convert_element_type3A_711, %cond3A_712 : i32
      scf.if %cond3A_713 {
        %dma_wait3A = arith.constant 0 : i32
        %dma_wait3A_1283 = arith.constant 0 : i32
        %dma_wait3A_1284 = tpu.memref_slice %arg10[%dma_wait3A, %dma_wait3A_1283] : memref<200x64xf32, #tpu.memory_space<vmem>> -> memref<200x64xf32, #tpu.memory_space<vmem>>
        %dma_wait3A_1285 = arith.constant 0 : i32
        %dma_wait3A_1286 = tpu.memref_slice %arg7[%add3A_678, %dma_wait3A_1285] : memref<32x200xi32, #tpu.memory_space<vmem>> -> memref<1x200xi32, #tpu.memory_space<vmem>>
        %dma_wait3A_1287 = tpu.memref_squeeze %dma_wait3A_1286 : memref<1x200xi32, #tpu.memory_space<vmem>> -> memref<200xi32, #tpu.memory_space<vmem>>
        %dma_wait3A_1288 = arith.constant 0 : i32
        %dma_wait3A_1289 = arith.constant 0 : i32
        %dma_wait3A_1290 = tpu.memref_slice %arg4[%dma_wait3A_1288, %dma_wait3A_1289] : memref<100001x64xf32, #tpu.memory_space<hbm>> -> memref<100001x64xf32, #tpu.memory_space<hbm>>
        tpu.wait_indirect_dma semaphore(%arg17 : memref<!tpu.dma_semaphore, #tpu.memory_space<semaphore_mem>>) src(%dma_wait3A_1290 : memref<100001x64xf32, #tpu.memory_space<hbm>>) dst(%dma_wait3A_1284 : memref<200x64xf32, #tpu.memory_space<vmem>>)
      } else {
      }
      %add3A_714 = arith.constant 1 : i32
      %add3A_715 = arith.addi %mul3A_40, %add3A_714 : i32
      %get3A_716 = arith.index_cast %add3A_715 : i32 to index
      %get3A_717 = arith.constant 0 : index
      %get3A_718 = tpu.vector_load %arg8[%get3A_716, %get3A_717] {strides = array<i32>} : memref<32x32xi32, #tpu.memory_space<vmem>>, vector<1x16xi32>,
      %get3A_719 = vector.shape_cast %get3A_718 : vector<1x16xi32> to vector<16xi32>
      %get3A_720 = arith.index_cast %add3A_715 : i32 to index
      %get3A_721 = arith.constant 16 : index
      %get3A_722 = tpu.vector_load %arg8[%get3A_720, %get3A_721] {strides = array<i32>} : memref<32x32xi32, #tpu.memory_space<vmem>>, vector<1x16xi32>,
      %get3A_723 = vector.shape_cast %get3A_722 : vector<1x16xi32> to vector<16xi32>
      %slice3A_724 = vector.extract_strided_slice %get3A_719 {offsets = [0], sizes = [1], strides = [1]} : vector<16xi32> to vector<1xi32>
      %squeeze3A_725 = vector.extract %slice3A_724[0] : i32 from vector<1xi32>
      %slice3A_726 = vector.extract_strided_slice %get3A_723 {offsets = [0], sizes = [1], strides = [1]} : vector<16xi32> to vector<1xi32>
      %squeeze3A_727 = vector.extract %slice3A_726[0] : i32 from vector<1xi32>
      %shift_right_arithmetic3A_728 = vector.broadcast %squeeze3A_725 : i32 to vector<16xi32>
      %shift_right_arithmetic3A_729 = arith.shrsi %shift_right_arithmetic3A_728, %iota3A : vector<16xi32>
      %and3A_730 = arith.constant 1 : i32
      %and3A_731 = vector.broadcast %and3A_730 : i32 to vector<16xi32>
      %and3A_732 = arith.andi %shift_right_arithmetic3A_729, %and3A_731 : vector<16xi32>
      %add3A_733 = arith.constant 16 : i32
      %add3A_734 = vector.broadcast %add3A_733 : i32 to vector<16xi32>
      %add3A_735 = arith.addi %iota3A, %add3A_734 : vector<16xi32>
      %shift_right_arithmetic3A_736 = vector.broadcast %squeeze3A_725 : i32 to vector<16xi32>
      %shift_right_arithmetic3A_737 = arith.shrsi %shift_right_arithmetic3A_736, %add3A_735 : vector<16xi32>
      %and3A_738 = arith.constant 1 : i32
      %and3A_739 = vector.broadcast %and3A_738 : i32 to vector<16xi32>
      %and3A_740 = arith.andi %shift_right_arithmetic3A_737, %and3A_739 : vector<16xi32>
      %sub3A_741 = arith.subi %and3A_732, %and3A_740 : vector<16xi32>
      %convert_element_type3A_742 = arith.sitofp %sub3A_741 : vector<16xi32> to vector<16xf32>
      %swap3A_743 = arith.constant 0 : index
      %swap3A_744 = tpu.vector_load %arg14[%swap3A_743] {strides = array<i32>} : memref<208xf32, #tpu.memory_space<vmem>>, vector<16xf32>,
      %swap3A_745 = vector.shape_cast %swap3A_744 : vector<16xf32> to vector<16xf32>
      %swap3A_746 = vector.shape_cast %convert_element_type3A_742 : vector<16xf32> to vector<16xf32>
      tpu.vector_store %arg14[%swap3A_743], %swap3A_746 {strides = array<i32>} : memref<208xf32, #tpu.memory_space<vmem>>, vector<16xf32>,
      %shift_right_arithmetic3A_747 = vector.broadcast %squeeze3A_727 : i32 to vector<16xi32>
      %shift_right_arithmetic3A_748 = arith.shrsi %shift_right_arithmetic3A_747, %iota3A : vector<16xi32>
      %and3A_749 = arith.constant 1 : i32
      %and3A_750 = vector.broadcast %and3A_749 : i32 to vector<16xi32>
      %and3A_751 = arith.andi %shift_right_arithmetic3A_748, %and3A_750 : vector<16xi32>
      %sub3A_752 = arith.subi %and3A_732, %and3A_751 : vector<16xi32>
      %convert_element_type3A_753 = arith.sitofp %sub3A_752 : vector<16xi32> to vector<16xf32>
      %swap3A_754 = arith.constant 0 : index
      %swap3A_755 = tpu.vector_load %arg15[%swap3A_754] {strides = array<i32>} : memref<208xf32, #tpu.memory_space<vmem>>, vector<16xf32>,
      %swap3A_756 = vector.shape_cast %swap3A_755 : vector<16xf32> to vector<16xf32>
      %swap3A_757 = vector.shape_cast %convert_element_type3A_753 : vector<16xf32> to vector<16xf32>
      tpu.vector_store %arg15[%swap3A_754], %swap3A_757 {strides = array<i32>} : memref<208xf32, #tpu.memory_space<vmem>>, vector<16xf32>,
      %slice3A_758 = vector.extract_strided_slice %get3A_719 {offsets = [1], sizes = [1], strides = [1]} : vector<16xi32> to vector<1xi32>
      %squeeze3A_759 = vector.extract %slice3A_758[0] : i32 from vector<1xi32>
      %slice3A_760 = vector.extract_strided_slice %get3A_723 {offsets = [1], sizes = [1], strides = [1]} : vector<16xi32> to vector<1xi32>
      %squeeze3A_761 = vector.extract %slice3A_760[0] : i32 from vector<1xi32>
      %shift_right_arithmetic3A_762 = vector.broadcast %squeeze3A_759 : i32 to vector<16xi32>
      %shift_right_arithmetic3A_763 = arith.shrsi %shift_right_arithmetic3A_762, %iota3A : vector<16xi32>
      %and3A_764 = arith.constant 1 : i32
      %and3A_765 = vector.broadcast %and3A_764 : i32 to vector<16xi32>
      %and3A_766 = arith.andi %shift_right_arithmetic3A_763, %and3A_765 : vector<16xi32>
      %add3A_767 = arith.constant 16 : i32
      %add3A_768 = vector.broadcast %add3A_767 : i32 to vector<16xi32>
      %add3A_769 = arith.addi %iota3A, %add3A_768 : vector<16xi32>
      %shift_right_arithmetic3A_770 = vector.broadcast %squeeze3A_759 : i32 to vector<16xi32>
      %shift_right_arithmetic3A_771 = arith.shrsi %shift_right_arithmetic3A_770, %add3A_769 : vector<16xi32>
      %and3A_772 = arith.constant 1 : i32
      %and3A_773 = vector.broadcast %and3A_772 : i32 to vector<16xi32>
      %and3A_774 = arith.andi %shift_right_arithmetic3A_771, %and3A_773 : vector<16xi32>
      %sub3A_775 = arith.subi %and3A_766, %and3A_774 : vector<16xi32>
      %convert_element_type3A_776 = arith.sitofp %sub3A_775 : vector<16xi32> to vector<16xf32>
      %swap3A_777 = arith.constant 16 : index
      %swap3A_778 = tpu.vector_load %arg14[%swap3A_777] {strides = array<i32>} : memref<208xf32, #tpu.memory_space<vmem>>, vector<16xf32>,
      %swap3A_779 = vector.shape_cast %swap3A_778 : vector<16xf32> to vector<16xf32>
      %swap3A_780 = vector.shape_cast %convert_element_type3A_776 : vector<16xf32> to vector<16xf32>
      tpu.vector_store %arg14[%swap3A_777], %swap3A_780 {strides = array<i32>} : memref<208xf32, #tpu.memory_space<vmem>>, vector<16xf32>,
      %shift_right_arithmetic3A_781 = vector.broadcast %squeeze3A_761 : i32 to vector<16xi32>
      %shift_right_arithmetic3A_782 = arith.shrsi %shift_right_arithmetic3A_781, %iota3A : vector<16xi32>
      %and3A_783 = arith.constant 1 : i32
      %and3A_784 = vector.broadcast %and3A_783 : i32 to vector<16xi32>
      %and3A_785 = arith.andi %shift_right_arithmetic3A_782, %and3A_784 : vector<16xi32>
      %sub3A_786 = arith.subi %and3A_766, %and3A_785 : vector<16xi32>
      %convert_element_type3A_787 = arith.sitofp %sub3A_786 : vector<16xi32> to vector<16xf32>
      %swap3A_788 = arith.constant 16 : index
      %swap3A_789 = tpu.vector_load %arg15[%swap3A_788] {strides = array<i32>} : memref<208xf32, #tpu.memory_space<vmem>>, vector<16xf32>,
      %swap3A_790 = vector.shape_cast %swap3A_789 : vector<16xf32> to vector<16xf32>
      %swap3A_791 = vector.shape_cast %convert_element_type3A_787 : vector<16xf32> to vector<16xf32>
      tpu.vector_store %arg15[%swap3A_788], %swap3A_791 {strides = array<i32>} : memref<208xf32, #tpu.memory_space<vmem>>, vector<16xf32>,
      %slice3A_792 = vector.extract_strided_slice %get3A_719 {offsets = [2], sizes = [1], strides = [1]} : vector<16xi32> to vector<1xi32>
      %squeeze3A_793 = vector.extract %slice3A_792[0] : i32 from vector<1xi32>
      %slice3A_794 = vector.extract_strided_slice %get3A_723 {offsets = [2], sizes = [1], strides = [1]} : vector<16xi32> to vector<1xi32>
      %squeeze3A_795 = vector.extract %slice3A_794[0] : i32 from vector<1xi32>
      %shift_right_arithmetic3A_796 = vector.broadcast %squeeze3A_793 : i32 to vector<16xi32>
      %shift_right_arithmetic3A_797 = arith.shrsi %shift_right_arithmetic3A_796, %iota3A : vector<16xi32>
      %and3A_798 = arith.constant 1 : i32
      %and3A_799 = vector.broadcast %and3A_798 : i32 to vector<16xi32>
      %and3A_800 = arith.andi %shift_right_arithmetic3A_797, %and3A_799 : vector<16xi32>
      %add3A_801 = arith.constant 16 : i32
      %add3A_802 = vector.broadcast %add3A_801 : i32 to vector<16xi32>
      %add3A_803 = arith.addi %iota3A, %add3A_802 : vector<16xi32>
      %shift_right_arithmetic3A_804 = vector.broadcast %squeeze3A_793 : i32 to vector<16xi32>
      %shift_right_arithmetic3A_805 = arith.shrsi %shift_right_arithmetic3A_804, %add3A_803 : vector<16xi32>
      %and3A_806 = arith.constant 1 : i32
      %and3A_807 = vector.broadcast %and3A_806 : i32 to vector<16xi32>
      %and3A_808 = arith.andi %shift_right_arithmetic3A_805, %and3A_807 : vector<16xi32>
      %sub3A_809 = arith.subi %and3A_800, %and3A_808 : vector<16xi32>
      %convert_element_type3A_810 = arith.sitofp %sub3A_809 : vector<16xi32> to vector<16xf32>
      %swap3A_811 = arith.constant 32 : index
      %swap3A_812 = tpu.vector_load %arg14[%swap3A_811] {strides = array<i32>} : memref<208xf32, #tpu.memory_space<vmem>>, vector<16xf32>,
      %swap3A_813 = vector.shape_cast %swap3A_812 : vector<16xf32> to vector<16xf32>
      %swap3A_814 = vector.shape_cast %convert_element_type3A_810 : vector<16xf32> to vector<16xf32>
      tpu.vector_store %arg14[%swap3A_811], %swap3A_814 {strides = array<i32>} : memref<208xf32, #tpu.memory_space<vmem>>, vector<16xf32>,
      %shift_right_arithmetic3A_815 = vector.broadcast %squeeze3A_795 : i32 to vector<16xi32>
      %shift_right_arithmetic3A_816 = arith.shrsi %shift_right_arithmetic3A_815, %iota3A : vector<16xi32>
      %and3A_817 = arith.constant 1 : i32
      %and3A_818 = vector.broadcast %and3A_817 : i32 to vector<16xi32>
      %and3A_819 = arith.andi %shift_right_arithmetic3A_816, %and3A_818 : vector<16xi32>
      %sub3A_820 = arith.subi %and3A_800, %and3A_819 : vector<16xi32>
      %convert_element_type3A_821 = arith.sitofp %sub3A_820 : vector<16xi32> to vector<16xf32>
      %swap3A_822 = arith.constant 32 : index
      %swap3A_823 = tpu.vector_load %arg15[%swap3A_822] {strides = array<i32>} : memref<208xf32, #tpu.memory_space<vmem>>, vector<16xf32>,
      %swap3A_824 = vector.shape_cast %swap3A_823 : vector<16xf32> to vector<16xf32>
      %swap3A_825 = vector.shape_cast %convert_element_type3A_821 : vector<16xf32> to vector<16xf32>
      tpu.vector_store %arg15[%swap3A_822], %swap3A_825 {strides = array<i32>} : memref<208xf32, #tpu.memory_space<vmem>>, vector<16xf32>,
      %slice3A_826 = vector.extract_strided_slice %get3A_719 {offsets = [3], sizes = [1], strides = [1]} : vector<16xi32> to vector<1xi32>
      %squeeze3A_827 = vector.extract %slice3A_826[0] : i32 from vector<1xi32>
      %slice3A_828 = vector.extract_strided_slice %get3A_723 {offsets = [3], sizes = [1], strides = [1]} : vector<16xi32> to vector<1xi32>
      %squeeze3A_829 = vector.extract %slice3A_828[0] : i32 from vector<1xi32>
      %shift_right_arithmetic3A_830 = vector.broadcast %squeeze3A_827 : i32 to vector<16xi32>
      %shift_right_arithmetic3A_831 = arith.shrsi %shift_right_arithmetic3A_830, %iota3A : vector<16xi32>
      %and3A_832 = arith.constant 1 : i32
      %and3A_833 = vector.broadcast %and3A_832 : i32 to vector<16xi32>
      %and3A_834 = arith.andi %shift_right_arithmetic3A_831, %and3A_833 : vector<16xi32>
      %add3A_835 = arith.constant 16 : i32
      %add3A_836 = vector.broadcast %add3A_835 : i32 to vector<16xi32>
      %add3A_837 = arith.addi %iota3A, %add3A_836 : vector<16xi32>
      %shift_right_arithmetic3A_838 = vector.broadcast %squeeze3A_827 : i32 to vector<16xi32>
      %shift_right_arithmetic3A_839 = arith.shrsi %shift_right_arithmetic3A_838, %add3A_837 : vector<16xi32>
      %and3A_840 = arith.constant 1 : i32
      %and3A_841 = vector.broadcast %and3A_840 : i32 to vector<16xi32>
      %and3A_842 = arith.andi %shift_right_arithmetic3A_839, %and3A_841 : vector<16xi32>
      %sub3A_843 = arith.subi %and3A_834, %and3A_842 : vector<16xi32>
      %convert_element_type3A_844 = arith.sitofp %sub3A_843 : vector<16xi32> to vector<16xf32>
      %swap3A_845 = arith.constant 48 : index
      %swap3A_846 = tpu.vector_load %arg14[%swap3A_845] {strides = array<i32>} : memref<208xf32, #tpu.memory_space<vmem>>, vector<16xf32>,
      %swap3A_847 = vector.shape_cast %swap3A_846 : vector<16xf32> to vector<16xf32>
      %swap3A_848 = vector.shape_cast %convert_element_type3A_844 : vector<16xf32> to vector<16xf32>
      tpu.vector_store %arg14[%swap3A_845], %swap3A_848 {strides = array<i32>} : memref<208xf32, #tpu.memory_space<vmem>>, vector<16xf32>,
      %shift_right_arithmetic3A_849 = vector.broadcast %squeeze3A_829 : i32 to vector<16xi32>
      %shift_right_arithmetic3A_850 = arith.shrsi %shift_right_arithmetic3A_849, %iota3A : vector<16xi32>
      %and3A_851 = arith.constant 1 : i32
      %and3A_852 = vector.broadcast %and3A_851 : i32 to vector<16xi32>
      %and3A_853 = arith.andi %shift_right_arithmetic3A_850, %and3A_852 : vector<16xi32>
      %sub3A_854 = arith.subi %and3A_834, %and3A_853 : vector<16xi32>
      %convert_element_type3A_855 = arith.sitofp %sub3A_854 : vector<16xi32> to vector<16xf32>
      %swap3A_856 = arith.constant 48 : index
      %swap3A_857 = tpu.vector_load %arg15[%swap3A_856] {strides = array<i32>} : memref<208xf32, #tpu.memory_space<vmem>>, vector<16xf32>,
      %swap3A_858 = vector.shape_cast %swap3A_857 : vector<16xf32> to vector<16xf32>
      %swap3A_859 = vector.shape_cast %convert_element_type3A_855 : vector<16xf32> to vector<16xf32>
      tpu.vector_store %arg15[%swap3A_856], %swap3A_859 {strides = array<i32>} : memref<208xf32, #tpu.memory_space<vmem>>, vector<16xf32>,
      %slice3A_860 = vector.extract_strided_slice %get3A_719 {offsets = [4], sizes = [1], strides = [1]} : vector<16xi32> to vector<1xi32>
      %squeeze3A_861 = vector.extract %slice3A_860[0] : i32 from vector<1xi32>
      %slice3A_862 = vector.extract_strided_slice %get3A_723 {offsets = [4], sizes = [1], strides = [1]} : vector<16xi32> to vector<1xi32>
      %squeeze3A_863 = vector.extract %slice3A_862[0] : i32 from vector<1xi32>
      %shift_right_arithmetic3A_864 = vector.broadcast %squeeze3A_861 : i32 to vector<16xi32>
      %shift_right_arithmetic3A_865 = arith.shrsi %shift_right_arithmetic3A_864, %iota3A : vector<16xi32>
      %and3A_866 = arith.constant 1 : i32
      %and3A_867 = vector.broadcast %and3A_866 : i32 to vector<16xi32>
      %and3A_868 = arith.andi %shift_right_arithmetic3A_865, %and3A_867 : vector<16xi32>
      %add3A_869 = arith.constant 16 : i32
      %add3A_870 = vector.broadcast %add3A_869 : i32 to vector<16xi32>
      %add3A_871 = arith.addi %iota3A, %add3A_870 : vector<16xi32>
      %shift_right_arithmetic3A_872 = vector.broadcast %squeeze3A_861 : i32 to vector<16xi32>
      %shift_right_arithmetic3A_873 = arith.shrsi %shift_right_arithmetic3A_872, %add3A_871 : vector<16xi32>
      %and3A_874 = arith.constant 1 : i32
      %and3A_875 = vector.broadcast %and3A_874 : i32 to vector<16xi32>
      %and3A_876 = arith.andi %shift_right_arithmetic3A_873, %and3A_875 : vector<16xi32>
      %sub3A_877 = arith.subi %and3A_868, %and3A_876 : vector<16xi32>
      %convert_element_type3A_878 = arith.sitofp %sub3A_877 : vector<16xi32> to vector<16xf32>
      %swap3A_879 = arith.constant 64 : index
      %swap3A_880 = tpu.vector_load %arg14[%swap3A_879] {strides = array<i32>} : memref<208xf32, #tpu.memory_space<vmem>>, vector<16xf32>,
      %swap3A_881 = vector.shape_cast %swap3A_880 : vector<16xf32> to vector<16xf32>
      %swap3A_882 = vector.shape_cast %convert_element_type3A_878 : vector<16xf32> to vector<16xf32>
      tpu.vector_store %arg14[%swap3A_879], %swap3A_882 {strides = array<i32>} : memref<208xf32, #tpu.memory_space<vmem>>, vector<16xf32>,
      %shift_right_arithmetic3A_883 = vector.broadcast %squeeze3A_863 : i32 to vector<16xi32>
      %shift_right_arithmetic3A_884 = arith.shrsi %shift_right_arithmetic3A_883, %iota3A : vector<16xi32>
      %and3A_885 = arith.constant 1 : i32
      %and3A_886 = vector.broadcast %and3A_885 : i32 to vector<16xi32>
      %and3A_887 = arith.andi %shift_right_arithmetic3A_884, %and3A_886 : vector<16xi32>
      %sub3A_888 = arith.subi %and3A_868, %and3A_887 : vector<16xi32>
      %convert_element_type3A_889 = arith.sitofp %sub3A_888 : vector<16xi32> to vector<16xf32>
      %swap3A_890 = arith.constant 64 : index
      %swap3A_891 = tpu.vector_load %arg15[%swap3A_890] {strides = array<i32>} : memref<208xf32, #tpu.memory_space<vmem>>, vector<16xf32>,
      %swap3A_892 = vector.shape_cast %swap3A_891 : vector<16xf32> to vector<16xf32>
      %swap3A_893 = vector.shape_cast %convert_element_type3A_889 : vector<16xf32> to vector<16xf32>
      tpu.vector_store %arg15[%swap3A_890], %swap3A_893 {strides = array<i32>} : memref<208xf32, #tpu.memory_space<vmem>>, vector<16xf32>,
      %slice3A_894 = vector.extract_strided_slice %get3A_719 {offsets = [5], sizes = [1], strides = [1]} : vector<16xi32> to vector<1xi32>
      %squeeze3A_895 = vector.extract %slice3A_894[0] : i32 from vector<1xi32>
      %slice3A_896 = vector.extract_strided_slice %get3A_723 {offsets = [5], sizes = [1], strides = [1]} : vector<16xi32> to vector<1xi32>
      %squeeze3A_897 = vector.extract %slice3A_896[0] : i32 from vector<1xi32>
      %shift_right_arithmetic3A_898 = vector.broadcast %squeeze3A_895 : i32 to vector<16xi32>
      %shift_right_arithmetic3A_899 = arith.shrsi %shift_right_arithmetic3A_898, %iota3A : vector<16xi32>
      %and3A_900 = arith.constant 1 : i32
      %and3A_901 = vector.broadcast %and3A_900 : i32 to vector<16xi32>
      %and3A_902 = arith.andi %shift_right_arithmetic3A_899, %and3A_901 : vector<16xi32>
      %add3A_903 = arith.constant 16 : i32
      %add3A_904 = vector.broadcast %add3A_903 : i32 to vector<16xi32>
      %add3A_905 = arith.addi %iota3A, %add3A_904 : vector<16xi32>
      %shift_right_arithmetic3A_906 = vector.broadcast %squeeze3A_895 : i32 to vector<16xi32>
      %shift_right_arithmetic3A_907 = arith.shrsi %shift_right_arithmetic3A_906, %add3A_905 : vector<16xi32>
      %and3A_908 = arith.constant 1 : i32
      %and3A_909 = vector.broadcast %and3A_908 : i32 to vector<16xi32>
      %and3A_910 = arith.andi %shift_right_arithmetic3A_907, %and3A_909 : vector<16xi32>
      %sub3A_911 = arith.subi %and3A_902, %and3A_910 : vector<16xi32>
      %convert_element_type3A_912 = arith.sitofp %sub3A_911 : vector<16xi32> to vector<16xf32>
      %swap3A_913 = arith.constant 80 : index
      %swap3A_914 = tpu.vector_load %arg14[%swap3A_913] {strides = array<i32>} : memref<208xf32, #tpu.memory_space<vmem>>, vector<16xf32>,
      %swap3A_915 = vector.shape_cast %swap3A_914 : vector<16xf32> to vector<16xf32>
      %swap3A_916 = vector.shape_cast %convert_element_type3A_912 : vector<16xf32> to vector<16xf32>
      tpu.vector_store %arg14[%swap3A_913], %swap3A_916 {strides = array<i32>} : memref<208xf32, #tpu.memory_space<vmem>>, vector<16xf32>,
      %shift_right_arithmetic3A_917 = vector.broadcast %squeeze3A_897 : i32 to vector<16xi32>
      %shift_right_arithmetic3A_918 = arith.shrsi %shift_right_arithmetic3A_917, %iota3A : vector<16xi32>
      %and3A_919 = arith.constant 1 : i32
      %and3A_920 = vector.broadcast %and3A_919 : i32 to vector<16xi32>
      %and3A_921 = arith.andi %shift_right_arithmetic3A_918, %and3A_920 : vector<16xi32>
      %sub3A_922 = arith.subi %and3A_902, %and3A_921 : vector<16xi32>
      %convert_element_type3A_923 = arith.sitofp %sub3A_922 : vector<16xi32> to vector<16xf32>
      %swap3A_924 = arith.constant 80 : index
      %swap3A_925 = tpu.vector_load %arg15[%swap3A_924] {strides = array<i32>} : memref<208xf32, #tpu.memory_space<vmem>>, vector<16xf32>,
      %swap3A_926 = vector.shape_cast %swap3A_925 : vector<16xf32> to vector<16xf32>
      %swap3A_927 = vector.shape_cast %convert_element_type3A_923 : vector<16xf32> to vector<16xf32>
      tpu.vector_store %arg15[%swap3A_924], %swap3A_927 {strides = array<i32>} : memref<208xf32, #tpu.memory_space<vmem>>, vector<16xf32>,
      %slice3A_928 = vector.extract_strided_slice %get3A_719 {offsets = [6], sizes = [1], strides = [1]} : vector<16xi32> to vector<1xi32>
      %squeeze3A_929 = vector.extract %slice3A_928[0] : i32 from vector<1xi32>
      %slice3A_930 = vector.extract_strided_slice %get3A_723 {offsets = [6], sizes = [1], strides = [1]} : vector<16xi32> to vector<1xi32>
      %squeeze3A_931 = vector.extract %slice3A_930[0] : i32 from vector<1xi32>
      %shift_right_arithmetic3A_932 = vector.broadcast %squeeze3A_929 : i32 to vector<16xi32>
      %shift_right_arithmetic3A_933 = arith.shrsi %shift_right_arithmetic3A_932, %iota3A : vector<16xi32>
      %and3A_934 = arith.constant 1 : i32
      %and3A_935 = vector.broadcast %and3A_934 : i32 to vector<16xi32>
      %and3A_936 = arith.andi %shift_right_arithmetic3A_933, %and3A_935 : vector<16xi32>
      %add3A_937 = arith.constant 16 : i32
      %add3A_938 = vector.broadcast %add3A_937 : i32 to vector<16xi32>
      %add3A_939 = arith.addi %iota3A, %add3A_938 : vector<16xi32>
      %shift_right_arithmetic3A_940 = vector.broadcast %squeeze3A_929 : i32 to vector<16xi32>
      %shift_right_arithmetic3A_941 = arith.shrsi %shift_right_arithmetic3A_940, %add3A_939 : vector<16xi32>
      %and3A_942 = arith.constant 1 : i32
      %and3A_943 = vector.broadcast %and3A_942 : i32 to vector<16xi32>
      %and3A_944 = arith.andi %shift_right_arithmetic3A_941, %and3A_943 : vector<16xi32>
      %sub3A_945 = arith.subi %and3A_936, %and3A_944 : vector<16xi32>
      %convert_element_type3A_946 = arith.sitofp %sub3A_945 : vector<16xi32> to vector<16xf32>
      %swap3A_947 = arith.constant 96 : index
      %swap3A_948 = tpu.vector_load %arg14[%swap3A_947] {strides = array<i32>} : memref<208xf32, #tpu.memory_space<vmem>>, vector<16xf32>,
      %swap3A_949 = vector.shape_cast %swap3A_948 : vector<16xf32> to vector<16xf32>
      %swap3A_950 = vector.shape_cast %convert_element_type3A_946 : vector<16xf32> to vector<16xf32>
      tpu.vector_store %arg14[%swap3A_947], %swap3A_950 {strides = array<i32>} : memref<208xf32, #tpu.memory_space<vmem>>, vector<16xf32>,
      %shift_right_arithmetic3A_951 = vector.broadcast %squeeze3A_931 : i32 to vector<16xi32>
      %shift_right_arithmetic3A_952 = arith.shrsi %shift_right_arithmetic3A_951, %iota3A : vector<16xi32>
      %and3A_953 = arith.constant 1 : i32
      %and3A_954 = vector.broadcast %and3A_953 : i32 to vector<16xi32>
      %and3A_955 = arith.andi %shift_right_arithmetic3A_952, %and3A_954 : vector<16xi32>
      %sub3A_956 = arith.subi %and3A_936, %and3A_955 : vector<16xi32>
      %convert_element_type3A_957 = arith.sitofp %sub3A_956 : vector<16xi32> to vector<16xf32>
      %swap3A_958 = arith.constant 96 : index
      %swap3A_959 = tpu.vector_load %arg15[%swap3A_958] {strides = array<i32>} : memref<208xf32, #tpu.memory_space<vmem>>, vector<16xf32>,
      %swap3A_960 = vector.shape_cast %swap3A_959 : vector<16xf32> to vector<16xf32>
      %swap3A_961 = vector.shape_cast %convert_element_type3A_957 : vector<16xf32> to vector<16xf32>
      tpu.vector_store %arg15[%swap3A_958], %swap3A_961 {strides = array<i32>} : memref<208xf32, #tpu.memory_space<vmem>>, vector<16xf32>,
      %slice3A_962 = vector.extract_strided_slice %get3A_719 {offsets = [7], sizes = [1], strides = [1]} : vector<16xi32> to vector<1xi32>
      %squeeze3A_963 = vector.extract %slice3A_962[0] : i32 from vector<1xi32>
      %slice3A_964 = vector.extract_strided_slice %get3A_723 {offsets = [7], sizes = [1], strides = [1]} : vector<16xi32> to vector<1xi32>
      %squeeze3A_965 = vector.extract %slice3A_964[0] : i32 from vector<1xi32>
      %shift_right_arithmetic3A_966 = vector.broadcast %squeeze3A_963 : i32 to vector<16xi32>
      %shift_right_arithmetic3A_967 = arith.shrsi %shift_right_arithmetic3A_966, %iota3A : vector<16xi32>
      %and3A_968 = arith.constant 1 : i32
      %and3A_969 = vector.broadcast %and3A_968 : i32 to vector<16xi32>
      %and3A_970 = arith.andi %shift_right_arithmetic3A_967, %and3A_969 : vector<16xi32>
      %add3A_971 = arith.constant 16 : i32
      %add3A_972 = vector.broadcast %add3A_971 : i32 to vector<16xi32>
      %add3A_973 = arith.addi %iota3A, %add3A_972 : vector<16xi32>
      %shift_right_arithmetic3A_974 = vector.broadcast %squeeze3A_963 : i32 to vector<16xi32>
      %shift_right_arithmetic3A_975 = arith.shrsi %shift_right_arithmetic3A_974, %add3A_973 : vector<16xi32>
      %and3A_976 = arith.constant 1 : i32
      %and3A_977 = vector.broadcast %and3A_976 : i32 to vector<16xi32>
      %and3A_978 = arith.andi %shift_right_arithmetic3A_975, %and3A_977 : vector<16xi32>
      %sub3A_979 = arith.subi %and3A_970, %and3A_978 : vector<16xi32>
      %convert_element_type3A_980 = arith.sitofp %sub3A_979 : vector<16xi32> to vector<16xf32>
      %swap3A_981 = arith.constant 112 : index
      %swap3A_982 = tpu.vector_load %arg14[%swap3A_981] {strides = array<i32>} : memref<208xf32, #tpu.memory_space<vmem>>, vector<16xf32>,
      %swap3A_983 = vector.shape_cast %swap3A_982 : vector<16xf32> to vector<16xf32>
      %swap3A_984 = vector.shape_cast %convert_element_type3A_980 : vector<16xf32> to vector<16xf32>
      tpu.vector_store %arg14[%swap3A_981], %swap3A_984 {strides = array<i32>} : memref<208xf32, #tpu.memory_space<vmem>>, vector<16xf32>,
      %shift_right_arithmetic3A_985 = vector.broadcast %squeeze3A_965 : i32 to vector<16xi32>
      %shift_right_arithmetic3A_986 = arith.shrsi %shift_right_arithmetic3A_985, %iota3A : vector<16xi32>
      %and3A_987 = arith.constant 1 : i32
      %and3A_988 = vector.broadcast %and3A_987 : i32 to vector<16xi32>
      %and3A_989 = arith.andi %shift_right_arithmetic3A_986, %and3A_988 : vector<16xi32>
      %sub3A_990 = arith.subi %and3A_970, %and3A_989 : vector<16xi32>
      %convert_element_type3A_991 = arith.sitofp %sub3A_990 : vector<16xi32> to vector<16xf32>
      %swap3A_992 = arith.constant 112 : index
      %swap3A_993 = tpu.vector_load %arg15[%swap3A_992] {strides = array<i32>} : memref<208xf32, #tpu.memory_space<vmem>>, vector<16xf32>,
      %swap3A_994 = vector.shape_cast %swap3A_993 : vector<16xf32> to vector<16xf32>
      %swap3A_995 = vector.shape_cast %convert_element_type3A_991 : vector<16xf32> to vector<16xf32>
      tpu.vector_store %arg15[%swap3A_992], %swap3A_995 {strides = array<i32>} : memref<208xf32, #tpu.memory_space<vmem>>, vector<16xf32>,
      %slice3A_996 = vector.extract_strided_slice %get3A_719 {offsets = [8], sizes = [1], strides = [1]} : vector<16xi32> to vector<1xi32>
      %squeeze3A_997 = vector.extract %slice3A_996[0] : i32 from vector<1xi32>
      %slice3A_998 = vector.extract_strided_slice %get3A_723 {offsets = [8], sizes = [1], strides = [1]} : vector<16xi32> to vector<1xi32>
      %squeeze3A_999 = vector.extract %slice3A_998[0] : i32 from vector<1xi32>
      %shift_right_arithmetic3A_1000 = vector.broadcast %squeeze3A_997 : i32 to vector<16xi32>
      %shift_right_arithmetic3A_1001 = arith.shrsi %shift_right_arithmetic3A_1000, %iota3A : vector<16xi32>
      %and3A_1002 = arith.constant 1 : i32
      %and3A_1003 = vector.broadcast %and3A_1002 : i32 to vector<16xi32>
      %and3A_1004 = arith.andi %shift_right_arithmetic3A_1001, %and3A_1003 : vector<16xi32>
      %add3A_1005 = arith.constant 16 : i32
      %add3A_1006 = vector.broadcast %add3A_1005 : i32 to vector<16xi32>
      %add3A_1007 = arith.addi %iota3A, %add3A_1006 : vector<16xi32>
      %shift_right_arithmetic3A_1008 = vector.broadcast %squeeze3A_997 : i32 to vector<16xi32>
      %shift_right_arithmetic3A_1009 = arith.shrsi %shift_right_arithmetic3A_1008, %add3A_1007 : vector<16xi32>
      %and3A_1010 = arith.constant 1 : i32
      %and3A_1011 = vector.broadcast %and3A_1010 : i32 to vector<16xi32>
      %and3A_1012 = arith.andi %shift_right_arithmetic3A_1009, %and3A_1011 : vector<16xi32>
      %sub3A_1013 = arith.subi %and3A_1004, %and3A_1012 : vector<16xi32>
      %convert_element_type3A_1014 = arith.sitofp %sub3A_1013 : vector<16xi32> to vector<16xf32>
      %swap3A_1015 = arith.constant 128 : index
      %swap3A_1016 = tpu.vector_load %arg14[%swap3A_1015] {strides = array<i32>} : memref<208xf32, #tpu.memory_space<vmem>>, vector<16xf32>,
      %swap3A_1017 = vector.shape_cast %swap3A_1016 : vector<16xf32> to vector<16xf32>
      %swap3A_1018 = vector.shape_cast %convert_element_type3A_1014 : vector<16xf32> to vector<16xf32>
      tpu.vector_store %arg14[%swap3A_1015], %swap3A_1018 {strides = array<i32>} : memref<208xf32, #tpu.memory_space<vmem>>, vector<16xf32>,
      %shift_right_arithmetic3A_1019 = vector.broadcast %squeeze3A_999 : i32 to vector<16xi32>
      %shift_right_arithmetic3A_1020 = arith.shrsi %shift_right_arithmetic3A_1019, %iota3A : vector<16xi32>
      %and3A_1021 = arith.constant 1 : i32
      %and3A_1022 = vector.broadcast %and3A_1021 : i32 to vector<16xi32>
      %and3A_1023 = arith.andi %shift_right_arithmetic3A_1020, %and3A_1022 : vector<16xi32>
      %sub3A_1024 = arith.subi %and3A_1004, %and3A_1023 : vector<16xi32>
      %convert_element_type3A_1025 = arith.sitofp %sub3A_1024 : vector<16xi32> to vector<16xf32>
      %swap3A_1026 = arith.constant 128 : index
      %swap3A_1027 = tpu.vector_load %arg15[%swap3A_1026] {strides = array<i32>} : memref<208xf32, #tpu.memory_space<vmem>>, vector<16xf32>,
      %swap3A_1028 = vector.shape_cast %swap3A_1027 : vector<16xf32> to vector<16xf32>
      %swap3A_1029 = vector.shape_cast %convert_element_type3A_1025 : vector<16xf32> to vector<16xf32>
      tpu.vector_store %arg15[%swap3A_1026], %swap3A_1029 {strides = array<i32>} : memref<208xf32, #tpu.memory_space<vmem>>, vector<16xf32>,
      %slice3A_1030 = vector.extract_strided_slice %get3A_719 {offsets = [9], sizes = [1], strides = [1]} : vector<16xi32> to vector<1xi32>
      %squeeze3A_1031 = vector.extract %slice3A_1030[0] : i32 from vector<1xi32>
      %slice3A_1032 = vector.extract_strided_slice %get3A_723 {offsets = [9], sizes = [1], strides = [1]} : vector<16xi32> to vector<1xi32>
      %squeeze3A_1033 = vector.extract %slice3A_1032[0] : i32 from vector<1xi32>
      %shift_right_arithmetic3A_1034 = vector.broadcast %squeeze3A_1031 : i32 to vector<16xi32>
      %shift_right_arithmetic3A_1035 = arith.shrsi %shift_right_arithmetic3A_1034, %iota3A : vector<16xi32>
      %and3A_1036 = arith.constant 1 : i32
      %and3A_1037 = vector.broadcast %and3A_1036 : i32 to vector<16xi32>
      %and3A_1038 = arith.andi %shift_right_arithmetic3A_1035, %and3A_1037 : vector<16xi32>
      %add3A_1039 = arith.constant 16 : i32
      %add3A_1040 = vector.broadcast %add3A_1039 : i32 to vector<16xi32>
      %add3A_1041 = arith.addi %iota3A, %add3A_1040 : vector<16xi32>
      %shift_right_arithmetic3A_1042 = vector.broadcast %squeeze3A_1031 : i32 to vector<16xi32>
      %shift_right_arithmetic3A_1043 = arith.shrsi %shift_right_arithmetic3A_1042, %add3A_1041 : vector<16xi32>
      %and3A_1044 = arith.constant 1 : i32
      %and3A_1045 = vector.broadcast %and3A_1044 : i32 to vector<16xi32>
      %and3A_1046 = arith.andi %shift_right_arithmetic3A_1043, %and3A_1045 : vector<16xi32>
      %sub3A_1047 = arith.subi %and3A_1038, %and3A_1046 : vector<16xi32>
      %convert_element_type3A_1048 = arith.sitofp %sub3A_1047 : vector<16xi32> to vector<16xf32>
      %swap3A_1049 = arith.constant 144 : index
      %swap3A_1050 = tpu.vector_load %arg14[%swap3A_1049] {strides = array<i32>} : memref<208xf32, #tpu.memory_space<vmem>>, vector<16xf32>,
      %swap3A_1051 = vector.shape_cast %swap3A_1050 : vector<16xf32> to vector<16xf32>
      %swap3A_1052 = vector.shape_cast %convert_element_type3A_1048 : vector<16xf32> to vector<16xf32>
      tpu.vector_store %arg14[%swap3A_1049], %swap3A_1052 {strides = array<i32>} : memref<208xf32, #tpu.memory_space<vmem>>, vector<16xf32>,
      %shift_right_arithmetic3A_1053 = vector.broadcast %squeeze3A_1033 : i32 to vector<16xi32>
      %shift_right_arithmetic3A_1054 = arith.shrsi %shift_right_arithmetic3A_1053, %iota3A : vector<16xi32>
      %and3A_1055 = arith.constant 1 : i32
      %and3A_1056 = vector.broadcast %and3A_1055 : i32 to vector<16xi32>
      %and3A_1057 = arith.andi %shift_right_arithmetic3A_1054, %and3A_1056 : vector<16xi32>
      %sub3A_1058 = arith.subi %and3A_1038, %and3A_1057 : vector<16xi32>
      %convert_element_type3A_1059 = arith.sitofp %sub3A_1058 : vector<16xi32> to vector<16xf32>
      %swap3A_1060 = arith.constant 144 : index
      %swap3A_1061 = tpu.vector_load %arg15[%swap3A_1060] {strides = array<i32>} : memref<208xf32, #tpu.memory_space<vmem>>, vector<16xf32>,
      %swap3A_1062 = vector.shape_cast %swap3A_1061 : vector<16xf32> to vector<16xf32>
      %swap3A_1063 = vector.shape_cast %convert_element_type3A_1059 : vector<16xf32> to vector<16xf32>
      tpu.vector_store %arg15[%swap3A_1060], %swap3A_1063 {strides = array<i32>} : memref<208xf32, #tpu.memory_space<vmem>>, vector<16xf32>,
      %slice3A_1064 = vector.extract_strided_slice %get3A_719 {offsets = [10], sizes = [1], strides = [1]} : vector<16xi32> to vector<1xi32>
      %squeeze3A_1065 = vector.extract %slice3A_1064[0] : i32 from vector<1xi32>
      %slice3A_1066 = vector.extract_strided_slice %get3A_723 {offsets = [10], sizes = [1], strides = [1]} : vector<16xi32> to vector<1xi32>
      %squeeze3A_1067 = vector.extract %slice3A_1066[0] : i32 from vector<1xi32>
      %shift_right_arithmetic3A_1068 = vector.broadcast %squeeze3A_1065 : i32 to vector<16xi32>
      %shift_right_arithmetic3A_1069 = arith.shrsi %shift_right_arithmetic3A_1068, %iota3A : vector<16xi32>
      %and3A_1070 = arith.constant 1 : i32
      %and3A_1071 = vector.broadcast %and3A_1070 : i32 to vector<16xi32>
      %and3A_1072 = arith.andi %shift_right_arithmetic3A_1069, %and3A_1071 : vector<16xi32>
      %add3A_1073 = arith.constant 16 : i32
      %add3A_1074 = vector.broadcast %add3A_1073 : i32 to vector<16xi32>
      %add3A_1075 = arith.addi %iota3A, %add3A_1074 : vector<16xi32>
      %shift_right_arithmetic3A_1076 = vector.broadcast %squeeze3A_1065 : i32 to vector<16xi32>
      %shift_right_arithmetic3A_1077 = arith.shrsi %shift_right_arithmetic3A_1076, %add3A_1075 : vector<16xi32>
      %and3A_1078 = arith.constant 1 : i32
      %and3A_1079 = vector.broadcast %and3A_1078 : i32 to vector<16xi32>
      %and3A_1080 = arith.andi %shift_right_arithmetic3A_1077, %and3A_1079 : vector<16xi32>
      %sub3A_1081 = arith.subi %and3A_1072, %and3A_1080 : vector<16xi32>
      %convert_element_type3A_1082 = arith.sitofp %sub3A_1081 : vector<16xi32> to vector<16xf32>
      %swap3A_1083 = arith.constant 160 : index
      %swap3A_1084 = tpu.vector_load %arg14[%swap3A_1083] {strides = array<i32>} : memref<208xf32, #tpu.memory_space<vmem>>, vector<16xf32>,
      %swap3A_1085 = vector.shape_cast %swap3A_1084 : vector<16xf32> to vector<16xf32>
      %swap3A_1086 = vector.shape_cast %convert_element_type3A_1082 : vector<16xf32> to vector<16xf32>
      tpu.vector_store %arg14[%swap3A_1083], %swap3A_1086 {strides = array<i32>} : memref<208xf32, #tpu.memory_space<vmem>>, vector<16xf32>,
      %shift_right_arithmetic3A_1087 = vector.broadcast %squeeze3A_1067 : i32 to vector<16xi32>
      %shift_right_arithmetic3A_1088 = arith.shrsi %shift_right_arithmetic3A_1087, %iota3A : vector<16xi32>
      %and3A_1089 = arith.constant 1 : i32
      %and3A_1090 = vector.broadcast %and3A_1089 : i32 to vector<16xi32>
      %and3A_1091 = arith.andi %shift_right_arithmetic3A_1088, %and3A_1090 : vector<16xi32>
      %sub3A_1092 = arith.subi %and3A_1072, %and3A_1091 : vector<16xi32>
      %convert_element_type3A_1093 = arith.sitofp %sub3A_1092 : vector<16xi32> to vector<16xf32>
      %swap3A_1094 = arith.constant 160 : index
      %swap3A_1095 = tpu.vector_load %arg15[%swap3A_1094] {strides = array<i32>} : memref<208xf32, #tpu.memory_space<vmem>>, vector<16xf32>,
      %swap3A_1096 = vector.shape_cast %swap3A_1095 : vector<16xf32> to vector<16xf32>
      %swap3A_1097 = vector.shape_cast %convert_element_type3A_1093 : vector<16xf32> to vector<16xf32>
      tpu.vector_store %arg15[%swap3A_1094], %swap3A_1097 {strides = array<i32>} : memref<208xf32, #tpu.memory_space<vmem>>, vector<16xf32>,
      %slice3A_1098 = vector.extract_strided_slice %get3A_719 {offsets = [11], sizes = [1], strides = [1]} : vector<16xi32> to vector<1xi32>
      %squeeze3A_1099 = vector.extract %slice3A_1098[0] : i32 from vector<1xi32>
      %slice3A_1100 = vector.extract_strided_slice %get3A_723 {offsets = [11], sizes = [1], strides = [1]} : vector<16xi32> to vector<1xi32>
      %squeeze3A_1101 = vector.extract %slice3A_1100[0] : i32 from vector<1xi32>
      %shift_right_arithmetic3A_1102 = vector.broadcast %squeeze3A_1099 : i32 to vector<16xi32>
      %shift_right_arithmetic3A_1103 = arith.shrsi %shift_right_arithmetic3A_1102, %iota3A : vector<16xi32>
      %and3A_1104 = arith.constant 1 : i32
      %and3A_1105 = vector.broadcast %and3A_1104 : i32 to vector<16xi32>
      %and3A_1106 = arith.andi %shift_right_arithmetic3A_1103, %and3A_1105 : vector<16xi32>
      %add3A_1107 = arith.constant 16 : i32
      %add3A_1108 = vector.broadcast %add3A_1107 : i32 to vector<16xi32>
      %add3A_1109 = arith.addi %iota3A, %add3A_1108 : vector<16xi32>
      %shift_right_arithmetic3A_1110 = vector.broadcast %squeeze3A_1099 : i32 to vector<16xi32>
      %shift_right_arithmetic3A_1111 = arith.shrsi %shift_right_arithmetic3A_1110, %add3A_1109 : vector<16xi32>
      %and3A_1112 = arith.constant 1 : i32
      %and3A_1113 = vector.broadcast %and3A_1112 : i32 to vector<16xi32>
      %and3A_1114 = arith.andi %shift_right_arithmetic3A_1111, %and3A_1113 : vector<16xi32>
      %sub3A_1115 = arith.subi %and3A_1106, %and3A_1114 : vector<16xi32>
      %convert_element_type3A_1116 = arith.sitofp %sub3A_1115 : vector<16xi32> to vector<16xf32>
      %swap3A_1117 = arith.constant 176 : index
      %swap3A_1118 = tpu.vector_load %arg14[%swap3A_1117] {strides = array<i32>} : memref<208xf32, #tpu.memory_space<vmem>>, vector<16xf32>,
      %swap3A_1119 = vector.shape_cast %swap3A_1118 : vector<16xf32> to vector<16xf32>
      %swap3A_1120 = vector.shape_cast %convert_element_type3A_1116 : vector<16xf32> to vector<16xf32>
      tpu.vector_store %arg14[%swap3A_1117], %swap3A_1120 {strides = array<i32>} : memref<208xf32, #tpu.memory_space<vmem>>, vector<16xf32>,
      %shift_right_arithmetic3A_1121 = vector.broadcast %squeeze3A_1101 : i32 to vector<16xi32>
      %shift_right_arithmetic3A_1122 = arith.shrsi %shift_right_arithmetic3A_1121, %iota3A : vector<16xi32>
      %and3A_1123 = arith.constant 1 : i32
      %and3A_1124 = vector.broadcast %and3A_1123 : i32 to vector<16xi32>
      %and3A_1125 = arith.andi %shift_right_arithmetic3A_1122, %and3A_1124 : vector<16xi32>
      %sub3A_1126 = arith.subi %and3A_1106, %and3A_1125 : vector<16xi32>
      %convert_element_type3A_1127 = arith.sitofp %sub3A_1126 : vector<16xi32> to vector<16xf32>
      %swap3A_1128 = arith.constant 176 : index
      %swap3A_1129 = tpu.vector_load %arg15[%swap3A_1128] {strides = array<i32>} : memref<208xf32, #tpu.memory_space<vmem>>, vector<16xf32>,
      %swap3A_1130 = vector.shape_cast %swap3A_1129 : vector<16xf32> to vector<16xf32>
      %swap3A_1131 = vector.shape_cast %convert_element_type3A_1127 : vector<16xf32> to vector<16xf32>
      tpu.vector_store %arg15[%swap3A_1128], %swap3A_1131 {strides = array<i32>} : memref<208xf32, #tpu.memory_space<vmem>>, vector<16xf32>,
      %slice3A_1132 = vector.extract_strided_slice %get3A_719 {offsets = [12], sizes = [1], strides = [1]} : vector<16xi32> to vector<1xi32>
      %squeeze3A_1133 = vector.extract %slice3A_1132[0] : i32 from vector<1xi32>
      %slice3A_1134 = vector.extract_strided_slice %get3A_723 {offsets = [12], sizes = [1], strides = [1]} : vector<16xi32> to vector<1xi32>
      %squeeze3A_1135 = vector.extract %slice3A_1134[0] : i32 from vector<1xi32>
      %shift_right_arithmetic3A_1136 = vector.broadcast %squeeze3A_1133 : i32 to vector<16xi32>
      %shift_right_arithmetic3A_1137 = arith.shrsi %shift_right_arithmetic3A_1136, %iota3A : vector<16xi32>
      %and3A_1138 = arith.constant 1 : i32
      %and3A_1139 = vector.broadcast %and3A_1138 : i32 to vector<16xi32>
      %and3A_1140 = arith.andi %shift_right_arithmetic3A_1137, %and3A_1139 : vector<16xi32>
      %add3A_1141 = arith.constant 16 : i32
      %add3A_1142 = vector.broadcast %add3A_1141 : i32 to vector<16xi32>
      %add3A_1143 = arith.addi %iota3A, %add3A_1142 : vector<16xi32>
      %shift_right_arithmetic3A_1144 = vector.broadcast %squeeze3A_1133 : i32 to vector<16xi32>
      %shift_right_arithmetic3A_1145 = arith.shrsi %shift_right_arithmetic3A_1144, %add3A_1143 : vector<16xi32>
      %and3A_1146 = arith.constant 1 : i32
      %and3A_1147 = vector.broadcast %and3A_1146 : i32 to vector<16xi32>
      %and3A_1148 = arith.andi %shift_right_arithmetic3A_1145, %and3A_1147 : vector<16xi32>
      %sub3A_1149 = arith.subi %and3A_1140, %and3A_1148 : vector<16xi32>
      %convert_element_type3A_1150 = arith.sitofp %sub3A_1149 : vector<16xi32> to vector<16xf32>
      %swap3A_1151 = arith.constant 192 : index
      %swap3A_1152 = tpu.vector_load %arg14[%swap3A_1151] {strides = array<i32>} : memref<208xf32, #tpu.memory_space<vmem>>, vector<16xf32>,
      %swap3A_1153 = vector.shape_cast %swap3A_1152 : vector<16xf32> to vector<16xf32>
      %swap3A_1154 = vector.shape_cast %convert_element_type3A_1150 : vector<16xf32> to vector<16xf32>
      tpu.vector_store %arg14[%swap3A_1151], %swap3A_1154 {strides = array<i32>} : memref<208xf32, #tpu.memory_space<vmem>>, vector<16xf32>,
      %shift_right_arithmetic3A_1155 = vector.broadcast %squeeze3A_1135 : i32 to vector<16xi32>
      %shift_right_arithmetic3A_1156 = arith.shrsi %shift_right_arithmetic3A_1155, %iota3A : vector<16xi32>
      %and3A_1157 = arith.constant 1 : i32
      %and3A_1158 = vector.broadcast %and3A_1157 : i32 to vector<16xi32>
      %and3A_1159 = arith.andi %shift_right_arithmetic3A_1156, %and3A_1158 : vector<16xi32>
      %sub3A_1160 = arith.subi %and3A_1140, %and3A_1159 : vector<16xi32>
      %convert_element_type3A_1161 = arith.sitofp %sub3A_1160 : vector<16xi32> to vector<16xf32>
      %swap3A_1162 = arith.constant 192 : index
      %swap3A_1163 = tpu.vector_load %arg15[%swap3A_1162] {strides = array<i32>} : memref<208xf32, #tpu.memory_space<vmem>>, vector<16xf32>,
      %swap3A_1164 = vector.shape_cast %swap3A_1163 : vector<16xf32> to vector<16xf32>
      %swap3A_1165 = vector.shape_cast %convert_element_type3A_1161 : vector<16xf32> to vector<16xf32>
      tpu.vector_store %arg15[%swap3A_1162], %swap3A_1165 {strides = array<i32>} : memref<208xf32, #tpu.memory_space<vmem>>, vector<16xf32>,
      %slice3A_1166 = vector.extract_strided_slice %get3A_723 {offsets = [14], sizes = [1], strides = [1]} : vector<16xi32> to vector<1xi32>
      %squeeze3A_1167 = vector.extract %slice3A_1166[0] : i32 from vector<1xi32>
      %add3A_1168 = arith.constant 15 : i32
      %add3A_1169 = arith.addi %squeeze3A_1167, %add3A_1168 : i32
      %shift_right_arithmetic3A_1170 = arith.constant 4 : i32
      %shift_right_arithmetic3A_1171 = arith.shrsi %add3A_1169, %shift_right_arithmetic3A_1170 : i32
      %broadcast_in_dim3A_1172 = arith.constant 0.000000e+00 : f32
      %broadcast_in_dim3A_1173 = vector.broadcast %broadcast_in_dim3A_1172 : f32 to vector<16xf32>
      %while3A_1174 = arith.constant 0 : i32
      %while3A_1175 = arith.subi %shift_right_arithmetic3A_1171, %while3A_1174 : i32
      %while3A_1176 = arith.addi %while3A_1174, %while3A_1175 : i32
      %while3A_1177 = arith.constant 1 : i32
      %while3A_1178 = arith.divsi %while3A_1175, %while3A_1177 : i32
      %while3A_1179 = arith.muli %while3A_1178, %while3A_1177 : i32
      %while3A_1180 = arith.addi %while3A_1174, %while3A_1179 : i32
      %while3A_1181 = arith.constant 1 : i32
      %while3A_1182:8 = scf.for %while3A_1283 = %while3A_1174 to %while3A_1180 step %while3A_1181 iter_args(%while3A_1284 = %broadcast_in_dim3A_1173, %while3A_1285 = %broadcast_in_dim3A_1173, %while3A_1286 = %broadcast_in_dim3A_1173, %while3A_1287 = %broadcast_in_dim3A_1173, %while3A_1288 = %broadcast_in_dim3A_1173, %while3A_1289 = %broadcast_in_dim3A_1173, %while3A_1290 = %broadcast_in_dim3A_1173, %while3A_1291 = %broadcast_in_dim3A_1173) -> (vector<16xf32>, vector<16xf32>, vector<16xf32>, vector<16xf32>, vector<16xf32>, vector<16xf32>, vector<16xf32>, vector<16xf32>)  : i32 {
        %mul3A_1292 = arith.constant 16 : i32
        %mul3A_1293 = arith.muli %mul3A_1292, %while3A_1283 : i32
        %get3A_1294 = arith.index_cast %mul3A_1293 : i32 to index
        %get3A_1295 = tpu.vector_load %arg14[%get3A_1294] {strides = array<i32>} : memref<208xf32, #tpu.memory_space<vmem>>, vector<16xf32>,
        %get3A_1296 = vector.shape_cast %get3A_1295 : vector<16xf32> to vector<16xf32>
        %mul3A_1297 = arith.constant 16 : i32
        %mul3A_1298 = arith.muli %mul3A_1297, %while3A_1283 : i32
        %get3A_1299 = arith.index_cast %mul3A_1298 : i32 to index
        %get3A_1300 = tpu.vector_load %arg15[%get3A_1299] {strides = array<i32>} : memref<208xf32, #tpu.memory_space<vmem>>, vector<16xf32>,
        %get3A_1301 = vector.shape_cast %get3A_1300 : vector<16xf32> to vector<16xf32>
        %mul3A_1302 = arith.constant 16 : i32
        %mul3A_1303 = arith.muli %while3A_1283, %mul3A_1302 : i32
        %add3A_1304 = arith.constant 0 : i32
        %add3A_1305 = arith.addi %mul3A_1303, %add3A_1304 : i32
        %slice3A_1306 = vector.extract_strided_slice %get3A_1296 {offsets = [0], sizes = [1], strides = [1]} : vector<16xf32> to vector<1xf32>
        %squeeze3A_1307 = vector.extract %slice3A_1306[0] : f32 from vector<1xf32>
        %slice3A_1308 = vector.extract_strided_slice %get3A_1301 {offsets = [0], sizes = [1], strides = [1]} : vector<16xf32> to vector<1xf32>
        %squeeze3A_1309 = vector.extract %slice3A_1308[0] : f32 from vector<1xf32>
        %get3A_1310 = arith.index_cast %add3A_1305 : i32 to index
        %get3A_1311 = arith.constant 0 : index
        %get3A_1312 = tpu.vector_load %arg10[%get3A_1310, %get3A_1311] {strides = array<i32>} : memref<200x64xf32, #tpu.memory_space<vmem>>, vector<1x16xf32>,
        %get3A_1313 = vector.shape_cast %get3A_1312 : vector<1x16xf32> to vector<16xf32>
        %mul3A_1314 = vector.broadcast %squeeze3A_1307 : f32 to vector<16xf32>
        %mul3A_1315 = arith.mulf %get3A_1313, %mul3A_1314 : vector<16xf32>
        %add3A_1316 = arith.addf %while3A_1284, %mul3A_1315 : vector<16xf32>
        %mul3A_1317 = vector.broadcast %squeeze3A_1309 : f32 to vector<16xf32>
        %mul3A_1318 = arith.mulf %get3A_1313, %mul3A_1317 : vector<16xf32>
        %add3A_1319 = arith.addf %while3A_1288, %mul3A_1318 : vector<16xf32>
        %get3A_1320 = arith.index_cast %add3A_1305 : i32 to index
        %get3A_1321 = arith.constant 16 : index
        %get3A_1322 = tpu.vector_load %arg10[%get3A_1320, %get3A_1321] {strides = array<i32>} : memref<200x64xf32, #tpu.memory_space<vmem>>, vector<1x16xf32>,
        %get3A_1323 = vector.shape_cast %get3A_1322 : vector<1x16xf32> to vector<16xf32>
        %mul3A_1324 = vector.broadcast %squeeze3A_1307 : f32 to vector<16xf32>
        %mul3A_1325 = arith.mulf %get3A_1323, %mul3A_1324 : vector<16xf32>
        %add3A_1326 = arith.addf %while3A_1285, %mul3A_1325 : vector<16xf32>
        %mul3A_1327 = vector.broadcast %squeeze3A_1309 : f32 to vector<16xf32>
        %mul3A_1328 = arith.mulf %get3A_1323, %mul3A_1327 : vector<16xf32>
        %add3A_1329 = arith.addf %while3A_1289, %mul3A_1328 : vector<16xf32>
        %get3A_1330 = arith.index_cast %add3A_1305 : i32 to index
        %get3A_1331 = arith.constant 32 : index
        %get3A_1332 = tpu.vector_load %arg10[%get3A_1330, %get3A_1331] {strides = array<i32>} : memref<200x64xf32, #tpu.memory_space<vmem>>, vector<1x16xf32>,
        %get3A_1333 = vector.shape_cast %get3A_1332 : vector<1x16xf32> to vector<16xf32>
        %mul3A_1334 = vector.broadcast %squeeze3A_1307 : f32 to vector<16xf32>
        %mul3A_1335 = arith.mulf %get3A_1333, %mul3A_1334 : vector<16xf32>
        %add3A_1336 = arith.addf %while3A_1286, %mul3A_1335 : vector<16xf32>
        %mul3A_1337 = vector.broadcast %squeeze3A_1309 : f32 to vector<16xf32>
        %mul3A_1338 = arith.mulf %get3A_1333, %mul3A_1337 : vector<16xf32>
        %add3A_1339 = arith.addf %while3A_1290, %mul3A_1338 : vector<16xf32>
        %get3A_1340 = arith.index_cast %add3A_1305 : i32 to index
        %get3A_1341 = arith.constant 48 : index
        %get3A_1342 = tpu.vector_load %arg10[%get3A_1340, %get3A_1341] {strides = array<i32>} : memref<200x64xf32, #tpu.memory_space<vmem>>, vector<1x16xf32>,
        %get3A_1343 = vector.shape_cast %get3A_1342 : vector<1x16xf32> to vector<16xf32>
        %mul3A_1344 = vector.broadcast %squeeze3A_1307 : f32 to vector<16xf32>
        %mul3A_1345 = arith.mulf %get3A_1343, %mul3A_1344 : vector<16xf32>
        %add3A_1346 = arith.addf %while3A_1287, %mul3A_1345 : vector<16xf32>
        %mul3A_1347 = vector.broadcast %squeeze3A_1309 : f32 to vector<16xf32>
        %mul3A_1348 = arith.mulf %get3A_1343, %mul3A_1347 : vector<16xf32>
        %add3A_1349 = arith.addf %while3A_1291, %mul3A_1348 : vector<16xf32>
        %mul3A_1350 = arith.constant 16 : i32
        %mul3A_1351 = arith.muli %while3A_1283, %mul3A_1350 : i32
        %add3A_1352 = arith.constant 1 : i32
        %add3A_1353 = arith.addi %mul3A_1351, %add3A_1352 : i32
        %slice3A_1354 = vector.extract_strided_slice %get3A_1296 {offsets = [1], sizes = [1], strides = [1]} : vector<16xf32> to vector<1xf32>
        %squeeze3A_1355 = vector.extract %slice3A_1354[0] : f32 from vector<1xf32>
        %slice3A_1356 = vector.extract_strided_slice %get3A_1301 {offsets = [1], sizes = [1], strides = [1]} : vector<16xf32> to vector<1xf32>
        %squeeze3A_1357 = vector.extract %slice3A_1356[0] : f32 from vector<1xf32>
        %get3A_1358 = arith.index_cast %add3A_1353 : i32 to index
        %get3A_1359 = arith.constant 0 : index
        %get3A_1360 = tpu.vector_load %arg10[%get3A_1358, %get3A_1359] {strides = array<i32>} : memref<200x64xf32, #tpu.memory_space<vmem>>, vector<1x16xf32>,
        %get3A_1361 = vector.shape_cast %get3A_1360 : vector<1x16xf32> to vector<16xf32>
        %mul3A_1362 = vector.broadcast %squeeze3A_1355 : f32 to vector<16xf32>
        %mul3A_1363 = arith.mulf %get3A_1361, %mul3A_1362 : vector<16xf32>
        %add3A_1364 = arith.addf %add3A_1316, %mul3A_1363 : vector<16xf32>
        %mul3A_1365 = vector.broadcast %squeeze3A_1357 : f32 to vector<16xf32>
        %mul3A_1366 = arith.mulf %get3A_1361, %mul3A_1365 : vector<16xf32>
        %add3A_1367 = arith.addf %add3A_1319, %mul3A_1366 : vector<16xf32>
        %get3A_1368 = arith.index_cast %add3A_1353 : i32 to index
        %get3A_1369 = arith.constant 16 : index
        %get3A_1370 = tpu.vector_load %arg10[%get3A_1368, %get3A_1369] {strides = array<i32>} : memref<200x64xf32, #tpu.memory_space<vmem>>, vector<1x16xf32>,
        %get3A_1371 = vector.shape_cast %get3A_1370 : vector<1x16xf32> to vector<16xf32>
        %mul3A_1372 = vector.broadcast %squeeze3A_1355 : f32 to vector<16xf32>
        %mul3A_1373 = arith.mulf %get3A_1371, %mul3A_1372 : vector<16xf32>
        %add3A_1374 = arith.addf %add3A_1326, %mul3A_1373 : vector<16xf32>
        %mul3A_1375 = vector.broadcast %squeeze3A_1357 : f32 to vector<16xf32>
        %mul3A_1376 = arith.mulf %get3A_1371, %mul3A_1375 : vector<16xf32>
        %add3A_1377 = arith.addf %add3A_1329, %mul3A_1376 : vector<16xf32>
        %get3A_1378 = arith.index_cast %add3A_1353 : i32 to index
        %get3A_1379 = arith.constant 32 : index
        %get3A_1380 = tpu.vector_load %arg10[%get3A_1378, %get3A_1379] {strides = array<i32>} : memref<200x64xf32, #tpu.memory_space<vmem>>, vector<1x16xf32>,
        %get3A_1381 = vector.shape_cast %get3A_1380 : vector<1x16xf32> to vector<16xf32>
        %mul3A_1382 = vector.broadcast %squeeze3A_1355 : f32 to vector<16xf32>
        %mul3A_1383 = arith.mulf %get3A_1381, %mul3A_1382 : vector<16xf32>
        %add3A_1384 = arith.addf %add3A_1336, %mul3A_1383 : vector<16xf32>
        %mul3A_1385 = vector.broadcast %squeeze3A_1357 : f32 to vector<16xf32>
        %mul3A_1386 = arith.mulf %get3A_1381, %mul3A_1385 : vector<16xf32>
        %add3A_1387 = arith.addf %add3A_1339, %mul3A_1386 : vector<16xf32>
        %get3A_1388 = arith.index_cast %add3A_1353 : i32 to index
        %get3A_1389 = arith.constant 48 : index
        %get3A_1390 = tpu.vector_load %arg10[%get3A_1388, %get3A_1389] {strides = array<i32>} : memref<200x64xf32, #tpu.memory_space<vmem>>, vector<1x16xf32>,
        %get3A_1391 = vector.shape_cast %get3A_1390 : vector<1x16xf32> to vector<16xf32>
        %mul3A_1392 = vector.broadcast %squeeze3A_1355 : f32 to vector<16xf32>
        %mul3A_1393 = arith.mulf %get3A_1391, %mul3A_1392 : vector<16xf32>
        %add3A_1394 = arith.addf %add3A_1346, %mul3A_1393 : vector<16xf32>
        %mul3A_1395 = vector.broadcast %squeeze3A_1357 : f32 to vector<16xf32>
        %mul3A_1396 = arith.mulf %get3A_1391, %mul3A_1395 : vector<16xf32>
        %add3A_1397 = arith.addf %add3A_1349, %mul3A_1396 : vector<16xf32>
        %mul3A_1398 = arith.constant 16 : i32
        %mul3A_1399 = arith.muli %while3A_1283, %mul3A_1398 : i32
        %add3A_1400 = arith.constant 2 : i32
        %add3A_1401 = arith.addi %mul3A_1399, %add3A_1400 : i32
        %slice3A_1402 = vector.extract_strided_slice %get3A_1296 {offsets = [2], sizes = [1], strides = [1]} : vector<16xf32> to vector<1xf32>
        %squeeze3A_1403 = vector.extract %slice3A_1402[0] : f32 from vector<1xf32>
        %slice3A_1404 = vector.extract_strided_slice %get3A_1301 {offsets = [2], sizes = [1], strides = [1]} : vector<16xf32> to vector<1xf32>
        %squeeze3A_1405 = vector.extract %slice3A_1404[0] : f32 from vector<1xf32>
        %get3A_1406 = arith.index_cast %add3A_1401 : i32 to index
        %get3A_1407 = arith.constant 0 : index
        %get3A_1408 = tpu.vector_load %arg10[%get3A_1406, %get3A_1407] {strides = array<i32>} : memref<200x64xf32, #tpu.memory_space<vmem>>, vector<1x16xf32>,
        %get3A_1409 = vector.shape_cast %get3A_1408 : vector<1x16xf32> to vector<16xf32>
        %mul3A_1410 = vector.broadcast %squeeze3A_1403 : f32 to vector<16xf32>
        %mul3A_1411 = arith.mulf %get3A_1409, %mul3A_1410 : vector<16xf32>
        %add3A_1412 = arith.addf %add3A_1364, %mul3A_1411 : vector<16xf32>
        %mul3A_1413 = vector.broadcast %squeeze3A_1405 : f32 to vector<16xf32>
        %mul3A_1414 = arith.mulf %get3A_1409, %mul3A_1413 : vector<16xf32>
        %add3A_1415 = arith.addf %add3A_1367, %mul3A_1414 : vector<16xf32>
        %get3A_1416 = arith.index_cast %add3A_1401 : i32 to index
        %get3A_1417 = arith.constant 16 : index
        %get3A_1418 = tpu.vector_load %arg10[%get3A_1416, %get3A_1417] {strides = array<i32>} : memref<200x64xf32, #tpu.memory_space<vmem>>, vector<1x16xf32>,
        %get3A_1419 = vector.shape_cast %get3A_1418 : vector<1x16xf32> to vector<16xf32>
        %mul3A_1420 = vector.broadcast %squeeze3A_1403 : f32 to vector<16xf32>
        %mul3A_1421 = arith.mulf %get3A_1419, %mul3A_1420 : vector<16xf32>
        %add3A_1422 = arith.addf %add3A_1374, %mul3A_1421 : vector<16xf32>
        %mul3A_1423 = vector.broadcast %squeeze3A_1405 : f32 to vector<16xf32>
        %mul3A_1424 = arith.mulf %get3A_1419, %mul3A_1423 : vector<16xf32>
        %add3A_1425 = arith.addf %add3A_1377, %mul3A_1424 : vector<16xf32>
        %get3A_1426 = arith.index_cast %add3A_1401 : i32 to index
        %get3A_1427 = arith.constant 32 : index
        %get3A_1428 = tpu.vector_load %arg10[%get3A_1426, %get3A_1427] {strides = array<i32>} : memref<200x64xf32, #tpu.memory_space<vmem>>, vector<1x16xf32>,
        %get3A_1429 = vector.shape_cast %get3A_1428 : vector<1x16xf32> to vector<16xf32>
        %mul3A_1430 = vector.broadcast %squeeze3A_1403 : f32 to vector<16xf32>
        %mul3A_1431 = arith.mulf %get3A_1429, %mul3A_1430 : vector<16xf32>
        %add3A_1432 = arith.addf %add3A_1384, %mul3A_1431 : vector<16xf32>
        %mul3A_1433 = vector.broadcast %squeeze3A_1405 : f32 to vector<16xf32>
        %mul3A_1434 = arith.mulf %get3A_1429, %mul3A_1433 : vector<16xf32>
        %add3A_1435 = arith.addf %add3A_1387, %mul3A_1434 : vector<16xf32>
        %get3A_1436 = arith.index_cast %add3A_1401 : i32 to index
        %get3A_1437 = arith.constant 48 : index
        %get3A_1438 = tpu.vector_load %arg10[%get3A_1436, %get3A_1437] {strides = array<i32>} : memref<200x64xf32, #tpu.memory_space<vmem>>, vector<1x16xf32>,
        %get3A_1439 = vector.shape_cast %get3A_1438 : vector<1x16xf32> to vector<16xf32>
        %mul3A_1440 = vector.broadcast %squeeze3A_1403 : f32 to vector<16xf32>
        %mul3A_1441 = arith.mulf %get3A_1439, %mul3A_1440 : vector<16xf32>
        %add3A_1442 = arith.addf %add3A_1394, %mul3A_1441 : vector<16xf32>
        %mul3A_1443 = vector.broadcast %squeeze3A_1405 : f32 to vector<16xf32>
        %mul3A_1444 = arith.mulf %get3A_1439, %mul3A_1443 : vector<16xf32>
        %add3A_1445 = arith.addf %add3A_1397, %mul3A_1444 : vector<16xf32>
        %mul3A_1446 = arith.constant 16 : i32
        %mul3A_1447 = arith.muli %while3A_1283, %mul3A_1446 : i32
        %add3A_1448 = arith.constant 3 : i32
        %add3A_1449 = arith.addi %mul3A_1447, %add3A_1448 : i32
        %slice3A_1450 = vector.extract_strided_slice %get3A_1296 {offsets = [3], sizes = [1], strides = [1]} : vector<16xf32> to vector<1xf32>
        %squeeze3A_1451 = vector.extract %slice3A_1450[0] : f32 from vector<1xf32>
        %slice3A_1452 = vector.extract_strided_slice %get3A_1301 {offsets = [3], sizes = [1], strides = [1]} : vector<16xf32> to vector<1xf32>
        %squeeze3A_1453 = vector.extract %slice3A_1452[0] : f32 from vector<1xf32>
        %get3A_1454 = arith.index_cast %add3A_1449 : i32 to index
        %get3A_1455 = arith.constant 0 : index
        %get3A_1456 = tpu.vector_load %arg10[%get3A_1454, %get3A_1455] {strides = array<i32>} : memref<200x64xf32, #tpu.memory_space<vmem>>, vector<1x16xf32>,
        %get3A_1457 = vector.shape_cast %get3A_1456 : vector<1x16xf32> to vector<16xf32>
        %mul3A_1458 = vector.broadcast %squeeze3A_1451 : f32 to vector<16xf32>
        %mul3A_1459 = arith.mulf %get3A_1457, %mul3A_1458 : vector<16xf32>
        %add3A_1460 = arith.addf %add3A_1412, %mul3A_1459 : vector<16xf32>
        %mul3A_1461 = vector.broadcast %squeeze3A_1453 : f32 to vector<16xf32>
        %mul3A_1462 = arith.mulf %get3A_1457, %mul3A_1461 : vector<16xf32>
        %add3A_1463 = arith.addf %add3A_1415, %mul3A_1462 : vector<16xf32>
        %get3A_1464 = arith.index_cast %add3A_1449 : i32 to index
        %get3A_1465 = arith.constant 16 : index
        %get3A_1466 = tpu.vector_load %arg10[%get3A_1464, %get3A_1465] {strides = array<i32>} : memref<200x64xf32, #tpu.memory_space<vmem>>, vector<1x16xf32>,
        %get3A_1467 = vector.shape_cast %get3A_1466 : vector<1x16xf32> to vector<16xf32>
        %mul3A_1468 = vector.broadcast %squeeze3A_1451 : f32 to vector<16xf32>
        %mul3A_1469 = arith.mulf %get3A_1467, %mul3A_1468 : vector<16xf32>
        %add3A_1470 = arith.addf %add3A_1422, %mul3A_1469 : vector<16xf32>
        %mul3A_1471 = vector.broadcast %squeeze3A_1453 : f32 to vector<16xf32>
        %mul3A_1472 = arith.mulf %get3A_1467, %mul3A_1471 : vector<16xf32>
        %add3A_1473 = arith.addf %add3A_1425, %mul3A_1472 : vector<16xf32>
        %get3A_1474 = arith.index_cast %add3A_1449 : i32 to index
        %get3A_1475 = arith.constant 32 : index
        %get3A_1476 = tpu.vector_load %arg10[%get3A_1474, %get3A_1475] {strides = array<i32>} : memref<200x64xf32, #tpu.memory_space<vmem>>, vector<1x16xf32>,
        %get3A_1477 = vector.shape_cast %get3A_1476 : vector<1x16xf32> to vector<16xf32>
        %mul3A_1478 = vector.broadcast %squeeze3A_1451 : f32 to vector<16xf32>
        %mul3A_1479 = arith.mulf %get3A_1477, %mul3A_1478 : vector<16xf32>
        %add3A_1480 = arith.addf %add3A_1432, %mul3A_1479 : vector<16xf32>
        %mul3A_1481 = vector.broadcast %squeeze3A_1453 : f32 to vector<16xf32>
        %mul3A_1482 = arith.mulf %get3A_1477, %mul3A_1481 : vector<16xf32>
        %add3A_1483 = arith.addf %add3A_1435, %mul3A_1482 : vector<16xf32>
        %get3A_1484 = arith.index_cast %add3A_1449 : i32 to index
        %get3A_1485 = arith.constant 48 : index
        %get3A_1486 = tpu.vector_load %arg10[%get3A_1484, %get3A_1485] {strides = array<i32>} : memref<200x64xf32, #tpu.memory_space<vmem>>, vector<1x16xf32>,
        %get3A_1487 = vector.shape_cast %get3A_1486 : vector<1x16xf32> to vector<16xf32>
        %mul3A_1488 = vector.broadcast %squeeze3A_1451 : f32 to vector<16xf32>
        %mul3A_1489 = arith.mulf %get3A_1487, %mul3A_1488 : vector<16xf32>
        %add3A_1490 = arith.addf %add3A_1442, %mul3A_1489 : vector<16xf32>
        %mul3A_1491 = vector.broadcast %squeeze3A_1453 : f32 to vector<16xf32>
        %mul3A_1492 = arith.mulf %get3A_1487, %mul3A_1491 : vector<16xf32>
        %add3A_1493 = arith.addf %add3A_1445, %mul3A_1492 : vector<16xf32>
        %mul3A_1494 = arith.constant 16 : i32
        %mul3A_1495 = arith.muli %while3A_1283, %mul3A_1494 : i32
        %add3A_1496 = arith.constant 4 : i32
        %add3A_1497 = arith.addi %mul3A_1495, %add3A_1496 : i32
        %slice3A_1498 = vector.extract_strided_slice %get3A_1296 {offsets = [4], sizes = [1], strides = [1]} : vector<16xf32> to vector<1xf32>
        %squeeze3A_1499 = vector.extract %slice3A_1498[0] : f32 from vector<1xf32>
        %slice3A_1500 = vector.extract_strided_slice %get3A_1301 {offsets = [4], sizes = [1], strides = [1]} : vector<16xf32> to vector<1xf32>
        %squeeze3A_1501 = vector.extract %slice3A_1500[0] : f32 from vector<1xf32>
        %get3A_1502 = arith.index_cast %add3A_1497 : i32 to index
        %get3A_1503 = arith.constant 0 : index
        %get3A_1504 = tpu.vector_load %arg10[%get3A_1502, %get3A_1503] {strides = array<i32>} : memref<200x64xf32, #tpu.memory_space<vmem>>, vector<1x16xf32>,
        %get3A_1505 = vector.shape_cast %get3A_1504 : vector<1x16xf32> to vector<16xf32>
        %mul3A_1506 = vector.broadcast %squeeze3A_1499 : f32 to vector<16xf32>
        %mul3A_1507 = arith.mulf %get3A_1505, %mul3A_1506 : vector<16xf32>
        %add3A_1508 = arith.addf %add3A_1460, %mul3A_1507 : vector<16xf32>
        %mul3A_1509 = vector.broadcast %squeeze3A_1501 : f32 to vector<16xf32>
        %mul3A_1510 = arith.mulf %get3A_1505, %mul3A_1509 : vector<16xf32>
        %add3A_1511 = arith.addf %add3A_1463, %mul3A_1510 : vector<16xf32>
        %get3A_1512 = arith.index_cast %add3A_1497 : i32 to index
        %get3A_1513 = arith.constant 16 : index
        %get3A_1514 = tpu.vector_load %arg10[%get3A_1512, %get3A_1513] {strides = array<i32>} : memref<200x64xf32, #tpu.memory_space<vmem>>, vector<1x16xf32>,
        %get3A_1515 = vector.shape_cast %get3A_1514 : vector<1x16xf32> to vector<16xf32>
        %mul3A_1516 = vector.broadcast %squeeze3A_1499 : f32 to vector<16xf32>
        %mul3A_1517 = arith.mulf %get3A_1515, %mul3A_1516 : vector<16xf32>
        %add3A_1518 = arith.addf %add3A_1470, %mul3A_1517 : vector<16xf32>
        %mul3A_1519 = vector.broadcast %squeeze3A_1501 : f32 to vector<16xf32>
        %mul3A_1520 = arith.mulf %get3A_1515, %mul3A_1519 : vector<16xf32>
        %add3A_1521 = arith.addf %add3A_1473, %mul3A_1520 : vector<16xf32>
        %get3A_1522 = arith.index_cast %add3A_1497 : i32 to index
        %get3A_1523 = arith.constant 32 : index
        %get3A_1524 = tpu.vector_load %arg10[%get3A_1522, %get3A_1523] {strides = array<i32>} : memref<200x64xf32, #tpu.memory_space<vmem>>, vector<1x16xf32>,
        %get3A_1525 = vector.shape_cast %get3A_1524 : vector<1x16xf32> to vector<16xf32>
        %mul3A_1526 = vector.broadcast %squeeze3A_1499 : f32 to vector<16xf32>
        %mul3A_1527 = arith.mulf %get3A_1525, %mul3A_1526 : vector<16xf32>
        %add3A_1528 = arith.addf %add3A_1480, %mul3A_1527 : vector<16xf32>
        %mul3A_1529 = vector.broadcast %squeeze3A_1501 : f32 to vector<16xf32>
        %mul3A_1530 = arith.mulf %get3A_1525, %mul3A_1529 : vector<16xf32>
        %add3A_1531 = arith.addf %add3A_1483, %mul3A_1530 : vector<16xf32>
        %get3A_1532 = arith.index_cast %add3A_1497 : i32 to index
        %get3A_1533 = arith.constant 48 : index
        %get3A_1534 = tpu.vector_load %arg10[%get3A_1532, %get3A_1533] {strides = array<i32>} : memref<200x64xf32, #tpu.memory_space<vmem>>, vector<1x16xf32>,
        %get3A_1535 = vector.shape_cast %get3A_1534 : vector<1x16xf32> to vector<16xf32>
        %mul3A_1536 = vector.broadcast %squeeze3A_1499 : f32 to vector<16xf32>
        %mul3A_1537 = arith.mulf %get3A_1535, %mul3A_1536 : vector<16xf32>
        %add3A_1538 = arith.addf %add3A_1490, %mul3A_1537 : vector<16xf32>
        %mul3A_1539 = vector.broadcast %squeeze3A_1501 : f32 to vector<16xf32>
        %mul3A_1540 = arith.mulf %get3A_1535, %mul3A_1539 : vector<16xf32>
        %add3A_1541 = arith.addf %add3A_1493, %mul3A_1540 : vector<16xf32>
        %mul3A_1542 = arith.constant 16 : i32
        %mul3A_1543 = arith.muli %while3A_1283, %mul3A_1542 : i32
        %add3A_1544 = arith.constant 5 : i32
        %add3A_1545 = arith.addi %mul3A_1543, %add3A_1544 : i32
        %slice3A_1546 = vector.extract_strided_slice %get3A_1296 {offsets = [5], sizes = [1], strides = [1]} : vector<16xf32> to vector<1xf32>
        %squeeze3A_1547 = vector.extract %slice3A_1546[0] : f32 from vector<1xf32>
        %slice3A_1548 = vector.extract_strided_slice %get3A_1301 {offsets = [5], sizes = [1], strides = [1]} : vector<16xf32> to vector<1xf32>
        %squeeze3A_1549 = vector.extract %slice3A_1548[0] : f32 from vector<1xf32>
        %get3A_1550 = arith.index_cast %add3A_1545 : i32 to index
        %get3A_1551 = arith.constant 0 : index
        %get3A_1552 = tpu.vector_load %arg10[%get3A_1550, %get3A_1551] {strides = array<i32>} : memref<200x64xf32, #tpu.memory_space<vmem>>, vector<1x16xf32>,
        %get3A_1553 = vector.shape_cast %get3A_1552 : vector<1x16xf32> to vector<16xf32>
        %mul3A_1554 = vector.broadcast %squeeze3A_1547 : f32 to vector<16xf32>
        %mul3A_1555 = arith.mulf %get3A_1553, %mul3A_1554 : vector<16xf32>
        %add3A_1556 = arith.addf %add3A_1508, %mul3A_1555 : vector<16xf32>
        %mul3A_1557 = vector.broadcast %squeeze3A_1549 : f32 to vector<16xf32>
        %mul3A_1558 = arith.mulf %get3A_1553, %mul3A_1557 : vector<16xf32>
        %add3A_1559 = arith.addf %add3A_1511, %mul3A_1558 : vector<16xf32>
        %get3A_1560 = arith.index_cast %add3A_1545 : i32 to index
        %get3A_1561 = arith.constant 16 : index
        %get3A_1562 = tpu.vector_load %arg10[%get3A_1560, %get3A_1561] {strides = array<i32>} : memref<200x64xf32, #tpu.memory_space<vmem>>, vector<1x16xf32>,
        %get3A_1563 = vector.shape_cast %get3A_1562 : vector<1x16xf32> to vector<16xf32>
        %mul3A_1564 = vector.broadcast %squeeze3A_1547 : f32 to vector<16xf32>
        %mul3A_1565 = arith.mulf %get3A_1563, %mul3A_1564 : vector<16xf32>
        %add3A_1566 = arith.addf %add3A_1518, %mul3A_1565 : vector<16xf32>
        %mul3A_1567 = vector.broadcast %squeeze3A_1549 : f32 to vector<16xf32>
        %mul3A_1568 = arith.mulf %get3A_1563, %mul3A_1567 : vector<16xf32>
        %add3A_1569 = arith.addf %add3A_1521, %mul3A_1568 : vector<16xf32>
        %get3A_1570 = arith.index_cast %add3A_1545 : i32 to index
        %get3A_1571 = arith.constant 32 : index
        %get3A_1572 = tpu.vector_load %arg10[%get3A_1570, %get3A_1571] {strides = array<i32>} : memref<200x64xf32, #tpu.memory_space<vmem>>, vector<1x16xf32>,
        %get3A_1573 = vector.shape_cast %get3A_1572 : vector<1x16xf32> to vector<16xf32>
        %mul3A_1574 = vector.broadcast %squeeze3A_1547 : f32 to vector<16xf32>
        %mul3A_1575 = arith.mulf %get3A_1573, %mul3A_1574 : vector<16xf32>
        %add3A_1576 = arith.addf %add3A_1528, %mul3A_1575 : vector<16xf32>
        %mul3A_1577 = vector.broadcast %squeeze3A_1549 : f32 to vector<16xf32>
        %mul3A_1578 = arith.mulf %get3A_1573, %mul3A_1577 : vector<16xf32>
        %add3A_1579 = arith.addf %add3A_1531, %mul3A_1578 : vector<16xf32>
        %get3A_1580 = arith.index_cast %add3A_1545 : i32 to index
        %get3A_1581 = arith.constant 48 : index
        %get3A_1582 = tpu.vector_load %arg10[%get3A_1580, %get3A_1581] {strides = array<i32>} : memref<200x64xf32, #tpu.memory_space<vmem>>, vector<1x16xf32>,
        %get3A_1583 = vector.shape_cast %get3A_1582 : vector<1x16xf32> to vector<16xf32>
        %mul3A_1584 = vector.broadcast %squeeze3A_1547 : f32 to vector<16xf32>
        %mul3A_1585 = arith.mulf %get3A_1583, %mul3A_1584 : vector<16xf32>
        %add3A_1586 = arith.addf %add3A_1538, %mul3A_1585 : vector<16xf32>
        %mul3A_1587 = vector.broadcast %squeeze3A_1549 : f32 to vector<16xf32>
        %mul3A_1588 = arith.mulf %get3A_1583, %mul3A_1587 : vector<16xf32>
        %add3A_1589 = arith.addf %add3A_1541, %mul3A_1588 : vector<16xf32>
        %mul3A_1590 = arith.constant 16 : i32
        %mul3A_1591 = arith.muli %while3A_1283, %mul3A_1590 : i32
        %add3A_1592 = arith.constant 6 : i32
        %add3A_1593 = arith.addi %mul3A_1591, %add3A_1592 : i32
        %slice3A_1594 = vector.extract_strided_slice %get3A_1296 {offsets = [6], sizes = [1], strides = [1]} : vector<16xf32> to vector<1xf32>
        %squeeze3A_1595 = vector.extract %slice3A_1594[0] : f32 from vector<1xf32>
        %slice3A_1596 = vector.extract_strided_slice %get3A_1301 {offsets = [6], sizes = [1], strides = [1]} : vector<16xf32> to vector<1xf32>
        %squeeze3A_1597 = vector.extract %slice3A_1596[0] : f32 from vector<1xf32>
        %get3A_1598 = arith.index_cast %add3A_1593 : i32 to index
        %get3A_1599 = arith.constant 0 : index
        %get3A_1600 = tpu.vector_load %arg10[%get3A_1598, %get3A_1599] {strides = array<i32>} : memref<200x64xf32, #tpu.memory_space<vmem>>, vector<1x16xf32>,
        %get3A_1601 = vector.shape_cast %get3A_1600 : vector<1x16xf32> to vector<16xf32>
        %mul3A_1602 = vector.broadcast %squeeze3A_1595 : f32 to vector<16xf32>
        %mul3A_1603 = arith.mulf %get3A_1601, %mul3A_1602 : vector<16xf32>
        %add3A_1604 = arith.addf %add3A_1556, %mul3A_1603 : vector<16xf32>
        %mul3A_1605 = vector.broadcast %squeeze3A_1597 : f32 to vector<16xf32>
        %mul3A_1606 = arith.mulf %get3A_1601, %mul3A_1605 : vector<16xf32>
        %add3A_1607 = arith.addf %add3A_1559, %mul3A_1606 : vector<16xf32>
        %get3A_1608 = arith.index_cast %add3A_1593 : i32 to index
        %get3A_1609 = arith.constant 16 : index
        %get3A_1610 = tpu.vector_load %arg10[%get3A_1608, %get3A_1609] {strides = array<i32>} : memref<200x64xf32, #tpu.memory_space<vmem>>, vector<1x16xf32>,
        %get3A_1611 = vector.shape_cast %get3A_1610 : vector<1x16xf32> to vector<16xf32>
        %mul3A_1612 = vector.broadcast %squeeze3A_1595 : f32 to vector<16xf32>
        %mul3A_1613 = arith.mulf %get3A_1611, %mul3A_1612 : vector<16xf32>
        %add3A_1614 = arith.addf %add3A_1566, %mul3A_1613 : vector<16xf32>
        %mul3A_1615 = vector.broadcast %squeeze3A_1597 : f32 to vector<16xf32>
        %mul3A_1616 = arith.mulf %get3A_1611, %mul3A_1615 : vector<16xf32>
        %add3A_1617 = arith.addf %add3A_1569, %mul3A_1616 : vector<16xf32>
        %get3A_1618 = arith.index_cast %add3A_1593 : i32 to index
        %get3A_1619 = arith.constant 32 : index
        %get3A_1620 = tpu.vector_load %arg10[%get3A_1618, %get3A_1619] {strides = array<i32>} : memref<200x64xf32, #tpu.memory_space<vmem>>, vector<1x16xf32>,
        %get3A_1621 = vector.shape_cast %get3A_1620 : vector<1x16xf32> to vector<16xf32>
        %mul3A_1622 = vector.broadcast %squeeze3A_1595 : f32 to vector<16xf32>
        %mul3A_1623 = arith.mulf %get3A_1621, %mul3A_1622 : vector<16xf32>
        %add3A_1624 = arith.addf %add3A_1576, %mul3A_1623 : vector<16xf32>
        %mul3A_1625 = vector.broadcast %squeeze3A_1597 : f32 to vector<16xf32>
        %mul3A_1626 = arith.mulf %get3A_1621, %mul3A_1625 : vector<16xf32>
        %add3A_1627 = arith.addf %add3A_1579, %mul3A_1626 : vector<16xf32>
        %get3A_1628 = arith.index_cast %add3A_1593 : i32 to index
        %get3A_1629 = arith.constant 48 : index
        %get3A_1630 = tpu.vector_load %arg10[%get3A_1628, %get3A_1629] {strides = array<i32>} : memref<200x64xf32, #tpu.memory_space<vmem>>, vector<1x16xf32>,
        %get3A_1631 = vector.shape_cast %get3A_1630 : vector<1x16xf32> to vector<16xf32>
        %mul3A_1632 = vector.broadcast %squeeze3A_1595 : f32 to vector<16xf32>
        %mul3A_1633 = arith.mulf %get3A_1631, %mul3A_1632 : vector<16xf32>
        %add3A_1634 = arith.addf %add3A_1586, %mul3A_1633 : vector<16xf32>
        %mul3A_1635 = vector.broadcast %squeeze3A_1597 : f32 to vector<16xf32>
        %mul3A_1636 = arith.mulf %get3A_1631, %mul3A_1635 : vector<16xf32>
        %add3A_1637 = arith.addf %add3A_1589, %mul3A_1636 : vector<16xf32>
        %mul3A_1638 = arith.constant 16 : i32
        %mul3A_1639 = arith.muli %while3A_1283, %mul3A_1638 : i32
        %add3A_1640 = arith.constant 7 : i32
        %add3A_1641 = arith.addi %mul3A_1639, %add3A_1640 : i32
        %slice3A_1642 = vector.extract_strided_slice %get3A_1296 {offsets = [7], sizes = [1], strides = [1]} : vector<16xf32> to vector<1xf32>
        %squeeze3A_1643 = vector.extract %slice3A_1642[0] : f32 from vector<1xf32>
        %slice3A_1644 = vector.extract_strided_slice %get3A_1301 {offsets = [7], sizes = [1], strides = [1]} : vector<16xf32> to vector<1xf32>
        %squeeze3A_1645 = vector.extract %slice3A_1644[0] : f32 from vector<1xf32>
        %get3A_1646 = arith.index_cast %add3A_1641 : i32 to index
        %get3A_1647 = arith.constant 0 : index
        %get3A_1648 = tpu.vector_load %arg10[%get3A_1646, %get3A_1647] {strides = array<i32>} : memref<200x64xf32, #tpu.memory_space<vmem>>, vector<1x16xf32>,
        %get3A_1649 = vector.shape_cast %get3A_1648 : vector<1x16xf32> to vector<16xf32>
        %mul3A_1650 = vector.broadcast %squeeze3A_1643 : f32 to vector<16xf32>
        %mul3A_1651 = arith.mulf %get3A_1649, %mul3A_1650 : vector<16xf32>
        %add3A_1652 = arith.addf %add3A_1604, %mul3A_1651 : vector<16xf32>
        %mul3A_1653 = vector.broadcast %squeeze3A_1645 : f32 to vector<16xf32>
        %mul3A_1654 = arith.mulf %get3A_1649, %mul3A_1653 : vector<16xf32>
        %add3A_1655 = arith.addf %add3A_1607, %mul3A_1654 : vector<16xf32>
        %get3A_1656 = arith.index_cast %add3A_1641 : i32 to index
        %get3A_1657 = arith.constant 16 : index
        %get3A_1658 = tpu.vector_load %arg10[%get3A_1656, %get3A_1657] {strides = array<i32>} : memref<200x64xf32, #tpu.memory_space<vmem>>, vector<1x16xf32>,
        %get3A_1659 = vector.shape_cast %get3A_1658 : vector<1x16xf32> to vector<16xf32>
        %mul3A_1660 = vector.broadcast %squeeze3A_1643 : f32 to vector<16xf32>
        %mul3A_1661 = arith.mulf %get3A_1659, %mul3A_1660 : vector<16xf32>
        %add3A_1662 = arith.addf %add3A_1614, %mul3A_1661 : vector<16xf32>
        %mul3A_1663 = vector.broadcast %squeeze3A_1645 : f32 to vector<16xf32>
        %mul3A_1664 = arith.mulf %get3A_1659, %mul3A_1663 : vector<16xf32>
        %add3A_1665 = arith.addf %add3A_1617, %mul3A_1664 : vector<16xf32>
        %get3A_1666 = arith.index_cast %add3A_1641 : i32 to index
        %get3A_1667 = arith.constant 32 : index
        %get3A_1668 = tpu.vector_load %arg10[%get3A_1666, %get3A_1667] {strides = array<i32>} : memref<200x64xf32, #tpu.memory_space<vmem>>, vector<1x16xf32>,
        %get3A_1669 = vector.shape_cast %get3A_1668 : vector<1x16xf32> to vector<16xf32>
        %mul3A_1670 = vector.broadcast %squeeze3A_1643 : f32 to vector<16xf32>
        %mul3A_1671 = arith.mulf %get3A_1669, %mul3A_1670 : vector<16xf32>
        %add3A_1672 = arith.addf %add3A_1624, %mul3A_1671 : vector<16xf32>
        %mul3A_1673 = vector.broadcast %squeeze3A_1645 : f32 to vector<16xf32>
        %mul3A_1674 = arith.mulf %get3A_1669, %mul3A_1673 : vector<16xf32>
        %add3A_1675 = arith.addf %add3A_1627, %mul3A_1674 : vector<16xf32>
        %get3A_1676 = arith.index_cast %add3A_1641 : i32 to index
        %get3A_1677 = arith.constant 48 : index
        %get3A_1678 = tpu.vector_load %arg10[%get3A_1676, %get3A_1677] {strides = array<i32>} : memref<200x64xf32, #tpu.memory_space<vmem>>, vector<1x16xf32>,
        %get3A_1679 = vector.shape_cast %get3A_1678 : vector<1x16xf32> to vector<16xf32>
        %mul3A_1680 = vector.broadcast %squeeze3A_1643 : f32 to vector<16xf32>
        %mul3A_1681 = arith.mulf %get3A_1679, %mul3A_1680 : vector<16xf32>
        %add3A_1682 = arith.addf %add3A_1634, %mul3A_1681 : vector<16xf32>
        %mul3A_1683 = vector.broadcast %squeeze3A_1645 : f32 to vector<16xf32>
        %mul3A_1684 = arith.mulf %get3A_1679, %mul3A_1683 : vector<16xf32>
        %add3A_1685 = arith.addf %add3A_1637, %mul3A_1684 : vector<16xf32>
        %mul3A_1686 = arith.constant 16 : i32
        %mul3A_1687 = arith.muli %while3A_1283, %mul3A_1686 : i32
        %add3A_1688 = arith.constant 8 : i32
        %add3A_1689 = arith.addi %mul3A_1687, %add3A_1688 : i32
        %slice3A_1690 = vector.extract_strided_slice %get3A_1296 {offsets = [8], sizes = [1], strides = [1]} : vector<16xf32> to vector<1xf32>
        %squeeze3A_1691 = vector.extract %slice3A_1690[0] : f32 from vector<1xf32>
        %slice3A_1692 = vector.extract_strided_slice %get3A_1301 {offsets = [8], sizes = [1], strides = [1]} : vector<16xf32> to vector<1xf32>
        %squeeze3A_1693 = vector.extract %slice3A_1692[0] : f32 from vector<1xf32>
        %get3A_1694 = arith.index_cast %add3A_1689 : i32 to index
        %get3A_1695 = arith.constant 0 : index
        %get3A_1696 = tpu.vector_load %arg10[%get3A_1694, %get3A_1695] {strides = array<i32>} : memref<200x64xf32, #tpu.memory_space<vmem>>, vector<1x16xf32>,
        %get3A_1697 = vector.shape_cast %get3A_1696 : vector<1x16xf32> to vector<16xf32>
        %mul3A_1698 = vector.broadcast %squeeze3A_1691 : f32 to vector<16xf32>
        %mul3A_1699 = arith.mulf %get3A_1697, %mul3A_1698 : vector<16xf32>
        %add3A_1700 = arith.addf %add3A_1652, %mul3A_1699 : vector<16xf32>
        %mul3A_1701 = vector.broadcast %squeeze3A_1693 : f32 to vector<16xf32>
        %mul3A_1702 = arith.mulf %get3A_1697, %mul3A_1701 : vector<16xf32>
        %add3A_1703 = arith.addf %add3A_1655, %mul3A_1702 : vector<16xf32>
        %get3A_1704 = arith.index_cast %add3A_1689 : i32 to index
        %get3A_1705 = arith.constant 16 : index
        %get3A_1706 = tpu.vector_load %arg10[%get3A_1704, %get3A_1705] {strides = array<i32>} : memref<200x64xf32, #tpu.memory_space<vmem>>, vector<1x16xf32>,
        %get3A_1707 = vector.shape_cast %get3A_1706 : vector<1x16xf32> to vector<16xf32>
        %mul3A_1708 = vector.broadcast %squeeze3A_1691 : f32 to vector<16xf32>
        %mul3A_1709 = arith.mulf %get3A_1707, %mul3A_1708 : vector<16xf32>
        %add3A_1710 = arith.addf %add3A_1662, %mul3A_1709 : vector<16xf32>
        %mul3A_1711 = vector.broadcast %squeeze3A_1693 : f32 to vector<16xf32>
        %mul3A_1712 = arith.mulf %get3A_1707, %mul3A_1711 : vector<16xf32>
        %add3A_1713 = arith.addf %add3A_1665, %mul3A_1712 : vector<16xf32>
        %get3A_1714 = arith.index_cast %add3A_1689 : i32 to index
        %get3A_1715 = arith.constant 32 : index
        %get3A_1716 = tpu.vector_load %arg10[%get3A_1714, %get3A_1715] {strides = array<i32>} : memref<200x64xf32, #tpu.memory_space<vmem>>, vector<1x16xf32>,
        %get3A_1717 = vector.shape_cast %get3A_1716 : vector<1x16xf32> to vector<16xf32>
        %mul3A_1718 = vector.broadcast %squeeze3A_1691 : f32 to vector<16xf32>
        %mul3A_1719 = arith.mulf %get3A_1717, %mul3A_1718 : vector<16xf32>
        %add3A_1720 = arith.addf %add3A_1672, %mul3A_1719 : vector<16xf32>
        %mul3A_1721 = vector.broadcast %squeeze3A_1693 : f32 to vector<16xf32>
        %mul3A_1722 = arith.mulf %get3A_1717, %mul3A_1721 : vector<16xf32>
        %add3A_1723 = arith.addf %add3A_1675, %mul3A_1722 : vector<16xf32>
        %get3A_1724 = arith.index_cast %add3A_1689 : i32 to index
        %get3A_1725 = arith.constant 48 : index
        %get3A_1726 = tpu.vector_load %arg10[%get3A_1724, %get3A_1725] {strides = array<i32>} : memref<200x64xf32, #tpu.memory_space<vmem>>, vector<1x16xf32>,
        %get3A_1727 = vector.shape_cast %get3A_1726 : vector<1x16xf32> to vector<16xf32>
        %mul3A_1728 = vector.broadcast %squeeze3A_1691 : f32 to vector<16xf32>
        %mul3A_1729 = arith.mulf %get3A_1727, %mul3A_1728 : vector<16xf32>
        %add3A_1730 = arith.addf %add3A_1682, %mul3A_1729 : vector<16xf32>
        %mul3A_1731 = vector.broadcast %squeeze3A_1693 : f32 to vector<16xf32>
        %mul3A_1732 = arith.mulf %get3A_1727, %mul3A_1731 : vector<16xf32>
        %add3A_1733 = arith.addf %add3A_1685, %mul3A_1732 : vector<16xf32>
        %mul3A_1734 = arith.constant 16 : i32
        %mul3A_1735 = arith.muli %while3A_1283, %mul3A_1734 : i32
        %add3A_1736 = arith.constant 9 : i32
        %add3A_1737 = arith.addi %mul3A_1735, %add3A_1736 : i32
        %slice3A_1738 = vector.extract_strided_slice %get3A_1296 {offsets = [9], sizes = [1], strides = [1]} : vector<16xf32> to vector<1xf32>
        %squeeze3A_1739 = vector.extract %slice3A_1738[0] : f32 from vector<1xf32>
        %slice3A_1740 = vector.extract_strided_slice %get3A_1301 {offsets = [9], sizes = [1], strides = [1]} : vector<16xf32> to vector<1xf32>
        %squeeze3A_1741 = vector.extract %slice3A_1740[0] : f32 from vector<1xf32>
        %get3A_1742 = arith.index_cast %add3A_1737 : i32 to index
        %get3A_1743 = arith.constant 0 : index
        %get3A_1744 = tpu.vector_load %arg10[%get3A_1742, %get3A_1743] {strides = array<i32>} : memref<200x64xf32, #tpu.memory_space<vmem>>, vector<1x16xf32>,
        %get3A_1745 = vector.shape_cast %get3A_1744 : vector<1x16xf32> to vector<16xf32>
        %mul3A_1746 = vector.broadcast %squeeze3A_1739 : f32 to vector<16xf32>
        %mul3A_1747 = arith.mulf %get3A_1745, %mul3A_1746 : vector<16xf32>
        %add3A_1748 = arith.addf %add3A_1700, %mul3A_1747 : vector<16xf32>
        %mul3A_1749 = vector.broadcast %squeeze3A_1741 : f32 to vector<16xf32>
        %mul3A_1750 = arith.mulf %get3A_1745, %mul3A_1749 : vector<16xf32>
        %add3A_1751 = arith.addf %add3A_1703, %mul3A_1750 : vector<16xf32>
        %get3A_1752 = arith.index_cast %add3A_1737 : i32 to index
        %get3A_1753 = arith.constant 16 : index
        %get3A_1754 = tpu.vector_load %arg10[%get3A_1752, %get3A_1753] {strides = array<i32>} : memref<200x64xf32, #tpu.memory_space<vmem>>, vector<1x16xf32>,
        %get3A_1755 = vector.shape_cast %get3A_1754 : vector<1x16xf32> to vector<16xf32>
        %mul3A_1756 = vector.broadcast %squeeze3A_1739 : f32 to vector<16xf32>
        %mul3A_1757 = arith.mulf %get3A_1755, %mul3A_1756 : vector<16xf32>
        %add3A_1758 = arith.addf %add3A_1710, %mul3A_1757 : vector<16xf32>
        %mul3A_1759 = vector.broadcast %squeeze3A_1741 : f32 to vector<16xf32>
        %mul3A_1760 = arith.mulf %get3A_1755, %mul3A_1759 : vector<16xf32>
        %add3A_1761 = arith.addf %add3A_1713, %mul3A_1760 : vector<16xf32>
        %get3A_1762 = arith.index_cast %add3A_1737 : i32 to index
        %get3A_1763 = arith.constant 32 : index
        %get3A_1764 = tpu.vector_load %arg10[%get3A_1762, %get3A_1763] {strides = array<i32>} : memref<200x64xf32, #tpu.memory_space<vmem>>, vector<1x16xf32>,
        %get3A_1765 = vector.shape_cast %get3A_1764 : vector<1x16xf32> to vector<16xf32>
        %mul3A_1766 = vector.broadcast %squeeze3A_1739 : f32 to vector<16xf32>
        %mul3A_1767 = arith.mulf %get3A_1765, %mul3A_1766 : vector<16xf32>
        %add3A_1768 = arith.addf %add3A_1720, %mul3A_1767 : vector<16xf32>
        %mul3A_1769 = vector.broadcast %squeeze3A_1741 : f32 to vector<16xf32>
        %mul3A_1770 = arith.mulf %get3A_1765, %mul3A_1769 : vector<16xf32>
        %add3A_1771 = arith.addf %add3A_1723, %mul3A_1770 : vector<16xf32>
        %get3A_1772 = arith.index_cast %add3A_1737 : i32 to index
        %get3A_1773 = arith.constant 48 : index
        %get3A_1774 = tpu.vector_load %arg10[%get3A_1772, %get3A_1773] {strides = array<i32>} : memref<200x64xf32, #tpu.memory_space<vmem>>, vector<1x16xf32>,
        %get3A_1775 = vector.shape_cast %get3A_1774 : vector<1x16xf32> to vector<16xf32>
        %mul3A_1776 = vector.broadcast %squeeze3A_1739 : f32 to vector<16xf32>
        %mul3A_1777 = arith.mulf %get3A_1775, %mul3A_1776 : vector<16xf32>
        %add3A_1778 = arith.addf %add3A_1730, %mul3A_1777 : vector<16xf32>
        %mul3A_1779 = vector.broadcast %squeeze3A_1741 : f32 to vector<16xf32>
        %mul3A_1780 = arith.mulf %get3A_1775, %mul3A_1779 : vector<16xf32>
        %add3A_1781 = arith.addf %add3A_1733, %mul3A_1780 : vector<16xf32>
        %mul3A_1782 = arith.constant 16 : i32
        %mul3A_1783 = arith.muli %while3A_1283, %mul3A_1782 : i32
        %add3A_1784 = arith.constant 10 : i32
        %add3A_1785 = arith.addi %mul3A_1783, %add3A_1784 : i32
        %slice3A_1786 = vector.extract_strided_slice %get3A_1296 {offsets = [10], sizes = [1], strides = [1]} : vector<16xf32> to vector<1xf32>
        %squeeze3A_1787 = vector.extract %slice3A_1786[0] : f32 from vector<1xf32>
        %slice3A_1788 = vector.extract_strided_slice %get3A_1301 {offsets = [10], sizes = [1], strides = [1]} : vector<16xf32> to vector<1xf32>
        %squeeze3A_1789 = vector.extract %slice3A_1788[0] : f32 from vector<1xf32>
        %get3A_1790 = arith.index_cast %add3A_1785 : i32 to index
        %get3A_1791 = arith.constant 0 : index
        %get3A_1792 = tpu.vector_load %arg10[%get3A_1790, %get3A_1791] {strides = array<i32>} : memref<200x64xf32, #tpu.memory_space<vmem>>, vector<1x16xf32>,
        %get3A_1793 = vector.shape_cast %get3A_1792 : vector<1x16xf32> to vector<16xf32>
        %mul3A_1794 = vector.broadcast %squeeze3A_1787 : f32 to vector<16xf32>
        %mul3A_1795 = arith.mulf %get3A_1793, %mul3A_1794 : vector<16xf32>
        %add3A_1796 = arith.addf %add3A_1748, %mul3A_1795 : vector<16xf32>
        %mul3A_1797 = vector.broadcast %squeeze3A_1789 : f32 to vector<16xf32>
        %mul3A_1798 = arith.mulf %get3A_1793, %mul3A_1797 : vector<16xf32>
        %add3A_1799 = arith.addf %add3A_1751, %mul3A_1798 : vector<16xf32>
        %get3A_1800 = arith.index_cast %add3A_1785 : i32 to index
        %get3A_1801 = arith.constant 16 : index
        %get3A_1802 = tpu.vector_load %arg10[%get3A_1800, %get3A_1801] {strides = array<i32>} : memref<200x64xf32, #tpu.memory_space<vmem>>, vector<1x16xf32>,
        %get3A_1803 = vector.shape_cast %get3A_1802 : vector<1x16xf32> to vector<16xf32>
        %mul3A_1804 = vector.broadcast %squeeze3A_1787 : f32 to vector<16xf32>
        %mul3A_1805 = arith.mulf %get3A_1803, %mul3A_1804 : vector<16xf32>
        %add3A_1806 = arith.addf %add3A_1758, %mul3A_1805 : vector<16xf32>
        %mul3A_1807 = vector.broadcast %squeeze3A_1789 : f32 to vector<16xf32>
        %mul3A_1808 = arith.mulf %get3A_1803, %mul3A_1807 : vector<16xf32>
        %add3A_1809 = arith.addf %add3A_1761, %mul3A_1808 : vector<16xf32>
        %get3A_1810 = arith.index_cast %add3A_1785 : i32 to index
        %get3A_1811 = arith.constant 32 : index
        %get3A_1812 = tpu.vector_load %arg10[%get3A_1810, %get3A_1811] {strides = array<i32>} : memref<200x64xf32, #tpu.memory_space<vmem>>, vector<1x16xf32>,
        %get3A_1813 = vector.shape_cast %get3A_1812 : vector<1x16xf32> to vector<16xf32>
        %mul3A_1814 = vector.broadcast %squeeze3A_1787 : f32 to vector<16xf32>
        %mul3A_1815 = arith.mulf %get3A_1813, %mul3A_1814 : vector<16xf32>
        %add3A_1816 = arith.addf %add3A_1768, %mul3A_1815 : vector<16xf32>
        %mul3A_1817 = vector.broadcast %squeeze3A_1789 : f32 to vector<16xf32>
        %mul3A_1818 = arith.mulf %get3A_1813, %mul3A_1817 : vector<16xf32>
        %add3A_1819 = arith.addf %add3A_1771, %mul3A_1818 : vector<16xf32>
        %get3A_1820 = arith.index_cast %add3A_1785 : i32 to index
        %get3A_1821 = arith.constant 48 : index
        %get3A_1822 = tpu.vector_load %arg10[%get3A_1820, %get3A_1821] {strides = array<i32>} : memref<200x64xf32, #tpu.memory_space<vmem>>, vector<1x16xf32>,
        %get3A_1823 = vector.shape_cast %get3A_1822 : vector<1x16xf32> to vector<16xf32>
        %mul3A_1824 = vector.broadcast %squeeze3A_1787 : f32 to vector<16xf32>
        %mul3A_1825 = arith.mulf %get3A_1823, %mul3A_1824 : vector<16xf32>
        %add3A_1826 = arith.addf %add3A_1778, %mul3A_1825 : vector<16xf32>
        %mul3A_1827 = vector.broadcast %squeeze3A_1789 : f32 to vector<16xf32>
        %mul3A_1828 = arith.mulf %get3A_1823, %mul3A_1827 : vector<16xf32>
        %add3A_1829 = arith.addf %add3A_1781, %mul3A_1828 : vector<16xf32>
        %mul3A_1830 = arith.constant 16 : i32
        %mul3A_1831 = arith.muli %while3A_1283, %mul3A_1830 : i32
        %add3A_1832 = arith.constant 11 : i32
        %add3A_1833 = arith.addi %mul3A_1831, %add3A_1832 : i32
        %slice3A_1834 = vector.extract_strided_slice %get3A_1296 {offsets = [11], sizes = [1], strides = [1]} : vector<16xf32> to vector<1xf32>
        %squeeze3A_1835 = vector.extract %slice3A_1834[0] : f32 from vector<1xf32>
        %slice3A_1836 = vector.extract_strided_slice %get3A_1301 {offsets = [11], sizes = [1], strides = [1]} : vector<16xf32> to vector<1xf32>
        %squeeze3A_1837 = vector.extract %slice3A_1836[0] : f32 from vector<1xf32>
        %get3A_1838 = arith.index_cast %add3A_1833 : i32 to index
        %get3A_1839 = arith.constant 0 : index
        %get3A_1840 = tpu.vector_load %arg10[%get3A_1838, %get3A_1839] {strides = array<i32>} : memref<200x64xf32, #tpu.memory_space<vmem>>, vector<1x16xf32>,
        %get3A_1841 = vector.shape_cast %get3A_1840 : vector<1x16xf32> to vector<16xf32>
        %mul3A_1842 = vector.broadcast %squeeze3A_1835 : f32 to vector<16xf32>
        %mul3A_1843 = arith.mulf %get3A_1841, %mul3A_1842 : vector<16xf32>
        %add3A_1844 = arith.addf %add3A_1796, %mul3A_1843 : vector<16xf32>
        %mul3A_1845 = vector.broadcast %squeeze3A_1837 : f32 to vector<16xf32>
        %mul3A_1846 = arith.mulf %get3A_1841, %mul3A_1845 : vector<16xf32>
        %add3A_1847 = arith.addf %add3A_1799, %mul3A_1846 : vector<16xf32>
        %get3A_1848 = arith.index_cast %add3A_1833 : i32 to index
        %get3A_1849 = arith.constant 16 : index
        %get3A_1850 = tpu.vector_load %arg10[%get3A_1848, %get3A_1849] {strides = array<i32>} : memref<200x64xf32, #tpu.memory_space<vmem>>, vector<1x16xf32>,
        %get3A_1851 = vector.shape_cast %get3A_1850 : vector<1x16xf32> to vector<16xf32>
        %mul3A_1852 = vector.broadcast %squeeze3A_1835 : f32 to vector<16xf32>
        %mul3A_1853 = arith.mulf %get3A_1851, %mul3A_1852 : vector<16xf32>
        %add3A_1854 = arith.addf %add3A_1806, %mul3A_1853 : vector<16xf32>
        %mul3A_1855 = vector.broadcast %squeeze3A_1837 : f32 to vector<16xf32>
        %mul3A_1856 = arith.mulf %get3A_1851, %mul3A_1855 : vector<16xf32>
        %add3A_1857 = arith.addf %add3A_1809, %mul3A_1856 : vector<16xf32>
        %get3A_1858 = arith.index_cast %add3A_1833 : i32 to index
        %get3A_1859 = arith.constant 32 : index
        %get3A_1860 = tpu.vector_load %arg10[%get3A_1858, %get3A_1859] {strides = array<i32>} : memref<200x64xf32, #tpu.memory_space<vmem>>, vector<1x16xf32>,
        %get3A_1861 = vector.shape_cast %get3A_1860 : vector<1x16xf32> to vector<16xf32>
        %mul3A_1862 = vector.broadcast %squeeze3A_1835 : f32 to vector<16xf32>
        %mul3A_1863 = arith.mulf %get3A_1861, %mul3A_1862 : vector<16xf32>
        %add3A_1864 = arith.addf %add3A_1816, %mul3A_1863 : vector<16xf32>
        %mul3A_1865 = vector.broadcast %squeeze3A_1837 : f32 to vector<16xf32>
        %mul3A_1866 = arith.mulf %get3A_1861, %mul3A_1865 : vector<16xf32>
        %add3A_1867 = arith.addf %add3A_1819, %mul3A_1866 : vector<16xf32>
        %get3A_1868 = arith.index_cast %add3A_1833 : i32 to index
        %get3A_1869 = arith.constant 48 : index
        %get3A_1870 = tpu.vector_load %arg10[%get3A_1868, %get3A_1869] {strides = array<i32>} : memref<200x64xf32, #tpu.memory_space<vmem>>, vector<1x16xf32>,
        %get3A_1871 = vector.shape_cast %get3A_1870 : vector<1x16xf32> to vector<16xf32>
        %mul3A_1872 = vector.broadcast %squeeze3A_1835 : f32 to vector<16xf32>
        %mul3A_1873 = arith.mulf %get3A_1871, %mul3A_1872 : vector<16xf32>
        %add3A_1874 = arith.addf %add3A_1826, %mul3A_1873 : vector<16xf32>
        %mul3A_1875 = vector.broadcast %squeeze3A_1837 : f32 to vector<16xf32>
        %mul3A_1876 = arith.mulf %get3A_1871, %mul3A_1875 : vector<16xf32>
        %add3A_1877 = arith.addf %add3A_1829, %mul3A_1876 : vector<16xf32>
        %mul3A_1878 = arith.constant 16 : i32
        %mul3A_1879 = arith.muli %while3A_1283, %mul3A_1878 : i32
        %add3A_1880 = arith.constant 12 : i32
        %add3A_1881 = arith.addi %mul3A_1879, %add3A_1880 : i32
        %slice3A_1882 = vector.extract_strided_slice %get3A_1296 {offsets = [12], sizes = [1], strides = [1]} : vector<16xf32> to vector<1xf32>
        %squeeze3A_1883 = vector.extract %slice3A_1882[0] : f32 from vector<1xf32>
        %slice3A_1884 = vector.extract_strided_slice %get3A_1301 {offsets = [12], sizes = [1], strides = [1]} : vector<16xf32> to vector<1xf32>
        %squeeze3A_1885 = vector.extract %slice3A_1884[0] : f32 from vector<1xf32>
        %get3A_1886 = arith.index_cast %add3A_1881 : i32 to index
        %get3A_1887 = arith.constant 0 : index
        %get3A_1888 = tpu.vector_load %arg10[%get3A_1886, %get3A_1887] {strides = array<i32>} : memref<200x64xf32, #tpu.memory_space<vmem>>, vector<1x16xf32>,
        %get3A_1889 = vector.shape_cast %get3A_1888 : vector<1x16xf32> to vector<16xf32>
        %mul3A_1890 = vector.broadcast %squeeze3A_1883 : f32 to vector<16xf32>
        %mul3A_1891 = arith.mulf %get3A_1889, %mul3A_1890 : vector<16xf32>
        %add3A_1892 = arith.addf %add3A_1844, %mul3A_1891 : vector<16xf32>
        %mul3A_1893 = vector.broadcast %squeeze3A_1885 : f32 to vector<16xf32>
        %mul3A_1894 = arith.mulf %get3A_1889, %mul3A_1893 : vector<16xf32>
        %add3A_1895 = arith.addf %add3A_1847, %mul3A_1894 : vector<16xf32>
        %get3A_1896 = arith.index_cast %add3A_1881 : i32 to index
        %get3A_1897 = arith.constant 16 : index
        %get3A_1898 = tpu.vector_load %arg10[%get3A_1896, %get3A_1897] {strides = array<i32>} : memref<200x64xf32, #tpu.memory_space<vmem>>, vector<1x16xf32>,
        %get3A_1899 = vector.shape_cast %get3A_1898 : vector<1x16xf32> to vector<16xf32>
        %mul3A_1900 = vector.broadcast %squeeze3A_1883 : f32 to vector<16xf32>
        %mul3A_1901 = arith.mulf %get3A_1899, %mul3A_1900 : vector<16xf32>
        %add3A_1902 = arith.addf %add3A_1854, %mul3A_1901 : vector<16xf32>
        %mul3A_1903 = vector.broadcast %squeeze3A_1885 : f32 to vector<16xf32>
        %mul3A_1904 = arith.mulf %get3A_1899, %mul3A_1903 : vector<16xf32>
        %add3A_1905 = arith.addf %add3A_1857, %mul3A_1904 : vector<16xf32>
        %get3A_1906 = arith.index_cast %add3A_1881 : i32 to index
        %get3A_1907 = arith.constant 32 : index
        %get3A_1908 = tpu.vector_load %arg10[%get3A_1906, %get3A_1907] {strides = array<i32>} : memref<200x64xf32, #tpu.memory_space<vmem>>, vector<1x16xf32>,
        %get3A_1909 = vector.shape_cast %get3A_1908 : vector<1x16xf32> to vector<16xf32>
        %mul3A_1910 = vector.broadcast %squeeze3A_1883 : f32 to vector<16xf32>
        %mul3A_1911 = arith.mulf %get3A_1909, %mul3A_1910 : vector<16xf32>
        %add3A_1912 = arith.addf %add3A_1864, %mul3A_1911 : vector<16xf32>
        %mul3A_1913 = vector.broadcast %squeeze3A_1885 : f32 to vector<16xf32>
        %mul3A_1914 = arith.mulf %get3A_1909, %mul3A_1913 : vector<16xf32>
        %add3A_1915 = arith.addf %add3A_1867, %mul3A_1914 : vector<16xf32>
        %get3A_1916 = arith.index_cast %add3A_1881 : i32 to index
        %get3A_1917 = arith.constant 48 : index
        %get3A_1918 = tpu.vector_load %arg10[%get3A_1916, %get3A_1917] {strides = array<i32>} : memref<200x64xf32, #tpu.memory_space<vmem>>, vector<1x16xf32>,
        %get3A_1919 = vector.shape_cast %get3A_1918 : vector<1x16xf32> to vector<16xf32>
        %mul3A_1920 = vector.broadcast %squeeze3A_1883 : f32 to vector<16xf32>
        %mul3A_1921 = arith.mulf %get3A_1919, %mul3A_1920 : vector<16xf32>
        %add3A_1922 = arith.addf %add3A_1874, %mul3A_1921 : vector<16xf32>
        %mul3A_1923 = vector.broadcast %squeeze3A_1885 : f32 to vector<16xf32>
        %mul3A_1924 = arith.mulf %get3A_1919, %mul3A_1923 : vector<16xf32>
        %add3A_1925 = arith.addf %add3A_1877, %mul3A_1924 : vector<16xf32>
        %mul3A_1926 = arith.constant 16 : i32
        %mul3A_1927 = arith.muli %while3A_1283, %mul3A_1926 : i32
        %add3A_1928 = arith.constant 13 : i32
        %add3A_1929 = arith.addi %mul3A_1927, %add3A_1928 : i32
        %slice3A_1930 = vector.extract_strided_slice %get3A_1296 {offsets = [13], sizes = [1], strides = [1]} : vector<16xf32> to vector<1xf32>
        %squeeze3A_1931 = vector.extract %slice3A_1930[0] : f32 from vector<1xf32>
        %slice3A_1932 = vector.extract_strided_slice %get3A_1301 {offsets = [13], sizes = [1], strides = [1]} : vector<16xf32> to vector<1xf32>
        %squeeze3A_1933 = vector.extract %slice3A_1932[0] : f32 from vector<1xf32>
        %get3A_1934 = arith.index_cast %add3A_1929 : i32 to index
        %get3A_1935 = arith.constant 0 : index
        %get3A_1936 = tpu.vector_load %arg10[%get3A_1934, %get3A_1935] {strides = array<i32>} : memref<200x64xf32, #tpu.memory_space<vmem>>, vector<1x16xf32>,
        %get3A_1937 = vector.shape_cast %get3A_1936 : vector<1x16xf32> to vector<16xf32>
        %mul3A_1938 = vector.broadcast %squeeze3A_1931 : f32 to vector<16xf32>
        %mul3A_1939 = arith.mulf %get3A_1937, %mul3A_1938 : vector<16xf32>
        %add3A_1940 = arith.addf %add3A_1892, %mul3A_1939 : vector<16xf32>
        %mul3A_1941 = vector.broadcast %squeeze3A_1933 : f32 to vector<16xf32>
        %mul3A_1942 = arith.mulf %get3A_1937, %mul3A_1941 : vector<16xf32>
        %add3A_1943 = arith.addf %add3A_1895, %mul3A_1942 : vector<16xf32>
        %get3A_1944 = arith.index_cast %add3A_1929 : i32 to index
        %get3A_1945 = arith.constant 16 : index
        %get3A_1946 = tpu.vector_load %arg10[%get3A_1944, %get3A_1945] {strides = array<i32>} : memref<200x64xf32, #tpu.memory_space<vmem>>, vector<1x16xf32>,
        %get3A_1947 = vector.shape_cast %get3A_1946 : vector<1x16xf32> to vector<16xf32>
        %mul3A_1948 = vector.broadcast %squeeze3A_1931 : f32 to vector<16xf32>
        %mul3A_1949 = arith.mulf %get3A_1947, %mul3A_1948 : vector<16xf32>
        %add3A_1950 = arith.addf %add3A_1902, %mul3A_1949 : vector<16xf32>
        %mul3A_1951 = vector.broadcast %squeeze3A_1933 : f32 to vector<16xf32>
        %mul3A_1952 = arith.mulf %get3A_1947, %mul3A_1951 : vector<16xf32>
        %add3A_1953 = arith.addf %add3A_1905, %mul3A_1952 : vector<16xf32>
        %get3A_1954 = arith.index_cast %add3A_1929 : i32 to index
        %get3A_1955 = arith.constant 32 : index
        %get3A_1956 = tpu.vector_load %arg10[%get3A_1954, %get3A_1955] {strides = array<i32>} : memref<200x64xf32, #tpu.memory_space<vmem>>, vector<1x16xf32>,
        %get3A_1957 = vector.shape_cast %get3A_1956 : vector<1x16xf32> to vector<16xf32>
        %mul3A_1958 = vector.broadcast %squeeze3A_1931 : f32 to vector<16xf32>
        %mul3A_1959 = arith.mulf %get3A_1957, %mul3A_1958 : vector<16xf32>
        %add3A_1960 = arith.addf %add3A_1912, %mul3A_1959 : vector<16xf32>
        %mul3A_1961 = vector.broadcast %squeeze3A_1933 : f32 to vector<16xf32>
        %mul3A_1962 = arith.mulf %get3A_1957, %mul3A_1961 : vector<16xf32>
        %add3A_1963 = arith.addf %add3A_1915, %mul3A_1962 : vector<16xf32>
        %get3A_1964 = arith.index_cast %add3A_1929 : i32 to index
        %get3A_1965 = arith.constant 48 : index
        %get3A_1966 = tpu.vector_load %arg10[%get3A_1964, %get3A_1965] {strides = array<i32>} : memref<200x64xf32, #tpu.memory_space<vmem>>, vector<1x16xf32>,
        %get3A_1967 = vector.shape_cast %get3A_1966 : vector<1x16xf32> to vector<16xf32>
        %mul3A_1968 = vector.broadcast %squeeze3A_1931 : f32 to vector<16xf32>
        %mul3A_1969 = arith.mulf %get3A_1967, %mul3A_1968 : vector<16xf32>
        %add3A_1970 = arith.addf %add3A_1922, %mul3A_1969 : vector<16xf32>
        %mul3A_1971 = vector.broadcast %squeeze3A_1933 : f32 to vector<16xf32>
        %mul3A_1972 = arith.mulf %get3A_1967, %mul3A_1971 : vector<16xf32>
        %add3A_1973 = arith.addf %add3A_1925, %mul3A_1972 : vector<16xf32>
        %mul3A_1974 = arith.constant 16 : i32
        %mul3A_1975 = arith.muli %while3A_1283, %mul3A_1974 : i32
        %add3A_1976 = arith.constant 14 : i32
        %add3A_1977 = arith.addi %mul3A_1975, %add3A_1976 : i32
        %slice3A_1978 = vector.extract_strided_slice %get3A_1296 {offsets = [14], sizes = [1], strides = [1]} : vector<16xf32> to vector<1xf32>
        %squeeze3A_1979 = vector.extract %slice3A_1978[0] : f32 from vector<1xf32>
        %slice3A_1980 = vector.extract_strided_slice %get3A_1301 {offsets = [14], sizes = [1], strides = [1]} : vector<16xf32> to vector<1xf32>
        %squeeze3A_1981 = vector.extract %slice3A_1980[0] : f32 from vector<1xf32>
        %get3A_1982 = arith.index_cast %add3A_1977 : i32 to index
        %get3A_1983 = arith.constant 0 : index
        %get3A_1984 = tpu.vector_load %arg10[%get3A_1982, %get3A_1983] {strides = array<i32>} : memref<200x64xf32, #tpu.memory_space<vmem>>, vector<1x16xf32>,
        %get3A_1985 = vector.shape_cast %get3A_1984 : vector<1x16xf32> to vector<16xf32>
        %mul3A_1986 = vector.broadcast %squeeze3A_1979 : f32 to vector<16xf32>
        %mul3A_1987 = arith.mulf %get3A_1985, %mul3A_1986 : vector<16xf32>
        %add3A_1988 = arith.addf %add3A_1940, %mul3A_1987 : vector<16xf32>
        %mul3A_1989 = vector.broadcast %squeeze3A_1981 : f32 to vector<16xf32>
        %mul3A_1990 = arith.mulf %get3A_1985, %mul3A_1989 : vector<16xf32>
        %add3A_1991 = arith.addf %add3A_1943, %mul3A_1990 : vector<16xf32>
        %get3A_1992 = arith.index_cast %add3A_1977 : i32 to index
        %get3A_1993 = arith.constant 16 : index
        %get3A_1994 = tpu.vector_load %arg10[%get3A_1992, %get3A_1993] {strides = array<i32>} : memref<200x64xf32, #tpu.memory_space<vmem>>, vector<1x16xf32>,
        %get3A_1995 = vector.shape_cast %get3A_1994 : vector<1x16xf32> to vector<16xf32>
        %mul3A_1996 = vector.broadcast %squeeze3A_1979 : f32 to vector<16xf32>
        %mul3A_1997 = arith.mulf %get3A_1995, %mul3A_1996 : vector<16xf32>
        %add3A_1998 = arith.addf %add3A_1950, %mul3A_1997 : vector<16xf32>
        %mul3A_1999 = vector.broadcast %squeeze3A_1981 : f32 to vector<16xf32>
        %mul3A_2000 = arith.mulf %get3A_1995, %mul3A_1999 : vector<16xf32>
        %add3A_2001 = arith.addf %add3A_1953, %mul3A_2000 : vector<16xf32>
        %get3A_2002 = arith.index_cast %add3A_1977 : i32 to index
        %get3A_2003 = arith.constant 32 : index
        %get3A_2004 = tpu.vector_load %arg10[%get3A_2002, %get3A_2003] {strides = array<i32>} : memref<200x64xf32, #tpu.memory_space<vmem>>, vector<1x16xf32>,
        %get3A_2005 = vector.shape_cast %get3A_2004 : vector<1x16xf32> to vector<16xf32>
        %mul3A_2006 = vector.broadcast %squeeze3A_1979 : f32 to vector<16xf32>
        %mul3A_2007 = arith.mulf %get3A_2005, %mul3A_2006 : vector<16xf32>
        %add3A_2008 = arith.addf %add3A_1960, %mul3A_2007 : vector<16xf32>
        %mul3A_2009 = vector.broadcast %squeeze3A_1981 : f32 to vector<16xf32>
        %mul3A_2010 = arith.mulf %get3A_2005, %mul3A_2009 : vector<16xf32>
        %add3A_2011 = arith.addf %add3A_1963, %mul3A_2010 : vector<16xf32>
        %get3A_2012 = arith.index_cast %add3A_1977 : i32 to index
        %get3A_2013 = arith.constant 48 : index
        %get3A_2014 = tpu.vector_load %arg10[%get3A_2012, %get3A_2013] {strides = array<i32>} : memref<200x64xf32, #tpu.memory_space<vmem>>, vector<1x16xf32>,
        %get3A_2015 = vector.shape_cast %get3A_2014 : vector<1x16xf32> to vector<16xf32>
        %mul3A_2016 = vector.broadcast %squeeze3A_1979 : f32 to vector<16xf32>
        %mul3A_2017 = arith.mulf %get3A_2015, %mul3A_2016 : vector<16xf32>
        %add3A_2018 = arith.addf %add3A_1970, %mul3A_2017 : vector<16xf32>
        %mul3A_2019 = vector.broadcast %squeeze3A_1981 : f32 to vector<16xf32>
        %mul3A_2020 = arith.mulf %get3A_2015, %mul3A_2019 : vector<16xf32>
        %add3A_2021 = arith.addf %add3A_1973, %mul3A_2020 : vector<16xf32>
        %mul3A_2022 = arith.constant 16 : i32
        %mul3A_2023 = arith.muli %while3A_1283, %mul3A_2022 : i32
        %add3A_2024 = arith.constant 15 : i32
        %add3A_2025 = arith.addi %mul3A_2023, %add3A_2024 : i32
        %slice3A_2026 = vector.extract_strided_slice %get3A_1296 {offsets = [15], sizes = [1], strides = [1]} : vector<16xf32> to vector<1xf32>
        %squeeze3A_2027 = vector.extract %slice3A_2026[0] : f32 from vector<1xf32>
        %slice3A_2028 = vector.extract_strided_slice %get3A_1301 {offsets = [15], sizes = [1], strides = [1]} : vector<16xf32> to vector<1xf32>
        %squeeze3A_2029 = vector.extract %slice3A_2028[0] : f32 from vector<1xf32>
        %get3A_2030 = arith.index_cast %add3A_2025 : i32 to index
        %get3A_2031 = arith.constant 0 : index
        %get3A_2032 = tpu.vector_load %arg10[%get3A_2030, %get3A_2031] {strides = array<i32>} : memref<200x64xf32, #tpu.memory_space<vmem>>, vector<1x16xf32>,
        %get3A_2033 = vector.shape_cast %get3A_2032 : vector<1x16xf32> to vector<16xf32>
        %mul3A_2034 = vector.broadcast %squeeze3A_2027 : f32 to vector<16xf32>
        %mul3A_2035 = arith.mulf %get3A_2033, %mul3A_2034 : vector<16xf32>
        %add3A_2036 = arith.addf %add3A_1988, %mul3A_2035 : vector<16xf32>
        %mul3A_2037 = vector.broadcast %squeeze3A_2029 : f32 to vector<16xf32>
        %mul3A_2038 = arith.mulf %get3A_2033, %mul3A_2037 : vector<16xf32>
        %add3A_2039 = arith.addf %add3A_1991, %mul3A_2038 : vector<16xf32>
        %get3A_2040 = arith.index_cast %add3A_2025 : i32 to index
        %get3A_2041 = arith.constant 16 : index
        %get3A_2042 = tpu.vector_load %arg10[%get3A_2040, %get3A_2041] {strides = array<i32>} : memref<200x64xf32, #tpu.memory_space<vmem>>, vector<1x16xf32>,
        %get3A_2043 = vector.shape_cast %get3A_2042 : vector<1x16xf32> to vector<16xf32>
        %mul3A_2044 = vector.broadcast %squeeze3A_2027 : f32 to vector<16xf32>
        %mul3A_2045 = arith.mulf %get3A_2043, %mul3A_2044 : vector<16xf32>
        %add3A_2046 = arith.addf %add3A_1998, %mul3A_2045 : vector<16xf32>
        %mul3A_2047 = vector.broadcast %squeeze3A_2029 : f32 to vector<16xf32>
        %mul3A_2048 = arith.mulf %get3A_2043, %mul3A_2047 : vector<16xf32>
        %add3A_2049 = arith.addf %add3A_2001, %mul3A_2048 : vector<16xf32>
        %get3A_2050 = arith.index_cast %add3A_2025 : i32 to index
        %get3A_2051 = arith.constant 32 : index
        %get3A_2052 = tpu.vector_load %arg10[%get3A_2050, %get3A_2051] {strides = array<i32>} : memref<200x64xf32, #tpu.memory_space<vmem>>, vector<1x16xf32>,
        %get3A_2053 = vector.shape_cast %get3A_2052 : vector<1x16xf32> to vector<16xf32>
        %mul3A_2054 = vector.broadcast %squeeze3A_2027 : f32 to vector<16xf32>
        %mul3A_2055 = arith.mulf %get3A_2053, %mul3A_2054 : vector<16xf32>
        %add3A_2056 = arith.addf %add3A_2008, %mul3A_2055 : vector<16xf32>
        %mul3A_2057 = vector.broadcast %squeeze3A_2029 : f32 to vector<16xf32>
        %mul3A_2058 = arith.mulf %get3A_2053, %mul3A_2057 : vector<16xf32>
        %add3A_2059 = arith.addf %add3A_2011, %mul3A_2058 : vector<16xf32>
        %get3A_2060 = arith.index_cast %add3A_2025 : i32 to index
        %get3A_2061 = arith.constant 48 : index
        %get3A_2062 = tpu.vector_load %arg10[%get3A_2060, %get3A_2061] {strides = array<i32>} : memref<200x64xf32, #tpu.memory_space<vmem>>, vector<1x16xf32>,
        %get3A_2063 = vector.shape_cast %get3A_2062 : vector<1x16xf32> to vector<16xf32>
        %mul3A_2064 = vector.broadcast %squeeze3A_2027 : f32 to vector<16xf32>
        %mul3A_2065 = arith.mulf %get3A_2063, %mul3A_2064 : vector<16xf32>
        %add3A_2066 = arith.addf %add3A_2018, %mul3A_2065 : vector<16xf32>
        %mul3A_2067 = vector.broadcast %squeeze3A_2029 : f32 to vector<16xf32>
        %mul3A_2068 = arith.mulf %get3A_2063, %mul3A_2067 : vector<16xf32>
        %add3A_2069 = arith.addf %add3A_2021, %mul3A_2068 : vector<16xf32>
        scf.yield %add3A_2036, %add3A_2046, %add3A_2056, %add3A_2066, %add3A_2039, %add3A_2049, %add3A_2059, %add3A_2069 : vector<16xf32>, vector<16xf32>, vector<16xf32>, vector<16xf32>, vector<16xf32>, vector<16xf32>, vector<16xf32>, vector<16xf32>
      }
      %while3A_1183 = arith.constant 1 : i32
      %while3A_1184:8 = scf.for %while3A_1283 = %while3A_1180 to %while3A_1176 step %while3A_1183 iter_args(%while3A_1284 = %while3A_1182#0, %while3A_1285 = %while3A_1182#1, %while3A_1286 = %while3A_1182#2, %while3A_1287 = %while3A_1182#3, %while3A_1288 = %while3A_1182#4, %while3A_1289 = %while3A_1182#5, %while3A_1290 = %while3A_1182#6, %while3A_1291 = %while3A_1182#7) -> (vector<16xf32>, vector<16xf32>, vector<16xf32>, vector<16xf32>, vector<16xf32>, vector<16xf32>, vector<16xf32>, vector<16xf32>)  : i32 {
        %mul3A_1292 = arith.constant 16 : i32
        %mul3A_1293 = arith.muli %mul3A_1292, %while3A_1283 : i32
        %get3A_1294 = arith.index_cast %mul3A_1293 : i32 to index
        %get3A_1295 = tpu.vector_load %arg14[%get3A_1294] {strides = array<i32>} : memref<208xf32, #tpu.memory_space<vmem>>, vector<16xf32>,
        %get3A_1296 = vector.shape_cast %get3A_1295 : vector<16xf32> to vector<16xf32>
        %mul3A_1297 = arith.constant 16 : i32
        %mul3A_1298 = arith.muli %mul3A_1297, %while3A_1283 : i32
        %get3A_1299 = arith.index_cast %mul3A_1298 : i32 to index
        %get3A_1300 = tpu.vector_load %arg15[%get3A_1299] {strides = array<i32>} : memref<208xf32, #tpu.memory_space<vmem>>, vector<16xf32>,
        %get3A_1301 = vector.shape_cast %get3A_1300 : vector<16xf32> to vector<16xf32>
        %mul3A_1302 = arith.constant 16 : i32
        %mul3A_1303 = arith.muli %while3A_1283, %mul3A_1302 : i32
        %add3A_1304 = arith.constant 0 : i32
        %add3A_1305 = arith.addi %mul3A_1303, %add3A_1304 : i32
        %slice3A_1306 = vector.extract_strided_slice %get3A_1296 {offsets = [0], sizes = [1], strides = [1]} : vector<16xf32> to vector<1xf32>
        %squeeze3A_1307 = vector.extract %slice3A_1306[0] : f32 from vector<1xf32>
        %slice3A_1308 = vector.extract_strided_slice %get3A_1301 {offsets = [0], sizes = [1], strides = [1]} : vector<16xf32> to vector<1xf32>
        %squeeze3A_1309 = vector.extract %slice3A_1308[0] : f32 from vector<1xf32>
        %get3A_1310 = arith.index_cast %add3A_1305 : i32 to index
        %get3A_1311 = arith.constant 0 : index
        %get3A_1312 = tpu.vector_load %arg10[%get3A_1310, %get3A_1311] {strides = array<i32>} : memref<200x64xf32, #tpu.memory_space<vmem>>, vector<1x16xf32>,
        %get3A_1313 = vector.shape_cast %get3A_1312 : vector<1x16xf32> to vector<16xf32>
        %mul3A_1314 = vector.broadcast %squeeze3A_1307 : f32 to vector<16xf32>
        %mul3A_1315 = arith.mulf %get3A_1313, %mul3A_1314 : vector<16xf32>
        %add3A_1316 = arith.addf %while3A_1284, %mul3A_1315 : vector<16xf32>
        %mul3A_1317 = vector.broadcast %squeeze3A_1309 : f32 to vector<16xf32>
        %mul3A_1318 = arith.mulf %get3A_1313, %mul3A_1317 : vector<16xf32>
        %add3A_1319 = arith.addf %while3A_1288, %mul3A_1318 : vector<16xf32>
        %get3A_1320 = arith.index_cast %add3A_1305 : i32 to index
        %get3A_1321 = arith.constant 16 : index
        %get3A_1322 = tpu.vector_load %arg10[%get3A_1320, %get3A_1321] {strides = array<i32>} : memref<200x64xf32, #tpu.memory_space<vmem>>, vector<1x16xf32>,
        %get3A_1323 = vector.shape_cast %get3A_1322 : vector<1x16xf32> to vector<16xf32>
        %mul3A_1324 = vector.broadcast %squeeze3A_1307 : f32 to vector<16xf32>
        %mul3A_1325 = arith.mulf %get3A_1323, %mul3A_1324 : vector<16xf32>
        %add3A_1326 = arith.addf %while3A_1285, %mul3A_1325 : vector<16xf32>
        %mul3A_1327 = vector.broadcast %squeeze3A_1309 : f32 to vector<16xf32>
        %mul3A_1328 = arith.mulf %get3A_1323, %mul3A_1327 : vector<16xf32>
        %add3A_1329 = arith.addf %while3A_1289, %mul3A_1328 : vector<16xf32>
        %get3A_1330 = arith.index_cast %add3A_1305 : i32 to index
        %get3A_1331 = arith.constant 32 : index
        %get3A_1332 = tpu.vector_load %arg10[%get3A_1330, %get3A_1331] {strides = array<i32>} : memref<200x64xf32, #tpu.memory_space<vmem>>, vector<1x16xf32>,
        %get3A_1333 = vector.shape_cast %get3A_1332 : vector<1x16xf32> to vector<16xf32>
        %mul3A_1334 = vector.broadcast %squeeze3A_1307 : f32 to vector<16xf32>
        %mul3A_1335 = arith.mulf %get3A_1333, %mul3A_1334 : vector<16xf32>
        %add3A_1336 = arith.addf %while3A_1286, %mul3A_1335 : vector<16xf32>
        %mul3A_1337 = vector.broadcast %squeeze3A_1309 : f32 to vector<16xf32>
        %mul3A_1338 = arith.mulf %get3A_1333, %mul3A_1337 : vector<16xf32>
        %add3A_1339 = arith.addf %while3A_1290, %mul3A_1338 : vector<16xf32>
        %get3A_1340 = arith.index_cast %add3A_1305 : i32 to index
        %get3A_1341 = arith.constant 48 : index
        %get3A_1342 = tpu.vector_load %arg10[%get3A_1340, %get3A_1341] {strides = array<i32>} : memref<200x64xf32, #tpu.memory_space<vmem>>, vector<1x16xf32>,
        %get3A_1343 = vector.shape_cast %get3A_1342 : vector<1x16xf32> to vector<16xf32>
        %mul3A_1344 = vector.broadcast %squeeze3A_1307 : f32 to vector<16xf32>
        %mul3A_1345 = arith.mulf %get3A_1343, %mul3A_1344 : vector<16xf32>
        %add3A_1346 = arith.addf %while3A_1287, %mul3A_1345 : vector<16xf32>
        %mul3A_1347 = vector.broadcast %squeeze3A_1309 : f32 to vector<16xf32>
        %mul3A_1348 = arith.mulf %get3A_1343, %mul3A_1347 : vector<16xf32>
        %add3A_1349 = arith.addf %while3A_1291, %mul3A_1348 : vector<16xf32>
        %mul3A_1350 = arith.constant 16 : i32
        %mul3A_1351 = arith.muli %while3A_1283, %mul3A_1350 : i32
        %add3A_1352 = arith.constant 1 : i32
        %add3A_1353 = arith.addi %mul3A_1351, %add3A_1352 : i32
        %slice3A_1354 = vector.extract_strided_slice %get3A_1296 {offsets = [1], sizes = [1], strides = [1]} : vector<16xf32> to vector<1xf32>
        %squeeze3A_1355 = vector.extract %slice3A_1354[0] : f32 from vector<1xf32>
        %slice3A_1356 = vector.extract_strided_slice %get3A_1301 {offsets = [1], sizes = [1], strides = [1]} : vector<16xf32> to vector<1xf32>
        %squeeze3A_1357 = vector.extract %slice3A_1356[0] : f32 from vector<1xf32>
        %get3A_1358 = arith.index_cast %add3A_1353 : i32 to index
        %get3A_1359 = arith.constant 0 : index
        %get3A_1360 = tpu.vector_load %arg10[%get3A_1358, %get3A_1359] {strides = array<i32>} : memref<200x64xf32, #tpu.memory_space<vmem>>, vector<1x16xf32>,
        %get3A_1361 = vector.shape_cast %get3A_1360 : vector<1x16xf32> to vector<16xf32>
        %mul3A_1362 = vector.broadcast %squeeze3A_1355 : f32 to vector<16xf32>
        %mul3A_1363 = arith.mulf %get3A_1361, %mul3A_1362 : vector<16xf32>
        %add3A_1364 = arith.addf %add3A_1316, %mul3A_1363 : vector<16xf32>
        %mul3A_1365 = vector.broadcast %squeeze3A_1357 : f32 to vector<16xf32>
        %mul3A_1366 = arith.mulf %get3A_1361, %mul3A_1365 : vector<16xf32>
        %add3A_1367 = arith.addf %add3A_1319, %mul3A_1366 : vector<16xf32>
        %get3A_1368 = arith.index_cast %add3A_1353 : i32 to index
        %get3A_1369 = arith.constant 16 : index
        %get3A_1370 = tpu.vector_load %arg10[%get3A_1368, %get3A_1369] {strides = array<i32>} : memref<200x64xf32, #tpu.memory_space<vmem>>, vector<1x16xf32>,
        %get3A_1371 = vector.shape_cast %get3A_1370 : vector<1x16xf32> to vector<16xf32>
        %mul3A_1372 = vector.broadcast %squeeze3A_1355 : f32 to vector<16xf32>
        %mul3A_1373 = arith.mulf %get3A_1371, %mul3A_1372 : vector<16xf32>
        %add3A_1374 = arith.addf %add3A_1326, %mul3A_1373 : vector<16xf32>
        %mul3A_1375 = vector.broadcast %squeeze3A_1357 : f32 to vector<16xf32>
        %mul3A_1376 = arith.mulf %get3A_1371, %mul3A_1375 : vector<16xf32>
        %add3A_1377 = arith.addf %add3A_1329, %mul3A_1376 : vector<16xf32>
        %get3A_1378 = arith.index_cast %add3A_1353 : i32 to index
        %get3A_1379 = arith.constant 32 : index
        %get3A_1380 = tpu.vector_load %arg10[%get3A_1378, %get3A_1379] {strides = array<i32>} : memref<200x64xf32, #tpu.memory_space<vmem>>, vector<1x16xf32>,
        %get3A_1381 = vector.shape_cast %get3A_1380 : vector<1x16xf32> to vector<16xf32>
        %mul3A_1382 = vector.broadcast %squeeze3A_1355 : f32 to vector<16xf32>
        %mul3A_1383 = arith.mulf %get3A_1381, %mul3A_1382 : vector<16xf32>
        %add3A_1384 = arith.addf %add3A_1336, %mul3A_1383 : vector<16xf32>
        %mul3A_1385 = vector.broadcast %squeeze3A_1357 : f32 to vector<16xf32>
        %mul3A_1386 = arith.mulf %get3A_1381, %mul3A_1385 : vector<16xf32>
        %add3A_1387 = arith.addf %add3A_1339, %mul3A_1386 : vector<16xf32>
        %get3A_1388 = arith.index_cast %add3A_1353 : i32 to index
        %get3A_1389 = arith.constant 48 : index
        %get3A_1390 = tpu.vector_load %arg10[%get3A_1388, %get3A_1389] {strides = array<i32>} : memref<200x64xf32, #tpu.memory_space<vmem>>, vector<1x16xf32>,
        %get3A_1391 = vector.shape_cast %get3A_1390 : vector<1x16xf32> to vector<16xf32>
        %mul3A_1392 = vector.broadcast %squeeze3A_1355 : f32 to vector<16xf32>
        %mul3A_1393 = arith.mulf %get3A_1391, %mul3A_1392 : vector<16xf32>
        %add3A_1394 = arith.addf %add3A_1346, %mul3A_1393 : vector<16xf32>
        %mul3A_1395 = vector.broadcast %squeeze3A_1357 : f32 to vector<16xf32>
        %mul3A_1396 = arith.mulf %get3A_1391, %mul3A_1395 : vector<16xf32>
        %add3A_1397 = arith.addf %add3A_1349, %mul3A_1396 : vector<16xf32>
        %mul3A_1398 = arith.constant 16 : i32
        %mul3A_1399 = arith.muli %while3A_1283, %mul3A_1398 : i32
        %add3A_1400 = arith.constant 2 : i32
        %add3A_1401 = arith.addi %mul3A_1399, %add3A_1400 : i32
        %slice3A_1402 = vector.extract_strided_slice %get3A_1296 {offsets = [2], sizes = [1], strides = [1]} : vector<16xf32> to vector<1xf32>
        %squeeze3A_1403 = vector.extract %slice3A_1402[0] : f32 from vector<1xf32>
        %slice3A_1404 = vector.extract_strided_slice %get3A_1301 {offsets = [2], sizes = [1], strides = [1]} : vector<16xf32> to vector<1xf32>
        %squeeze3A_1405 = vector.extract %slice3A_1404[0] : f32 from vector<1xf32>
        %get3A_1406 = arith.index_cast %add3A_1401 : i32 to index
        %get3A_1407 = arith.constant 0 : index
        %get3A_1408 = tpu.vector_load %arg10[%get3A_1406, %get3A_1407] {strides = array<i32>} : memref<200x64xf32, #tpu.memory_space<vmem>>, vector<1x16xf32>,
        %get3A_1409 = vector.shape_cast %get3A_1408 : vector<1x16xf32> to vector<16xf32>
        %mul3A_1410 = vector.broadcast %squeeze3A_1403 : f32 to vector<16xf32>
        %mul3A_1411 = arith.mulf %get3A_1409, %mul3A_1410 : vector<16xf32>
        %add3A_1412 = arith.addf %add3A_1364, %mul3A_1411 : vector<16xf32>
        %mul3A_1413 = vector.broadcast %squeeze3A_1405 : f32 to vector<16xf32>
        %mul3A_1414 = arith.mulf %get3A_1409, %mul3A_1413 : vector<16xf32>
        %add3A_1415 = arith.addf %add3A_1367, %mul3A_1414 : vector<16xf32>
        %get3A_1416 = arith.index_cast %add3A_1401 : i32 to index
        %get3A_1417 = arith.constant 16 : index
        %get3A_1418 = tpu.vector_load %arg10[%get3A_1416, %get3A_1417] {strides = array<i32>} : memref<200x64xf32, #tpu.memory_space<vmem>>, vector<1x16xf32>,
        %get3A_1419 = vector.shape_cast %get3A_1418 : vector<1x16xf32> to vector<16xf32>
        %mul3A_1420 = vector.broadcast %squeeze3A_1403 : f32 to vector<16xf32>
        %mul3A_1421 = arith.mulf %get3A_1419, %mul3A_1420 : vector<16xf32>
        %add3A_1422 = arith.addf %add3A_1374, %mul3A_1421 : vector<16xf32>
        %mul3A_1423 = vector.broadcast %squeeze3A_1405 : f32 to vector<16xf32>
        %mul3A_1424 = arith.mulf %get3A_1419, %mul3A_1423 : vector<16xf32>
        %add3A_1425 = arith.addf %add3A_1377, %mul3A_1424 : vector<16xf32>
        %get3A_1426 = arith.index_cast %add3A_1401 : i32 to index
        %get3A_1427 = arith.constant 32 : index
        %get3A_1428 = tpu.vector_load %arg10[%get3A_1426, %get3A_1427] {strides = array<i32>} : memref<200x64xf32, #tpu.memory_space<vmem>>, vector<1x16xf32>,
        %get3A_1429 = vector.shape_cast %get3A_1428 : vector<1x16xf32> to vector<16xf32>
        %mul3A_1430 = vector.broadcast %squeeze3A_1403 : f32 to vector<16xf32>
        %mul3A_1431 = arith.mulf %get3A_1429, %mul3A_1430 : vector<16xf32>
        %add3A_1432 = arith.addf %add3A_1384, %mul3A_1431 : vector<16xf32>
        %mul3A_1433 = vector.broadcast %squeeze3A_1405 : f32 to vector<16xf32>
        %mul3A_1434 = arith.mulf %get3A_1429, %mul3A_1433 : vector<16xf32>
        %add3A_1435 = arith.addf %add3A_1387, %mul3A_1434 : vector<16xf32>
        %get3A_1436 = arith.index_cast %add3A_1401 : i32 to index
        %get3A_1437 = arith.constant 48 : index
        %get3A_1438 = tpu.vector_load %arg10[%get3A_1436, %get3A_1437] {strides = array<i32>} : memref<200x64xf32, #tpu.memory_space<vmem>>, vector<1x16xf32>,
        %get3A_1439 = vector.shape_cast %get3A_1438 : vector<1x16xf32> to vector<16xf32>
        %mul3A_1440 = vector.broadcast %squeeze3A_1403 : f32 to vector<16xf32>
        %mul3A_1441 = arith.mulf %get3A_1439, %mul3A_1440 : vector<16xf32>
        %add3A_1442 = arith.addf %add3A_1394, %mul3A_1441 : vector<16xf32>
        %mul3A_1443 = vector.broadcast %squeeze3A_1405 : f32 to vector<16xf32>
        %mul3A_1444 = arith.mulf %get3A_1439, %mul3A_1443 : vector<16xf32>
        %add3A_1445 = arith.addf %add3A_1397, %mul3A_1444 : vector<16xf32>
        %mul3A_1446 = arith.constant 16 : i32
        %mul3A_1447 = arith.muli %while3A_1283, %mul3A_1446 : i32
        %add3A_1448 = arith.constant 3 : i32
        %add3A_1449 = arith.addi %mul3A_1447, %add3A_1448 : i32
        %slice3A_1450 = vector.extract_strided_slice %get3A_1296 {offsets = [3], sizes = [1], strides = [1]} : vector<16xf32> to vector<1xf32>
        %squeeze3A_1451 = vector.extract %slice3A_1450[0] : f32 from vector<1xf32>
        %slice3A_1452 = vector.extract_strided_slice %get3A_1301 {offsets = [3], sizes = [1], strides = [1]} : vector<16xf32> to vector<1xf32>
        %squeeze3A_1453 = vector.extract %slice3A_1452[0] : f32 from vector<1xf32>
        %get3A_1454 = arith.index_cast %add3A_1449 : i32 to index
        %get3A_1455 = arith.constant 0 : index
        %get3A_1456 = tpu.vector_load %arg10[%get3A_1454, %get3A_1455] {strides = array<i32>} : memref<200x64xf32, #tpu.memory_space<vmem>>, vector<1x16xf32>,
        %get3A_1457 = vector.shape_cast %get3A_1456 : vector<1x16xf32> to vector<16xf32>
        %mul3A_1458 = vector.broadcast %squeeze3A_1451 : f32 to vector<16xf32>
        %mul3A_1459 = arith.mulf %get3A_1457, %mul3A_1458 : vector<16xf32>
        %add3A_1460 = arith.addf %add3A_1412, %mul3A_1459 : vector<16xf32>
        %mul3A_1461 = vector.broadcast %squeeze3A_1453 : f32 to vector<16xf32>
        %mul3A_1462 = arith.mulf %get3A_1457, %mul3A_1461 : vector<16xf32>
        %add3A_1463 = arith.addf %add3A_1415, %mul3A_1462 : vector<16xf32>
        %get3A_1464 = arith.index_cast %add3A_1449 : i32 to index
        %get3A_1465 = arith.constant 16 : index
        %get3A_1466 = tpu.vector_load %arg10[%get3A_1464, %get3A_1465] {strides = array<i32>} : memref<200x64xf32, #tpu.memory_space<vmem>>, vector<1x16xf32>,
        %get3A_1467 = vector.shape_cast %get3A_1466 : vector<1x16xf32> to vector<16xf32>
        %mul3A_1468 = vector.broadcast %squeeze3A_1451 : f32 to vector<16xf32>
        %mul3A_1469 = arith.mulf %get3A_1467, %mul3A_1468 : vector<16xf32>
        %add3A_1470 = arith.addf %add3A_1422, %mul3A_1469 : vector<16xf32>
        %mul3A_1471 = vector.broadcast %squeeze3A_1453 : f32 to vector<16xf32>
        %mul3A_1472 = arith.mulf %get3A_1467, %mul3A_1471 : vector<16xf32>
        %add3A_1473 = arith.addf %add3A_1425, %mul3A_1472 : vector<16xf32>
        %get3A_1474 = arith.index_cast %add3A_1449 : i32 to index
        %get3A_1475 = arith.constant 32 : index
        %get3A_1476 = tpu.vector_load %arg10[%get3A_1474, %get3A_1475] {strides = array<i32>} : memref<200x64xf32, #tpu.memory_space<vmem>>, vector<1x16xf32>,
        %get3A_1477 = vector.shape_cast %get3A_1476 : vector<1x16xf32> to vector<16xf32>
        %mul3A_1478 = vector.broadcast %squeeze3A_1451 : f32 to vector<16xf32>
        %mul3A_1479 = arith.mulf %get3A_1477, %mul3A_1478 : vector<16xf32>
        %add3A_1480 = arith.addf %add3A_1432, %mul3A_1479 : vector<16xf32>
        %mul3A_1481 = vector.broadcast %squeeze3A_1453 : f32 to vector<16xf32>
        %mul3A_1482 = arith.mulf %get3A_1477, %mul3A_1481 : vector<16xf32>
        %add3A_1483 = arith.addf %add3A_1435, %mul3A_1482 : vector<16xf32>
        %get3A_1484 = arith.index_cast %add3A_1449 : i32 to index
        %get3A_1485 = arith.constant 48 : index
        %get3A_1486 = tpu.vector_load %arg10[%get3A_1484, %get3A_1485] {strides = array<i32>} : memref<200x64xf32, #tpu.memory_space<vmem>>, vector<1x16xf32>,
        %get3A_1487 = vector.shape_cast %get3A_1486 : vector<1x16xf32> to vector<16xf32>
        %mul3A_1488 = vector.broadcast %squeeze3A_1451 : f32 to vector<16xf32>
        %mul3A_1489 = arith.mulf %get3A_1487, %mul3A_1488 : vector<16xf32>
        %add3A_1490 = arith.addf %add3A_1442, %mul3A_1489 : vector<16xf32>
        %mul3A_1491 = vector.broadcast %squeeze3A_1453 : f32 to vector<16xf32>
        %mul3A_1492 = arith.mulf %get3A_1487, %mul3A_1491 : vector<16xf32>
        %add3A_1493 = arith.addf %add3A_1445, %mul3A_1492 : vector<16xf32>
        %mul3A_1494 = arith.constant 16 : i32
        %mul3A_1495 = arith.muli %while3A_1283, %mul3A_1494 : i32
        %add3A_1496 = arith.constant 4 : i32
        %add3A_1497 = arith.addi %mul3A_1495, %add3A_1496 : i32
        %slice3A_1498 = vector.extract_strided_slice %get3A_1296 {offsets = [4], sizes = [1], strides = [1]} : vector<16xf32> to vector<1xf32>
        %squeeze3A_1499 = vector.extract %slice3A_1498[0] : f32 from vector<1xf32>
        %slice3A_1500 = vector.extract_strided_slice %get3A_1301 {offsets = [4], sizes = [1], strides = [1]} : vector<16xf32> to vector<1xf32>
        %squeeze3A_1501 = vector.extract %slice3A_1500[0] : f32 from vector<1xf32>
        %get3A_1502 = arith.index_cast %add3A_1497 : i32 to index
        %get3A_1503 = arith.constant 0 : index
        %get3A_1504 = tpu.vector_load %arg10[%get3A_1502, %get3A_1503] {strides = array<i32>} : memref<200x64xf32, #tpu.memory_space<vmem>>, vector<1x16xf32>,
        %get3A_1505 = vector.shape_cast %get3A_1504 : vector<1x16xf32> to vector<16xf32>
        %mul3A_1506 = vector.broadcast %squeeze3A_1499 : f32 to vector<16xf32>
        %mul3A_1507 = arith.mulf %get3A_1505, %mul3A_1506 : vector<16xf32>
        %add3A_1508 = arith.addf %add3A_1460, %mul3A_1507 : vector<16xf32>
        %mul3A_1509 = vector.broadcast %squeeze3A_1501 : f32 to vector<16xf32>
        %mul3A_1510 = arith.mulf %get3A_1505, %mul3A_1509 : vector<16xf32>
        %add3A_1511 = arith.addf %add3A_1463, %mul3A_1510 : vector<16xf32>
        %get3A_1512 = arith.index_cast %add3A_1497 : i32 to index
        %get3A_1513 = arith.constant 16 : index
        %get3A_1514 = tpu.vector_load %arg10[%get3A_1512, %get3A_1513] {strides = array<i32>} : memref<200x64xf32, #tpu.memory_space<vmem>>, vector<1x16xf32>,
        %get3A_1515 = vector.shape_cast %get3A_1514 : vector<1x16xf32> to vector<16xf32>
        %mul3A_1516 = vector.broadcast %squeeze3A_1499 : f32 to vector<16xf32>
        %mul3A_1517 = arith.mulf %get3A_1515, %mul3A_1516 : vector<16xf32>
        %add3A_1518 = arith.addf %add3A_1470, %mul3A_1517 : vector<16xf32>
        %mul3A_1519 = vector.broadcast %squeeze3A_1501 : f32 to vector<16xf32>
        %mul3A_1520 = arith.mulf %get3A_1515, %mul3A_1519 : vector<16xf32>
        %add3A_1521 = arith.addf %add3A_1473, %mul3A_1520 : vector<16xf32>
        %get3A_1522 = arith.index_cast %add3A_1497 : i32 to index
        %get3A_1523 = arith.constant 32 : index
        %get3A_1524 = tpu.vector_load %arg10[%get3A_1522, %get3A_1523] {strides = array<i32>} : memref<200x64xf32, #tpu.memory_space<vmem>>, vector<1x16xf32>,
        %get3A_1525 = vector.shape_cast %get3A_1524 : vector<1x16xf32> to vector<16xf32>
        %mul3A_1526 = vector.broadcast %squeeze3A_1499 : f32 to vector<16xf32>
        %mul3A_1527 = arith.mulf %get3A_1525, %mul3A_1526 : vector<16xf32>
        %add3A_1528 = arith.addf %add3A_1480, %mul3A_1527 : vector<16xf32>
        %mul3A_1529 = vector.broadcast %squeeze3A_1501 : f32 to vector<16xf32>
        %mul3A_1530 = arith.mulf %get3A_1525, %mul3A_1529 : vector<16xf32>
        %add3A_1531 = arith.addf %add3A_1483, %mul3A_1530 : vector<16xf32>
        %get3A_1532 = arith.index_cast %add3A_1497 : i32 to index
        %get3A_1533 = arith.constant 48 : index
        %get3A_1534 = tpu.vector_load %arg10[%get3A_1532, %get3A_1533] {strides = array<i32>} : memref<200x64xf32, #tpu.memory_space<vmem>>, vector<1x16xf32>,
        %get3A_1535 = vector.shape_cast %get3A_1534 : vector<1x16xf32> to vector<16xf32>
        %mul3A_1536 = vector.broadcast %squeeze3A_1499 : f32 to vector<16xf32>
        %mul3A_1537 = arith.mulf %get3A_1535, %mul3A_1536 : vector<16xf32>
        %add3A_1538 = arith.addf %add3A_1490, %mul3A_1537 : vector<16xf32>
        %mul3A_1539 = vector.broadcast %squeeze3A_1501 : f32 to vector<16xf32>
        %mul3A_1540 = arith.mulf %get3A_1535, %mul3A_1539 : vector<16xf32>
        %add3A_1541 = arith.addf %add3A_1493, %mul3A_1540 : vector<16xf32>
        %mul3A_1542 = arith.constant 16 : i32
        %mul3A_1543 = arith.muli %while3A_1283, %mul3A_1542 : i32
        %add3A_1544 = arith.constant 5 : i32
        %add3A_1545 = arith.addi %mul3A_1543, %add3A_1544 : i32
        %slice3A_1546 = vector.extract_strided_slice %get3A_1296 {offsets = [5], sizes = [1], strides = [1]} : vector<16xf32> to vector<1xf32>
        %squeeze3A_1547 = vector.extract %slice3A_1546[0] : f32 from vector<1xf32>
        %slice3A_1548 = vector.extract_strided_slice %get3A_1301 {offsets = [5], sizes = [1], strides = [1]} : vector<16xf32> to vector<1xf32>
        %squeeze3A_1549 = vector.extract %slice3A_1548[0] : f32 from vector<1xf32>
        %get3A_1550 = arith.index_cast %add3A_1545 : i32 to index
        %get3A_1551 = arith.constant 0 : index
        %get3A_1552 = tpu.vector_load %arg10[%get3A_1550, %get3A_1551] {strides = array<i32>} : memref<200x64xf32, #tpu.memory_space<vmem>>, vector<1x16xf32>,
        %get3A_1553 = vector.shape_cast %get3A_1552 : vector<1x16xf32> to vector<16xf32>
        %mul3A_1554 = vector.broadcast %squeeze3A_1547 : f32 to vector<16xf32>
        %mul3A_1555 = arith.mulf %get3A_1553, %mul3A_1554 : vector<16xf32>
        %add3A_1556 = arith.addf %add3A_1508, %mul3A_1555 : vector<16xf32>
        %mul3A_1557 = vector.broadcast %squeeze3A_1549 : f32 to vector<16xf32>
        %mul3A_1558 = arith.mulf %get3A_1553, %mul3A_1557 : vector<16xf32>
        %add3A_1559 = arith.addf %add3A_1511, %mul3A_1558 : vector<16xf32>
        %get3A_1560 = arith.index_cast %add3A_1545 : i32 to index
        %get3A_1561 = arith.constant 16 : index
        %get3A_1562 = tpu.vector_load %arg10[%get3A_1560, %get3A_1561] {strides = array<i32>} : memref<200x64xf32, #tpu.memory_space<vmem>>, vector<1x16xf32>,
        %get3A_1563 = vector.shape_cast %get3A_1562 : vector<1x16xf32> to vector<16xf32>
        %mul3A_1564 = vector.broadcast %squeeze3A_1547 : f32 to vector<16xf32>
        %mul3A_1565 = arith.mulf %get3A_1563, %mul3A_1564 : vector<16xf32>
        %add3A_1566 = arith.addf %add3A_1518, %mul3A_1565 : vector<16xf32>
        %mul3A_1567 = vector.broadcast %squeeze3A_1549 : f32 to vector<16xf32>
        %mul3A_1568 = arith.mulf %get3A_1563, %mul3A_1567 : vector<16xf32>
        %add3A_1569 = arith.addf %add3A_1521, %mul3A_1568 : vector<16xf32>
        %get3A_1570 = arith.index_cast %add3A_1545 : i32 to index
        %get3A_1571 = arith.constant 32 : index
        %get3A_1572 = tpu.vector_load %arg10[%get3A_1570, %get3A_1571] {strides = array<i32>} : memref<200x64xf32, #tpu.memory_space<vmem>>, vector<1x16xf32>,
        %get3A_1573 = vector.shape_cast %get3A_1572 : vector<1x16xf32> to vector<16xf32>
        %mul3A_1574 = vector.broadcast %squeeze3A_1547 : f32 to vector<16xf32>
        %mul3A_1575 = arith.mulf %get3A_1573, %mul3A_1574 : vector<16xf32>
        %add3A_1576 = arith.addf %add3A_1528, %mul3A_1575 : vector<16xf32>
        %mul3A_1577 = vector.broadcast %squeeze3A_1549 : f32 to vector<16xf32>
        %mul3A_1578 = arith.mulf %get3A_1573, %mul3A_1577 : vector<16xf32>
        %add3A_1579 = arith.addf %add3A_1531, %mul3A_1578 : vector<16xf32>
        %get3A_1580 = arith.index_cast %add3A_1545 : i32 to index
        %get3A_1581 = arith.constant 48 : index
        %get3A_1582 = tpu.vector_load %arg10[%get3A_1580, %get3A_1581] {strides = array<i32>} : memref<200x64xf32, #tpu.memory_space<vmem>>, vector<1x16xf32>,
        %get3A_1583 = vector.shape_cast %get3A_1582 : vector<1x16xf32> to vector<16xf32>
        %mul3A_1584 = vector.broadcast %squeeze3A_1547 : f32 to vector<16xf32>
        %mul3A_1585 = arith.mulf %get3A_1583, %mul3A_1584 : vector<16xf32>
        %add3A_1586 = arith.addf %add3A_1538, %mul3A_1585 : vector<16xf32>
        %mul3A_1587 = vector.broadcast %squeeze3A_1549 : f32 to vector<16xf32>
        %mul3A_1588 = arith.mulf %get3A_1583, %mul3A_1587 : vector<16xf32>
        %add3A_1589 = arith.addf %add3A_1541, %mul3A_1588 : vector<16xf32>
        %mul3A_1590 = arith.constant 16 : i32
        %mul3A_1591 = arith.muli %while3A_1283, %mul3A_1590 : i32
        %add3A_1592 = arith.constant 6 : i32
        %add3A_1593 = arith.addi %mul3A_1591, %add3A_1592 : i32
        %slice3A_1594 = vector.extract_strided_slice %get3A_1296 {offsets = [6], sizes = [1], strides = [1]} : vector<16xf32> to vector<1xf32>
        %squeeze3A_1595 = vector.extract %slice3A_1594[0] : f32 from vector<1xf32>
        %slice3A_1596 = vector.extract_strided_slice %get3A_1301 {offsets = [6], sizes = [1], strides = [1]} : vector<16xf32> to vector<1xf32>
        %squeeze3A_1597 = vector.extract %slice3A_1596[0] : f32 from vector<1xf32>
        %get3A_1598 = arith.index_cast %add3A_1593 : i32 to index
        %get3A_1599 = arith.constant 0 : index
        %get3A_1600 = tpu.vector_load %arg10[%get3A_1598, %get3A_1599] {strides = array<i32>} : memref<200x64xf32, #tpu.memory_space<vmem>>, vector<1x16xf32>,
        %get3A_1601 = vector.shape_cast %get3A_1600 : vector<1x16xf32> to vector<16xf32>
        %mul3A_1602 = vector.broadcast %squeeze3A_1595 : f32 to vector<16xf32>
        %mul3A_1603 = arith.mulf %get3A_1601, %mul3A_1602 : vector<16xf32>
        %add3A_1604 = arith.addf %add3A_1556, %mul3A_1603 : vector<16xf32>
        %mul3A_1605 = vector.broadcast %squeeze3A_1597 : f32 to vector<16xf32>
        %mul3A_1606 = arith.mulf %get3A_1601, %mul3A_1605 : vector<16xf32>
        %add3A_1607 = arith.addf %add3A_1559, %mul3A_1606 : vector<16xf32>
        %get3A_1608 = arith.index_cast %add3A_1593 : i32 to index
        %get3A_1609 = arith.constant 16 : index
        %get3A_1610 = tpu.vector_load %arg10[%get3A_1608, %get3A_1609] {strides = array<i32>} : memref<200x64xf32, #tpu.memory_space<vmem>>, vector<1x16xf32>,
        %get3A_1611 = vector.shape_cast %get3A_1610 : vector<1x16xf32> to vector<16xf32>
        %mul3A_1612 = vector.broadcast %squeeze3A_1595 : f32 to vector<16xf32>
        %mul3A_1613 = arith.mulf %get3A_1611, %mul3A_1612 : vector<16xf32>
        %add3A_1614 = arith.addf %add3A_1566, %mul3A_1613 : vector<16xf32>
        %mul3A_1615 = vector.broadcast %squeeze3A_1597 : f32 to vector<16xf32>
        %mul3A_1616 = arith.mulf %get3A_1611, %mul3A_1615 : vector<16xf32>
        %add3A_1617 = arith.addf %add3A_1569, %mul3A_1616 : vector<16xf32>
        %get3A_1618 = arith.index_cast %add3A_1593 : i32 to index
        %get3A_1619 = arith.constant 32 : index
        %get3A_1620 = tpu.vector_load %arg10[%get3A_1618, %get3A_1619] {strides = array<i32>} : memref<200x64xf32, #tpu.memory_space<vmem>>, vector<1x16xf32>,
        %get3A_1621 = vector.shape_cast %get3A_1620 : vector<1x16xf32> to vector<16xf32>
        %mul3A_1622 = vector.broadcast %squeeze3A_1595 : f32 to vector<16xf32>
        %mul3A_1623 = arith.mulf %get3A_1621, %mul3A_1622 : vector<16xf32>
        %add3A_1624 = arith.addf %add3A_1576, %mul3A_1623 : vector<16xf32>
        %mul3A_1625 = vector.broadcast %squeeze3A_1597 : f32 to vector<16xf32>
        %mul3A_1626 = arith.mulf %get3A_1621, %mul3A_1625 : vector<16xf32>
        %add3A_1627 = arith.addf %add3A_1579, %mul3A_1626 : vector<16xf32>
        %get3A_1628 = arith.index_cast %add3A_1593 : i32 to index
        %get3A_1629 = arith.constant 48 : index
        %get3A_1630 = tpu.vector_load %arg10[%get3A_1628, %get3A_1629] {strides = array<i32>} : memref<200x64xf32, #tpu.memory_space<vmem>>, vector<1x16xf32>,
        %get3A_1631 = vector.shape_cast %get3A_1630 : vector<1x16xf32> to vector<16xf32>
        %mul3A_1632 = vector.broadcast %squeeze3A_1595 : f32 to vector<16xf32>
        %mul3A_1633 = arith.mulf %get3A_1631, %mul3A_1632 : vector<16xf32>
        %add3A_1634 = arith.addf %add3A_1586, %mul3A_1633 : vector<16xf32>
        %mul3A_1635 = vector.broadcast %squeeze3A_1597 : f32 to vector<16xf32>
        %mul3A_1636 = arith.mulf %get3A_1631, %mul3A_1635 : vector<16xf32>
        %add3A_1637 = arith.addf %add3A_1589, %mul3A_1636 : vector<16xf32>
        %mul3A_1638 = arith.constant 16 : i32
        %mul3A_1639 = arith.muli %while3A_1283, %mul3A_1638 : i32
        %add3A_1640 = arith.constant 7 : i32
        %add3A_1641 = arith.addi %mul3A_1639, %add3A_1640 : i32
        %slice3A_1642 = vector.extract_strided_slice %get3A_1296 {offsets = [7], sizes = [1], strides = [1]} : vector<16xf32> to vector<1xf32>
        %squeeze3A_1643 = vector.extract %slice3A_1642[0] : f32 from vector<1xf32>
        %slice3A_1644 = vector.extract_strided_slice %get3A_1301 {offsets = [7], sizes = [1], strides = [1]} : vector<16xf32> to vector<1xf32>
        %squeeze3A_1645 = vector.extract %slice3A_1644[0] : f32 from vector<1xf32>
        %get3A_1646 = arith.index_cast %add3A_1641 : i32 to index
        %get3A_1647 = arith.constant 0 : index
        %get3A_1648 = tpu.vector_load %arg10[%get3A_1646, %get3A_1647] {strides = array<i32>} : memref<200x64xf32, #tpu.memory_space<vmem>>, vector<1x16xf32>,
        %get3A_1649 = vector.shape_cast %get3A_1648 : vector<1x16xf32> to vector<16xf32>
        %mul3A_1650 = vector.broadcast %squeeze3A_1643 : f32 to vector<16xf32>
        %mul3A_1651 = arith.mulf %get3A_1649, %mul3A_1650 : vector<16xf32>
        %add3A_1652 = arith.addf %add3A_1604, %mul3A_1651 : vector<16xf32>
        %mul3A_1653 = vector.broadcast %squeeze3A_1645 : f32 to vector<16xf32>
        %mul3A_1654 = arith.mulf %get3A_1649, %mul3A_1653 : vector<16xf32>
        %add3A_1655 = arith.addf %add3A_1607, %mul3A_1654 : vector<16xf32>
        %get3A_1656 = arith.index_cast %add3A_1641 : i32 to index
        %get3A_1657 = arith.constant 16 : index
        %get3A_1658 = tpu.vector_load %arg10[%get3A_1656, %get3A_1657] {strides = array<i32>} : memref<200x64xf32, #tpu.memory_space<vmem>>, vector<1x16xf32>,
        %get3A_1659 = vector.shape_cast %get3A_1658 : vector<1x16xf32> to vector<16xf32>
        %mul3A_1660 = vector.broadcast %squeeze3A_1643 : f32 to vector<16xf32>
        %mul3A_1661 = arith.mulf %get3A_1659, %mul3A_1660 : vector<16xf32>
        %add3A_1662 = arith.addf %add3A_1614, %mul3A_1661 : vector<16xf32>
        %mul3A_1663 = vector.broadcast %squeeze3A_1645 : f32 to vector<16xf32>
        %mul3A_1664 = arith.mulf %get3A_1659, %mul3A_1663 : vector<16xf32>
        %add3A_1665 = arith.addf %add3A_1617, %mul3A_1664 : vector<16xf32>
        %get3A_1666 = arith.index_cast %add3A_1641 : i32 to index
        %get3A_1667 = arith.constant 32 : index
        %get3A_1668 = tpu.vector_load %arg10[%get3A_1666, %get3A_1667] {strides = array<i32>} : memref<200x64xf32, #tpu.memory_space<vmem>>, vector<1x16xf32>,
        %get3A_1669 = vector.shape_cast %get3A_1668 : vector<1x16xf32> to vector<16xf32>
        %mul3A_1670 = vector.broadcast %squeeze3A_1643 : f32 to vector<16xf32>
        %mul3A_1671 = arith.mulf %get3A_1669, %mul3A_1670 : vector<16xf32>
        %add3A_1672 = arith.addf %add3A_1624, %mul3A_1671 : vector<16xf32>
        %mul3A_1673 = vector.broadcast %squeeze3A_1645 : f32 to vector<16xf32>
        %mul3A_1674 = arith.mulf %get3A_1669, %mul3A_1673 : vector<16xf32>
        %add3A_1675 = arith.addf %add3A_1627, %mul3A_1674 : vector<16xf32>
        %get3A_1676 = arith.index_cast %add3A_1641 : i32 to index
        %get3A_1677 = arith.constant 48 : index
        %get3A_1678 = tpu.vector_load %arg10[%get3A_1676, %get3A_1677] {strides = array<i32>} : memref<200x64xf32, #tpu.memory_space<vmem>>, vector<1x16xf32>,
        %get3A_1679 = vector.shape_cast %get3A_1678 : vector<1x16xf32> to vector<16xf32>
        %mul3A_1680 = vector.broadcast %squeeze3A_1643 : f32 to vector<16xf32>
        %mul3A_1681 = arith.mulf %get3A_1679, %mul3A_1680 : vector<16xf32>
        %add3A_1682 = arith.addf %add3A_1634, %mul3A_1681 : vector<16xf32>
        %mul3A_1683 = vector.broadcast %squeeze3A_1645 : f32 to vector<16xf32>
        %mul3A_1684 = arith.mulf %get3A_1679, %mul3A_1683 : vector<16xf32>
        %add3A_1685 = arith.addf %add3A_1637, %mul3A_1684 : vector<16xf32>
        %mul3A_1686 = arith.constant 16 : i32
        %mul3A_1687 = arith.muli %while3A_1283, %mul3A_1686 : i32
        %add3A_1688 = arith.constant 8 : i32
        %add3A_1689 = arith.addi %mul3A_1687, %add3A_1688 : i32
        %slice3A_1690 = vector.extract_strided_slice %get3A_1296 {offsets = [8], sizes = [1], strides = [1]} : vector<16xf32> to vector<1xf32>
        %squeeze3A_1691 = vector.extract %slice3A_1690[0] : f32 from vector<1xf32>
        %slice3A_1692 = vector.extract_strided_slice %get3A_1301 {offsets = [8], sizes = [1], strides = [1]} : vector<16xf32> to vector<1xf32>
        %squeeze3A_1693 = vector.extract %slice3A_1692[0] : f32 from vector<1xf32>
        %get3A_1694 = arith.index_cast %add3A_1689 : i32 to index
        %get3A_1695 = arith.constant 0 : index
        %get3A_1696 = tpu.vector_load %arg10[%get3A_1694, %get3A_1695] {strides = array<i32>} : memref<200x64xf32, #tpu.memory_space<vmem>>, vector<1x16xf32>,
        %get3A_1697 = vector.shape_cast %get3A_1696 : vector<1x16xf32> to vector<16xf32>
        %mul3A_1698 = vector.broadcast %squeeze3A_1691 : f32 to vector<16xf32>
        %mul3A_1699 = arith.mulf %get3A_1697, %mul3A_1698 : vector<16xf32>
        %add3A_1700 = arith.addf %add3A_1652, %mul3A_1699 : vector<16xf32>
        %mul3A_1701 = vector.broadcast %squeeze3A_1693 : f32 to vector<16xf32>
        %mul3A_1702 = arith.mulf %get3A_1697, %mul3A_1701 : vector<16xf32>
        %add3A_1703 = arith.addf %add3A_1655, %mul3A_1702 : vector<16xf32>
        %get3A_1704 = arith.index_cast %add3A_1689 : i32 to index
        %get3A_1705 = arith.constant 16 : index
        %get3A_1706 = tpu.vector_load %arg10[%get3A_1704, %get3A_1705] {strides = array<i32>} : memref<200x64xf32, #tpu.memory_space<vmem>>, vector<1x16xf32>,
        %get3A_1707 = vector.shape_cast %get3A_1706 : vector<1x16xf32> to vector<16xf32>
        %mul3A_1708 = vector.broadcast %squeeze3A_1691 : f32 to vector<16xf32>
        %mul3A_1709 = arith.mulf %get3A_1707, %mul3A_1708 : vector<16xf32>
        %add3A_1710 = arith.addf %add3A_1662, %mul3A_1709 : vector<16xf32>
        %mul3A_1711 = vector.broadcast %squeeze3A_1693 : f32 to vector<16xf32>
        %mul3A_1712 = arith.mulf %get3A_1707, %mul3A_1711 : vector<16xf32>
        %add3A_1713 = arith.addf %add3A_1665, %mul3A_1712 : vector<16xf32>
        %get3A_1714 = arith.index_cast %add3A_1689 : i32 to index
        %get3A_1715 = arith.constant 32 : index
        %get3A_1716 = tpu.vector_load %arg10[%get3A_1714, %get3A_1715] {strides = array<i32>} : memref<200x64xf32, #tpu.memory_space<vmem>>, vector<1x16xf32>,
        %get3A_1717 = vector.shape_cast %get3A_1716 : vector<1x16xf32> to vector<16xf32>
        %mul3A_1718 = vector.broadcast %squeeze3A_1691 : f32 to vector<16xf32>
        %mul3A_1719 = arith.mulf %get3A_1717, %mul3A_1718 : vector<16xf32>
        %add3A_1720 = arith.addf %add3A_1672, %mul3A_1719 : vector<16xf32>
        %mul3A_1721 = vector.broadcast %squeeze3A_1693 : f32 to vector<16xf32>
        %mul3A_1722 = arith.mulf %get3A_1717, %mul3A_1721 : vector<16xf32>
        %add3A_1723 = arith.addf %add3A_1675, %mul3A_1722 : vector<16xf32>
        %get3A_1724 = arith.index_cast %add3A_1689 : i32 to index
        %get3A_1725 = arith.constant 48 : index
        %get3A_1726 = tpu.vector_load %arg10[%get3A_1724, %get3A_1725] {strides = array<i32>} : memref<200x64xf32, #tpu.memory_space<vmem>>, vector<1x16xf32>,
        %get3A_1727 = vector.shape_cast %get3A_1726 : vector<1x16xf32> to vector<16xf32>
        %mul3A_1728 = vector.broadcast %squeeze3A_1691 : f32 to vector<16xf32>
        %mul3A_1729 = arith.mulf %get3A_1727, %mul3A_1728 : vector<16xf32>
        %add3A_1730 = arith.addf %add3A_1682, %mul3A_1729 : vector<16xf32>
        %mul3A_1731 = vector.broadcast %squeeze3A_1693 : f32 to vector<16xf32>
        %mul3A_1732 = arith.mulf %get3A_1727, %mul3A_1731 : vector<16xf32>
        %add3A_1733 = arith.addf %add3A_1685, %mul3A_1732 : vector<16xf32>
        %mul3A_1734 = arith.constant 16 : i32
        %mul3A_1735 = arith.muli %while3A_1283, %mul3A_1734 : i32
        %add3A_1736 = arith.constant 9 : i32
        %add3A_1737 = arith.addi %mul3A_1735, %add3A_1736 : i32
        %slice3A_1738 = vector.extract_strided_slice %get3A_1296 {offsets = [9], sizes = [1], strides = [1]} : vector<16xf32> to vector<1xf32>
        %squeeze3A_1739 = vector.extract %slice3A_1738[0] : f32 from vector<1xf32>
        %slice3A_1740 = vector.extract_strided_slice %get3A_1301 {offsets = [9], sizes = [1], strides = [1]} : vector<16xf32> to vector<1xf32>
        %squeeze3A_1741 = vector.extract %slice3A_1740[0] : f32 from vector<1xf32>
        %get3A_1742 = arith.index_cast %add3A_1737 : i32 to index
        %get3A_1743 = arith.constant 0 : index
        %get3A_1744 = tpu.vector_load %arg10[%get3A_1742, %get3A_1743] {strides = array<i32>} : memref<200x64xf32, #tpu.memory_space<vmem>>, vector<1x16xf32>,
        %get3A_1745 = vector.shape_cast %get3A_1744 : vector<1x16xf32> to vector<16xf32>
        %mul3A_1746 = vector.broadcast %squeeze3A_1739 : f32 to vector<16xf32>
        %mul3A_1747 = arith.mulf %get3A_1745, %mul3A_1746 : vector<16xf32>
        %add3A_1748 = arith.addf %add3A_1700, %mul3A_1747 : vector<16xf32>
        %mul3A_1749 = vector.broadcast %squeeze3A_1741 : f32 to vector<16xf32>
        %mul3A_1750 = arith.mulf %get3A_1745, %mul3A_1749 : vector<16xf32>
        %add3A_1751 = arith.addf %add3A_1703, %mul3A_1750 : vector<16xf32>
        %get3A_1752 = arith.index_cast %add3A_1737 : i32 to index
        %get3A_1753 = arith.constant 16 : index
        %get3A_1754 = tpu.vector_load %arg10[%get3A_1752, %get3A_1753] {strides = array<i32>} : memref<200x64xf32, #tpu.memory_space<vmem>>, vector<1x16xf32>,
        %get3A_1755 = vector.shape_cast %get3A_1754 : vector<1x16xf32> to vector<16xf32>
        %mul3A_1756 = vector.broadcast %squeeze3A_1739 : f32 to vector<16xf32>
        %mul3A_1757 = arith.mulf %get3A_1755, %mul3A_1756 : vector<16xf32>
        %add3A_1758 = arith.addf %add3A_1710, %mul3A_1757 : vector<16xf32>
        %mul3A_1759 = vector.broadcast %squeeze3A_1741 : f32 to vector<16xf32>
        %mul3A_1760 = arith.mulf %get3A_1755, %mul3A_1759 : vector<16xf32>
        %add3A_1761 = arith.addf %add3A_1713, %mul3A_1760 : vector<16xf32>
        %get3A_1762 = arith.index_cast %add3A_1737 : i32 to index
        %get3A_1763 = arith.constant 32 : index
        %get3A_1764 = tpu.vector_load %arg10[%get3A_1762, %get3A_1763] {strides = array<i32>} : memref<200x64xf32, #tpu.memory_space<vmem>>, vector<1x16xf32>,
        %get3A_1765 = vector.shape_cast %get3A_1764 : vector<1x16xf32> to vector<16xf32>
        %mul3A_1766 = vector.broadcast %squeeze3A_1739 : f32 to vector<16xf32>
        %mul3A_1767 = arith.mulf %get3A_1765, %mul3A_1766 : vector<16xf32>
        %add3A_1768 = arith.addf %add3A_1720, %mul3A_1767 : vector<16xf32>
        %mul3A_1769 = vector.broadcast %squeeze3A_1741 : f32 to vector<16xf32>
        %mul3A_1770 = arith.mulf %get3A_1765, %mul3A_1769 : vector<16xf32>
        %add3A_1771 = arith.addf %add3A_1723, %mul3A_1770 : vector<16xf32>
        %get3A_1772 = arith.index_cast %add3A_1737 : i32 to index
        %get3A_1773 = arith.constant 48 : index
        %get3A_1774 = tpu.vector_load %arg10[%get3A_1772, %get3A_1773] {strides = array<i32>} : memref<200x64xf32, #tpu.memory_space<vmem>>, vector<1x16xf32>,
        %get3A_1775 = vector.shape_cast %get3A_1774 : vector<1x16xf32> to vector<16xf32>
        %mul3A_1776 = vector.broadcast %squeeze3A_1739 : f32 to vector<16xf32>
        %mul3A_1777 = arith.mulf %get3A_1775, %mul3A_1776 : vector<16xf32>
        %add3A_1778 = arith.addf %add3A_1730, %mul3A_1777 : vector<16xf32>
        %mul3A_1779 = vector.broadcast %squeeze3A_1741 : f32 to vector<16xf32>
        %mul3A_1780 = arith.mulf %get3A_1775, %mul3A_1779 : vector<16xf32>
        %add3A_1781 = arith.addf %add3A_1733, %mul3A_1780 : vector<16xf32>
        %mul3A_1782 = arith.constant 16 : i32
        %mul3A_1783 = arith.muli %while3A_1283, %mul3A_1782 : i32
        %add3A_1784 = arith.constant 10 : i32
        %add3A_1785 = arith.addi %mul3A_1783, %add3A_1784 : i32
        %slice3A_1786 = vector.extract_strided_slice %get3A_1296 {offsets = [10], sizes = [1], strides = [1]} : vector<16xf32> to vector<1xf32>
        %squeeze3A_1787 = vector.extract %slice3A_1786[0] : f32 from vector<1xf32>
        %slice3A_1788 = vector.extract_strided_slice %get3A_1301 {offsets = [10], sizes = [1], strides = [1]} : vector<16xf32> to vector<1xf32>
        %squeeze3A_1789 = vector.extract %slice3A_1788[0] : f32 from vector<1xf32>
        %get3A_1790 = arith.index_cast %add3A_1785 : i32 to index
        %get3A_1791 = arith.constant 0 : index
        %get3A_1792 = tpu.vector_load %arg10[%get3A_1790, %get3A_1791] {strides = array<i32>} : memref<200x64xf32, #tpu.memory_space<vmem>>, vector<1x16xf32>,
        %get3A_1793 = vector.shape_cast %get3A_1792 : vector<1x16xf32> to vector<16xf32>
        %mul3A_1794 = vector.broadcast %squeeze3A_1787 : f32 to vector<16xf32>
        %mul3A_1795 = arith.mulf %get3A_1793, %mul3A_1794 : vector<16xf32>
        %add3A_1796 = arith.addf %add3A_1748, %mul3A_1795 : vector<16xf32>
        %mul3A_1797 = vector.broadcast %squeeze3A_1789 : f32 to vector<16xf32>
        %mul3A_1798 = arith.mulf %get3A_1793, %mul3A_1797 : vector<16xf32>
        %add3A_1799 = arith.addf %add3A_1751, %mul3A_1798 : vector<16xf32>
        %get3A_1800 = arith.index_cast %add3A_1785 : i32 to index
        %get3A_1801 = arith.constant 16 : index
        %get3A_1802 = tpu.vector_load %arg10[%get3A_1800, %get3A_1801] {strides = array<i32>} : memref<200x64xf32, #tpu.memory_space<vmem>>, vector<1x16xf32>,
        %get3A_1803 = vector.shape_cast %get3A_1802 : vector<1x16xf32> to vector<16xf32>
        %mul3A_1804 = vector.broadcast %squeeze3A_1787 : f32 to vector<16xf32>
        %mul3A_1805 = arith.mulf %get3A_1803, %mul3A_1804 : vector<16xf32>
        %add3A_1806 = arith.addf %add3A_1758, %mul3A_1805 : vector<16xf32>
        %mul3A_1807 = vector.broadcast %squeeze3A_1789 : f32 to vector<16xf32>
        %mul3A_1808 = arith.mulf %get3A_1803, %mul3A_1807 : vector<16xf32>
        %add3A_1809 = arith.addf %add3A_1761, %mul3A_1808 : vector<16xf32>
        %get3A_1810 = arith.index_cast %add3A_1785 : i32 to index
        %get3A_1811 = arith.constant 32 : index
        %get3A_1812 = tpu.vector_load %arg10[%get3A_1810, %get3A_1811] {strides = array<i32>} : memref<200x64xf32, #tpu.memory_space<vmem>>, vector<1x16xf32>,
        %get3A_1813 = vector.shape_cast %get3A_1812 : vector<1x16xf32> to vector<16xf32>
        %mul3A_1814 = vector.broadcast %squeeze3A_1787 : f32 to vector<16xf32>
        %mul3A_1815 = arith.mulf %get3A_1813, %mul3A_1814 : vector<16xf32>
        %add3A_1816 = arith.addf %add3A_1768, %mul3A_1815 : vector<16xf32>
        %mul3A_1817 = vector.broadcast %squeeze3A_1789 : f32 to vector<16xf32>
        %mul3A_1818 = arith.mulf %get3A_1813, %mul3A_1817 : vector<16xf32>
        %add3A_1819 = arith.addf %add3A_1771, %mul3A_1818 : vector<16xf32>
        %get3A_1820 = arith.index_cast %add3A_1785 : i32 to index
        %get3A_1821 = arith.constant 48 : index
        %get3A_1822 = tpu.vector_load %arg10[%get3A_1820, %get3A_1821] {strides = array<i32>} : memref<200x64xf32, #tpu.memory_space<vmem>>, vector<1x16xf32>,
        %get3A_1823 = vector.shape_cast %get3A_1822 : vector<1x16xf32> to vector<16xf32>
        %mul3A_1824 = vector.broadcast %squeeze3A_1787 : f32 to vector<16xf32>
        %mul3A_1825 = arith.mulf %get3A_1823, %mul3A_1824 : vector<16xf32>
        %add3A_1826 = arith.addf %add3A_1778, %mul3A_1825 : vector<16xf32>
        %mul3A_1827 = vector.broadcast %squeeze3A_1789 : f32 to vector<16xf32>
        %mul3A_1828 = arith.mulf %get3A_1823, %mul3A_1827 : vector<16xf32>
        %add3A_1829 = arith.addf %add3A_1781, %mul3A_1828 : vector<16xf32>
        %mul3A_1830 = arith.constant 16 : i32
        %mul3A_1831 = arith.muli %while3A_1283, %mul3A_1830 : i32
        %add3A_1832 = arith.constant 11 : i32
        %add3A_1833 = arith.addi %mul3A_1831, %add3A_1832 : i32
        %slice3A_1834 = vector.extract_strided_slice %get3A_1296 {offsets = [11], sizes = [1], strides = [1]} : vector<16xf32> to vector<1xf32>
        %squeeze3A_1835 = vector.extract %slice3A_1834[0] : f32 from vector<1xf32>
        %slice3A_1836 = vector.extract_strided_slice %get3A_1301 {offsets = [11], sizes = [1], strides = [1]} : vector<16xf32> to vector<1xf32>
        %squeeze3A_1837 = vector.extract %slice3A_1836[0] : f32 from vector<1xf32>
        %get3A_1838 = arith.index_cast %add3A_1833 : i32 to index
        %get3A_1839 = arith.constant 0 : index
        %get3A_1840 = tpu.vector_load %arg10[%get3A_1838, %get3A_1839] {strides = array<i32>} : memref<200x64xf32, #tpu.memory_space<vmem>>, vector<1x16xf32>,
        %get3A_1841 = vector.shape_cast %get3A_1840 : vector<1x16xf32> to vector<16xf32>
        %mul3A_1842 = vector.broadcast %squeeze3A_1835 : f32 to vector<16xf32>
        %mul3A_1843 = arith.mulf %get3A_1841, %mul3A_1842 : vector<16xf32>
        %add3A_1844 = arith.addf %add3A_1796, %mul3A_1843 : vector<16xf32>
        %mul3A_1845 = vector.broadcast %squeeze3A_1837 : f32 to vector<16xf32>
        %mul3A_1846 = arith.mulf %get3A_1841, %mul3A_1845 : vector<16xf32>
        %add3A_1847 = arith.addf %add3A_1799, %mul3A_1846 : vector<16xf32>
        %get3A_1848 = arith.index_cast %add3A_1833 : i32 to index
        %get3A_1849 = arith.constant 16 : index
        %get3A_1850 = tpu.vector_load %arg10[%get3A_1848, %get3A_1849] {strides = array<i32>} : memref<200x64xf32, #tpu.memory_space<vmem>>, vector<1x16xf32>,
        %get3A_1851 = vector.shape_cast %get3A_1850 : vector<1x16xf32> to vector<16xf32>
        %mul3A_1852 = vector.broadcast %squeeze3A_1835 : f32 to vector<16xf32>
        %mul3A_1853 = arith.mulf %get3A_1851, %mul3A_1852 : vector<16xf32>
        %add3A_1854 = arith.addf %add3A_1806, %mul3A_1853 : vector<16xf32>
        %mul3A_1855 = vector.broadcast %squeeze3A_1837 : f32 to vector<16xf32>
        %mul3A_1856 = arith.mulf %get3A_1851, %mul3A_1855 : vector<16xf32>
        %add3A_1857 = arith.addf %add3A_1809, %mul3A_1856 : vector<16xf32>
        %get3A_1858 = arith.index_cast %add3A_1833 : i32 to index
        %get3A_1859 = arith.constant 32 : index
        %get3A_1860 = tpu.vector_load %arg10[%get3A_1858, %get3A_1859] {strides = array<i32>} : memref<200x64xf32, #tpu.memory_space<vmem>>, vector<1x16xf32>,
        %get3A_1861 = vector.shape_cast %get3A_1860 : vector<1x16xf32> to vector<16xf32>
        %mul3A_1862 = vector.broadcast %squeeze3A_1835 : f32 to vector<16xf32>
        %mul3A_1863 = arith.mulf %get3A_1861, %mul3A_1862 : vector<16xf32>
        %add3A_1864 = arith.addf %add3A_1816, %mul3A_1863 : vector<16xf32>
        %mul3A_1865 = vector.broadcast %squeeze3A_1837 : f32 to vector<16xf32>
        %mul3A_1866 = arith.mulf %get3A_1861, %mul3A_1865 : vector<16xf32>
        %add3A_1867 = arith.addf %add3A_1819, %mul3A_1866 : vector<16xf32>
        %get3A_1868 = arith.index_cast %add3A_1833 : i32 to index
        %get3A_1869 = arith.constant 48 : index
        %get3A_1870 = tpu.vector_load %arg10[%get3A_1868, %get3A_1869] {strides = array<i32>} : memref<200x64xf32, #tpu.memory_space<vmem>>, vector<1x16xf32>,
        %get3A_1871 = vector.shape_cast %get3A_1870 : vector<1x16xf32> to vector<16xf32>
        %mul3A_1872 = vector.broadcast %squeeze3A_1835 : f32 to vector<16xf32>
        %mul3A_1873 = arith.mulf %get3A_1871, %mul3A_1872 : vector<16xf32>
        %add3A_1874 = arith.addf %add3A_1826, %mul3A_1873 : vector<16xf32>
        %mul3A_1875 = vector.broadcast %squeeze3A_1837 : f32 to vector<16xf32>
        %mul3A_1876 = arith.mulf %get3A_1871, %mul3A_1875 : vector<16xf32>
        %add3A_1877 = arith.addf %add3A_1829, %mul3A_1876 : vector<16xf32>
        %mul3A_1878 = arith.constant 16 : i32
        %mul3A_1879 = arith.muli %while3A_1283, %mul3A_1878 : i32
        %add3A_1880 = arith.constant 12 : i32
        %add3A_1881 = arith.addi %mul3A_1879, %add3A_1880 : i32
        %slice3A_1882 = vector.extract_strided_slice %get3A_1296 {offsets = [12], sizes = [1], strides = [1]} : vector<16xf32> to vector<1xf32>
        %squeeze3A_1883 = vector.extract %slice3A_1882[0] : f32 from vector<1xf32>
        %slice3A_1884 = vector.extract_strided_slice %get3A_1301 {offsets = [12], sizes = [1], strides = [1]} : vector<16xf32> to vector<1xf32>
        %squeeze3A_1885 = vector.extract %slice3A_1884[0] : f32 from vector<1xf32>
        %get3A_1886 = arith.index_cast %add3A_1881 : i32 to index
        %get3A_1887 = arith.constant 0 : index
        %get3A_1888 = tpu.vector_load %arg10[%get3A_1886, %get3A_1887] {strides = array<i32>} : memref<200x64xf32, #tpu.memory_space<vmem>>, vector<1x16xf32>,
        %get3A_1889 = vector.shape_cast %get3A_1888 : vector<1x16xf32> to vector<16xf32>
        %mul3A_1890 = vector.broadcast %squeeze3A_1883 : f32 to vector<16xf32>
        %mul3A_1891 = arith.mulf %get3A_1889, %mul3A_1890 : vector<16xf32>
        %add3A_1892 = arith.addf %add3A_1844, %mul3A_1891 : vector<16xf32>
        %mul3A_1893 = vector.broadcast %squeeze3A_1885 : f32 to vector<16xf32>
        %mul3A_1894 = arith.mulf %get3A_1889, %mul3A_1893 : vector<16xf32>
        %add3A_1895 = arith.addf %add3A_1847, %mul3A_1894 : vector<16xf32>
        %get3A_1896 = arith.index_cast %add3A_1881 : i32 to index
        %get3A_1897 = arith.constant 16 : index
        %get3A_1898 = tpu.vector_load %arg10[%get3A_1896, %get3A_1897] {strides = array<i32>} : memref<200x64xf32, #tpu.memory_space<vmem>>, vector<1x16xf32>,
        %get3A_1899 = vector.shape_cast %get3A_1898 : vector<1x16xf32> to vector<16xf32>
        %mul3A_1900 = vector.broadcast %squeeze3A_1883 : f32 to vector<16xf32>
        %mul3A_1901 = arith.mulf %get3A_1899, %mul3A_1900 : vector<16xf32>
        %add3A_1902 = arith.addf %add3A_1854, %mul3A_1901 : vector<16xf32>
        %mul3A_1903 = vector.broadcast %squeeze3A_1885 : f32 to vector<16xf32>
        %mul3A_1904 = arith.mulf %get3A_1899, %mul3A_1903 : vector<16xf32>
        %add3A_1905 = arith.addf %add3A_1857, %mul3A_1904 : vector<16xf32>
        %get3A_1906 = arith.index_cast %add3A_1881 : i32 to index
        %get3A_1907 = arith.constant 32 : index
        %get3A_1908 = tpu.vector_load %arg10[%get3A_1906, %get3A_1907] {strides = array<i32>} : memref<200x64xf32, #tpu.memory_space<vmem>>, vector<1x16xf32>,
        %get3A_1909 = vector.shape_cast %get3A_1908 : vector<1x16xf32> to vector<16xf32>
        %mul3A_1910 = vector.broadcast %squeeze3A_1883 : f32 to vector<16xf32>
        %mul3A_1911 = arith.mulf %get3A_1909, %mul3A_1910 : vector<16xf32>
        %add3A_1912 = arith.addf %add3A_1864, %mul3A_1911 : vector<16xf32>
        %mul3A_1913 = vector.broadcast %squeeze3A_1885 : f32 to vector<16xf32>
        %mul3A_1914 = arith.mulf %get3A_1909, %mul3A_1913 : vector<16xf32>
        %add3A_1915 = arith.addf %add3A_1867, %mul3A_1914 : vector<16xf32>
        %get3A_1916 = arith.index_cast %add3A_1881 : i32 to index
        %get3A_1917 = arith.constant 48 : index
        %get3A_1918 = tpu.vector_load %arg10[%get3A_1916, %get3A_1917] {strides = array<i32>} : memref<200x64xf32, #tpu.memory_space<vmem>>, vector<1x16xf32>,
        %get3A_1919 = vector.shape_cast %get3A_1918 : vector<1x16xf32> to vector<16xf32>
        %mul3A_1920 = vector.broadcast %squeeze3A_1883 : f32 to vector<16xf32>
        %mul3A_1921 = arith.mulf %get3A_1919, %mul3A_1920 : vector<16xf32>
        %add3A_1922 = arith.addf %add3A_1874, %mul3A_1921 : vector<16xf32>
        %mul3A_1923 = vector.broadcast %squeeze3A_1885 : f32 to vector<16xf32>
        %mul3A_1924 = arith.mulf %get3A_1919, %mul3A_1923 : vector<16xf32>
        %add3A_1925 = arith.addf %add3A_1877, %mul3A_1924 : vector<16xf32>
        %mul3A_1926 = arith.constant 16 : i32
        %mul3A_1927 = arith.muli %while3A_1283, %mul3A_1926 : i32
        %add3A_1928 = arith.constant 13 : i32
        %add3A_1929 = arith.addi %mul3A_1927, %add3A_1928 : i32
        %slice3A_1930 = vector.extract_strided_slice %get3A_1296 {offsets = [13], sizes = [1], strides = [1]} : vector<16xf32> to vector<1xf32>
        %squeeze3A_1931 = vector.extract %slice3A_1930[0] : f32 from vector<1xf32>
        %slice3A_1932 = vector.extract_strided_slice %get3A_1301 {offsets = [13], sizes = [1], strides = [1]} : vector<16xf32> to vector<1xf32>
        %squeeze3A_1933 = vector.extract %slice3A_1932[0] : f32 from vector<1xf32>
        %get3A_1934 = arith.index_cast %add3A_1929 : i32 to index
        %get3A_1935 = arith.constant 0 : index
        %get3A_1936 = tpu.vector_load %arg10[%get3A_1934, %get3A_1935] {strides = array<i32>} : memref<200x64xf32, #tpu.memory_space<vmem>>, vector<1x16xf32>,
        %get3A_1937 = vector.shape_cast %get3A_1936 : vector<1x16xf32> to vector<16xf32>
        %mul3A_1938 = vector.broadcast %squeeze3A_1931 : f32 to vector<16xf32>
        %mul3A_1939 = arith.mulf %get3A_1937, %mul3A_1938 : vector<16xf32>
        %add3A_1940 = arith.addf %add3A_1892, %mul3A_1939 : vector<16xf32>
        %mul3A_1941 = vector.broadcast %squeeze3A_1933 : f32 to vector<16xf32>
        %mul3A_1942 = arith.mulf %get3A_1937, %mul3A_1941 : vector<16xf32>
        %add3A_1943 = arith.addf %add3A_1895, %mul3A_1942 : vector<16xf32>
        %get3A_1944 = arith.index_cast %add3A_1929 : i32 to index
        %get3A_1945 = arith.constant 16 : index
        %get3A_1946 = tpu.vector_load %arg10[%get3A_1944, %get3A_1945] {strides = array<i32>} : memref<200x64xf32, #tpu.memory_space<vmem>>, vector<1x16xf32>,
        %get3A_1947 = vector.shape_cast %get3A_1946 : vector<1x16xf32> to vector<16xf32>
        %mul3A_1948 = vector.broadcast %squeeze3A_1931 : f32 to vector<16xf32>
        %mul3A_1949 = arith.mulf %get3A_1947, %mul3A_1948 : vector<16xf32>
        %add3A_1950 = arith.addf %add3A_1902, %mul3A_1949 : vector<16xf32>
        %mul3A_1951 = vector.broadcast %squeeze3A_1933 : f32 to vector<16xf32>
        %mul3A_1952 = arith.mulf %get3A_1947, %mul3A_1951 : vector<16xf32>
        %add3A_1953 = arith.addf %add3A_1905, %mul3A_1952 : vector<16xf32>
        %get3A_1954 = arith.index_cast %add3A_1929 : i32 to index
        %get3A_1955 = arith.constant 32 : index
        %get3A_1956 = tpu.vector_load %arg10[%get3A_1954, %get3A_1955] {strides = array<i32>} : memref<200x64xf32, #tpu.memory_space<vmem>>, vector<1x16xf32>,
        %get3A_1957 = vector.shape_cast %get3A_1956 : vector<1x16xf32> to vector<16xf32>
        %mul3A_1958 = vector.broadcast %squeeze3A_1931 : f32 to vector<16xf32>
        %mul3A_1959 = arith.mulf %get3A_1957, %mul3A_1958 : vector<16xf32>
        %add3A_1960 = arith.addf %add3A_1912, %mul3A_1959 : vector<16xf32>
        %mul3A_1961 = vector.broadcast %squeeze3A_1933 : f32 to vector<16xf32>
        %mul3A_1962 = arith.mulf %get3A_1957, %mul3A_1961 : vector<16xf32>
        %add3A_1963 = arith.addf %add3A_1915, %mul3A_1962 : vector<16xf32>
        %get3A_1964 = arith.index_cast %add3A_1929 : i32 to index
        %get3A_1965 = arith.constant 48 : index
        %get3A_1966 = tpu.vector_load %arg10[%get3A_1964, %get3A_1965] {strides = array<i32>} : memref<200x64xf32, #tpu.memory_space<vmem>>, vector<1x16xf32>,
        %get3A_1967 = vector.shape_cast %get3A_1966 : vector<1x16xf32> to vector<16xf32>
        %mul3A_1968 = vector.broadcast %squeeze3A_1931 : f32 to vector<16xf32>
        %mul3A_1969 = arith.mulf %get3A_1967, %mul3A_1968 : vector<16xf32>
        %add3A_1970 = arith.addf %add3A_1922, %mul3A_1969 : vector<16xf32>
        %mul3A_1971 = vector.broadcast %squeeze3A_1933 : f32 to vector<16xf32>
        %mul3A_1972 = arith.mulf %get3A_1967, %mul3A_1971 : vector<16xf32>
        %add3A_1973 = arith.addf %add3A_1925, %mul3A_1972 : vector<16xf32>
        %mul3A_1974 = arith.constant 16 : i32
        %mul3A_1975 = arith.muli %while3A_1283, %mul3A_1974 : i32
        %add3A_1976 = arith.constant 14 : i32
        %add3A_1977 = arith.addi %mul3A_1975, %add3A_1976 : i32
        %slice3A_1978 = vector.extract_strided_slice %get3A_1296 {offsets = [14], sizes = [1], strides = [1]} : vector<16xf32> to vector<1xf32>
        %squeeze3A_1979 = vector.extract %slice3A_1978[0] : f32 from vector<1xf32>
        %slice3A_1980 = vector.extract_strided_slice %get3A_1301 {offsets = [14], sizes = [1], strides = [1]} : vector<16xf32> to vector<1xf32>
        %squeeze3A_1981 = vector.extract %slice3A_1980[0] : f32 from vector<1xf32>
        %get3A_1982 = arith.index_cast %add3A_1977 : i32 to index
        %get3A_1983 = arith.constant 0 : index
        %get3A_1984 = tpu.vector_load %arg10[%get3A_1982, %get3A_1983] {strides = array<i32>} : memref<200x64xf32, #tpu.memory_space<vmem>>, vector<1x16xf32>,
        %get3A_1985 = vector.shape_cast %get3A_1984 : vector<1x16xf32> to vector<16xf32>
        %mul3A_1986 = vector.broadcast %squeeze3A_1979 : f32 to vector<16xf32>
        %mul3A_1987 = arith.mulf %get3A_1985, %mul3A_1986 : vector<16xf32>
        %add3A_1988 = arith.addf %add3A_1940, %mul3A_1987 : vector<16xf32>
        %mul3A_1989 = vector.broadcast %squeeze3A_1981 : f32 to vector<16xf32>
        %mul3A_1990 = arith.mulf %get3A_1985, %mul3A_1989 : vector<16xf32>
        %add3A_1991 = arith.addf %add3A_1943, %mul3A_1990 : vector<16xf32>
        %get3A_1992 = arith.index_cast %add3A_1977 : i32 to index
        %get3A_1993 = arith.constant 16 : index
        %get3A_1994 = tpu.vector_load %arg10[%get3A_1992, %get3A_1993] {strides = array<i32>} : memref<200x64xf32, #tpu.memory_space<vmem>>, vector<1x16xf32>,
        %get3A_1995 = vector.shape_cast %get3A_1994 : vector<1x16xf32> to vector<16xf32>
        %mul3A_1996 = vector.broadcast %squeeze3A_1979 : f32 to vector<16xf32>
        %mul3A_1997 = arith.mulf %get3A_1995, %mul3A_1996 : vector<16xf32>
        %add3A_1998 = arith.addf %add3A_1950, %mul3A_1997 : vector<16xf32>
        %mul3A_1999 = vector.broadcast %squeeze3A_1981 : f32 to vector<16xf32>
        %mul3A_2000 = arith.mulf %get3A_1995, %mul3A_1999 : vector<16xf32>
        %add3A_2001 = arith.addf %add3A_1953, %mul3A_2000 : vector<16xf32>
        %get3A_2002 = arith.index_cast %add3A_1977 : i32 to index
        %get3A_2003 = arith.constant 32 : index
        %get3A_2004 = tpu.vector_load %arg10[%get3A_2002, %get3A_2003] {strides = array<i32>} : memref<200x64xf32, #tpu.memory_space<vmem>>, vector<1x16xf32>,
        %get3A_2005 = vector.shape_cast %get3A_2004 : vector<1x16xf32> to vector<16xf32>
        %mul3A_2006 = vector.broadcast %squeeze3A_1979 : f32 to vector<16xf32>
        %mul3A_2007 = arith.mulf %get3A_2005, %mul3A_2006 : vector<16xf32>
        %add3A_2008 = arith.addf %add3A_1960, %mul3A_2007 : vector<16xf32>
        %mul3A_2009 = vector.broadcast %squeeze3A_1981 : f32 to vector<16xf32>
        %mul3A_2010 = arith.mulf %get3A_2005, %mul3A_2009 : vector<16xf32>
        %add3A_2011 = arith.addf %add3A_1963, %mul3A_2010 : vector<16xf32>
        %get3A_2012 = arith.index_cast %add3A_1977 : i32 to index
        %get3A_2013 = arith.constant 48 : index
        %get3A_2014 = tpu.vector_load %arg10[%get3A_2012, %get3A_2013] {strides = array<i32>} : memref<200x64xf32, #tpu.memory_space<vmem>>, vector<1x16xf32>,
        %get3A_2015 = vector.shape_cast %get3A_2014 : vector<1x16xf32> to vector<16xf32>
        %mul3A_2016 = vector.broadcast %squeeze3A_1979 : f32 to vector<16xf32>
        %mul3A_2017 = arith.mulf %get3A_2015, %mul3A_2016 : vector<16xf32>
        %add3A_2018 = arith.addf %add3A_1970, %mul3A_2017 : vector<16xf32>
        %mul3A_2019 = vector.broadcast %squeeze3A_1981 : f32 to vector<16xf32>
        %mul3A_2020 = arith.mulf %get3A_2015, %mul3A_2019 : vector<16xf32>
        %add3A_2021 = arith.addf %add3A_1973, %mul3A_2020 : vector<16xf32>
        %mul3A_2022 = arith.constant 16 : i32
        %mul3A_2023 = arith.muli %while3A_1283, %mul3A_2022 : i32
        %add3A_2024 = arith.constant 15 : i32
        %add3A_2025 = arith.addi %mul3A_2023, %add3A_2024 : i32
        %slice3A_2026 = vector.extract_strided_slice %get3A_1296 {offsets = [15], sizes = [1], strides = [1]} : vector<16xf32> to vector<1xf32>
        %squeeze3A_2027 = vector.extract %slice3A_2026[0] : f32 from vector<1xf32>
        %slice3A_2028 = vector.extract_strided_slice %get3A_1301 {offsets = [15], sizes = [1], strides = [1]} : vector<16xf32> to vector<1xf32>
        %squeeze3A_2029 = vector.extract %slice3A_2028[0] : f32 from vector<1xf32>
        %get3A_2030 = arith.index_cast %add3A_2025 : i32 to index
        %get3A_2031 = arith.constant 0 : index
        %get3A_2032 = tpu.vector_load %arg10[%get3A_2030, %get3A_2031] {strides = array<i32>} : memref<200x64xf32, #tpu.memory_space<vmem>>, vector<1x16xf32>,
        %get3A_2033 = vector.shape_cast %get3A_2032 : vector<1x16xf32> to vector<16xf32>
        %mul3A_2034 = vector.broadcast %squeeze3A_2027 : f32 to vector<16xf32>
        %mul3A_2035 = arith.mulf %get3A_2033, %mul3A_2034 : vector<16xf32>
        %add3A_2036 = arith.addf %add3A_1988, %mul3A_2035 : vector<16xf32>
        %mul3A_2037 = vector.broadcast %squeeze3A_2029 : f32 to vector<16xf32>
        %mul3A_2038 = arith.mulf %get3A_2033, %mul3A_2037 : vector<16xf32>
        %add3A_2039 = arith.addf %add3A_1991, %mul3A_2038 : vector<16xf32>
        %get3A_2040 = arith.index_cast %add3A_2025 : i32 to index
        %get3A_2041 = arith.constant 16 : index
        %get3A_2042 = tpu.vector_load %arg10[%get3A_2040, %get3A_2041] {strides = array<i32>} : memref<200x64xf32, #tpu.memory_space<vmem>>, vector<1x16xf32>,
        %get3A_2043 = vector.shape_cast %get3A_2042 : vector<1x16xf32> to vector<16xf32>
        %mul3A_2044 = vector.broadcast %squeeze3A_2027 : f32 to vector<16xf32>
        %mul3A_2045 = arith.mulf %get3A_2043, %mul3A_2044 : vector<16xf32>
        %add3A_2046 = arith.addf %add3A_1998, %mul3A_2045 : vector<16xf32>
        %mul3A_2047 = vector.broadcast %squeeze3A_2029 : f32 to vector<16xf32>
        %mul3A_2048 = arith.mulf %get3A_2043, %mul3A_2047 : vector<16xf32>
        %add3A_2049 = arith.addf %add3A_2001, %mul3A_2048 : vector<16xf32>
        %get3A_2050 = arith.index_cast %add3A_2025 : i32 to index
        %get3A_2051 = arith.constant 32 : index
        %get3A_2052 = tpu.vector_load %arg10[%get3A_2050, %get3A_2051] {strides = array<i32>} : memref<200x64xf32, #tpu.memory_space<vmem>>, vector<1x16xf32>,
        %get3A_2053 = vector.shape_cast %get3A_2052 : vector<1x16xf32> to vector<16xf32>
        %mul3A_2054 = vector.broadcast %squeeze3A_2027 : f32 to vector<16xf32>
        %mul3A_2055 = arith.mulf %get3A_2053, %mul3A_2054 : vector<16xf32>
        %add3A_2056 = arith.addf %add3A_2008, %mul3A_2055 : vector<16xf32>
        %mul3A_2057 = vector.broadcast %squeeze3A_2029 : f32 to vector<16xf32>
        %mul3A_2058 = arith.mulf %get3A_2053, %mul3A_2057 : vector<16xf32>
        %add3A_2059 = arith.addf %add3A_2011, %mul3A_2058 : vector<16xf32>
        %get3A_2060 = arith.index_cast %add3A_2025 : i32 to index
        %get3A_2061 = arith.constant 48 : index
        %get3A_2062 = tpu.vector_load %arg10[%get3A_2060, %get3A_2061] {strides = array<i32>} : memref<200x64xf32, #tpu.memory_space<vmem>>, vector<1x16xf32>,
        %get3A_2063 = vector.shape_cast %get3A_2062 : vector<1x16xf32> to vector<16xf32>
        %mul3A_2064 = vector.broadcast %squeeze3A_2027 : f32 to vector<16xf32>
        %mul3A_2065 = arith.mulf %get3A_2063, %mul3A_2064 : vector<16xf32>
        %add3A_2066 = arith.addf %add3A_2018, %mul3A_2065 : vector<16xf32>
        %mul3A_2067 = vector.broadcast %squeeze3A_2029 : f32 to vector<16xf32>
        %mul3A_2068 = arith.mulf %get3A_2063, %mul3A_2067 : vector<16xf32>
        %add3A_2069 = arith.addf %add3A_2021, %mul3A_2068 : vector<16xf32>
        scf.yield %add3A_2036, %add3A_2046, %add3A_2056, %add3A_2066, %add3A_2039, %add3A_2049, %add3A_2059, %add3A_2069 : vector<16xf32>, vector<16xf32>, vector<16xf32>, vector<16xf32>, vector<16xf32>, vector<16xf32>, vector<16xf32>, vector<16xf32>
      }
      %convert_element_type3A_1185 = arith.sitofp %get3A_723 : vector<16xi32> to vector<16xf32>
      %slice3A_1186 = vector.extract_strided_slice %convert_element_type3A_1185 {offsets = [13], sizes = [1], strides = [1]} : vector<16xf32> to vector<1xf32>
      %squeeze3A_1187 = vector.extract %slice3A_1186[0] : f32 from vector<1xf32>
      %slice3A_1188 = vector.extract_strided_slice %convert_element_type3A_1185 {offsets = [14], sizes = [1], strides = [1]} : vector<16xf32> to vector<1xf32>
      %squeeze3A_1189 = vector.extract %slice3A_1188[0] : f32 from vector<1xf32>
      %get3A_1190 = arith.constant 0 : i32
      %get3A_1191 = arith.index_cast %get3A_1190 : i32 to index
      %get3A_1192 = arith.constant 0 : index
      %get3A_1193 = tpu.vector_load %arg11[%get3A_1191, %get3A_1192] {strides = array<i32>} : memref<1x64xf32, #tpu.memory_space<vmem>>, vector<1x16xf32>,
      %get3A_1194 = vector.shape_cast %get3A_1193 : vector<1x16xf32> to vector<16xf32>
      %mul3A_1195 = vector.broadcast %squeeze3A_1187 : f32 to vector<16xf32>
      %mul3A_1196 = arith.mulf %mul3A_1195, %get3A_1194 : vector<16xf32>
      %add3A_1197 = arith.addf %while3A_1184#0, %mul3A_1196 : vector<16xf32>
      %div3A_1198 = vector.broadcast %squeeze3A_1189 : f32 to vector<16xf32>
      %div3A_1199 = arith.divf %add3A_1197, %div3A_1198 : vector<16xf32>
      %swap3A_1200 = arith.index_cast %add3A_715 : i32 to index
      %swap3A_1201 = arith.constant 0 : index
      %swap3A_1202 = tpu.vector_load %arg12[%swap3A_1200, %swap3A_1201] {strides = array<i32>} : memref<32x64xf32, #tpu.memory_space<vmem>>, vector<1x16xf32>,
      %swap3A_1203 = vector.shape_cast %swap3A_1202 : vector<1x16xf32> to vector<16xf32>
      %swap3A_1204 = vector.shape_cast %div3A_1199 : vector<16xf32> to vector<1x16xf32>
      tpu.vector_store %arg12[%swap3A_1200, %swap3A_1201], %swap3A_1204 {strides = array<i32>} : memref<32x64xf32, #tpu.memory_space<vmem>>, vector<1x16xf32>,
      %add3A_1205 = arith.addf %while3A_1184#4, %mul3A_1196 : vector<16xf32>
      %div3A_1206 = vector.broadcast %squeeze3A_1189 : f32 to vector<16xf32>
      %div3A_1207 = arith.divf %add3A_1205, %div3A_1206 : vector<16xf32>
      %swap3A_1208 = arith.index_cast %add3A_715 : i32 to index
      %swap3A_1209 = arith.constant 0 : index
      %swap3A_1210 = tpu.vector_load %arg13[%swap3A_1208, %swap3A_1209] {strides = array<i32>} : memref<32x64xf32, #tpu.memory_space<vmem>>, vector<1x16xf32>,
      %swap3A_1211 = vector.shape_cast %swap3A_1210 : vector<1x16xf32> to vector<16xf32>
      %swap3A_1212 = vector.shape_cast %div3A_1207 : vector<16xf32> to vector<1x16xf32>
      tpu.vector_store %arg13[%swap3A_1208, %swap3A_1209], %swap3A_1212 {strides = array<i32>} : memref<32x64xf32, #tpu.memory_space<vmem>>, vector<1x16xf32>,
      %get3A_1213 = arith.constant 0 : i32
      %get3A_1214 = arith.index_cast %get3A_1213 : i32 to index
      %get3A_1215 = arith.constant 16 : index
      %get3A_1216 = tpu.vector_load %arg11[%get3A_1214, %get3A_1215] {strides = array<i32>} : memref<1x64xf32, #tpu.memory_space<vmem>>, vector<1x16xf32>,
      %get3A_1217 = vector.shape_cast %get3A_1216 : vector<1x16xf32> to vector<16xf32>
      %mul3A_1218 = vector.broadcast %squeeze3A_1187 : f32 to vector<16xf32>
      %mul3A_1219 = arith.mulf %mul3A_1218, %get3A_1217 : vector<16xf32>
      %add3A_1220 = arith.addf %while3A_1184#1, %mul3A_1219 : vector<16xf32>
      %div3A_1221 = vector.broadcast %squeeze3A_1189 : f32 to vector<16xf32>
      %div3A_1222 = arith.divf %add3A_1220, %div3A_1221 : vector<16xf32>
      %swap3A_1223 = arith.index_cast %add3A_715 : i32 to index
      %swap3A_1224 = arith.constant 16 : index
      %swap3A_1225 = tpu.vector_load %arg12[%swap3A_1223, %swap3A_1224] {strides = array<i32>} : memref<32x64xf32, #tpu.memory_space<vmem>>, vector<1x16xf32>,
      %swap3A_1226 = vector.shape_cast %swap3A_1225 : vector<1x16xf32> to vector<16xf32>
      %swap3A_1227 = vector.shape_cast %div3A_1222 : vector<16xf32> to vector<1x16xf32>
      tpu.vector_store %arg12[%swap3A_1223, %swap3A_1224], %swap3A_1227 {strides = array<i32>} : memref<32x64xf32, #tpu.memory_space<vmem>>, vector<1x16xf32>,
      %add3A_1228 = arith.addf %while3A_1184#5, %mul3A_1219 : vector<16xf32>
      %div3A_1229 = vector.broadcast %squeeze3A_1189 : f32 to vector<16xf32>
      %div3A_1230 = arith.divf %add3A_1228, %div3A_1229 : vector<16xf32>
      %swap3A_1231 = arith.index_cast %add3A_715 : i32 to index
      %swap3A_1232 = arith.constant 16 : index
      %swap3A_1233 = tpu.vector_load %arg13[%swap3A_1231, %swap3A_1232] {strides = array<i32>} : memref<32x64xf32, #tpu.memory_space<vmem>>, vector<1x16xf32>,
      %swap3A_1234 = vector.shape_cast %swap3A_1233 : vector<1x16xf32> to vector<16xf32>
      %swap3A_1235 = vector.shape_cast %div3A_1230 : vector<16xf32> to vector<1x16xf32>
      tpu.vector_store %arg13[%swap3A_1231, %swap3A_1232], %swap3A_1235 {strides = array<i32>} : memref<32x64xf32, #tpu.memory_space<vmem>>, vector<1x16xf32>,
      %get3A_1236 = arith.constant 0 : i32
      %get3A_1237 = arith.index_cast %get3A_1236 : i32 to index
      %get3A_1238 = arith.constant 32 : index
      %get3A_1239 = tpu.vector_load %arg11[%get3A_1237, %get3A_1238] {strides = array<i32>} : memref<1x64xf32, #tpu.memory_space<vmem>>, vector<1x16xf32>,
      %get3A_1240 = vector.shape_cast %get3A_1239 : vector<1x16xf32> to vector<16xf32>
      %mul3A_1241 = vector.broadcast %squeeze3A_1187 : f32 to vector<16xf32>
      %mul3A_1242 = arith.mulf %mul3A_1241, %get3A_1240 : vector<16xf32>
      %add3A_1243 = arith.addf %while3A_1184#2, %mul3A_1242 : vector<16xf32>
      %div3A_1244 = vector.broadcast %squeeze3A_1189 : f32 to vector<16xf32>
      %div3A_1245 = arith.divf %add3A_1243, %div3A_1244 : vector<16xf32>
      %swap3A_1246 = arith.index_cast %add3A_715 : i32 to index
      %swap3A_1247 = arith.constant 32 : index
      %swap3A_1248 = tpu.vector_load %arg12[%swap3A_1246, %swap3A_1247] {strides = array<i32>} : memref<32x64xf32, #tpu.memory_space<vmem>>, vector<1x16xf32>,
      %swap3A_1249 = vector.shape_cast %swap3A_1248 : vector<1x16xf32> to vector<16xf32>
      %swap3A_1250 = vector.shape_cast %div3A_1245 : vector<16xf32> to vector<1x16xf32>
      tpu.vector_store %arg12[%swap3A_1246, %swap3A_1247], %swap3A_1250 {strides = array<i32>} : memref<32x64xf32, #tpu.memory_space<vmem>>, vector<1x16xf32>,
      %add3A_1251 = arith.addf %while3A_1184#6, %mul3A_1242 : vector<16xf32>
      %div3A_1252 = vector.broadcast %squeeze3A_1189 : f32 to vector<16xf32>
      %div3A_1253 = arith.divf %add3A_1251, %div3A_1252 : vector<16xf32>
      %swap3A_1254 = arith.index_cast %add3A_715 : i32 to index
      %swap3A_1255 = arith.constant 32 : index
      %swap3A_1256 = tpu.vector_load %arg13[%swap3A_1254, %swap3A_1255] {strides = array<i32>} : memref<32x64xf32, #tpu.memory_space<vmem>>, vector<1x16xf32>,
      %swap3A_1257 = vector.shape_cast %swap3A_1256 : vector<1x16xf32> to vector<16xf32>
      %swap3A_1258 = vector.shape_cast %div3A_1253 : vector<16xf32> to vector<1x16xf32>
      tpu.vector_store %arg13[%swap3A_1254, %swap3A_1255], %swap3A_1258 {strides = array<i32>} : memref<32x64xf32, #tpu.memory_space<vmem>>, vector<1x16xf32>,
      %get3A_1259 = arith.constant 0 : i32
      %get3A_1260 = arith.index_cast %get3A_1259 : i32 to index
      %get3A_1261 = arith.constant 48 : index
      %get3A_1262 = tpu.vector_load %arg11[%get3A_1260, %get3A_1261] {strides = array<i32>} : memref<1x64xf32, #tpu.memory_space<vmem>>, vector<1x16xf32>,
      %get3A_1263 = vector.shape_cast %get3A_1262 : vector<1x16xf32> to vector<16xf32>
      %mul3A_1264 = vector.broadcast %squeeze3A_1187 : f32 to vector<16xf32>
      %mul3A_1265 = arith.mulf %mul3A_1264, %get3A_1263 : vector<16xf32>
      %add3A_1266 = arith.addf %while3A_1184#3, %mul3A_1265 : vector<16xf32>
      %div3A_1267 = vector.broadcast %squeeze3A_1189 : f32 to vector<16xf32>
      %div3A_1268 = arith.divf %add3A_1266, %div3A_1267 : vector<16xf32>
      %swap3A_1269 = arith.index_cast %add3A_715 : i32 to index
      %swap3A_1270 = arith.constant 48 : index
      %swap3A_1271 = tpu.vector_load %arg12[%swap3A_1269, %swap3A_1270] {strides = array<i32>} : memref<32x64xf32, #tpu.memory_space<vmem>>, vector<1x16xf32>,
      %swap3A_1272 = vector.shape_cast %swap3A_1271 : vector<1x16xf32> to vector<16xf32>
      %swap3A_1273 = vector.shape_cast %div3A_1268 : vector<16xf32> to vector<1x16xf32>
      tpu.vector_store %arg12[%swap3A_1269, %swap3A_1270], %swap3A_1273 {strides = array<i32>} : memref<32x64xf32, #tpu.memory_space<vmem>>, vector<1x16xf32>,
      %add3A_1274 = arith.addf %while3A_1184#7, %mul3A_1265 : vector<16xf32>
      %div3A_1275 = vector.broadcast %squeeze3A_1189 : f32 to vector<16xf32>
      %div3A_1276 = arith.divf %add3A_1274, %div3A_1275 : vector<16xf32>
      %swap3A_1277 = arith.index_cast %add3A_715 : i32 to index
      %swap3A_1278 = arith.constant 48 : index
      %swap3A_1279 = tpu.vector_load %arg13[%swap3A_1277, %swap3A_1278] {strides = array<i32>} : memref<32x64xf32, #tpu.memory_space<vmem>>, vector<1x16xf32>,
      %swap3A_1280 = vector.shape_cast %swap3A_1279 : vector<1x16xf32> to vector<16xf32>
      %swap3A_1281 = vector.shape_cast %div3A_1276 : vector<16xf32> to vector<1x16xf32>
      tpu.vector_store %arg13[%swap3A_1277, %swap3A_1278], %swap3A_1281 {strides = array<i32>} : memref<32x64xf32, #tpu.memory_space<vmem>>, vector<1x16xf32>,
      %scan3A_1282 = arith.constant 0 : i32
      scf.yield %scan3A_1282 : i32
    }
    %scan3A_36 = arith.constant 16 : i32
    "tpu.region"() ({
      %run_scoped3A = tpu.sem_alloc : memref<!tpu.dma_semaphore, #tpu.memory_space<semaphore_mem>>
      %dma_start3A = arith.constant 0 : i32
      %dma_start3A_37 = tpu.memref_slice %arg5[%mul3A_2, %dma_start3A] : memref<1024x64xf32, #tpu.memory_space<hbm>> -> memref<32x64xf32, #tpu.memory_space<hbm>>
      %dma_start3A_38 = arith.constant 0 : i32
      %dma_start3A_39 = tpu.memref_slice %arg5[%mul3A_2, %dma_start3A_38] : memref<1024x64xf32, #tpu.memory_space<hbm>> -> memref<32x64xf32, #tpu.memory_space<hbm>>
      tpu.enqueue_dma source(%arg12 : memref<32x64xf32, #tpu.memory_space<vmem>>) target(%dma_start3A_39 : memref<32x64xf32, #tpu.memory_space<hbm>>) target_semaphore(%run_scoped3A : memref<!tpu.dma_semaphore, #tpu.memory_space<semaphore_mem>>)
      %dma_wait3A = arith.constant 0 : i32
      %dma_wait3A_40 = tpu.memref_slice %arg5[%mul3A_2, %dma_wait3A] : memref<1024x64xf32, #tpu.memory_space<hbm>> -> memref<32x64xf32, #tpu.memory_space<hbm>>
      %dma_wait3A_41 = arith.constant 0 : i32
      %dma_wait3A_42 = tpu.memref_slice %arg5[%mul3A_2, %dma_wait3A_41] : memref<1024x64xf32, #tpu.memory_space<hbm>> -> memref<32x64xf32, #tpu.memory_space<hbm>>
      tpu.wait_dma2 semaphore(%run_scoped3A : memref<!tpu.dma_semaphore, #tpu.memory_space<semaphore_mem>>) src(%arg12 : memref<32x64xf32, #tpu.memory_space<vmem>>) dst(%dma_wait3A_42 : memref<32x64xf32, #tpu.memory_space<hbm>>)
      tpu.yield
    }) : () -> ()
    "tpu.region"() ({
      %run_scoped3A = tpu.sem_alloc : memref<!tpu.dma_semaphore, #tpu.memory_space<semaphore_mem>>
      %dma_start3A = arith.constant 0 : i32
      %dma_start3A_37 = tpu.memref_slice %arg6[%mul3A_2, %dma_start3A] : memref<1024x64xf32, #tpu.memory_space<hbm>> -> memref<32x64xf32, #tpu.memory_space<hbm>>
      %dma_start3A_38 = arith.constant 0 : i32
      %dma_start3A_39 = tpu.memref_slice %arg6[%mul3A_2, %dma_start3A_38] : memref<1024x64xf32, #tpu.memory_space<hbm>> -> memref<32x64xf32, #tpu.memory_space<hbm>>
      tpu.enqueue_dma source(%arg13 : memref<32x64xf32, #tpu.memory_space<vmem>>) target(%dma_start3A_39 : memref<32x64xf32, #tpu.memory_space<hbm>>) target_semaphore(%run_scoped3A : memref<!tpu.dma_semaphore, #tpu.memory_space<semaphore_mem>>)
      %dma_wait3A = arith.constant 0 : i32
      %dma_wait3A_40 = tpu.memref_slice %arg6[%mul3A_2, %dma_wait3A] : memref<1024x64xf32, #tpu.memory_space<hbm>> -> memref<32x64xf32, #tpu.memory_space<hbm>>
      %dma_wait3A_41 = arith.constant 0 : i32
      %dma_wait3A_42 = tpu.memref_slice %arg6[%mul3A_2, %dma_wait3A_41] : memref<1024x64xf32, #tpu.memory_space<hbm>> -> memref<32x64xf32, #tpu.memory_space<hbm>>
      tpu.wait_dma2 semaphore(%run_scoped3A : memref<!tpu.dma_semaphore, #tpu.memory_space<semaphore_mem>>) src(%arg13 : memref<32x64xf32, #tpu.memory_space<vmem>>) dst(%dma_wait3A_42 : memref<32x64xf32, #tpu.memory_space<hbm>>)
      tpu.yield
    }) : () -> ()
    return
  }
}

module attributes {stable_mosaic.version = 14 : i64} {
  func.func @_tc_loss_body(%arg0: i32, %arg1: memref<512x64xf32, #tpu.memory_space<vmem>>, %arg2: memref<64x1024xf32, #tpu.memory_space<vmem>>, %arg3: memref<64x1024xf32, #tpu.memory_space<vmem>>, %arg4: memref<1x1xf32, #tpu.memory_space<vmem>>) attributes {dimension_semantics = [#tpu.dimension_semantics<arbitrary>], iteration_bounds = array<i64: 2>, scalar_prefetch = 0 : i64, scratch_operands = 0 : i64, tpu.core_type = #tpu.core_type<tc>, window_params = [{transform_indices = @transform_0, window_bounds = array<i64: 512, 64>}, {pipeline_mode = #tpu.pipeline_mode<synchronous>, transform_indices = @transform_1, window_bounds = array<i64: 64, 1024>}, {pipeline_mode = #tpu.pipeline_mode<synchronous>, transform_indices = @transform_2, window_bounds = array<i64: 64, 1024>}, {pipeline_mode = #tpu.pipeline_mode<synchronous>, transform_indices = @transform_3, window_bounds = array<i64: 1, 1>}]} {
    %get3A = arith.constant 0 : index
    %get3A_0 = arith.constant 0 : index
    %get3A_1 = vector.load %arg1[%get3A, %get3A_0] : memref<512x64xf32, #tpu.memory_space<vmem>>, vector<512x64xf32>
    %get3A_2 = arith.constant 0 : index
    %get3A_3 = arith.constant 0 : index
    %get3A_4 = vector.load %arg3[%get3A_2, %get3A_3] : memref<64x1024xf32, #tpu.memory_space<vmem>>, vector<64x1024xf32>
    %dot_general3A = arith.constant dense<0.000000e+00> : vector<512x1024xf32>
    %dot_general3A_5 = tpu.matmul %get3A_1, %get3A_4, %dot_general3A {dimension_numbers = #tpu.dot_dimension_numbers<[1], [0], [0], [1], [0, 0, 1, 1], [], []>, transpose_lhs_hint = false} : vector<512x64xf32>, vector<64x1024xf32>, vector<512x1024xf32> -> vector<512x1024xf32>
    %get3A_6 = arith.constant 0 : index
    %get3A_7 = arith.constant 0 : index
    %get3A_8 = vector.load %arg2[%get3A_6, %get3A_7] : memref<64x1024xf32, #tpu.memory_space<vmem>>, vector<64x1024xf32>
    %dot_general3A_9 = arith.constant dense<0.000000e+00> : vector<512x1024xf32>
    %dot_general3A_10 = tpu.matmul %get3A_1, %get3A_8, %dot_general3A_9 {dimension_numbers = #tpu.dot_dimension_numbers<[1], [0], [0], [1], [0, 0, 1, 1], [], []>, transpose_lhs_hint = false} : vector<512x64xf32>, vector<64x1024xf32>, vector<512x1024xf32> -> vector<512x1024xf32>
    %iota3A = tpu.iota {dimensions = array<i32: 0>} : vector<512x1024xi32>
    %mul3A = arith.constant 512 : i32
    %mul3A_11 = arith.muli %arg0, %mul3A : i32
    %add3A = vector.broadcast %mul3A_11 : i32 to vector<512x1024xi32>
    %add3A_12 = arith.addi %iota3A, %add3A : vector<512x1024xi32>
    %iota3A_13 = tpu.iota {dimensions = array<i32: 1>} : vector<512x1024xi32>
    %eq3A = arith.cmpi eq, %add3A_12, %iota3A_13 : vector<512x1024xi32>
    %jit3A = arith.constant -1.000000e+09 : f32
    %broadcast_in_dim3A = vector.broadcast %jit3A : f32 to vector<512x1024xf32>
    %select_n3A = arith.select %eq3A, %broadcast_in_dim3A, %dot_general3A_10 : vector<512x1024xi1>, vector<512x1024xf32>
    %jit3A_14 = arith.constant 0.000000e+00 : f32
    %broadcast_in_dim3A_15 = vector.broadcast %jit3A_14 : f32 to vector<512x1024xf32>
    %select_n3A_16 = arith.select %eq3A, %dot_general3A_5, %broadcast_in_dim3A_15 : vector<512x1024xi1>, vector<512x1024xf32>
    %reduce_sum3A = arith.constant dense<0.000000e+00> : vector<512xf32>
    %reduce_sum3A_17 = vector.multi_reduction <add>, %select_n3A_16, %reduce_sum3A [1] : vector<512x1024xf32> to vector<512xf32>
    %reduce_max3A = arith.constant dense<0xFF800000> : vector<512xf32>
    %reduce_max3A_18 = vector.multi_reduction <maximumf>, %dot_general3A_5, %reduce_max3A [1] : vector<512x1024xf32> to vector<512xf32>
    %reduce_max3A_19 = arith.constant dense<0xFF800000> : vector<512xf32>
    %reduce_max3A_20 = vector.multi_reduction <maximumf>, %select_n3A, %reduce_max3A_19 [1] : vector<512x1024xf32> to vector<512xf32>
    %max3A = arith.maximumf %reduce_max3A_18, %reduce_max3A_20 : vector<512xf32>
    %broadcast_in_dim3A_21 = vector.shape_cast %max3A : vector<512xf32> to vector<512x1xf32>
    %sub3A = vector.broadcast %broadcast_in_dim3A_21 : vector<512x1xf32> to vector<512x1024xf32>
    %sub3A_22 = arith.subf %dot_general3A_5, %sub3A : vector<512x1024xf32>
    %exp3A = math.exp %sub3A_22 : vector<512x1024xf32>
    %reduce_sum3A_23 = arith.constant dense<0.000000e+00> : vector<512xf32>
    %reduce_sum3A_24 = vector.multi_reduction <add>, %exp3A, %reduce_sum3A_23 [1] : vector<512x1024xf32> to vector<512xf32>
    %broadcast_in_dim3A_25 = vector.shape_cast %max3A : vector<512xf32> to vector<512x1xf32>
    %sub3A_26 = vector.broadcast %broadcast_in_dim3A_25 : vector<512x1xf32> to vector<512x1024xf32>
    %sub3A_27 = arith.subf %select_n3A, %sub3A_26 : vector<512x1024xf32>
    %exp3A_28 = math.exp %sub3A_27 : vector<512x1024xf32>
    %reduce_sum3A_29 = arith.constant dense<0.000000e+00> : vector<512xf32>
    %reduce_sum3A_30 = vector.multi_reduction <add>, %exp3A_28, %reduce_sum3A_29 [1] : vector<512x1024xf32> to vector<512xf32>
    %add3A_31 = arith.addf %reduce_sum3A_24, %reduce_sum3A_30 : vector<512xf32>
    %log3A = math.log %add3A_31 : vector<512xf32>
    %add3A_32 = arith.addf %max3A, %log3A : vector<512xf32>
    %sub3A_33 = arith.subf %add3A_32, %reduce_sum3A_17 : vector<512xf32>
    %reduce_sum3A_34 = vector.shape_cast %sub3A_33 : vector<512xf32> to vector<1x512xf32>
    %reduce_sum3A_35 = arith.constant dense<0.000000e+00> : vector<1xf32>
    %reduce_sum3A_36 = vector.multi_reduction <add>, %reduce_sum3A_34, %reduce_sum3A_35 [1] : vector<1x512xf32> to vector<1xf32>
    %reduce_sum3A_37 = vector.shape_cast %reduce_sum3A_36 : vector<1xf32> to vector<1x1xf32>
    %reduce_sum3A_38 = vector.extract %reduce_sum3A_37[0, 0] : f32 from vector<1x1xf32>
    %eq3A_39 = arith.constant 0 : i32
    %eq3A_40 = arith.cmpi eq, %arg0, %eq3A_39 : i32
    %convert_element_type3A = arith.extui %eq3A_40 : i1 to i32
    %cond3A = arith.constant 0 : i32
    %cond3A_41 = arith.cmpi ne, %convert_element_type3A, %cond3A : i32
    scf.if %cond3A_41 {
      %broadcast_in_dim3A_54 = arith.constant 0.000000e+00 : f32
      %broadcast_in_dim3A_55 = vector.broadcast %broadcast_in_dim3A_54 : f32 to vector<1x1xf32>
      %swap3A_56 = arith.constant 0 : index
      %swap3A_57 = arith.constant 0 : index
      %swap3A_58 = vector.load %arg4[%swap3A_56, %swap3A_57] : memref<1x1xf32, #tpu.memory_space<vmem>>, vector<1x1xf32>
      tpu.vector_store %arg4[%swap3A_56, %swap3A_57], %broadcast_in_dim3A_55 {strides = array<i32>} : memref<1x1xf32, #tpu.memory_space<vmem>>, vector<1x1xf32>,
    } else {
    }
    %get3A_42 = arith.constant 0 : index
    %get3A_43 = arith.constant 0 : index
    %get3A_44 = vector.load %arg4[%get3A_42, %get3A_43] : memref<1x1xf32, #tpu.memory_space<vmem>>, vector<1x1xf32>
    %add3A_45 = vector.broadcast %reduce_sum3A_38 : f32 to vector<1x1xf32>
    %add3A_46 = arith.addf %get3A_44, %add3A_45 : vector<1x1xf32>
    %swap3A = arith.constant 0 : index
    %swap3A_47 = arith.constant 0 : index
    %swap3A_48 = vector.load %arg4[%swap3A, %swap3A_47] : memref<1x1xf32, #tpu.memory_space<vmem>>, vector<1x1xf32>
    tpu.vector_store %arg4[%swap3A, %swap3A_47], %add3A_46 {strides = array<i32>} : memref<1x1xf32, #tpu.memory_space<vmem>>, vector<1x1xf32>,
    %eq3A_49 = arith.constant 1 : i32
    %eq3A_50 = arith.cmpi eq, %arg0, %eq3A_49 : i32
    %convert_element_type3A_51 = arith.extui %eq3A_50 : i1 to i32
    %cond3A_52 = arith.constant 0 : i32
    %cond3A_53 = arith.cmpi ne, %convert_element_type3A_51, %cond3A_52 : i32
    scf.if %cond3A_53 {
      %get3A_54 = arith.constant 0 : index
      %get3A_55 = arith.constant 0 : index
      %get3A_56 = vector.load %arg4[%get3A_54, %get3A_55] : memref<1x1xf32, #tpu.memory_space<vmem>>, vector<1x1xf32>
      %div3A = arith.constant 1.024000e+03 : f32
      %div3A_57 = vector.broadcast %div3A : f32 to vector<1x1xf32>
      %div3A_58 = arith.divf %get3A_56, %div3A_57 : vector<1x1xf32>
      %swap3A_59 = arith.constant 0 : index
      %swap3A_60 = arith.constant 0 : index
      %swap3A_61 = vector.load %arg4[%swap3A_59, %swap3A_60] : memref<1x1xf32, #tpu.memory_space<vmem>>, vector<1x1xf32>
      tpu.vector_store %arg4[%swap3A_59, %swap3A_60], %div3A_58 {strides = array<i32>} : memref<1x1xf32, #tpu.memory_space<vmem>>, vector<1x1xf32>,
    } else {
    }
    return
  }
  func.func @transform_0(%arg0: i32) -> (i32, i32) {
    %c0_i32 = arith.constant 0 : i32
    %c0_i32_0 = arith.constant 0 : i32
    return %arg0, %c0_i32 : i32, i32
  }
  func.func @transform_1(%arg0: i32) -> (i32, i32) {
    %c0_i32 = arith.constant 0 : i32
    %c0_i32_0 = arith.constant 0 : i32
    %c0_i32_1 = arith.constant 0 : i32
    return %c0_i32, %c0_i32_0 : i32, i32
  }
  func.func @transform_2(%arg0: i32) -> (i32, i32) {
    %c0_i32 = arith.constant 0 : i32
    %c0_i32_0 = arith.constant 0 : i32
    %c0_i32_1 = arith.constant 0 : i32
    return %c0_i32, %c0_i32_0 : i32, i32
  }
  func.func @transform_3(%arg0: i32) -> (i32, i32) {
    %c0_i32 = arith.constant 0 : i32
    %c0_i32_0 = arith.constant 0 : i32
    %c0_i32_1 = arith.constant 0 : i32
    return %c0_i32, %c0_i32_0 : i32, i32
  }
}

</mosaic_0001>

<sc_bundles>
// kernel: kernel.4.cloned.1.call-start
scs
__scs_entry_jumppad:
0x0: {  	(pc) =	sbr.rel $0x88, $3  }
0x1: {  	(tag) =	ssettag $0x0;
	lr =	simm.s32 $0x1  }
0x2: {  	[smem:$0x3F9E] =	sst lr;
	_ =	strace $0xD0000000  }
0x3: {  	_ = 	snop  }
0x4: {  	_ = 	snop  }
0x5: {  	_ = 	snop  }
0x6: {  	_ = 	snop  }
0x7: {  	_ = 	snop  }
__scs_overlays_trampoline_lowered:
0x8: {  	[smem:$0x3FAD] =	sst s0  }
0x9: {  	[smem:$0x3FAE] =	sst s1  }
0xa: {  	[smem:$0x3FAF] =	sst s2  }
0xb: {  	[smem:$0x3FB0] =	sst s3  }
0xc: {  	[smem:$0x3FB1] =	sst s4  }
0xd: {  	[smem:$0x3FB2] =	sst s5  }
0xe: {  	[smem:$0x3FB3] =	sst s6  }
0xf: {  	[smem:$0x3FB4] =	sst s7  }
0x10: {  	[smem:$0x3FB5] =	sst s8  }
0x11: {  	[smem:$0x3FB6] =	sst s9;
	s0 =	simm.s32 @!p0 $0x0  }
0x12: {  	s1 =	sld [smem:$0x3F9C];
	s0 =	simm.s32 @p0 $0x1  }
0x13: {  	[smem:$0x3FB7] =	sst s0;
	s0 =	simm.s32 @!p1 $0x0  }
0x14: {  	s2 =	sld [smem:$0x3F9B];
	s0 =	simm.s32 @p1 $0x1  }
0x15: {  	[smem:$0x3FB8] =	sst s0;
	s0 =	simm.s32 @!p2 $0x0  }
0x16: {  	s3 =	sld [smem:$0x3FDB];
	s0 =	simm.s32 @p2 $0x1  }
0x17: {  	s4 =	simm.s32 $0x1BF5;
	[smem:$0x3FBA] =	sst s0  }
0x18: {  	s0 =	sld [smem:$0x3F9D];
	_ =	swait.ge [sflag:s4], $0x0  }
0x19: {  	s7 =	sld [smem:$0x3F9E]  }
0x1a: {  	s8 =	sadd.s32 $0xFFFFE003, lr  }
0x1b: {  	s9 =	sadd.s32 $0xFFFFFEF7, lr;
	s5 =	simm.s32 $0xFFFFFFFF;
	p2 =	slt.u32 s8, $0xFFFFF086  }
0x1c: {  	p1 =	slt.u32 s9, $0xF7A;
	s5 =	simm.s32 @!p2 $0x0  }
0x1d: {  	s5 =	simm.s32 @p1 $0x1;
	p0 =	seq.s32 s7, s2  }
0x1e: {  	s7 =	smul.u32 @!p0 $0xF7A, s2;
	p2 =	seq.s32 @!p0 s5, $0x0  }
0x1f: {  	s9 =	smul.u32 $0xF7A, s1;
	s8 =	simm.s32 @!p0 $0x1BF5;
	p2 =	por !p2, p0  }
0x20: {  	[sflag:s8] =	ssyncset.s32 @!p0 $0xFFFFF086;
	s6 =	sadd.s32 @!p0 s3, s7;
	s7 =	simm.s32 @!p0 $0x108  }
0x21: {  	s3 =	sadd.s32 s3, s9;
	s6 =	sadd.s32 @!p0 $0x88, s6;
	s7 =	simm.s32 @p2 $0x1082  }
0x22: {  	[simem:s7], [sflag:s8] =	dma.local @!p0 [hbm:s6], $0xF7A  }
0x23: {  	s9 =	sor.u32 $0xD0000000, s2;
	s6 =	simm.s32 $0x108;
	_ =	swait.ge @!p0 [sflag:s8], $0x0  }
0x24: {  	s3 =	sadd.s32 $0x88, s3;
	s6 =	simm.s32 @!p1 $0x1082;
	[sflag:s4] =	ssyncset.s32 $0xFFFFF086  }
0x25: {  	[simem:s6], [sflag:s4] =	dma.local [hbm:s3], $0xF7A  }
0x26: {  	[smem:$0x3F9E] =	sst s1;
	(tag) =	ssettag s2;
	_ =	strace s9  }
0x27: {  	s1 =	sld [smem:$0x3FAE]  }
0x28: {  	s2 =	sld [smem:$0x3FAF]  }
0x29: {  	s4 =	sld [smem:$0x3FB1]  }
0x2a: {  	p0 =	seq.s32 s5, $0x0;
	s5 =	sld [smem:$0x3FB2]  }
0x2b: {  	s6 =	sld [smem:$0x3FB3]  }
0x2c: {  	s7 =	sld [smem:$0x3FB4]  }
0x2d: {  	s3 =	simm.s32 $0x108;
	s8 =	sld [smem:$0x3FB5]  }
0x2e: {  	s3 =	simm.s32 @!p0 $0x1082;
	s9 =	sld [smem:$0x3FB6]  }
0x2f: {  	lr =	sadd.s32 s0, s3;
	s0 =	sld [smem:$0x3FAD]  }
0x30: {  	s3 =	sld [smem:$0x3FB0]  }
0x31: {  	[smem:$0x3FB9] =	sst s10  }
0x32: {  	s10 =	sld [smem:$0x3FB7];
	_ =	sdelay $0x3  }
0x33: {  	p0 =	seq.s32 s10, $0x1;
	s10 =	sld [smem:$0x3FB9];
	_ =	sdelay $0x3  }
0x34: {  	[smem:$0x3FB9] =	sst s10  }
0x35: {  	s10 =	sld [smem:$0x3FB8];
	_ =	sdelay $0x3  }
0x36: {  	p1 =	seq.s32 s10, $0x1;
	s10 =	sld [smem:$0x3FB9];
	_ =	sdelay $0x3  }
0x37: {  	[smem:$0x3FB9] =	sst s10  }
0x38: {  	s10 =	sld [smem:$0x3FBA]  }
0x39: {  	_ = 	snop;
	(pc) =	sbr.ind lr, $3  }
0x3a: {  	_ = 	snop  }
0x3b: {  	_ = 	snop  }
0x3c: {  	p2 =	seq.s32 s10, $0x1;
	s10 =	sld [smem:$0x3FB9]  }
0x3d: {  	_ =	shalt  }
0x3e: {  	_ =	shalt  }
0x3f: {  	_ =	shalt  }
0x40: {  	_ =	shalt  }
0x41: {  	_ =	shalt  }
0x42: {  	_ =	shalt  }
0x43: {  	_ =	shalt  }
0x44: {  	_ =	shalt  }
0x45: {  	_ =	shalt  }
0x46: {  	_ =	shalt  }
0x47: {  	_ =	shalt  }
0x48: {  	_ =	shalt  }
0x49: {  	_ =	shalt  }
0x4a: {  	_ =	shalt  }
0x4b: {  	_ =	shalt  }
0x4c: {  	_ =	shalt  }
0x4d: {  	_ =	shalt  }
0x4e: {  	_ =	shalt  }
0x4f: {  	_ =	shalt  }
0x50: {  	_ =	shalt  }
0x51: {  	_ =	shalt  }
0x52: {  	_ =	shalt  }
0x53: {  	_ =	shalt  }
0x54: {  	_ =	shalt  }
0x55: {  	_ =	shalt  }
0x56: {  	_ =	shalt  }
0x57: {  	_ =	shalt  }
0x58: {  	_ =	shalt  }
0x59: {  	_ =	shalt  }
0x5a: {  	_ =	shalt  }
0x5b: {  	_ =	shalt  }
0x5c: {  	_ =	shalt  }
0x5d: {  	_ =	shalt  }
0x5e: {  	_ =	shalt  }
0x5f: {  	_ =	shalt  }
0x60: {  	_ =	shalt  }
0x61: {  	_ =	shalt  }
0x62: {  	_ =	shalt  }
0x63: {  	_ =	shalt  }
0x64: {  	_ =	shalt  }
0x65: {  	_ =	shalt  }
0x66: {  	_ =	shalt  }
0x67: {  	_ =	shalt  }
0x68: {  	_ =	shalt  }
0x69: {  	_ =	shalt  }
0x6a: {  	_ =	shalt  }
0x6b: {  	_ =	shalt  }
0x6c: {  	_ =	shalt  }
0x6d: {  	_ =	shalt  }
0x6e: {  	_ =	shalt  }
0x6f: {  	_ =	shalt  }
0x70: {  	_ =	shalt  }
0x71: {  	_ =	shalt  }
0x72: {  	_ =	shalt  }
0x73: {  	_ =	shalt  }
0x74: {  	_ =	shalt  }
0x75: {  	_ =	shalt  }
0x76: {  	_ =	shalt  }
0x77: {  	_ =	shalt  }
0x78: {  	_ =	shalt  }
0x79: {  	_ =	shalt  }
0x7a: {  	_ =	shalt  }
0x7b: {  	_ =	shalt  }
0x7c: {  	_ =	shalt  }
0x7d: {  	_ =	shalt  }
0x7e: {  	_ =	shalt  }
0x7f: {  	_ =	shalt  }
0x80: {  	_ =	shalt  }
0x81: {  	_ =	shalt  }
0x82: {  	_ =	shalt  }
0x83: {  	_ =	shalt  }
0x84: {  	_ =	shalt  }
0x85: {  	_ =	shalt  }
0x86: {  	_ =	shalt  }
0x87: {  	_ =	shalt  }
.Lfunc_end0:
.L_simem_size_0:
called_computation_lowered:
.L_overlay_start_0:
0x88: {  	s2 =	sld [smem:$0x3FD9]  }
0x89: {  	s3 =	sld [smem:$0x3FFE];
	_ =	sdelay $0x1  }
0x8a: {  	s1 =	srdreg.scid  }
0x8b: {  	s0 =	sand.u32 $0x1, s1  }
0x8c: {  	s16 =	sshll.u32 s0, $0xA;
	s2 =	sadd.s32 s3, s2  }
0x8d: {  	s2 =	sadd.s32 s2, s16  }
0x8e: {  	[smem:$0x3FC5] =	sst s2  }
0x8f: {  	_ = 	snop  }
0x90: {  	(tm) =	ssettm $0x1  }
0x91: {  	s17 =	sld [smem:$0x3FFB];
	_ =	sdelay $0x3  }
0x92: {  	_ =	strace s17  }
0x93: {  	s2 =	sld [smem:$0x3FFC];
	_ =	sdelay $0x3  }
0x94: {  	_ =	strace s2  }
0x95: {  	s2 =	sld [smem:$0x3FFD];
	_ =	sdelay $0x3  }
0x96: {  	_ =	strace s2  }
0x97: {  	_ =	strace $0x8FFFFFFF  }
0x98: {  	s18 =	sld [smem:$0x3FDB];
	_ =	sdelay $0x1  }
0x99: {  	s19 =	simm.s32 $_scs_section_size  }
0x9a: {  	s4 =	simm.s32 $_size__tile_overlayer_lowered;
	s5 =	simm.s32 $_tile_overlayer_lowered  }
0x9b: {  	s22 =	simm.s32 $0x1BFF;
	s21 =	sshll.u32 s5, $0x1;
	s2 =	sadd.s32 s19, s18  }
0x9c: {  	s6 =	simm.s32 $0x0;
	s20 =	sshll.u32 s4, $0x1;
	s4 =	sadd.s32 s21, s2  }
0x9d: {  	[timem:s6], [sflag:s22] =	dma.local [hbm:s4], s20  }
0x9e: {  	_ =	swait.ge [sflag:s22], s20  }
0x9f: {  	s3 =	ssub.s32 $0x0, s20;
	[sflag:s22] =	ssyncset.done $0x0  }
0xa0: {  	[sflag:s22] =	ssyncadd.s32 s3;
	_ =	sdelay $0x1  }
0xa1: {  	s23 =	simm.s32 $0x1B8B  }
0xa2: {  	_ =	swait.ge [sflag:s23], $0x1  }
0xa3: {  	[sflag:s23] =	ssyncset.done $0x0  }
0xa4: {  	s25 =	simm.s32 $0x1B8E;
	s24 =	sld [smem:$0x3FFE];
	[sflag:s23] =	ssyncadd.s32 $0xFFFFFFFF  }
0xa5: {  	s26 =	simm.s32 $execute0_lowered;
	[smem:$0x3FD2] =	sst s25  }
0xa6: {  	s4 =	sshll.u32 s26, $0x1;
	_ =	strace $0x80000046;
	[dreg:$0x1] =	wrdreg $0xFFFFFFFF  }
0xa7: {  	s28 =	simm.s32 $_size_execute0_lowered;
	s2 =	sadd.s32 s2, s4;
	[dreg:$0x0] =	wrdreg $0x0  }
0xa8: {  	s4 =	sshll.u32 s28, $0x1;
	[dreg:$0x2] =	wrdreg s2  }
0xa9: {  	[dreg:$0x3] =	wrdreg s4  }
0xaa: {  	[dreg:$0x4] =	wrdreg $0xC0  }
0xab: {  	_ =	task [dreg:s6], $0x5FFFF  }
0xac: {  	[dreg:$0x1] =	wrdreg $0xFFFFFFFF  }
0xad: {  	[dreg:$0x0] =	wrdreg $0x60  }
0xae: {  	[dreg:$0x2] =	wrdreg s24  }
0xaf: {  	[dreg:$0x3] =	wrdreg $0x9  }
0xb0: {  	_ =	task.clear_ibuf [dreg:s6], $0x4FFFF;
	_ =	strace $0x90000046  }
0xb1: {  	s29 =	simm.s32 $0x9;
	_ =	strace $0x80000048  }
0xb2: {  	_ =	swait.ge [sflag:s29], $0x1  }
0xb3: {  	[sflag:s29] =	ssyncadd.s32 $0xFFFFFFFF  }
0xb4: {  	_ =	strace $0x90000048  }
0xb5: {  	_ =	sfence  }
0xb6: {  	s30 =	sld [smem:$0x0];
	_ =	sdelay $0x2  }
0xb7: {  	s31 =	sshll.u32 s1, $0xD;
	s1 =	sshrl.u32 s1, $0x2  }
0xb8: {  	s3 =	sand.u32 $0x4000, s31;
	s1 =	sadd.s32 s1, s30  }
0xb9: {  	s0 =	sor.u32 s3, s0;
	s1 =	sshll.u32 s1, $0x11  }
0xba: {  	s0 =	sor.u32 s1, s0  }
0xbb: {  	s0 =	sadd.s32 $0x8F2B, s0  }
0xbc: {  	[sflag:s0] =	ssyncadd.remote.s32 $0x1  }
0xbd: {  	_ =	sfence.sel $0xFFFF  }
0xbe: {  	[dreg:$0x0] =	wrdreg $0xFFFFFFFF;
	(pc) =	sbr.abs _section_cstart, $3  }
0xbf: {  	[dreg:$0x1] =	wrdreg $0xFFFFFFFF  }
0xc0: {  	_ =	task.clear_ibuf [dreg:s6], $0x2FFFF;
	_ =	strace $0x9FFFFFFF  }
0xc1: {  	(tm) =	ssettm $0x7FFFFFFF  }
tec
execute0_lowered:
.L_overlay_start_1:
0x0: {  	(tag) =	ssettag $0x1  }
0x1: {  	s1 =	srdreg.scid  }
0x2: {  	s0 =	stileid.u32;
	s6 =	rddreg [dreg:$0x0];
	s2 =	simm.s32 $0x0  }
0x3: {  	s11 =	simm.s32 $0x1900;
	s12 =	simm.s32 $0x8100;
	s13 =	simm.s32 $0x8140  }
0x4: {  	s14 =	simm.s32 $0x8940;
	s15 =	simm.s32 $0x0;
	s3 =	sand.u32 $0x1, s1  }
0x5: {  	s4 =	sshll.u32 s0, $0x6;
	[smem:$0x7FF] =	sst s2;
	s5 =	sshll.u32 s3, $0x5  }
0x6: {  	s1 =	rddreg [dreg:$0x1];
	_ =	strace $0x80000047;
	s4 =	sor.u32 s5, s4  }
0x7: {  	v0 =	vlaneseq.u32;
	s8 =	ssub.s32 $0x2, s3;
	s3 =	sadd.s32 $0x187800, s6;
	s7 =	smul.u32 $0x19, s4  }
.Ltmp0:
0x8: {  	v0 =	vmul.u32 $0xFFFFFFFF, v0;
	s9 =	sshrl.u32 s8, $0x1;
	s5 =	sshll.u32 s4, $0x2;
	(pc) =	sbr.rel .LBB2_1-.Ltmp0, $4  }
0x9: {  	s4 =	sshll.u32 s4, $0x3;
	s9 =	ssub.s32 s8, s9;
	s5 =	sadd.s32 s5, s6  }
0xa: {  	v1 =	vadd.s32 $0xF, v0;
	s10 =	sadd.s32 s4, s6;
	s9 =	smax.u32 s9, $0x1;
	s7 =	sadd.s32 s7, s6  }
0xb: {  	v0 =	vadd.s32 $0x1F, v0;
	[tilespmem:$0x1FFE0] =	vst v1;
	s5 =	sadd.s32 $0x7000, s5;
	s6 =	sadd.s32 $0x24AD00, s6;
	s8 =	sadd.s32 $0xA000, s10  }
0xc: {  	[tilespmem:$0x1FFF0] =	vst v0;
	s4 =	sadd.s32 $0xC00, s7;
	s7 =	sadd.s32 $0x8000, s10;
	s10 =	simm.s32 $0x3  }
.LBB2_15:
0xd: {  	[hbm4b:s7+s2] =	stream.linear.scatter [tilespmem:s13], [sflag:$0x3], $0x800, $0x38;
	[tilespmem:$0x92E0] =	vst v63  }
0xe: {  	s15 =	sadd.s32 $0x1, s15;
	_ =	swait.ge [sflag:s10], $0x800  }
0xf: {  	p0 =	sne.s32 s15, s9;
	[sflag:s10] =	ssyncset.done $0x0  }
.Ltmp1:
0x10: {  	[sflag:s10] =	ssyncadd.s32 $0xFFFFF800;
	(pc) =	sbr.rel @!p0 .LBB2_16-.Ltmp1, $4  }
0x11: {  	[hbm4b:s8+s2] =	stream.linear.scatter [tilespmem:s14], [sflag:$0x3], $0x800, $0x38;
	[tilespmem:$0x92E0] =	vst v63  }
0x12: {  	_ =	swait.ge [sflag:s10], $0x800  }
0x13: {  	[sflag:s10] =	ssyncset.done $0x0  }
0x14: {  	[sflag:s10] =	ssyncadd.s32 $0xFFFFF800  }
.LBB2_1:
0x15: {  	[tilespmem:s2], [sflag:$0x3] =	stream.linear.gather [hbm4b:s4+s2], $0x1900, $0x38;
	[tilespmem:$0x92E0] =	vst v63  }
0x16: {  	_ =	swait.ge [sflag:s10], $0x1900  }
0x17: {  	[sflag:s10] =	ssyncset.done $0x0  }
0x18: {  	[sflag:s10] =	ssyncadd.s32 $0xFFFFE700  }
0x19: {  	[tilespmem:s11], [sflag:$0x3] =	stream.linear.gather [hbm4b:s5+s2], $0x400, $0x38;
	[tilespmem:$0x92E0] =	vst v63  }
0x1a: {  	_ =	swait.ge [sflag:s10], $0x400  }
0x1b: {  	[sflag:s10] =	ssyncset.done $0x0  }
0x1c: {  	[sflag:s10] =	ssyncadd.s32 $0xFFFFFC00  }
0x1d: {  	[tilespmem:s12], [sflag:$0x3] =	stream.linear.gather [hbm4b:s6+s2], $0x40, $0x38;
	[tilespmem:$0x92E0] =	vst v63  }
0x1e: {  	_ =	swait.ge [sflag:s10], $0x40  }
0x1f: {  	[sflag:s10] =	ssyncset.done $0x0  }
0x20: {  	[sflag:s10] =	ssyncadd.s32 $0xFFFFFFC0  }
0x21: {  	v0 =	vld [tilespmem:$0x1910];
	_ =	sdelay $0x4  }
0x22: {  	(v2sf) =	vpush v0, $0xE;
	_ =	sdelay $0xe  }
0x23: {  	s16 =	spop (v2sf)  }
0x24: {  	p0 =	sgt.s32 s16, $0x40  }
0x25: {  	p1 =	sgt.u32 @p0 s16, $0x70  }
0x26: {  	p2 =	por !p1, !p0  }
0x27: {  	p3 =	sgt.u32 @!p2 s16, $0xA0  }
0x28: {  	p4 =	por @p0 !p3, !p1  }
0x29: {  	p4 =	por p4, !p0  }
0x2a: {  	p4 =	sgt.u32 @!p4 s16, $0xC8  }
0x2b: {  	p2 =	por @!p2 p4, !p3  }
0x2c: {  	p2 =	por @p0 p2, !p1  }
0x2d: {  	p2 =	por p2, !p0  }
0x2e: {  	s16 =	simm.s32 @!p2 $0xC8;
	s17 =	simm.s32 @!p2 $0x0;
	s18 =	simm.s32 @!p2 $0x1D00  }
0x2f: {  	[tilespmem:s18], [sflag:$0x1] =	stream.indirect.gather @!p2 [hbm4b:s3+s16], $0x40, s17, s16, $0xb8;
	[tilespmem:$0x92E0] =	vst v63  }
0x30: {  	p2 =	por @p0 p3, !p1  }
0x31: {  	p1 =	por p1, !p0;
	p2 =	por p2, !p0  }
0x32: {  	s16 =	simm.s32 @!p2 $0xA0;
	s17 =	simm.s32 @!p2 $0x0;
	s18 =	simm.s32 @!p2 $0x1D00  }
0x33: {  	[tilespmem:s18], [sflag:$0x1] =	stream.indirect.gather @!p2 [hbm4b:s3+s16], $0x40, s17, s16, $0xb8;
	[tilespmem:$0x92E0] =	vst v63  }
0x34: {  	s16 =	simm.s32 @!p1 $0x70  }
.Ltmp2:
0x35: {  	s17 =	simm.s32 @!p1 $0x0;
	s18 =	simm.s32 @!p1 $0x1D00;
	(pc) =	sbr.rel .LBB2_2-.Ltmp2, $4  }
0x36: {  	[tilespmem:s18], [sflag:$0x1] =	stream.indirect.gather @!p1 [hbm4b:s3+s16], $0x40, s17, s16, $0xb8;
	[tilespmem:$0x92E0] =	vst v63  }
0x37: {  	s16 =	simm.s32 @!p0 $0x40;
	s17 =	simm.s32 @!p0 $0x0;
	s18 =	simm.s32 @!p0 $0x1D00  }
0x38: {  	[tilespmem:s18], [sflag:$0x1] =	stream.indirect.gather @!p0 [hbm4b:s3+s16], $0x40, s17, s16, $0xb8;
	[tilespmem:$0x92E0] =	vst v63  }
0x39: {  	s16 =	simm.s32 $0x0  }
.LBB2_10:
0x3a: {  	v4 =	vimm.f32 $0.0e+00  }
0x3b: {  	v2 =	vimm.f32 $0.0e+00;
	v0 =	vimm.f32 $0.0e+00;
	v14 =	vimm.f32 $0.0e+00  }
0x3c: {  	v7 =	vimm.f32 $0.0e+00;
	v3 =	vimm.f32 $0.0e+00;
	v1 =	vimm.f32 $0.0e+00  }
.LBB2_14:
0x3d: {  	v5 =	vcvt.s32.f32 v21;
	_ =	sdelay $0x1  }
0x3e: {  	v6 =	vbroadcast v5, $0xE;
	_ =	sdelay $0x1  }
0x3f: {  	(erf) = vrcp.f32 v6  }
0x40: {  	v63 =	vld [tilespmem:$0x8100];
	_ =	sdelay $0x2  }
0x41: {  	v5 =	vbroadcast v5, $0xD;
	_ =	sdelay $0x1  }
0x42: {  	v6 =	vmul.f32 v63, v5;
	_ =	sdelay $0x1  }
0x43: {  	v8 =	vadd.f32 v6, v17  }
0x44: {  	v6 =	vadd.f32 v6, v14;
	v9 =	vpop (erf)  }
0x45: {  	v8 =	vmul.f32 v8, v9  }
0x46: {  	s17 =	sshll.u32 s17, $0x6;
	v6 =	vmul.f32 v6, v9  }
0x47: {  	[tilespmem:s17+$0x8140] =	vst v8  }
0x48: {  	[tilespmem:s17+$0x8940] =	vst v6  }
0x49: {  	v6 =	vld [tilespmem:$0x8110];
	_ =	sdelay $0x4  }
0x4a: {  	v6 =	vmul.f32 v6, v5;
	_ =	sdelay $0x1  }
0x4b: {  	v4 =	vadd.f32 v6, v4  }
0x4c: {  	v6 =	vadd.f32 v6, v7  }
0x4d: {  	v4 =	vmul.f32 v4, v9  }
0x4e: {  	v6 =	vmul.f32 v6, v9  }
0x4f: {  	[tilespmem:s17+$0x8150] =	vst v4  }
0x50: {  	[tilespmem:s17+$0x8950] =	vst v6  }
0x51: {  	v4 =	vld [tilespmem:$0x8120];
	_ =	sdelay $0x4  }
0x52: {  	v4 =	vmul.f32 v4, v5;
	_ =	sdelay $0x1  }
0x53: {  	v2 =	vadd.f32 v4, v2  }
0x54: {  	v3 =	vadd.f32 v4, v3  }
0x55: {  	v2 =	vmul.f32 v2, v9  }
0x56: {  	v3 =	vmul.f32 v3, v9  }
0x57: {  	[tilespmem:s17+$0x8160] =	vst v2  }
0x58: {  	[tilespmem:s17+$0x8960] =	vst v3  }
0x59: {  	v2 =	vld [tilespmem:$0x8130];
	_ =	sdelay $0x4  }
0x5a: {  	v2 =	vmul.f32 v2, v5  }
0x5b: {  	s16 =	sadd.s32 $0x1, s16  }
0x5c: {  	p0 =	sne.s32 s16, $0x10;
	v0 =	vadd.f32 v2, v0  }
.Ltmp3:
0x5d: {  	v1 =	vadd.f32 v2, v1;
	(pc) =	sbr.rel @!p0 .LBB2_15-.Ltmp3, $4  }
0x5e: {  	v0 =	vmul.f32 v0, v9  }
0x5f: {  	v1 =	vmul.f32 v1, v9  }
0x60: {  	[tilespmem:s17+$0x8170] =	vst v0  }
0x61: {  	[tilespmem:s17+$0x8970] =	vst v1  }
.LBB2_2:
0x62: {  	s17 =	sshllo.u32 s16, $0x1  }
0x63: {  	s18 =	sshll.u32 s17, $0x5  }
0x64: {  	s18 =	sand.u32 $0x3FFFFFE0, s18  }
0x65: {  	v0 =	vld [tilespmem:s18+$0x1910];
	_ =	sdelay $0x4  }
0x66: {  	(v2sf) =	vpush v0, $0xE;
	_ =	sdelay $0xe  }
0x67: {  	s19 =	spop (v2sf)  }
0x68: {  	p0 =	sgt.s32 s19, $0x40  }
0x69: {  	p1 =	sgt.u32 @p0 s19, $0x70  }
0x6a: {  	p2 =	por !p1, !p0  }
0x6b: {  	p3 =	sgt.u32 @!p2 s19, $0xA0  }
0x6c: {  	p4 =	por @p0 !p3, !p1  }
0x6d: {  	p4 =	por p4, !p0  }
0x6e: {  	p4 =	sgt.u32 @!p4 s19, $0xC8  }
0x6f: {  	p2 =	por @!p2 p4, !p3  }
0x70: {  	p2 =	por @p0 p2, !p1  }
0x71: {  	p3 =	por @p0 p3, !p1;
	p2 =	por p2, !p0  }
0x72: {  	p3 =	por p3, !p0;
	s19 =	smul.u32 @!p2 $0x320, s17  }
0x73: {  	s22 =	smul.u32 @!p3 $0x320, s17  }
0x74: {  	s20 =	simm.s32 @!p2 $0xC8;
	s21 =	simm.s32 @!p2 $0x4F00;
	s19 =	sshra.s32 @!p2 s19, $0x2  }
0x75: {  	[tilespmem:s21], [sflag:$0x2] =	stream.indirect.gather @!p2 [hbm4b:s3+s20], $0x40, s19, s20, $0xb8;
	[tilespmem:$0x92E0] =	vst v63  }
0x76: {  	s30 =	sshll.u32 s16, $0x6;
	p1 =	por p1, !p0;
	s19 =	sshra.s32 @!p3 s22, $0x2  }
0x77: {  	s20 =	simm.s32 @!p3 $0xA0;
	s21 =	simm.s32 @!p3 $0x4F00;
	s22 =	smul.u32 @!p1 $0x320, s17  }
0x78: {  	[tilespmem:s21], [sflag:$0x2] =	stream.indirect.gather @!p3 [hbm4b:s3+s20], $0x40, s19, s20, $0xb8;
	[tilespmem:$0x92E0] =	vst v63  }
0x79: {  	s31 =	sand.u32 $0x3FFFFFC0, s30;
	s19 =	sshra.s32 @!p1 s22, $0x2  }
0x7a: {  	s20 =	simm.s32 @!p1 $0x70;
	s21 =	simm.s32 @!p1 $0x4F00;
	s22 =	smul.u32 @!p0 $0x320, s17  }
0x7b: {  	[tilespmem:s21], [sflag:$0x2] =	stream.indirect.gather @!p1 [hbm4b:s3+s20], $0x40, s19, s20, $0xb8;
	[tilespmem:$0x92E0] =	vst v63  }
0x7c: {  	s19 =	sshra.s32 @!p0 s22, $0x2;
	s20 =	simm.s32 @!p0 $0x40;
	s21 =	simm.s32 @!p0 $0x4F00  }
0x7d: {  	[tilespmem:s21], [sflag:$0x2] =	stream.indirect.gather @!p0 [hbm4b:s3+s20], $0x40, s19, s20, $0xb8;
	[tilespmem:$0x92E0] =	vst v63  }
0x7e: {  	v21 =	vld [tilespmem:s31+$0x1910];
	_ =	sdelay $0x4  }
0x7f: {  	(v2sf) =	vpush v21, $0xE;
	_ =	sdelay $0xe  }
0x80: {  	s19 =	spop (v2sf)  }
0x81: {  	p0 =	sgt.s32 s19, $0x40  }
0x82: {  	p1 =	sgt.u32 @p0 s19, $0x70  }
0x83: {  	p2 =	por !p1, !p0  }
0x84: {  	p3 =	sgt.u32 @!p2 s19, $0xA0  }
0x85: {  	p4 =	por @p0 !p3, !p1  }
0x86: {  	p4 =	por p4, !p0  }
0x87: {  	p4 =	sgt.u32 @!p4 s19, $0xC8  }
0x88: {  	p2 =	por @!p2 p4, !p3  }
0x89: {  	p2 =	por @p0 p2, !p1  }
0x8a: {  	p2 =	por p2, !p0  }
0x8b: {  	s21 =	simm.s32 @!p2 $0x1  }
0x8c: {  	p3 =	por @p0 p3, !p1;
	_ =	swait.ge @!p2 [sflag:s21], $0x3200  }
0x8d: {  	p3 =	por p3, !p0;
	[sflag:s21] =	ssyncset.done @!p2 $0x0  }
0x8e: {  	[sflag:s21] =	ssyncadd.s32 @!p2 $0xFFFFCE00;
	s21 =	simm.s32 @!p3 $0x1  }
0x8f: {  	_ =	swait.ge @!p3 [sflag:s21], $0x2800  }
0x90: {  	p1 =	por p1, !p0;
	[sflag:s21] =	ssyncset.done @!p3 $0x0  }
0x91: {  	[sflag:s21] =	ssyncadd.s32 @!p3 $0xFFFFD800;
	s21 =	simm.s32 @!p1 $0x1  }
0x92: {  	_ =	swait.ge @!p1 [sflag:s21], $0x1C00  }
0x93: {  	[sflag:s21] =	ssyncset.done @!p1 $0x0  }
0x94: {  	[sflag:s21] =	ssyncadd.s32 @!p1 $0xFFFFE400;
	s21 =	simm.s32 @!p0 $0x1  }
0x95: {  	v2 =	vbroadcast v21, $0x0;
	v5 =	vbroadcast v21, $0x1;
	_ =	swait.ge @!p0 [sflag:s21], $0x1000  }
0x96: {  	v7 =	vbroadcast v21, $0x2;
	v9 =	vbroadcast v21, $0x3;
	v20 =	vld [tilespmem:$0x1FFF0]  }
0x97: {  	v11 =	vbroadcast v21, $0x4;
	v13 =	vbroadcast v21, $0x5;
	[sflag:s21] =	ssyncset.done @!p0 $0x0  }
0x98: {  	v15 =	vbroadcast v21, $0x6;
	v17 =	vbroadcast v21, $0x7;
	[sflag:s21] =	ssyncadd.s32 @!p0 $0xFFFFF000  }
0x99: {  	v43 =	vbroadcast v21, $0x9;
	v45 =	vbroadcast v21, $0xA;
	v63 =	vld [tilespmem:s31+$0x1900]  }
0x9a: {  	v18 =	vlaneseq.u32;
	v54 =	vbroadcast v21, $0xB;
	v59 =	vbroadcast v21, $0xC  }
0x9b: {  	v2 =	vshll.u32 v2, v20;
	v5 =	vshll.u32 v5, v20;
	v7 =	vshll.u32 v7, v20  }
0x9c: {  	v9 =	vshll.u32 v9, v20;
	v11 =	vshll.u32 v11, v20;
	v13 =	vshll.u32 v13, v20  }
0x9d: {  	v15 =	vshll.u32 v15, v20;
	v58 =	vshll.u32 v54, v20;
	v2 =	vshra.s32 v2, $0x1F  }
0x9e: {  	v5 =	vshra.s32 v5, $0x1F;
	v7 =	vshra.s32 v7, $0x1F;
	v1 =	vbroadcast v63, $0x0  }
0x9f: {  	v19 =	vld [tilespmem:$0x1FFE0];
	v9 =	vshra.s32 v9, $0x1F;
	v4 =	vbroadcast v63, $0x1;
	v6 =	vbroadcast v63, $0x2  }
0xa0: {  	v11 =	vshra.s32 v11, $0x1F;
	v8 =	vbroadcast v63, $0x3;
	v10 =	vbroadcast v63, $0x4  }
0xa1: {  	v13 =	vshra.s32 v13, $0x1F;
	v12 =	vbroadcast v63, $0x5;
	v16 =	vbroadcast v63, $0x7  }
0xa2: {  	v15 =	vshra.s32 v15, $0x1F;
	v40 =	vbroadcast v63, $0x9;
	v44 =	vbroadcast v63, $0xA  }
0xa3: {  	v49 =	vbroadcast v63, $0xB;
	v0 =	vbroadcast v63, $0xC;
	v3 =	vshrl.u32 v1, v18  }
0xa4: {  	v1 =	vshll.u32 v1, v19;
	v14 =	vshrl.u32 v4, v18;
	v4 =	vshll.u32 v4, v19  }
0xa5: {  	v24 =	vshrl.u32 v6, v18;
	v6 =	vshll.u32 v6, v19;
	v25 =	vshrl.u32 v8, v18  }
0xa6: {  	v8 =	vshll.u32 v8, v19;
	v26 =	vshrl.u32 v10, v18;
	v10 =	vshll.u32 v10, v19  }
0xa7: {  	v27 =	vshrl.u32 v12, v18;
	v12 =	vshll.u32 v12, v19;
	v41 =	vshrl.u32 v40, v18  }
0xa8: {  	v42 =	vshll.u32 v40, v19;
	v46 =	vshrl.u32 v44, v18;
	v52 =	vshrl.u32 v49, v18  }
0xa9: {  	v53 =	vshll.u32 v49, v19;
	v61 =	vshrl.u32 v0, v18;
	v0 =	vshll.u32 v0, v19  }
0xaa: {  	v3 =	vand.u32 $0x1, v3;
	v1 =	vshra.s32 v1, $0x1F;
	v4 =	vshra.s32 v4, $0x1F  }
0xab: {  	v6 =	vshra.s32 v6, $0x1F;
	v8 =	vshra.s32 v8, $0x1F;
	v10 =	vshra.s32 v10, $0x1F  }
0xac: {  	v12 =	vshra.s32 v12, $0x1F;
	v56 =	vshra.s32 v53, $0x1F;
	v62 =	vand.u32 $0x1, v61  }
0xad: {  	v0 =	vshra.s32 v0, $0x1F;
	v1 =	vadd.s32 v3, v1;
	v2 =	vadd.s32 v2, v3  }
0xae: {  	v3 =	vand.u32 $0x1, v14;
	v14 =	vbroadcast v63, $0x6;
	v0 =	vadd.s32 v62, v0  }
0xaf: {  	v1 =	vcvt.s32.f32 v1;
	v2 =	vcvt.s32.f32 v2;
	v4 =	vadd.s32 v3, v4  }
0xb0: {  	v3 =	vadd.s32 v5, v3;
	v5 =	vand.u32 $0x1, v24;
	v0 =	vcvt.s32.f32 v0  }
0xb1: {  	v4 =	vcvt.s32.f32 v4;
	v6 =	vadd.s32 v5, v6;
	v3 =	vcvt.s32.f32 v3  }
0xb2: {  	v5 =	vadd.s32 v7, v5;
	v7 =	vand.u32 $0x1, v25;
	v28 =	vshrl.u32 v14, v18  }
0xb3: {  	v14 =	vshll.u32 v14, v19;
	v6 =	vcvt.s32.f32 v6;
	v5 =	vcvt.s32.f32 v5  }
0xb4: {  	v8 =	vadd.s32 v7, v8;
	v7 =	vadd.s32 v9, v7;
	v9 =	vand.u32 $0x1, v26;
	[tilespmem:$0x9140] =	vst v1  }
0xb5: {  	v14 =	vshra.s32 v14, $0x1F;
	[tilespmem:$0x9210] =	vst v2;
	v8 =	vcvt.s32.f32 v8;
	v10 =	vadd.s32 v9, v10  }
0xb6: {  	[tilespmem:$0x9200] =	vst v0;
	v7 =	vcvt.s32.f32 v7;
	v9 =	vadd.s32 v11, v9;
	v11 =	vand.u32 $0x1, v27  }
0xb7: {  	[tilespmem:$0x9150] =	vst v4;
	v10 =	vcvt.s32.f32 v10;
	v9 =	vcvt.s32.f32 v9;
	v12 =	vadd.s32 v11, v12  }
0xb8: {  	v11 =	vadd.s32 v13, v11;
	v13 =	vand.u32 $0x1, v28;
	[tilespmem:$0x9160] =	vst v6;
	v6 =	vand.u32 $0x1, v41  }
0xb9: {  	[tilespmem:$0x9220] =	vst v3;
	v12 =	vcvt.s32.f32 v12;
	v14 =	vadd.s32 v13, v14;
	v11 =	vcvt.s32.f32 v11  }
0xba: {  	v13 =	vadd.s32 v15, v13;
	v15 =	vshrl.u32 v16, v18;
	v16 =	vshll.u32 v16, v19;
	[tilespmem:$0x9170] =	vst v8  }
0xbb: {  	[tilespmem:$0x9240] =	vst v7;
	v7 =	vshra.s32 v42, $0x1F;
	v8 =	vshll.u32 v43, v20;
	v14 =	vcvt.s32.f32 v14  }
0xbc: {  	[tilespmem:$0x9230] =	vst v5;
	v29 =	vcvt.s32.f32 v13;
	v30 =	vand.u32 $0x1, v15;
	v15 =	vshra.s32 v16, $0x1F  }
0xbd: {  	v16 =	vbroadcast v63, $0x8;
	[tilespmem:$0x9180] =	vst v10;
	v7 =	vadd.s32 v6, v7;
	v8 =	vshra.s32 v8, $0x1F  }
0xbe: {  	[tilespmem:$0x9250] =	vst v9;
	v9 =	vshll.u32 v44, v19;
	v10 =	vshll.u32 v45, v20;
	v31 =	vadd.s32 v30, v15  }
0xbf: {  	v15 =	vshll.u32 v17, v20;
	[tilespmem:$0x9190] =	vst v12;
	v7 =	vcvt.s32.f32 v7;
	v6 =	vadd.s32 v8, v6  }
0xc0: {  	[tilespmem:$0x9260] =	vst v11;
	v8 =	vand.u32 $0x1, v46;
	v9 =	vshra.s32 v9, $0x1F;
	v48 =	vshra.s32 v10, $0x1F  }
0xc1: {  	v2 =	vcvt.s32.f32 v31;
	v32 =	vshra.s32 v15, $0x1F;
	v15 =	vbroadcast v21, $0x8;
	[tilespmem:$0x91A0] =	vst v14  }
0xc2: {  	v34 =	vshrl.u32 v16, v18;
	v35 =	vshll.u32 v16, v19;
	[tilespmem:$0x9270] =	vst v29;
	v47 =	vadd.s32 v8, v9  }
0xc3: {  	v50 =	vcvt.s32.f32 v6;
	v51 =	vadd.s32 v48, v8;
	v6 =	vshra.s32 v58, $0x1F;
	[tilespmem:$0x91D0] =	vst v7  }
0xc4: {  	v33 =	vadd.s32 v32, v30;
	v4 =	vand.u32 $0x1, v34;
	v1 =	vcvt.s32.f32 v47;
	[tilespmem:$0x91B0] =	vst v2  }
0xc5: {  	v36 =	vshra.s32 v35, $0x1F;
	v37 =	vshll.u32 v15, v20;
	v3 =	vcvt.s32.f32 v33;
	[tilespmem:$0x92A0] =	vst v50  }
0xc6: {  	s19 =	sadd.s32 $0xF, s19;
	v55 =	vcvt.s32.f32 v51;
	v38 =	vadd.s32 v4, v36;
	v39 =	vshra.s32 v37, $0x1F;
	[tilespmem:$0x91E0] =	vst v1  }
0xc7: {  	s22 =	sshra.s32 s19, $0x4;
	v5 =	vcvt.s32.f32 v38;
	v4 =	vadd.s32 v39, v4;
	[tilespmem:$0x9280] =	vst v3;
	v3 =	vand.u32 $0x1, v52  }
0xc8: {  	p0 =	slt.s32 s22, $0x1;
	v63 =	vshll.u32 v59, v20;
	[tilespmem:$0x92B0] =	vst v55;
	v4 =	vcvt.s32.f32 v4;
	v60 =	vadd.s32 v6, v3  }
.Ltmp4:
0xc9: {  	[tilespmem:$0x91C0] =	vst v5;
	v57 =	vadd.s32 v3, v56;
	v3 =	vshra.s32 v63, $0x1F;
	v2 =	vcvt.s32.f32 v60;
	(pc) =	sbr.rel @p0 .LBB2_3-.Ltmp4, $4  }
0xca: {  	v1 =	vadd.s32 v3, v62;
	[tilespmem:$0x9290] =	vst v4;
	v4 =	vcvt.s32.f32 v57  }
0xcb: {  	v1 =	vcvt.s32.f32 v1;
	[tilespmem:$0x92C0] =	vst v2  }
0xcc: {  	[tilespmem:$0x91F0] =	vst v4  }
0xcd: {  	v17 =	vimm.f32 $0.0e+00;
	[tilespmem:$0x92D0] =	vst v1  }
0xce: {  	s20 =	simm.s32 $0x9140  }
0xcf: {  	s21 =	simm.s32 $0x9210;
	v0 =	vld [tilespmem:s20+$0x0]  }
0xd0: {  	v1 =	vld [tilespmem:s21+$0x0];
	_ =	sdelay $0x4  }
0xd1: {  	v18 =	vbroadcast v0, $0xF;
	v19 =	vbroadcast v1, $0xF  }
0xd2: {  	v23 =	vbroadcast v0, $0xE;
	v22 =	vbroadcast v1, $0xE  }
0xd3: {  	v24 =	vbroadcast v0, $0xD;
	v53 =	vbroadcast v1, $0xD  }
0xd4: {  	v28 =	vbroadcast v0, $0xC;
	v25 =	vbroadcast v1, $0xC  }
0xd5: {  	v31 =	vbroadcast v0, $0xB;
	v29 =	vbroadcast v1, $0xB  }
0xd6: {  	v56 =	vbroadcast v0, $0xA;
	v55 =	vbroadcast v1, $0xA  }
0xd7: {  	v34 =	vbroadcast v0, $0x9;
	v33 =	vbroadcast v1, $0x9  }
0xd8: {  	v37 =	vbroadcast v0, $0x8;
	v60 =	vbroadcast v1, $0x8  }
0xd9: {  	v61 =	vbroadcast v0, $0x7;
	v38 =	vbroadcast v1, $0x7  }
0xda: {  	s19 =	simm.s32 $0x1F00;
	v43 =	vbroadcast v0, $0x6;
	v42 =	vbroadcast v1, $0x6  }
0xdb: {  	v2 =	vld [tilespmem:s19+$0x1C0];
	v8 =	vbroadcast v0, $0x5;
	v63 =	vbroadcast v1, $0x5  }
0xdc: {  	v4 =	vld [tilespmem:s19+$0x1E0];
	v16 =	vbroadcast v0, $0x4;
	v13 =	vbroadcast v1, $0x4  }
0xdd: {  	v5 =	vld [tilespmem:s19+$0x180];
	v36 =	vbroadcast v0, $0x3;
	v11 =	vbroadcast v1, $0x3  }
0xde: {  	v6 =	vld [tilespmem:s19+$0x190];
	v12 =	vbroadcast v0, $0x2;
	v44 =	vbroadcast v1, $0x2  }
0xdf: {  	v10 =	vbroadcast v0, $0x1;
	v9 =	vbroadcast v1, $0x1  }
0xe0: {  	v3 =	vld [tilespmem:s19+$0x1D0];
	v20 =	vbroadcast v0, $0x0;
	v41 =	vbroadcast v1, $0x0  }
0xe1: {  	v0 =	vld [tilespmem:s19+$0x1A0];
	v1 =	vmul.f32 v2, v18;
	v32 =	vmul.f32 v4, v18  }
0xe2: {  	v54 =	vmul.f32 v4, v19;
	v58 =	vmul.f32 v5, v23  }
0xe3: {  	v4 =	vmul.f32 v5, v22;
	v5 =	vmul.f32 v6, v23  }
0xe4: {  	[tilespmem:$0x1FE30] =	vst v1;
	v1 =	vmul.f32 v2, v19  }
0xe5: {  	v2 =	vmul.f32 v3, v18;
	[tilespmem:$0x1FE80] =	vst v5  }
0xe6: {  	v35 =	vmul.f32 v0, v23;
	v0 =	vmul.f32 v0, v22;
	[tilespmem:$0x1FE40] =	vst v1  }
0xe7: {  	v1 =	vld [tilespmem:s19+$0x140];
	[tilespmem:$0x1FE50] =	vst v2;
	v2 =	vmul.f32 v3, v19  }
0xe8: {  	v5 =	vmul.f32 v6, v22;
	[tilespmem:$0x1FEA0] =	vst v0;
	v0 =	vld [tilespmem:s19+$0xFFFFFE00]  }
0xe9: {  	[tilespmem:$0x1FE60] =	vst v2;
	v2 =	vld [tilespmem:s19+$0x150]  }
0xea: {  	[tilespmem:$0x1FE90] =	vst v5;
	v5 =	vld [tilespmem:s19+$0xFFFFFE40];
	_ =	sdelay $0x1  }
0xeb: {  	v3 =	vld [tilespmem:s19+$0x160];
	v6 =	vmul.f32 v1, v24;
	v1 =	vmul.f32 v1, v53  }
0xec: {  	[tilespmem:$0x1FE20] =	vst v21;
	v7 =	vld [tilespmem:s19+$0xFFFFFE80];
	v14 =	vmul.f32 v0, v20;
	v0 =	vmul.f32 v41, v0  }
0xed: {  	[tilespmem:$0x1FEC0] =	vst v1;
	v1 =	vld [tilespmem:s19+$0xFFFFFE10];
	v57 =	vmul.f32 v2, v24;
	v2 =	vmul.f32 v2, v53  }
0xee: {  	v21 =	vld [tilespmem:s19+$0xFFFFFEC0];
	[tilespmem:$0x1FEB0] =	vst v6;
	v6 =	vmul.f32 v5, v10  }
0xef: {  	v5 =	vmul.f32 v5, v9;
	v14 =	vadd.f32 v14, v17;
	v0 =	vadd.f32 v0, v17;
	[tilespmem:$0x1FED0] =	vst v2;
	v2 =	vld [tilespmem:s19+$0xFFFFFE50]  }
0xf0: {  	v59 =	vmul.f32 v3, v24  }
0xf1: {  	v6 =	vadd.f32 v6, v14;
	v0 =	vadd.f32 v5, v0;
	v5 =	vld [tilespmem:s19+$0xFFFFFF00];
	v14 =	vmul.f32 v7, v12  }
0xf2: {  	[tilespmem:$0x1FEE0] =	vst v20;
	v7 =	vmul.f32 v7, v44;
	v20 =	vmul.f32 v1, v20  }
0xf3: {  	v15 =	vld [tilespmem:s19+$0xFFFFFE90];
	v1 =	vmul.f32 v1, v41;
	v6 =	vadd.f32 v14, v6;
	v14 =	vmul.f32 v21, v36  }
0xf4: {  	v0 =	vadd.f32 v7, v0;
	v7 =	vld [tilespmem:s19+$0xFFFFFF40];
	v21 =	vmul.f32 v21, v11;
	v26 =	vmul.f32 v2, v10  }
0xf5: {  	v27 =	vld [tilespmem:s19+$0xFFFFFED0];
	v20 =	vadd.f32 v20, v17;
	v1 =	vadd.f32 v1, v17;
	v2 =	vmul.f32 v2, v9  }
0xf6: {  	v6 =	vadd.f32 v14, v6;
	v0 =	vadd.f32 v21, v0;
	v14 =	vmul.f32 v5, v16  }
0xf7: {  	[tilespmem:$0x1FE70] =	vst v4;
	v4 =	vld [tilespmem:s19+$0xFFFFFF80];
	v5 =	vmul.f32 v5, v13;
	v20 =	vadd.f32 v26, v20;
	v1 =	vadd.f32 v2, v1  }
0xf8: {  	v26 =	vld [tilespmem:s19+$0xFFFFFF10];
	v2 =	vmul.f32 v15, v12;
	v15 =	vmul.f32 v15, v44;
	v6 =	vadd.f32 v14, v6  }
0xf9: {  	v21 =	vld [tilespmem:s19+$0xFFFFFF90];
	v0 =	vadd.f32 v5, v0;
	v14 =	vmul.f32 v7, v8;
	v7 =	vmul.f32 v7, v63  }
0xfa: {  	v2 =	vadd.f32 v2, v20;
	v1 =	vadd.f32 v15, v1;
	v15 =	vld [tilespmem:s19+$0xFFFFFF50];
	v20 =	vmul.f32 v27, v36  }
0xfb: {  	v62 =	vmul.f32 v3, v53;
	v27 =	vmul.f32 v27, v11  }
0xfc: {  	v3 =	vmul.f32 v4, v43;
	v5 =	vld [tilespmem:s19+$0x100];
	v0 =	vadd.f32 v7, v0;
	v2 =	vadd.f32 v20, v2  }
0xfd: {  	v7 =	vld [tilespmem:s19+$0x0];
	v1 =	vadd.f32 v27, v1;
	v20 =	vmul.f32 v26, v16;
	v26 =	vmul.f32 v26, v13  }
0xfe: {  	v4 =	vmul.f32 v4, v42;
	v6 =	vadd.f32 v14, v6;
	v14 =	vmul.f32 v21, v43;
	v27 =	vld [tilespmem:s19+$0xFFFFFFC0]  }
0xff: {  	v2 =	vadd.f32 v20, v2;
	v20 =	vld [tilespmem:s19+$0xFFFFFFD0];
	v1 =	vadd.f32 v26, v1;
	v26 =	vmul.f32 v15, v8  }
0x100: {  	v21 =	vmul.f32 v21, v42;
	v0 =	vadd.f32 v4, v0;
	v4 =	vld [tilespmem:s19+$0x120];
	v15 =	vmul.f32 v15, v63  }
0x101: {  	v3 =	vadd.f32 v3, v6;
	v30 =	vmul.f32 v5, v28;
	v2 =	vadd.f32 v26, v2  }
0x102: {  	v6 =	vld [tilespmem:s19+$0x10];
	v39 =	vmul.f32 v5, v25;
	v5 =	vmul.f32 v7, v37;
	v1 =	vadd.f32 v15, v1  }
0x103: {  	v49 =	vld [tilespmem:s19+$0xFFFFFF20];
	v26 =	vmul.f32 v27, v61;
	v27 =	vmul.f32 v27, v38;
	v2 =	vadd.f32 v14, v2  }
0x104: {  	v1 =	vadd.f32 v21, v1;
	v21 =	vld [tilespmem:s19+$0x40];
	v14 =	vmul.f32 v20, v61;
	v20 =	vmul.f32 v20, v38  }
0x105: {  	[tilespmem:$0x1FF00] =	vst v9;
	v7 =	vmul.f32 v7, v60;
	v15 =	vld [tilespmem:s19+$0x110];
	v9 =	vmul.f32 v4, v28  }
0x106: {  	v4 =	vmul.f32 v4, v25;
	v0 =	vadd.f32 v27, v0;
	v1 =	vadd.f32 v20, v1;
	v20 =	vld [tilespmem:s19+$0x50]  }
0x107: {  	v3 =	vadd.f32 v26, v3;
	v26 =	vld [tilespmem:s19+$0xC0];
	v27 =	vmul.f32 v6, v37;
	v6 =	vmul.f32 v6, v60  }
0x108: {  	v0 =	vadd.f32 v7, v0;
	v7 =	vld [tilespmem:s19+$0x80];
	v2 =	vadd.f32 v14, v2  }
0x109: {  	v50 =	vmul.f32 v49, v16;
	[tilespmem:$0x1FF20] =	vst v4;
	v4 =	vld [tilespmem:s19+$0xE0];
	v1 =	vadd.f32 v6, v1;
	v6 =	vmul.f32 v21, v33  }
0x10a: {  	v3 =	vadd.f32 v5, v3;
	v5 =	vld [tilespmem:s19+$0xD0];
	v2 =	vadd.f32 v27, v2;
	v27 =	vmul.f32 v21, v34  }
0x10b: {  	[tilespmem:$0x1FEF0] =	vst v10;
	v10 =	vmul.f32 v15, v28;
	v21 =	vld [tilespmem:s19+$0x90];
	v0 =	vadd.f32 v6, v0;
	v6 =	vmul.f32 v20, v33  }
0x10c: {  	v14 =	vmul.f32 v15, v25;
	v3 =	vadd.f32 v27, v3;
	v27 =	vld [tilespmem:s19+$0xA0];
	v45 =	vmul.f32 v20, v34  }
0x10d: {  	v52 =	vmul.f32 v7, v56;
	v1 =	vadd.f32 v6, v1;
	v6 =	vmul.f32 v7, v55  }
0x10e: {  	v20 =	vld [tilespmem:s19+$0x60];
	v2 =	vadd.f32 v45, v2;
	v7 =	vmul.f32 v4, v31;
	v4 =	vmul.f32 v4, v29  }
0x10f: {  	v40 =	vmul.f32 v26, v31;
	v26 =	vmul.f32 v26, v29;
	v45 =	vld [tilespmem:s19+$0xFFFFFFA0]  }
0x110: {  	v46 =	vmul.f32 v5, v31;
	[tilespmem:$0x1FF40] =	vst v4;
	v4 =	vmul.f32 v21, v56  }
0x111: {  	v47 =	vld [tilespmem:s19+$0x20];
	[tilespmem:$0x1FF10] =	vst v9;
	v0 =	vadd.f32 v6, v0;
	v6 =	vmul.f32 v21, v55;
	v9 =	vmul.f32 v27, v56  }
0x112: {  	v48 =	vld [tilespmem:s19+$0xFFFFFF60];
	[tilespmem:$0x1FF30] =	vst v7;
	v4 =	vadd.f32 v4, v2;
	v2 =	vmov v8;
	v8 =	vmul.f32 v27, v55  }
0x113: {  	v51 =	vld [tilespmem:s19+$0xFFFFFEE0];
	[tilespmem:$0x1FF50] =	vst v9;
	v1 =	vadd.f32 v6, v1;
	v6 =	vmul.f32 v20, v33;
	v0 =	vadd.f32 v26, v0  }
0x114: {  	v5 =	vmul.f32 v5, v29;
	v3 =	vadd.f32 v52, v3;
	v52 =	vld [tilespmem:s19+$0xFFFFFEA0];
	v26 =	vmul.f32 v45, v43;
	[tilespmem:$0x1FF60] =	vst v8  }
0x115: {  	v7 =	vld [tilespmem:s19+$0xFFFFFFE0];
	v8 =	vmul.f32 v20, v34;
	[tilespmem:$0x1FF80] =	vst v6;
	v39 =	vadd.f32 v39, v0;
	v0 =	vimm.f32 $0.0e+00  }
0x116: {  	p0 =	sne.s32 s22, $0x1;
	v27 =	vmul.f32 v45, v42;
	v6 =	vmul.f32 v47, v37;
	[tilespmem:$0x1FFB0] =	vst v0  }
.Ltmp5:
0x117: {  	v3 =	vadd.f32 v40, v3;
	v40 =	vmul.f32 v48, v2;
	v45 =	vmul.f32 v48, v63;
	[tilespmem:$0x1FF70] =	vst v8;
	(pc) =	sbr.rel @!p0 .LBB2_6-.Ltmp5, $4  }
0x118: {  	v48 =	vmul.f32 v51, v11;
	v4 =	vadd.f32 v46, v4;
	v0 =	vimm.f32 $0.0e+00;
	[tilespmem:$0x1FF90] =	vst v6  }
0x119: {  	v46 =	vmul.f32 v52, v12;
	v6 =	vmul.f32 v47, v60;
	[tilespmem:$0x1FFC0] =	vst v0;
	v0 =	vimm.f32 $0.0e+00  }
0x11a: {  	v30 =	vadd.f32 v30, v3;
	v20 =	vmul.f32 v7, v61;
	v21 =	vmul.f32 v7, v38;
	v7 =	vld [tilespmem:s19+$0xFFFFFE20];
	[tilespmem:$0x1FFD0] =	vst v0  }
0x11b: {  	s22 =	sadd.s32 $0xFFFFFFFF, s22;
	v47 =	vadd.f32 v5, v1;
	v5 =	vmul.f32 v51, v36;
	v51 =	vld [tilespmem:s19+$0xFFFFFE60];
	[tilespmem:$0x1FFA0] =	vst v6;
	v6 =	vmul.f32 v49, v13  }
.LBB2_5:
0x11c: {  	v1 =	vld [tilespmem:$0x1FEB0];
	_ =	sdelay $0x4  }
0x11d: {  	v30 =	vadd.f32 v1, v30;
	v1 =	vld [tilespmem:$0x1FEC0];
	_ =	sdelay $0x4  }
0x11e: {  	v39 =	vadd.f32 v1, v39;
	v1 =	vld [tilespmem:$0x1FED0];
	_ =	sdelay $0x2  }
0x11f: {  	v14 =	vadd.f32 v14, v47  }
0x120: {  	v49 =	vld [tilespmem:s19+$0xFFFFFE30]  }
0x121: {  	v14 =	vadd.f32 v1, v14;
	v1 =	vld [tilespmem:$0x1FEE0];
	_ =	sdelay $0x2  }
0x122: {  	v4 =	vadd.f32 v10, v4  }
0x123: {  	v52 =	vmul.f32 v52, v44  }
0x124: {  	v8 =	vmovc v44;
	v4 =	vadd.f32 v57, v4;
	v57 =	vmul.f32 v7, v1;
	v44 =	vmul.f32 v49, v1;
	v1 =	vld [tilespmem:$0x1FE30];
	_ =	sdelay $0x2  }
0x125: {  	v30 =	vadd.f32 v58, v30;
	_ =	sdelay $0x1  }
0x126: {  	v3 =	vld [tilespmem:$0x1FE70];
	v1 =	vadd.f32 v1, v30;
	_ =	sdelay $0x1  }
0x127: {  	[tilespmem:$0x1FCD0] =	vst v1;
	v1 =	vld [tilespmem:$0x1FE40];
	_ =	sdelay $0x2  }
0x128: {  	v39 =	vadd.f32 v3, v39;
	_ =	sdelay $0x1  }
0x129: {  	v3 =	vld [tilespmem:$0x1FE80];
	v1 =	vadd.f32 v1, v39;
	_ =	sdelay $0x1  }
0x12a: {  	[tilespmem:$0x1FCE0] =	vst v1;
	v1 =	vld [tilespmem:$0x1FE50];
	_ =	sdelay $0x2  }
0x12b: {  	v4 =	vadd.f32 v3, v4;
	_ =	sdelay $0x1  }
0x12c: {  	v3 =	vld [tilespmem:$0x1FE90];
	v1 =	vadd.f32 v1, v4;
	_ =	sdelay $0x1  }
0x12d: {  	[tilespmem:$0x1FCF0] =	vst v1;
	v1 =	vld [tilespmem:$0x1FE60];
	_ =	sdelay $0x2  }
0x12e: {  	v14 =	vadd.f32 v3, v14;
	_ =	sdelay $0x1  }
0x12f: {  	v0 =	vld [tilespmem:$0x1FEF0];
	v1 =	vadd.f32 v1, v14  }
0x130: {  	v9 =	vld [tilespmem:$0x1FF00]  }
0x131: {  	[tilespmem:$0x1FD00] =	vst v1;
	v1 =	vld [tilespmem:$0x1FFB0];
	_ =	sdelay $0x2  }
0x132: {  	v7 =	vmul.f32 v7, v41  }
0x133: {  	v15 =	vmul.f32 v51, v0;
	v47 =	vmul.f32 v51, v9;
	v51 =	vld [tilespmem:s19+$0xFFFFFE70]  }
0x134: {  	v3 =	vadd.f32 v7, v1;
	v1 =	vld [tilespmem:$0x1FFD0]  }
0x135: {  	v4 =	vadd.f32 v57, v17;
	_ =	sdelay $0x1  }
0x136: {  	v30 =	vmul.f32 v49, v41;
	v4 =	vadd.f32 v15, v4;
	_ =	sdelay $0x1  }
0x137: {  	v4 =	vadd.f32 v46, v4;
	v14 =	vmul.f32 v51, v9;
	v1 =	vadd.f32 v30, v1  }
0x138: {  	v7 =	vmul.f32 v51, v0;
	v0 =	vld [tilespmem:$0x1FFC0];
	v3 =	vadd.f32 v47, v3  }
0x139: {  	v4 =	vadd.f32 v5, v4;
	v1 =	vadd.f32 v14, v1;
	v14 =	vld [tilespmem:s19+$0xFFFFFF70]  }
0x13a: {  	v3 =	vadd.f32 v52, v3  }
0x13b: {  	v58 =	vld [tilespmem:s19+$0xFFFFFEB0];
	v4 =	vadd.f32 v50, v4  }
0x13c: {  	v3 =	vadd.f32 v48, v3  }
0x13d: {  	v4 =	vadd.f32 v40, v4  }
0x13e: {  	v0 =	vadd.f32 v44, v0;
	v3 =	vadd.f32 v6, v3;
	v6 =	vmul.f32 v14, v2;
	v2 =	vld [tilespmem:$0x1FF90]  }
0x13f: {  	v4 =	vadd.f32 v26, v4  }
0x140: {  	v0 =	vadd.f32 v7, v0;
	v7 =	vmul.f32 v58, v8;
	v8 =	vld [tilespmem:$0x1FF70]  }
0x141: {  	v4 =	vadd.f32 v20, v4  }
0x142: {  	v3 =	vadd.f32 v45, v3  }
0x143: {  	v4 =	vadd.f32 v2, v4;
	v2 =	vld [tilespmem:$0x1FFA0]  }
0x144: {  	v3 =	vadd.f32 v27, v3  }
0x145: {  	v4 =	vadd.f32 v8, v4;
	v8 =	vld [tilespmem:$0x1FF80]  }
0x146: {  	v3 =	vadd.f32 v21, v3;
	_ =	sdelay $0x1  }
0x147: {  	v2 =	vadd.f32 v2, v3;
	_ =	sdelay $0x1  }
0x148: {  	v2 =	vadd.f32 v8, v2;
	v8 =	vld [tilespmem:$0x1FF50]  }
0x149: {  	v49 =	vld [tilespmem:s19+$0xFFFFFEF0];
	_ =	sdelay $0x1  }
0x14a: {  	v30 =	vld [tilespmem:s19+$0xFFFFFF30]  }
0x14b: {  	v15 =	vmul.f32 v58, v12  }
0x14c: {  	v4 =	vadd.f32 v8, v4;
	v8 =	vld [tilespmem:$0x1FF60]  }
0x14d: {  	v36 =	vmul.f32 v49, v36;
	v0 =	vadd.f32 v15, v0  }
0x14e: {  	v1 =	vadd.f32 v7, v1;
	v7 =	vmul.f32 v49, v11;
	v15 =	vld [tilespmem:s19+$0xFFFFFFB0]  }
0x14f: {  	v5 =	vmul.f32 v30, v16;
	v0 =	vadd.f32 v36, v0  }
0x150: {  	v1 =	vadd.f32 v7, v1;
	v7 =	vmul.f32 v30, v13;
	v30 =	vld [tilespmem:s19+$0xFFFFFFF0]  }
0x151: {  	v0 =	vadd.f32 v5, v0;
	v2 =	vadd.f32 v8, v2;
	v8 =	vld [tilespmem:$0x1FF30]  }
0x152: {  	v1 =	vadd.f32 v7, v1;
	v5 =	vmul.f32 v14, v63;
	v7 =	vld [tilespmem:s19+$0x30]  }
0x153: {  	v14 =	vmul.f32 v15, v43;
	v0 =	vadd.f32 v6, v0  }
0x154: {  	v1 =	vadd.f32 v5, v1;
	v5 =	vmul.f32 v15, v42  }
0x155: {  	v6 =	vld [tilespmem:s19+$0x70];
	v15 =	vmul.f32 v30, v61;
	v0 =	vadd.f32 v14, v0  }
0x156: {  	v1 =	vadd.f32 v5, v1;
	v5 =	vmul.f32 v30, v38;
	v4 =	vadd.f32 v8, v4;
	v8 =	vld [tilespmem:$0x1FF40]  }
0x157: {  	v14 =	vld [tilespmem:s19+$0xB0];
	v20 =	vmul.f32 v7, v37;
	v0 =	vadd.f32 v15, v0  }
0x158: {  	v1 =	vadd.f32 v5, v1;
	v5 =	vmul.f32 v7, v60  }
0x159: {  	v7 =	vld [tilespmem:s19+$0xF0];
	v0 =	vadd.f32 v20, v0  }
0x15a: {  	v1 =	vadd.f32 v5, v1;
	v5 =	vmul.f32 v6, v33;
	v3 =	vmul.f32 v6, v34;
	v6 =	vld [tilespmem:s19+$0x130]  }
0x15b: {  	v2 =	vadd.f32 v8, v2;
	v8 =	vld [tilespmem:$0x1FF10]  }
0x15c: {  	v1 =	vadd.f32 v5, v1;
	v0 =	vadd.f32 v3, v0;
	v3 =	vmul.f32 v14, v55  }
0x15d: {  	s20 =	sadd.s32 $0x10, s20;
	v5 =	vld [tilespmem:s19+$0x170]  }
0x15e: {  	v15 =	vmul.f32 v14, v56;
	v14 =	vld [tilespmem:s20+$0x0];
	v1 =	vadd.f32 v3, v1;
	v3 =	vmul.f32 v7, v29  }
0x15f: {  	v13 =	vmul.f32 v7, v31;
	v7 =	vld [tilespmem:s19+$0x1B0]  }
0x160: {  	v1 =	vadd.f32 v3, v1;
	v3 =	vmul.f32 v6, v25;
	v4 =	vadd.f32 v8, v4;
	v8 =	vld [tilespmem:$0x1FF20];
	_ =	sdelay $0x1  }
0x161: {  	v1 =	vadd.f32 v3, v1;
	v3 =	vmul.f32 v5, v53  }
0x162: {  	v0 =	vadd.f32 v15, v0;
	v11 =	vmul.f32 v6, v28;
	v9 =	vmul.f32 v5, v24  }
0x163: {  	v63 =	vbroadcast v14, $0xF;
	v28 =	vbroadcast v14, $0xC;
	v1 =	vadd.f32 v3, v1  }
0x164: {  	s21 =	sadd.s32 $0x10, s21;
	v3 =	vmul.f32 v7, v22;
	v2 =	vadd.f32 v8, v2;
	v8 =	vmul.f32 v7, v23;
	v7 =	vld [tilespmem:$0x1FEA0]  }
0x165: {  	v31 =	vbroadcast v14, $0xB;
	v56 =	vbroadcast v14, $0xA;
	v5 =	vld [tilespmem:s21+$0x0]  }
0x166: {  	v0 =	vadd.f32 v13, v0;
	v34 =	vbroadcast v14, $0x9;
	v38 =	vbroadcast v14, $0x8  }
0x167: {  	v48 =	vbroadcast v14, $0x7;
	v43 =	vbroadcast v14, $0x6;
	v2 =	vadd.f32 v62, v2  }
0x168: {  	v6 =	vld [tilespmem:s19+$0x1F0];
	v45 =	vbroadcast v14, $0x5;
	v39 =	vbroadcast v14, $0x4;
	v0 =	vadd.f32 v11, v0  }
0x169: {  	v36 =	vbroadcast v14, $0x3;
	v49 =	vbroadcast v14, $0x2;
	v2 =	vadd.f32 v7, v2  }
0x16a: {  	v0 =	vadd.f32 v9, v0;
	v22 =	vbroadcast v14, $0x1;
	v24 =	vbroadcast v5, $0xD  }
0x16b: {  	v25 =	vbroadcast v5, $0xC;
	v4 =	vadd.f32 v59, v4;
	v2 =	vadd.f32 v54, v2  }
0x16c: {  	s19 =	sadd.s32 $0x400, s19;
	v29 =	vbroadcast v5, $0xB;
	v55 =	vbroadcast v5, $0xA  }
0x16d: {  	v4 =	vadd.f32 v35, v4;
	v0 =	vadd.f32 v8, v0;
	v7 =	vmul.f32 v6, v18;
	[tilespmem:$0x1FFB0] =	vst v2;
	v2 =	vld [tilespmem:s19+$0x1C0]  }
0x16e: {  	v1 =	vadd.f32 v3, v1;
	v33 =	vbroadcast v5, $0x9;
	v37 =	vbroadcast v5, $0x8  }
0x16f: {  	v3 =	vadd.f32 v32, v4;
	v4 =	vld [tilespmem:s19+$0x1D0];
	v6 =	vmul.f32 v6, v19;
	v0 =	vadd.f32 v7, v0  }
0x170: {  	v51 =	vbroadcast v5, $0x7;
	v42 =	vbroadcast v5, $0x6  }
0x171: {  	v30 =	vbroadcast v5, $0x5;
	v15 =	vbroadcast v5, $0x4;
	[tilespmem:$0x1FFC0] =	vst v0;
	v0 =	vadd.f32 v6, v1;
	v6 =	vld [tilespmem:s19+$0x1E0]  }
0x172: {  	v47 =	vbroadcast v5, $0x3;
	v8 =	vmul.f32 v2, v63  }
0x173: {  	v44 =	vbroadcast v5, $0x2;
	v41 =	vbroadcast v5, $0x0;
	[tilespmem:$0x1FD80] =	vst v3;
	v7 =	vld [tilespmem:s19+$0x180]  }
0x174: {  	v23 =	vbroadcast v5, $0x1;
	[tilespmem:$0x1FE30] =	vst v8;
	v8 =	vmul.f32 v4, v63  }
0x175: {  	v3 =	vbroadcast v5, $0xF;
	[tilespmem:$0x1FFD0] =	vst v0;
	v0 =	vbroadcast v5, $0xE;
	v5 =	vld [tilespmem:s19+$0x190]  }
0x176: {  	v1 =	vbroadcast v14, $0xE;
	[tilespmem:$0x1FE50] =	vst v8;
	v8 =	vmul.f32 v6, v63  }
0x177: {  	v32 =	vbroadcast v14, $0xD;
	v18 =	vbroadcast v14, $0x0;
	v14 =	vld [tilespmem:s19+$0x1A0]  }
0x178: {  	[tilespmem:$0x1FD40] =	vst v8;
	v8 =	vmul.f32 v7, v1  }
0x179: {  	v2 =	vmul.f32 v2, v3  }
0x17a: {  	[tilespmem:$0x1FD10] =	vst v8;
	v8 =	vmul.f32 v5, v1  }
0x17b: {  	[tilespmem:$0x1FE40] =	vst v2;
	v2 =	vld [tilespmem:s19+$0x140];
	v4 =	vmul.f32 v4, v3  }
0x17c: {  	[tilespmem:$0x1FE80] =	vst v8;
	v8 =	vmul.f32 v14, v1  }
0x17d: {  	[tilespmem:$0x1FE60] =	vst v4;
	v4 =	vld [tilespmem:s19+$0x150];
	v7 =	vmul.f32 v7, v0  }
0x17e: {  	[tilespmem:$0x1FD30] =	vst v8;
	v8 =	vmul.f32 v14, v0  }
0x17f: {  	[tilespmem:$0x1FE70] =	vst v7;
	v7 =	vld [tilespmem:s19+$0x100];
	v5 =	vmul.f32 v5, v0  }
0x180: {  	[tilespmem:$0x1FEA0] =	vst v8;
	v8 =	vmul.f32 v2, v32  }
0x181: {  	[tilespmem:$0x1FE90] =	vst v5;
	v5 =	vld [tilespmem:s19+$0x110]  }
0x182: {  	[tilespmem:$0x1FEB0] =	vst v8;
	v8 =	vmul.f32 v4, v32  }
0x183: {  	v20 =	vld [tilespmem:s19+$0x120];
	v6 =	vmul.f32 v6, v3  }
0x184: {  	[tilespmem:$0x1FD20] =	vst v8;
	v8 =	vmul.f32 v7, v28  }
0x185: {  	[tilespmem:$0x1FD50] =	vst v6;
	v2 =	vmul.f32 v2, v24  }
0x186: {  	v6 =	vld [tilespmem:s19+$0x160];
	[tilespmem:$0x1FDF0] =	vst v8;
	v8 =	vmul.f32 v5, v28  }
0x187: {  	[tilespmem:$0x1FEC0] =	vst v2;
	v2 =	vld [tilespmem:s19+$0xC0];
	v4 =	vmul.f32 v4, v24  }
0x188: {  	[tilespmem:$0x1FE10] =	vst v8;
	v8 =	vmul.f32 v20, v28  }
0x189: {  	[tilespmem:$0x1FED0] =	vst v4;
	v4 =	vld [tilespmem:s19+$0xD0]  }
0x18a: {  	[tilespmem:$0x1FF10] =	vst v8;
	v8 =	vmul.f32 v20, v25  }
0x18b: {  	v50 =	vmul.f32 v6, v32;
	v46 =	vmul.f32 v6, v24;
	v6 =	vld [tilespmem:s19+$0xE0]  }
0x18c: {  	[tilespmem:$0x1FF20] =	vst v8;
	v8 =	vmul.f32 v2, v31  }
0x18d: {  	v7 =	vmul.f32 v7, v25  }
0x18e: {  	[tilespmem:$0x1FDB0] =	vst v8;
	v8 =	vmul.f32 v4, v31;
	v4 =	vmul.f32 v4, v29  }
0x18f: {  	[tilespmem:$0x1FE00] =	vst v7;
	v7 =	vld [tilespmem:s19+$0x80]  }
0x190: {  	[tilespmem:$0x1FDE0] =	vst v4;
	v4 =	vmul.f32 v6, v31;
	_ =	sdelay $0x1  }
0x191: {  	[tilespmem:$0x1FF30] =	vst v4;
	v4 =	vmul.f32 v6, v29  }
0x192: {  	v14 =	vmul.f32 v5, v25;
	v5 =	vld [tilespmem:s19+$0x90]  }
0x193: {  	[tilespmem:$0x1FF40] =	vst v4;
	v4 =	vmul.f32 v7, v56  }
0x194: {  	v12 =	vld [tilespmem:s19+$0xFFFFFE00]  }
0x195: {  	v20 =	vld [tilespmem:s19+$0xA0];
	[tilespmem:$0x1FD60] =	vst v4;
	v4 =	vmul.f32 v7, v55  }
0x196: {  	v6 =	vld [tilespmem:$0x1FCD0]  }
0x197: {  	[tilespmem:$0x1FD70] =	vst v4;
	v4 =	vmul.f32 v5, v56;
	_ =	sdelay $0x1  }
0x198: {  	v17 =	vmul.f32 v12, v18;
	[tilespmem:$0x1FD90] =	vst v4;
	v4 =	vmul.f32 v5, v55  }
0x199: {  	v61 =	vld [tilespmem:s19+$0x10]  }
0x19a: {  	v17 =	vadd.f32 v17, v6;
	v6 =	vld [tilespmem:$0x1FCE0];
	[tilespmem:$0x1FDA0] =	vst v4;
	v4 =	vmul.f32 v20, v56  }
0x19b: {  	v57 =	vld [tilespmem:s19+$0xFFFFFE10]  }
0x19c: {  	v2 =	vmul.f32 v2, v29;
	[tilespmem:$0x1FF50] =	vst v4;
	v4 =	vmul.f32 v20, v55;
	v20 =	vld [tilespmem:s19+$0x20]  }
0x19d: {  	v9 =	vld [tilespmem:s19+$0xFFFFFEC0];
	v12 =	vmul.f32 v41, v12  }
0x19e: {  	[tilespmem:$0x1FDC0] =	vst v2;
	v2 =	vld [tilespmem:s19+$0x40]  }
0x19f: {  	v12 =	vadd.f32 v12, v6;
	v6 =	vld [tilespmem:$0x1FCF0]  }
0x1a0: {  	v26 =	vld [tilespmem:s19+$0x60]  }
0x1a1: {  	v62 =	vld [tilespmem:s19+$0xFFFFFFC0];
	[tilespmem:$0x1FEE0] =	vst v18;
	v10 =	vmul.f32 v20, v38  }
0x1a2: {  	v59 =	vld [tilespmem:s19+$0xFFFFFE50];
	v18 =	vmul.f32 v57, v18;
	[tilespmem:$0x1FDD0] =	vst v8  }
0x1a3: {  	v40 =	vmul.f32 v61, v37;
	v8 =	vld [tilespmem:s19+$0xFFFFFF00];
	[tilespmem:$0x1FF90] =	vst v10;
	v10 =	vmul.f32 v20, v37  }
0x1a4: {  	v60 =	vmul.f32 v9, v36;
	v52 =	vmul.f32 v2, v33;
	[tilespmem:$0x1FF60] =	vst v4;
	v18 =	vadd.f32 v18, v6;
	v6 =	vld [tilespmem:$0x1FD00]  }
0x1a5: {  	v4 =	vmul.f32 v2, v34;
	v2 =	vmul.f32 v26, v34;
	[tilespmem:$0x1FFA0] =	vst v10;
	v10 =	vld [tilespmem:s19+$0xFFFFFE40]  }
0x1a6: {  	v9 =	vmul.f32 v9, v47;
	v35 =	vmul.f32 v62, v48  }
0x1a7: {  	v53 =	vmul.f32 v62, v51;
	[tilespmem:$0x1FF70] =	vst v2;
	v2 =	vmul.f32 v26, v33;
	v20 =	vld [tilespmem:s19+$0xFFFFFE80]  }
0x1a8: {  	v16 =	vld [tilespmem:s19+$0xFFFFFE90];
	v57 =	vmul.f32 v57, v41;
	v58 =	vmul.f32 v8, v39  }
0x1a9: {  	v21 =	vld [tilespmem:s19+$0x50];
	v8 =	vmul.f32 v8, v15;
	[tilespmem:$0x1FF80] =	vst v2;
	v2 =	vmul.f32 v61, v38  }
0x1aa: {  	v19 =	vld [tilespmem:s19+$0xFFFFFED0];
	v57 =	vadd.f32 v57, v6;
	v6 =	vmul.f32 v59, v23;
	v62 =	vmul.f32 v10, v22  }
0x1ab: {  	[tilespmem:$0x1FEF0] =	vst v22;
	v26 =	vld [tilespmem:s19+$0xFFFFFF40];
	v10 =	vmul.f32 v10, v23;
	v22 =	vmul.f32 v59, v22  }
0x1ac: {  	[tilespmem:$0x1FF00] =	vst v23;
	v61 =	vmul.f32 v20, v49;
	v20 =	vmul.f32 v20, v44;
	v23 =	vld [tilespmem:s19+$0xFFFFFF10];
	v17 =	vadd.f32 v62, v17  }
0x1ad: {  	v27 =	vld [tilespmem:s19+$0x0];
	v10 =	vadd.f32 v10, v12;
	v12 =	vmul.f32 v16, v49;
	v18 =	vadd.f32 v22, v18  }
0x1ae: {  	v7 =	vmul.f32 v21, v33;
	v5 =	vmul.f32 v21, v34;
	v62 =	vmovc v46;
	v46 =	vld [tilespmem:s19+$0xFFFFFF50];
	v17 =	vadd.f32 v61, v17  }
0x1af: {  	v21 =	vld [tilespmem:s19+$0xFFFFFF80];
	v10 =	vadd.f32 v20, v10;
	v20 =	vmul.f32 v19, v36;
	v12 =	vadd.f32 v12, v18  }
0x1b0: {  	v13 =	vmul.f32 v26, v45;
	v18 =	vmul.f32 v19, v47;
	v19 =	vld [tilespmem:s19+$0xFFFFFF90];
	v17 =	vadd.f32 v60, v17  }
0x1b1: {  	v9 =	vadd.f32 v9, v10;
	v10 =	vmul.f32 v23, v39;
	v12 =	vadd.f32 v20, v12  }
0x1b2: {  	v6 =	vadd.f32 v6, v57;
	v16 =	vmul.f32 v16, v44;
	v20 =	vld [tilespmem:s19+$0xFFFFFFD0];
	v17 =	vadd.f32 v58, v17  }
0x1b3: {  	v8 =	vadd.f32 v8, v9;
	v10 =	vadd.f32 v10, v12;
	v9 =	vmul.f32 v46, v45  }
0x1b4: {  	v11 =	vmul.f32 v21, v43;
	v16 =	vadd.f32 v16, v6;
	v13 =	vadd.f32 v13, v17  }
0x1b5: {  	v54 =	vmul.f32 v27, v38;
	v17 =	vmul.f32 v19, v43;
	v9 =	vadd.f32 v9, v10  }
0x1b6: {  	v16 =	vadd.f32 v18, v16;
	v18 =	vmul.f32 v23, v15;
	v11 =	vadd.f32 v11, v13  }
0x1b7: {  	v26 =	vmul.f32 v26, v30;
	v22 =	vmovc v0;
	v0 =	vmul.f32 v20, v48;
	v9 =	vadd.f32 v17, v9  }
0x1b8: {  	v21 =	vmul.f32 v21, v42;
	v12 =	vadd.f32 v18, v16;
	v11 =	vadd.f32 v35, v11  }
0x1b9: {  	v16 =	vmul.f32 v46, v30;
	v8 =	vadd.f32 v26, v8;
	v9 =	vadd.f32 v0, v9;
	v0 =	vld [tilespmem:$0x1FD60]  }
0x1ba: {  	v11 =	vadd.f32 v54, v11  }
0x1bb: {  	v10 =	vadd.f32 v16, v12;
	v12 =	vmul.f32 v19, v42;
	v8 =	vadd.f32 v21, v8  }
0x1bc: {  	v27 =	vmul.f32 v27, v37;
	v11 =	vadd.f32 v4, v11  }
0x1bd: {  	v10 =	vadd.f32 v12, v10;
	v12 =	vmul.f32 v20, v51;
	v8 =	vadd.f32 v53, v8  }
0x1be: {  	v23 =	vmov v1;
	v1 =	vadd.f32 v0, v11;
	v0 =	vld [tilespmem:$0x1FD70]  }
0x1bf: {  	v10 =	vadd.f32 v12, v10;
	v8 =	vadd.f32 v27, v8;
	_ =	sdelay $0x1  }
0x1c0: {  	v10 =	vadd.f32 v40, v10;
	v8 =	vadd.f32 v52, v8;
	_ =	sdelay $0x1  }
0x1c1: {  	v10 =	vadd.f32 v7, v10;
	v7 =	vadd.f32 v0, v8;
	v0 =	vld [tilespmem:$0x1FD90]  }
0x1c2: {  	v9 =	vadd.f32 v2, v9;
	_ =	sdelay $0x1  }
0x1c3: {  	v9 =	vadd.f32 v5, v9;
	_ =	sdelay $0x1  }
0x1c4: {  	v4 =	vadd.f32 v0, v9;
	v0 =	vld [tilespmem:$0x1FDA0];
	_ =	sdelay $0x4  }
0x1c5: {  	v8 =	vadd.f32 v0, v10;
	v0 =	vld [tilespmem:$0x1FDB0];
	_ =	sdelay $0x4  }
0x1c6: {  	v9 =	vadd.f32 v0, v1;
	v0 =	vld [tilespmem:$0x1FDC0];
	_ =	sdelay $0x4  }
0x1c7: {  	v10 =	vadd.f32 v0, v7;
	v0 =	vld [tilespmem:$0x1FDD0];
	_ =	sdelay $0x2  }
0x1c8: {  	v18 =	vld [tilespmem:s19+$0xFFFFFFE0]  }
0x1c9: {  	v12 =	vld [tilespmem:s19+$0xFFFFFEE0]  }
0x1ca: {  	v4 =	vadd.f32 v0, v4;
	v0 =	vld [tilespmem:$0x1FDE0]  }
0x1cb: {  	v57 =	vld [tilespmem:$0x1FD20]  }
0x1cc: {  	v58 =	vld [tilespmem:$0x1FD10]  }
0x1cd: {  	v16 =	vld [tilespmem:s19+$0xFFFFFFA0]  }
0x1ce: {  	v61 =	vmov v48;
	v19 =	vld [tilespmem:s19+$0xFFFFFF60]  }
0x1cf: {  	v20 =	vmul.f32 v18, v48;
	v48 =	vmul.f32 v12, v47;
	v11 =	vmovc v47;
	v47 =	vadd.f32 v0, v8;
	v0 =	vld [tilespmem:$0x1FDF0]  }
0x1d0: {  	v17 =	vld [tilespmem:s19+$0xFFFFFF20]  }
0x1d1: {  	v60 =	vmovc v37;
	v37 =	vmov v38;
	v38 =	vmov v51;
	v21 =	vmul.f32 v18, v51;
	v51 =	vld [tilespmem:s19+$0xFFFFFE60]  }
0x1d2: {  	v35 =	vld [tilespmem:$0x1FD30]  }
0x1d3: {  	v18 =	vmov v63;
	v63 =	vmov v30;
	v52 =	vld [tilespmem:s19+$0xFFFFFEA0]  }
0x1d4: {  	p0 =	sne.s32 s22, $0x1;
	v2 =	vmovc v45;
	v40 =	vmul.f32 v19, v45;
	v45 =	vmul.f32 v19, v30;
	v30 =	vadd.f32 v0, v9;
	v0 =	vld [tilespmem:$0x1FE00]  }
.Ltmp6:
0x1d5: {  	v53 =	vmov v24;
	v24 =	vmov v32;
	v32 =	vld [tilespmem:$0x1FD40];
	(pc) =	sbr.rel @p0 .LBB2_5-.Ltmp6, $4  }
0x1d6: {  	v54 =	vld [tilespmem:$0x1FD50]  }
0x1d7: {  	v59 =	vmov v50;
	v50 =	vmul.f32 v17, v39;
	v6 =	vmul.f32 v17, v15;
	v17 =	vld [tilespmem:$0x1FD80]  }
0x1d8: {  	v13 =	vmovc v15;
	v26 =	vmul.f32 v16, v43;
	v27 =	vmul.f32 v16, v42;
	v16 =	vmovc v39;
	v19 =	vmov v3;
	v7 =	vld [tilespmem:s19+$0xFFFFFE20]  }
0x1d9: {  	s22 =	sadd.s32 $0xFFFFFFFF, s22;
	v5 =	vmul.f32 v12, v36;
	v12 =	vmovc v49;
	v46 =	vmul.f32 v52, v49;
	v39 =	vadd.f32 v0, v10;
	v10 =	vld [tilespmem:$0x1FE10]  }
.LBB2_6:
0x1da: {  	v0 =	vld [tilespmem:$0x1FEB0];
	_ =	sdelay $0x4  }
0x1db: {  	v9 =	vadd.f32 v0, v30;
	v0 =	vld [tilespmem:$0x1FEC0];
	_ =	sdelay $0x4  }
0x1dc: {  	v8 =	vadd.f32 v14, v47;
	v47 =	vadd.f32 v0, v39;
	v0 =	vld [tilespmem:$0x1FED0];
	_ =	sdelay $0x4  }
0x1dd: {  	v8 =	vadd.f32 v0, v8;
	v0 =	vld [tilespmem:$0x1FE70];
	_ =	sdelay $0x4  }
0x1de: {  	v4 =	vadd.f32 v10, v4;
	v10 =	vadd.f32 v0, v47;
	v0 =	vld [tilespmem:$0x1FE80];
	_ =	sdelay $0x2  }
0x1df: {  	v4 =	vadd.f32 v57, v4;
	_ =	sdelay $0x1  }
0x1e0: {  	v4 =	vadd.f32 v0, v4;
	v0 =	vld [tilespmem:$0x1FE90];
	_ =	sdelay $0x4  }
0x1e1: {  	v8 =	vadd.f32 v0, v8;
	v0 =	vld [tilespmem:$0x1FE30];
	_ =	sdelay $0x2  }
0x1e2: {  	v9 =	vadd.f32 v58, v9;
	_ =	sdelay $0x1  }
0x1e3: {  	v9 =	vadd.f32 v0, v9;
	v0 =	vld [tilespmem:$0x1FE40];
	_ =	sdelay $0x3  }
0x1e4: {  	v49 =	vld [tilespmem:s19+$0xFFFFFE30]  }
0x1e5: {  	v14 =	vadd.f32 v0, v10;
	v0 =	vld [tilespmem:$0x1FEE0];
	_ =	sdelay $0x4  }
0x1e6: {  	v57 =	vmul.f32 v7, v0;
	v15 =	vmul.f32 v49, v0;
	v0 =	vmov v41  }
0x1e7: {  	v39 =	vmov v11;
	v11 =	vmul.f32 v49, v0;
	v0 =	vld [tilespmem:$0x1FE60]  }
0x1e8: {  	v1 =	vld [tilespmem:$0x1FE50];
	_ =	sdelay $0x3  }
0x1e9: {  	v30 =	vmov v13;
	v13 =	vmul.f32 v7, v41;
	v7 =	vadd.f32 v0, v8;
	v0 =	vld [tilespmem:$0x1FFB0]  }
0x1ea: {  	v4 =	vadd.f32 v1, v4;
	v1 =	vld [tilespmem:$0x1FFD0]  }
0x1eb: {  	v8 =	vadd.f32 v57, v17;
	v57 =	vld [tilespmem:$0x1FEF0]  }
0x1ec: {  	v49 =	vld [tilespmem:$0x1FF00]  }
0x1ed: {  	v47 =	vmov v12;
	v12 =	vld [tilespmem:s19+$0xFFFFFE70]  }
0x1ee: {  	v3 =	vadd.f32 v13, v0;
	v0 =	vld [tilespmem:$0x1FFC0]  }
0x1ef: {  	v41 =	vmov v36;
	v36 =	vmov v16;
	v16 =	vld [tilespmem:s19+$0xFFFFFEB0]  }
0x1f0: {  	v58 =	vmul.f32 v51, v57  }
0x1f1: {  	v1 =	vadd.f32 v11, v1;
	v17 =	vld [tilespmem:s19+$0xFFFFFEF0];
	v13 =	vmul.f32 v51, v49  }
0x1f2: {  	v51 =	vmul.f32 v12, v57;
	v12 =	vmul.f32 v12, v49;
	v8 =	vadd.f32 v58, v8  }
0x1f3: {  	v57 =	vld [tilespmem:s19+$0xFFFFFF30];
	v3 =	vadd.f32 v13, v3;
	v0 =	vadd.f32 v15, v0  }
0x1f4: {  	v1 =	vadd.f32 v12, v1;
	v12 =	vmul.f32 v16, v44;
	v8 =	vadd.f32 v46, v8  }
0x1f5: {  	v58 =	vmul.f32 v52, v44;
	v13 =	vmul.f32 v16, v47;
	v15 =	vld [tilespmem:s19+$0xFFFFFF70];
	v0 =	vadd.f32 v51, v0  }
0x1f6: {  	v1 =	vadd.f32 v12, v1;
	v12 =	vmul.f32 v17, v39;
	v5 =	vadd.f32 v5, v8  }
0x1f7: {  	v3 =	vadd.f32 v58, v3;
	v46 =	vmul.f32 v17, v41;
	v0 =	vadd.f32 v13, v0  }
0x1f8: {  	v10 =	vmul.f32 v57, v30;
	v8 =	vld [tilespmem:s19+$0xFFFFFFB0];
	v1 =	vadd.f32 v12, v1;
	v5 =	vadd.f32 v50, v5  }
0x1f9: {  	v47 =	vmul.f32 v57, v36;
	v3 =	vadd.f32 v48, v3;
	v0 =	vadd.f32 v46, v0  }
0x1fa: {  	v12 =	vld [tilespmem:s19+$0xFFFFFFF0];
	v1 =	vadd.f32 v10, v1;
	v48 =	vmul.f32 v15, v63;
	v5 =	vadd.f32 v40, v5  }
0x1fb: {  	v49 =	vld [tilespmem:s19+$0x30];
	v3 =	vadd.f32 v6, v3;
	v6 =	vmul.f32 v15, v2;
	v0 =	vadd.f32 v47, v0  }
0x1fc: {  	v2 =	vld [tilespmem:$0x1FF90];
	v1 =	vadd.f32 v48, v1;
	v5 =	vadd.f32 v26, v5  }
0x1fd: {  	v0 =	vadd.f32 v6, v0;
	v6 =	vmul.f32 v8, v43;
	v8 =	vmul.f32 v8, v42;
	_ =	sdelay $0x1  }
0x1fe: {  	v5 =	vadd.f32 v20, v5;
	v1 =	vadd.f32 v8, v1;
	v8 =	vmul.f32 v12, v38  }
0x1ff: {  	v50 =	vld [tilespmem:s19+$0x70];
	v3 =	vadd.f32 v45, v3  }
0x200: {  	v5 =	vadd.f32 v2, v5;
	v2 =	vld [tilespmem:$0x1FFA0];
	v1 =	vadd.f32 v8, v1;
	v8 =	vmul.f32 v49, v60  }
0x201: {  	v3 =	vadd.f32 v27, v3;
	v0 =	vadd.f32 v6, v0;
	v6 =	vmul.f32 v12, v61;
	v12 =	vld [tilespmem:s19+$0xB0]  }
0x202: {  	v1 =	vadd.f32 v8, v1;
	v8 =	vld [tilespmem:$0x1FF70]  }
0x203: {  	v3 =	vadd.f32 v21, v3;
	v0 =	vadd.f32 v6, v0;
	v6 =	vmul.f32 v49, v37  }
0x204: {  	v51 =	vld [tilespmem:s19+$0xF0]  }
0x205: {  	v2 =	vadd.f32 v2, v3;
	v0 =	vadd.f32 v6, v0;
	v3 =	vmul.f32 v50, v34  }
0x206: {  	v52 =	vld [tilespmem:$0x1FF80];
	v6 =	vmul.f32 v50, v33  }
0x207: {  	v0 =	vadd.f32 v3, v0;
	v3 =	vmul.f32 v12, v56;
	v5 =	vadd.f32 v8, v5;
	v8 =	vld [tilespmem:s19+$0x130]  }
0x208: {  	v57 =	vld [tilespmem:$0x1FF50];
	v1 =	vadd.f32 v6, v1;
	v6 =	vmul.f32 v12, v55  }
0x209: {  	v60 =	vld [tilespmem:$0x1FF30];
	v0 =	vadd.f32 v3, v0;
	v3 =	vmul.f32 v51, v31  }
0x20a: {  	v12 =	vld [tilespmem:$0x1FF60];
	v1 =	vadd.f32 v6, v1;
	v6 =	vmul.f32 v51, v29  }
0x20b: {  	v0 =	vadd.f32 v3, v0  }
0x20c: {  	v1 =	vadd.f32 v6, v1;
	v3 =	vmul.f32 v8, v28;
	v6 =	vmul.f32 v8, v25;
	v8 =	vld [tilespmem:$0x1FF10]  }
0x20d: {  	v2 =	vadd.f32 v52, v2;
	v5 =	vadd.f32 v57, v5;
	_ =	sdelay $0x1  }
0x20e: {  	v2 =	vadd.f32 v12, v2;
	v12 =	vld [tilespmem:$0x1FF40];
	v5 =	vadd.f32 v60, v5  }
0x20f: {  	v58 =	vld [tilespmem:s19+$0x170]  }
0x210: {  	v5 =	vadd.f32 v8, v5;
	v8 =	vld [tilespmem:$0x1FF20]  }
0x211: {  	v61 =	vld [tilespmem:s19+$0x1B0];
	_ =	sdelay $0x1  }
0x212: {  	v2 =	vadd.f32 v12, v2  }
0x213: {  	v63 =	vld [tilespmem:$0x1FEA0];
	v1 =	vadd.f32 v6, v1;
	v6 =	vmul.f32 v58, v53  }
0x214: {  	v0 =	vadd.f32 v3, v0;
	v3 =	vld [tilespmem:s19+$0x1F0];
	v2 =	vadd.f32 v8, v2  }
0x215: {  	v1 =	vadd.f32 v6, v1;
	v6 =	vmul.f32 v61, v22;
	v8 =	vmul.f32 v58, v24  }
0x216: {  	v5 =	vadd.f32 v59, v5;
	v2 =	vadd.f32 v62, v2  }
.Ltmp7:
0x217: {  	v1 =	vadd.f32 v6, v1;
	v0 =	vadd.f32 v8, v0;
	v8 =	vmul.f32 v61, v23;
	(pc) =	sbr.rel .LBB2_7-.Ltmp7, $4  }
0x218: {  	v5 =	vadd.f32 v35, v5;
	v10 =	vadd.f32 v63, v2  }
0x219: {  	v6 =	vmul.f32 v3, v18;
	v0 =	vadd.f32 v8, v0;
	v8 =	vmul.f32 v3, v19  }
0x21a: {  	v2 =	vadd.f32 v32, v5;
	v3 =	vadd.f32 v54, v10  }
0x21b: {  	v17 =	vmov v9;
	v21 =	vld [tilespmem:$0x1FE20];
	v0 =	vadd.f32 v6, v0;
	v1 =	vadd.f32 v8, v1  }
.LBB2_3:
0x21c: {  	v4 =	vimm.f32 $0.0e+00  }
0x21d: {  	v2 =	vimm.f32 $0.0e+00;
	v0 =	vimm.f32 $0.0e+00;
	v14 =	vimm.f32 $0.0e+00  }
0x21e: {  	v7 =	vimm.f32 $0.0e+00;
	v3 =	vimm.f32 $0.0e+00;
	v1 =	vimm.f32 $0.0e+00  }
.LBB2_7:
0x21f: {  	_ =	sdelay $0x3  }
0x220: {  	v5 =	vcvt.s32.f32 v21;
	_ =	sdelay $0x1  }
0x221: {  	v6 =	vbroadcast v5, $0xE;
	_ =	sdelay $0x1  }
0x222: {  	(erf) = vrcp.f32 v6  }
0x223: {  	v63 =	vld [tilespmem:$0x8100];
	_ =	sdelay $0x2  }
0x224: {  	v5 =	vbroadcast v5, $0xD;
	_ =	sdelay $0x1  }
0x225: {  	v6 =	vmul.f32 v63, v5;
	_ =	sdelay $0x1  }
0x226: {  	v8 =	vadd.f32 v6, v17  }
0x227: {  	v6 =	vadd.f32 v6, v14;
	v9 =	vpop (erf)  }
0x228: {  	v8 =	vmul.f32 v8, v9  }
0x229: {  	s19 =	sshll.u32 s16, $0x7;
	v6 =	vmul.f32 v6, v9  }
0x22a: {  	[tilespmem:s19+$0x8140] =	vst v8  }
0x22b: {  	[tilespmem:s19+$0x8940] =	vst v6  }
0x22c: {  	v6 =	vld [tilespmem:$0x8110];
	_ =	sdelay $0x4  }
0x22d: {  	v6 =	vmul.f32 v6, v5;
	_ =	sdelay $0x1  }
0x22e: {  	v4 =	vadd.f32 v6, v4  }
0x22f: {  	v6 =	vadd.f32 v6, v7  }
0x230: {  	v4 =	vmul.f32 v4, v9  }
0x231: {  	v6 =	vmul.f32 v6, v9  }
0x232: {  	[tilespmem:s19+$0x8150] =	vst v4  }
0x233: {  	[tilespmem:s19+$0x8950] =	vst v6  }
0x234: {  	v4 =	vld [tilespmem:$0x8120];
	_ =	sdelay $0x4  }
0x235: {  	v4 =	vmul.f32 v4, v5;
	_ =	sdelay $0x1  }
0x236: {  	v2 =	vadd.f32 v4, v2  }
0x237: {  	v3 =	vadd.f32 v4, v3  }
0x238: {  	v2 =	vmul.f32 v2, v9  }
0x239: {  	v3 =	vmul.f32 v3, v9  }
0x23a: {  	[tilespmem:s19+$0x8160] =	vst v2  }
0x23b: {  	[tilespmem:s19+$0x8960] =	vst v3  }
0x23c: {  	v2 =	vld [tilespmem:$0x8130];
	_ =	sdelay $0x4  }
0x23d: {  	v2 =	vmul.f32 v2, v5;
	_ =	sdelay $0x1  }
0x23e: {  	p0 =	seq.s32 s16, $0xF;
	v0 =	vadd.f32 v2, v0  }
.Ltmp8:
0x23f: {  	v1 =	vadd.f32 v2, v1;
	(pc) =	sbr.rel @p0 .LBB2_9-.Ltmp8, $4  }
0x240: {  	v0 =	vmul.f32 v0, v9  }
0x241: {  	v1 =	vmul.f32 v1, v9  }
0x242: {  	[tilespmem:s19+$0x8170] =	vst v0  }
0x243: {  	[tilespmem:s19+$0x8970] =	vst v1  }
0x244: {  	s19 =	sshll.u32 s16, $0x1  }
0x245: {  	s19 =	sadd.s32 $0x2, s19  }
0x246: {  	s20 =	sshll.u32 s19, $0x5  }
0x247: {  	s20 =	sand.u32 $0x3FFFFFE0, s20  }
0x248: {  	v0 =	vld [tilespmem:s20+$0x1910];
	_ =	sdelay $0x4  }
0x249: {  	(v2sf) =	vpush v0, $0xE;
	_ =	sdelay $0xe  }
0x24a: {  	s20 =	spop (v2sf)  }
0x24b: {  	p0 =	sgt.s32 s20, $0x40  }
0x24c: {  	p1 =	sgt.u32 @p0 s20, $0x70  }
0x24d: {  	p2 =	por !p1, !p0  }
0x24e: {  	p3 =	sgt.u32 @!p2 s20, $0xA0  }
0x24f: {  	p4 =	por @p0 !p3, !p1  }
0x250: {  	p4 =	por p4, !p0  }
0x251: {  	p4 =	sgt.u32 @!p4 s20, $0xC8  }
0x252: {  	p2 =	por @!p2 p4, !p3  }
0x253: {  	p2 =	por @p0 p2, !p1  }
0x254: {  	p3 =	por @p0 p3, !p1;
	p2 =	por p2, !p0  }
0x255: {  	p3 =	por p3, !p0;
	s20 =	smul.u32 @!p2 $0x320, s19  }
0x256: {  	p1 =	por p1, !p0;
	s23 =	smul.u32 @!p3 $0x320, s19  }
0x257: {  	s21 =	simm.s32 @!p2 $0xC8;
	s22 =	simm.s32 @!p2 $0x1D00;
	s20 =	sshra.s32 @!p2 s20, $0x2  }
0x258: {  	[tilespmem:s22], [sflag:$0x1] =	stream.indirect.gather @!p2 [hbm4b:s3+s21], $0x40, s20, s21, $0xb8;
	[tilespmem:$0x92E0] =	vst v63  }
0x259: {  	s20 =	sshra.s32 @!p3 s23, $0x2;
	s23 =	smul.u32 @!p1 $0x320, s19  }
0x25a: {  	s21 =	simm.s32 @!p3 $0xA0;
	s22 =	simm.s32 @!p3 $0x1D00;
	s19 =	smul.u32 @!p0 $0x320, s19  }
0x25b: {  	[tilespmem:s22], [sflag:$0x1] =	stream.indirect.gather @!p3 [hbm4b:s3+s21], $0x40, s20, s21, $0xb8;
	[tilespmem:$0x92E0] =	vst v63  }
0x25c: {  	s20 =	sshra.s32 @!p1 s23, $0x2;
	s21 =	simm.s32 @!p1 $0x70;
	s22 =	simm.s32 @!p1 $0x1D00  }
0x25d: {  	[tilespmem:s22], [sflag:$0x1] =	stream.indirect.gather @!p1 [hbm4b:s3+s21], $0x40, s20, s21, $0xb8;
	[tilespmem:$0x92E0] =	vst v63  }
0x25e: {  	s19 =	sshra.s32 @!p0 s19, $0x2;
	s20 =	simm.s32 @!p0 $0x40;
	s21 =	simm.s32 @!p0 $0x1D00  }
0x25f: {  	[tilespmem:s21], [sflag:$0x1] =	stream.indirect.gather @!p0 [hbm4b:s3+s20], $0x40, s19, s20, $0xb8;
	[tilespmem:$0x92E0] =	vst v63  }
.LBB2_9:
0x260: {  	v21 =	vld [tilespmem:s18+$0x1910];
	_ =	sdelay $0x4  }
0x261: {  	(v2sf) =	vpush v21, $0xE;
	_ =	sdelay $0xe  }
0x262: {  	s19 =	spop (v2sf)  }
0x263: {  	p0 =	sgt.s32 s19, $0x40  }
0x264: {  	p1 =	sgt.u32 @p0 s19, $0x70  }
0x265: {  	p2 =	por !p1, !p0  }
0x266: {  	p3 =	sgt.u32 @!p2 s19, $0xA0  }
0x267: {  	p4 =	por @p0 !p3, !p1  }
0x268: {  	p4 =	por p4, !p0  }
0x269: {  	p4 =	sgt.u32 @!p4 s19, $0xC8  }
0x26a: {  	p2 =	por @!p2 p4, !p3  }
0x26b: {  	p2 =	por @p0 p2, !p1  }
0x26c: {  	p2 =	por p2, !p0  }
0x26d: {  	s20 =	simm.s32 @!p2 $0x2  }
0x26e: {  	p3 =	por @p0 p3, !p1;
	_ =	swait.ge @!p2 [sflag:s20], $0x3200  }
0x26f: {  	p3 =	por p3, !p0;
	[sflag:s20] =	ssyncset.done @!p2 $0x0  }
0x270: {  	[sflag:s20] =	ssyncadd.s32 @!p2 $0xFFFFCE00;
	s20 =	simm.s32 @!p3 $0x2  }
0x271: {  	_ =	swait.ge @!p3 [sflag:s20], $0x2800  }
0x272: {  	p1 =	por p1, !p0;
	[sflag:s20] =	ssyncset.done @!p3 $0x0  }
0x273: {  	[sflag:s20] =	ssyncadd.s32 @!p3 $0xFFFFD800;
	s20 =	simm.s32 @!p1 $0x2  }
0x274: {  	_ =	swait.ge @!p1 [sflag:s20], $0x1C00  }
0x275: {  	[sflag:s20] =	ssyncset.done @!p1 $0x0  }
0x276: {  	[sflag:s20] =	ssyncadd.s32 @!p1 $0xFFFFE400;
	s20 =	simm.s32 @!p0 $0x2  }
0x277: {  	v2 =	vbroadcast v21, $0x0;
	v5 =	vbroadcast v21, $0x1;
	_ =	swait.ge @!p0 [sflag:s20], $0x1000  }
0x278: {  	v7 =	vbroadcast v21, $0x2;
	v9 =	vbroadcast v21, $0x3;
	v20 =	vld [tilespmem:$0x1FFF0]  }
0x279: {  	v11 =	vbroadcast v21, $0x4;
	v13 =	vbroadcast v21, $0x5  }
0x27a: {  	v15 =	vbroadcast v21, $0x6;
	v17 =	vbroadcast v21, $0x7;
	[sflag:s20] =	ssyncset.done @!p0 $0x0  }
0x27b: {  	v43 =	vbroadcast v21, $0x9;
	v45 =	vbroadcast v21, $0xA;
	[sflag:s20] =	ssyncadd.s32 @!p0 $0xFFFFF000  }
0x27c: {  	v18 =	vlaneseq.u32;
	v54 =	vbroadcast v21, $0xB;
	v59 =	vbroadcast v21, $0xC;
	v0 =	vld [tilespmem:s18+$0x1900]  }
0x27d: {  	v2 =	vshll.u32 v2, v20;
	v5 =	vshll.u32 v5, v20;
	v7 =	vshll.u32 v7, v20  }
0x27e: {  	v9 =	vshll.u32 v9, v20;
	v11 =	vshll.u32 v11, v20;
	v13 =	vshll.u32 v13, v20  }
0x27f: {  	v15 =	vshll.u32 v15, v20;
	v58 =	vshll.u32 v54, v20;
	v63 =	vshll.u32 v59, v20  }
0x280: {  	v2 =	vshra.s32 v2, $0x1F;
	v5 =	vshra.s32 v5, $0x1F;
	v7 =	vshra.s32 v7, $0x1F  }
0x281: {  	v19 =	vld [tilespmem:$0x1FFE0];
	v9 =	vshra.s32 v9, $0x1F;
	v1 =	vbroadcast v0, $0x0;
	v4 =	vbroadcast v0, $0x1  }
0x282: {  	v11 =	vshra.s32 v11, $0x1F;
	v6 =	vbroadcast v0, $0x2;
	v8 =	vbroadcast v0, $0x3  }
0x283: {  	v13 =	vshra.s32 v13, $0x1F;
	v10 =	vbroadcast v0, $0x4;
	v12 =	vbroadcast v0, $0x5  }
0x284: {  	v15 =	vshra.s32 v15, $0x1F;
	v16 =	vbroadcast v0, $0x7;
	v40 =	vbroadcast v0, $0x9  }
0x285: {  	v44 =	vbroadcast v0, $0xA;
	v49 =	vbroadcast v0, $0xB;
	v3 =	vshrl.u32 v1, v18  }
0x286: {  	v1 =	vshll.u32 v1, v19;
	v14 =	vshrl.u32 v4, v18;
	v4 =	vshll.u32 v4, v19  }
0x287: {  	v24 =	vshrl.u32 v6, v18;
	v6 =	vshll.u32 v6, v19;
	v25 =	vshrl.u32 v8, v18  }
0x288: {  	v8 =	vshll.u32 v8, v19;
	v26 =	vshrl.u32 v10, v18;
	v10 =	vshll.u32 v10, v19  }
0x289: {  	v27 =	vshrl.u32 v12, v18;
	v12 =	vshll.u32 v12, v19;
	v41 =	vshrl.u32 v40, v18  }
0x28a: {  	v42 =	vshll.u32 v40, v19;
	v46 =	vshrl.u32 v44, v18;
	v52 =	vshrl.u32 v49, v18  }
0x28b: {  	v53 =	vshll.u32 v49, v19;
	v3 =	vand.u32 $0x1, v3;
	v1 =	vshra.s32 v1, $0x1F  }
0x28c: {  	v4 =	vshra.s32 v4, $0x1F;
	v6 =	vshra.s32 v6, $0x1F;
	v8 =	vshra.s32 v8, $0x1F  }
0x28d: {  	v10 =	vshra.s32 v10, $0x1F;
	v12 =	vshra.s32 v12, $0x1F;
	v1 =	vadd.s32 v3, v1  }
0x28e: {  	v2 =	vadd.s32 v2, v3;
	v3 =	vand.u32 $0x1, v14;
	v14 =	vbroadcast v0, $0x6  }
0x28f: {  	v1 =	vcvt.s32.f32 v1;
	v2 =	vcvt.s32.f32 v2;
	v4 =	vadd.s32 v3, v4  }
0x290: {  	v3 =	vadd.s32 v5, v3;
	v5 =	vand.u32 $0x1, v24;
	v4 =	vcvt.s32.f32 v4  }
0x291: {  	v6 =	vadd.s32 v5, v6;
	v3 =	vcvt.s32.f32 v3;
	v5 =	vadd.s32 v7, v5  }
0x292: {  	v7 =	vand.u32 $0x1, v25;
	v28 =	vshrl.u32 v14, v18;
	v14 =	vshll.u32 v14, v19  }
0x293: {  	v6 =	vcvt.s32.f32 v6;
	v5 =	vcvt.s32.f32 v5;
	v8 =	vadd.s32 v7, v8  }
0x294: {  	v7 =	vadd.s32 v9, v7;
	v9 =	vand.u32 $0x1, v26;
	v14 =	vshra.s32 v14, $0x1F  }
0x295: {  	v8 =	vcvt.s32.f32 v8;
	v10 =	vadd.s32 v9, v10;
	v7 =	vcvt.s32.f32 v7  }
0x296: {  	[tilespmem:$0x9140] =	vst v1;
	v9 =	vadd.s32 v11, v9;
	v11 =	vand.u32 $0x1, v27;
	v10 =	vcvt.s32.f32 v10  }
0x297: {  	[tilespmem:$0x9210] =	vst v2;
	v9 =	vcvt.s32.f32 v9;
	v12 =	vadd.s32 v11, v12;
	v11 =	vadd.s32 v13, v11  }
0x298: {  	v13 =	vand.u32 $0x1, v28;
	[tilespmem:$0x9160] =	vst v6;
	v6 =	vand.u32 $0x1, v41;
	v12 =	vcvt.s32.f32 v12  }
0x299: {  	[tilespmem:$0x9150] =	vst v4;
	v14 =	vadd.s32 v13, v14;
	v11 =	vcvt.s32.f32 v11;
	v13 =	vadd.s32 v15, v13  }
0x29a: {  	v15 =	vshrl.u32 v16, v18;
	v16 =	vshll.u32 v16, v19;
	[tilespmem:$0x9240] =	vst v7;
	v7 =	vshra.s32 v42, $0x1F  }
0x29b: {  	[tilespmem:$0x9170] =	vst v8;
	v8 =	vshll.u32 v43, v20;
	v14 =	vcvt.s32.f32 v14;
	v29 =	vcvt.s32.f32 v13  }
0x29c: {  	[tilespmem:$0x9220] =	vst v3;
	v30 =	vand.u32 $0x1, v15;
	v15 =	vshra.s32 v16, $0x1F;
	v16 =	vbroadcast v0, $0x8  }
0x29d: {  	[tilespmem:$0x9250] =	vst v9;
	v7 =	vadd.s32 v6, v7;
	v8 =	vshra.s32 v8, $0x1F;
	v9 =	vshll.u32 v44, v19  }
0x29e: {  	[tilespmem:$0x9180] =	vst v10;
	v10 =	vshll.u32 v45, v20;
	v0 =	vbroadcast v0, $0xC;
	v31 =	vadd.s32 v30, v15  }
0x29f: {  	[tilespmem:$0x9230] =	vst v5;
	v15 =	vshll.u32 v17, v20;
	v7 =	vcvt.s32.f32 v7;
	v6 =	vadd.s32 v8, v6  }
0x2a0: {  	[tilespmem:$0x9190] =	vst v12;
	v8 =	vand.u32 $0x1, v46;
	v9 =	vshra.s32 v9, $0x1F;
	v48 =	vshra.s32 v10, $0x1F  }
0x2a1: {  	[tilespmem:$0x9260] =	vst v11;
	v2 =	vcvt.s32.f32 v31;
	v32 =	vshra.s32 v15, $0x1F;
	v15 =	vbroadcast v21, $0x8  }
0x2a2: {  	v34 =	vshrl.u32 v16, v18;
	v35 =	vshll.u32 v16, v19;
	[tilespmem:$0x91A0] =	vst v14;
	v47 =	vadd.s32 v8, v9  }
0x2a3: {  	[tilespmem:$0x9270] =	vst v29;
	v50 =	vcvt.s32.f32 v6;
	v51 =	vadd.s32 v48, v8;
	v6 =	vshra.s32 v58, $0x1F  }
0x2a4: {  	v61 =	vshrl.u32 v0, v18;
	v0 =	vshll.u32 v0, v19;
	v33 =	vadd.s32 v32, v30;
	[tilespmem:$0x91D0] =	vst v7  }
0x2a5: {  	v4 =	vand.u32 $0x1, v34;
	v36 =	vshra.s32 v35, $0x1F;
	v1 =	vcvt.s32.f32 v47;
	[tilespmem:$0x91B0] =	vst v2  }
0x2a6: {  	v55 =	vcvt.s32.f32 v51;
	v62 =	vand.u32 $0x1, v61;
	v0 =	vshra.s32 v0, $0x1F;
	[tilespmem:$0x92A0] =	vst v50  }
0x2a7: {  	v37 =	vshll.u32 v15, v20;
	v38 =	vadd.s32 v4, v36;
	v3 =	vcvt.s32.f32 v33;
	[tilespmem:$0x91E0] =	vst v1  }
0x2a8: {  	s31 =	sadd.s32 $0xF, s19;
	v0 =	vadd.s32 v62, v0;
	v39 =	vshra.s32 v37, $0x1F;
	v5 =	vcvt.s32.f32 v38;
	[tilespmem:$0x92B0] =	vst v55  }
0x2a9: {  	s21 =	sshra.s32 s31, $0x4;
	v0 =	vcvt.s32.f32 v0;
	v4 =	vadd.s32 v39, v4;
	[tilespmem:$0x9280] =	vst v3;
	v3 =	vand.u32 $0x1, v52  }
0x2aa: {  	p0 =	slt.s32 s21, $0x1;
	v56 =	vshra.s32 v53, $0x1F;
	v4 =	vcvt.s32.f32 v4;
	[tilespmem:$0x91C0] =	vst v5;
	v60 =	vadd.s32 v6, v3  }
.Ltmp9:
0x2ab: {  	v57 =	vadd.s32 v3, v56;
	v3 =	vshra.s32 v63, $0x1F;
	[tilespmem:$0x9200] =	vst v0;
	v2 =	vcvt.s32.f32 v60;
	(pc) =	sbr.rel @p0 .LBB2_10-.Ltmp9, $4  }
0x2ac: {  	v1 =	vadd.s32 v3, v62;
	[tilespmem:$0x9290] =	vst v4;
	v4 =	vcvt.s32.f32 v57  }
0x2ad: {  	v1 =	vcvt.s32.f32 v1;
	[tilespmem:$0x92C0] =	vst v2  }
0x2ae: {  	[tilespmem:$0x91F0] =	vst v4  }
0x2af: {  	v17 =	vimm.f32 $0.0e+00;
	[tilespmem:$0x92D0] =	vst v1  }
0x2b0: {  	s19 =	simm.s32 $0x9140  }
0x2b1: {  	s20 =	simm.s32 $0x9210;
	v0 =	vld [tilespmem:s19+$0x0]  }
0x2b2: {  	v1 =	vld [tilespmem:s20+$0x0];
	_ =	sdelay $0x4  }
0x2b3: {  	v18 =	vbroadcast v0, $0xF;
	v19 =	vbroadcast v1, $0xF  }
0x2b4: {  	v23 =	vbroadcast v0, $0xE;
	v22 =	vbroadcast v1, $0xE  }
0x2b5: {  	v24 =	vbroadcast v0, $0xD;
	v53 =	vbroadcast v1, $0xD  }
0x2b6: {  	v28 =	vbroadcast v0, $0xC;
	v25 =	vbroadcast v1, $0xC  }
0x2b7: {  	v31 =	vbroadcast v0, $0xB;
	v29 =	vbroadcast v1, $0xB  }
0x2b8: {  	v56 =	vbroadcast v0, $0xA;
	v55 =	vbroadcast v1, $0xA  }
0x2b9: {  	v34 =	vbroadcast v0, $0x9;
	v33 =	vbroadcast v1, $0x9  }
0x2ba: {  	v37 =	vbroadcast v0, $0x8;
	v60 =	vbroadcast v1, $0x8  }
0x2bb: {  	v61 =	vbroadcast v0, $0x7;
	v38 =	vbroadcast v1, $0x7  }
0x2bc: {  	s18 =	simm.s32 $0x5100;
	v43 =	vbroadcast v0, $0x6;
	v42 =	vbroadcast v1, $0x6  }
0x2bd: {  	v2 =	vld [tilespmem:s18+$0x1C0];
	v8 =	vbroadcast v0, $0x5;
	v63 =	vbroadcast v1, $0x5  }
0x2be: {  	v4 =	vld [tilespmem:s18+$0x1E0];
	v16 =	vbroadcast v0, $0x4;
	v13 =	vbroadcast v1, $0x4  }
0x2bf: {  	v5 =	vld [tilespmem:s18+$0x180];
	v36 =	vbroadcast v0, $0x3;
	v11 =	vbroadcast v1, $0x3  }
0x2c0: {  	v6 =	vld [tilespmem:s18+$0x190];
	v12 =	vbroadcast v0, $0x2;
	v44 =	vbroadcast v1, $0x2  }
0x2c1: {  	v10 =	vbroadcast v0, $0x1;
	v9 =	vbroadcast v1, $0x1  }
0x2c2: {  	v3 =	vld [tilespmem:s18+$0x1D0];
	v20 =	vbroadcast v0, $0x0;
	v41 =	vbroadcast v1, $0x0  }
0x2c3: {  	v0 =	vld [tilespmem:s18+$0x1A0];
	v1 =	vmul.f32 v2, v18;
	v32 =	vmul.f32 v4, v18  }
0x2c4: {  	v54 =	vmul.f32 v4, v19;
	v58 =	vmul.f32 v5, v23  }
0x2c5: {  	v4 =	vmul.f32 v5, v22;
	v5 =	vmul.f32 v6, v23  }
0x2c6: {  	[tilespmem:$0x1FB20] =	vst v1;
	v1 =	vmul.f32 v2, v19  }
0x2c7: {  	v2 =	vmul.f32 v3, v18;
	[tilespmem:$0x1FB70] =	vst v5  }
0x2c8: {  	v35 =	vmul.f32 v0, v23;
	v0 =	vmul.f32 v0, v22;
	[tilespmem:$0x1FB30] =	vst v1  }
0x2c9: {  	v1 =	vld [tilespmem:s18+$0x140];
	[tilespmem:$0x1FB40] =	vst v2;
	v2 =	vmul.f32 v3, v19  }
0x2ca: {  	v5 =	vmul.f32 v6, v22;
	[tilespmem:$0x1FB90] =	vst v0;
	v0 =	vld [tilespmem:s18+$0xFFFFFE00]  }
0x2cb: {  	[tilespmem:$0x1FB50] =	vst v2;
	v2 =	vld [tilespmem:s18+$0x150]  }
0x2cc: {  	[tilespmem:$0x1FB80] =	vst v5;
	v5 =	vld [tilespmem:s18+$0xFFFFFE40];
	_ =	sdelay $0x1  }
0x2cd: {  	v3 =	vld [tilespmem:s18+$0x160];
	v6 =	vmul.f32 v1, v24;
	v1 =	vmul.f32 v1, v53  }
0x2ce: {  	[tilespmem:$0x1FB10] =	vst v21;
	v7 =	vld [tilespmem:s18+$0xFFFFFE80];
	v14 =	vmul.f32 v0, v20;
	v0 =	vmul.f32 v41, v0  }
0x2cf: {  	[tilespmem:$0x1FBB0] =	vst v1;
	v1 =	vld [tilespmem:s18+$0xFFFFFE10];
	v57 =	vmul.f32 v2, v24;
	v2 =	vmul.f32 v2, v53  }
0x2d0: {  	v21 =	vld [tilespmem:s18+$0xFFFFFEC0];
	[tilespmem:$0x1FBA0] =	vst v6;
	v6 =	vmul.f32 v5, v10  }
0x2d1: {  	v5 =	vmul.f32 v5, v9;
	v14 =	vadd.f32 v14, v17;
	v0 =	vadd.f32 v0, v17;
	[tilespmem:$0x1FBC0] =	vst v2;
	v2 =	vld [tilespmem:s18+$0xFFFFFE50]  }
0x2d2: {  	v59 =	vmul.f32 v3, v24  }
0x2d3: {  	v6 =	vadd.f32 v6, v14;
	v0 =	vadd.f32 v5, v0;
	v5 =	vld [tilespmem:s18+$0xFFFFFF00];
	v14 =	vmul.f32 v7, v12  }
0x2d4: {  	[tilespmem:$0x1FBD0] =	vst v20;
	v7 =	vmul.f32 v7, v44;
	v20 =	vmul.f32 v1, v20  }
0x2d5: {  	v15 =	vld [tilespmem:s18+$0xFFFFFE90];
	v1 =	vmul.f32 v1, v41;
	v6 =	vadd.f32 v14, v6;
	v14 =	vmul.f32 v21, v36  }
0x2d6: {  	v0 =	vadd.f32 v7, v0;
	v7 =	vld [tilespmem:s18+$0xFFFFFF40];
	v21 =	vmul.f32 v21, v11;
	v26 =	vmul.f32 v2, v10  }
0x2d7: {  	v27 =	vld [tilespmem:s18+$0xFFFFFED0];
	v20 =	vadd.f32 v20, v17;
	v1 =	vadd.f32 v1, v17;
	v2 =	vmul.f32 v2, v9  }
0x2d8: {  	v6 =	vadd.f32 v14, v6;
	v0 =	vadd.f32 v21, v0;
	v14 =	vmul.f32 v5, v16  }
0x2d9: {  	[tilespmem:$0x1FB60] =	vst v4;
	v4 =	vld [tilespmem:s18+$0xFFFFFF80];
	v5 =	vmul.f32 v5, v13;
	v20 =	vadd.f32 v26, v20;
	v1 =	vadd.f32 v2, v1  }
0x2da: {  	v26 =	vld [tilespmem:s18+$0xFFFFFF10];
	v2 =	vmul.f32 v15, v12;
	v15 =	vmul.f32 v15, v44;
	v6 =	vadd.f32 v14, v6  }
0x2db: {  	v21 =	vld [tilespmem:s18+$0xFFFFFF90];
	v0 =	vadd.f32 v5, v0;
	v14 =	vmul.f32 v7, v8;
	v7 =	vmul.f32 v7, v63  }
0x2dc: {  	v2 =	vadd.f32 v2, v20;
	v1 =	vadd.f32 v15, v1;
	v15 =	vld [tilespmem:s18+$0xFFFFFF50];
	v20 =	vmul.f32 v27, v36  }
0x2dd: {  	v62 =	vmul.f32 v3, v53;
	v27 =	vmul.f32 v27, v11  }
0x2de: {  	v3 =	vmul.f32 v4, v43;
	v5 =	vld [tilespmem:s18+$0x100];
	v0 =	vadd.f32 v7, v0;
	v2 =	vadd.f32 v20, v2  }
0x2df: {  	v7 =	vld [tilespmem:s18+$0x0];
	v1 =	vadd.f32 v27, v1;
	v20 =	vmul.f32 v26, v16;
	v26 =	vmul.f32 v26, v13  }
0x2e0: {  	v4 =	vmul.f32 v4, v42;
	v6 =	vadd.f32 v14, v6;
	v14 =	vmul.f32 v21, v43;
	v27 =	vld [tilespmem:s18+$0xFFFFFFC0]  }
0x2e1: {  	v2 =	vadd.f32 v20, v2;
	v20 =	vld [tilespmem:s18+$0xFFFFFFD0];
	v1 =	vadd.f32 v26, v1;
	v26 =	vmul.f32 v15, v8  }
0x2e2: {  	v21 =	vmul.f32 v21, v42;
	v0 =	vadd.f32 v4, v0;
	v4 =	vld [tilespmem:s18+$0x120];
	v15 =	vmul.f32 v15, v63  }
0x2e3: {  	v3 =	vadd.f32 v3, v6;
	v30 =	vmul.f32 v5, v28;
	v2 =	vadd.f32 v26, v2  }
0x2e4: {  	v6 =	vld [tilespmem:s18+$0x10];
	v39 =	vmul.f32 v5, v25;
	v5 =	vmul.f32 v7, v37;
	v1 =	vadd.f32 v15, v1  }
0x2e5: {  	v49 =	vld [tilespmem:s18+$0xFFFFFF20];
	v26 =	vmul.f32 v27, v61;
	v27 =	vmul.f32 v27, v38;
	v2 =	vadd.f32 v14, v2  }
0x2e6: {  	v1 =	vadd.f32 v21, v1;
	v21 =	vld [tilespmem:s18+$0x40];
	v14 =	vmul.f32 v20, v61;
	v20 =	vmul.f32 v20, v38  }
0x2e7: {  	[tilespmem:$0x1FBF0] =	vst v9;
	v7 =	vmul.f32 v7, v60;
	v15 =	vld [tilespmem:s18+$0x110];
	v9 =	vmul.f32 v4, v28  }
0x2e8: {  	v4 =	vmul.f32 v4, v25;
	v0 =	vadd.f32 v27, v0;
	v1 =	vadd.f32 v20, v1;
	v20 =	vld [tilespmem:s18+$0x50]  }
0x2e9: {  	v3 =	vadd.f32 v26, v3;
	v26 =	vld [tilespmem:s18+$0xC0];
	v27 =	vmul.f32 v6, v37;
	v6 =	vmul.f32 v6, v60  }
0x2ea: {  	v0 =	vadd.f32 v7, v0;
	v7 =	vld [tilespmem:s18+$0x80];
	v2 =	vadd.f32 v14, v2  }
0x2eb: {  	v50 =	vmul.f32 v49, v16;
	[tilespmem:$0x1FC10] =	vst v4;
	v4 =	vld [tilespmem:s18+$0xE0];
	v1 =	vadd.f32 v6, v1;
	v6 =	vmul.f32 v21, v33  }
0x2ec: {  	v3 =	vadd.f32 v5, v3;
	v5 =	vld [tilespmem:s18+$0xD0];
	v2 =	vadd.f32 v27, v2;
	v27 =	vmul.f32 v21, v34  }
0x2ed: {  	[tilespmem:$0x1FBE0] =	vst v10;
	v10 =	vmul.f32 v15, v28;
	v21 =	vld [tilespmem:s18+$0x90];
	v0 =	vadd.f32 v6, v0;
	v6 =	vmul.f32 v20, v33  }
0x2ee: {  	v14 =	vmul.f32 v15, v25;
	v3 =	vadd.f32 v27, v3;
	v27 =	vld [tilespmem:s18+$0xA0];
	v45 =	vmul.f32 v20, v34  }
0x2ef: {  	v52 =	vmul.f32 v7, v56;
	v1 =	vadd.f32 v6, v1;
	v6 =	vmul.f32 v7, v55  }
0x2f0: {  	v20 =	vld [tilespmem:s18+$0x60];
	v2 =	vadd.f32 v45, v2;
	v7 =	vmul.f32 v4, v31;
	v4 =	vmul.f32 v4, v29  }
0x2f1: {  	v40 =	vmul.f32 v26, v31;
	v26 =	vmul.f32 v26, v29;
	v45 =	vld [tilespmem:s18+$0xFFFFFFA0]  }
0x2f2: {  	v46 =	vmul.f32 v5, v31;
	[tilespmem:$0x1FC30] =	vst v4;
	v4 =	vmul.f32 v21, v56  }
0x2f3: {  	v47 =	vld [tilespmem:s18+$0x20];
	[tilespmem:$0x1FC00] =	vst v9;
	v0 =	vadd.f32 v6, v0;
	v6 =	vmul.f32 v21, v55;
	v9 =	vmul.f32 v27, v56  }
0x2f4: {  	v48 =	vld [tilespmem:s18+$0xFFFFFF60];
	[tilespmem:$0x1FC20] =	vst v7;
	v4 =	vadd.f32 v4, v2;
	v2 =	vmov v8;
	v8 =	vmul.f32 v27, v55  }
0x2f5: {  	v51 =	vld [tilespmem:s18+$0xFFFFFEE0];
	[tilespmem:$0x1FC40] =	vst v9;
	v1 =	vadd.f32 v6, v1;
	v6 =	vmul.f32 v20, v33;
	v0 =	vadd.f32 v26, v0  }
0x2f6: {  	v5 =	vmul.f32 v5, v29;
	v3 =	vadd.f32 v52, v3;
	v52 =	vld [tilespmem:s18+$0xFFFFFEA0];
	v26 =	vmul.f32 v45, v43;
	[tilespmem:$0x1FC50] =	vst v8  }
0x2f7: {  	v7 =	vld [tilespmem:s18+$0xFFFFFFE0];
	v8 =	vmul.f32 v20, v34;
	[tilespmem:$0x1FC70] =	vst v6;
	v39 =	vadd.f32 v39, v0;
	v0 =	vimm.f32 $0.0e+00  }
0x2f8: {  	p0 =	sne.s32 s21, $0x1;
	v27 =	vmul.f32 v45, v42;
	v6 =	vmul.f32 v47, v37;
	[tilespmem:$0x1FCA0] =	vst v0  }
.Ltmp10:
0x2f9: {  	v3 =	vadd.f32 v40, v3;
	v40 =	vmul.f32 v48, v2;
	v45 =	vmul.f32 v48, v63;
	[tilespmem:$0x1FC60] =	vst v8;
	(pc) =	sbr.rel @!p0 .LBB2_13-.Ltmp10, $4  }
0x2fa: {  	v48 =	vmul.f32 v51, v11;
	v4 =	vadd.f32 v46, v4;
	v0 =	vimm.f32 $0.0e+00;
	[tilespmem:$0x1FC80] =	vst v6  }
0x2fb: {  	v46 =	vmul.f32 v52, v12;
	v6 =	vmul.f32 v47, v60;
	[tilespmem:$0x1FCB0] =	vst v0;
	v0 =	vimm.f32 $0.0e+00  }
0x2fc: {  	v30 =	vadd.f32 v30, v3;
	v20 =	vmul.f32 v7, v61;
	v21 =	vmul.f32 v7, v38;
	v7 =	vld [tilespmem:s18+$0xFFFFFE20];
	[tilespmem:$0x1FCC0] =	vst v0  }
0x2fd: {  	s21 =	sadd.s32 $0xFFFFFFFF, s21;
	v47 =	vadd.f32 v5, v1;
	v5 =	vmul.f32 v51, v36;
	v51 =	vld [tilespmem:s18+$0xFFFFFE60];
	[tilespmem:$0x1FC90] =	vst v6;
	v6 =	vmul.f32 v49, v13  }
.LBB2_12:
0x2fe: {  	v1 =	vld [tilespmem:$0x1FBA0];
	_ =	sdelay $0x4  }
0x2ff: {  	v30 =	vadd.f32 v1, v30;
	v1 =	vld [tilespmem:$0x1FBB0];
	_ =	sdelay $0x4  }
0x300: {  	v39 =	vadd.f32 v1, v39;
	v1 =	vld [tilespmem:$0x1FBC0];
	_ =	sdelay $0x2  }
0x301: {  	v14 =	vadd.f32 v14, v47  }
0x302: {  	v49 =	vld [tilespmem:s18+$0xFFFFFE30]  }
0x303: {  	v14 =	vadd.f32 v1, v14;
	v1 =	vld [tilespmem:$0x1FBD0];
	_ =	sdelay $0x2  }
0x304: {  	v4 =	vadd.f32 v10, v4  }
0x305: {  	v52 =	vmul.f32 v52, v44  }
0x306: {  	v8 =	vmovc v44;
	v4 =	vadd.f32 v57, v4;
	v57 =	vmul.f32 v7, v1;
	v44 =	vmul.f32 v49, v1;
	v1 =	vld [tilespmem:$0x1FB20];
	_ =	sdelay $0x2  }
0x307: {  	v30 =	vadd.f32 v58, v30;
	_ =	sdelay $0x1  }
0x308: {  	v3 =	vld [tilespmem:$0x1FB60];
	v1 =	vadd.f32 v1, v30;
	_ =	sdelay $0x1  }
0x309: {  	[tilespmem:$0x1F9C0] =	vst v1;
	v1 =	vld [tilespmem:$0x1FB30];
	_ =	sdelay $0x2  }
0x30a: {  	v39 =	vadd.f32 v3, v39;
	_ =	sdelay $0x1  }
0x30b: {  	v3 =	vld [tilespmem:$0x1FB70];
	v1 =	vadd.f32 v1, v39;
	_ =	sdelay $0x1  }
0x30c: {  	[tilespmem:$0x1F9D0] =	vst v1;
	v1 =	vld [tilespmem:$0x1FB40];
	_ =	sdelay $0x2  }
0x30d: {  	v4 =	vadd.f32 v3, v4;
	_ =	sdelay $0x1  }
0x30e: {  	v3 =	vld [tilespmem:$0x1FB80];
	v1 =	vadd.f32 v1, v4;
	_ =	sdelay $0x1  }
0x30f: {  	[tilespmem:$0x1F9E0] =	vst v1;
	v1 =	vld [tilespmem:$0x1FB50];
	_ =	sdelay $0x2  }
0x310: {  	v14 =	vadd.f32 v3, v14;
	_ =	sdelay $0x1  }
0x311: {  	v0 =	vld [tilespmem:$0x1FBE0];
	v1 =	vadd.f32 v1, v14  }
0x312: {  	v9 =	vld [tilespmem:$0x1FBF0]  }
0x313: {  	[tilespmem:$0x1F9F0] =	vst v1;
	v1 =	vld [tilespmem:$0x1FCA0];
	_ =	sdelay $0x2  }
0x314: {  	v7 =	vmul.f32 v7, v41  }
0x315: {  	v15 =	vmul.f32 v51, v0;
	v47 =	vmul.f32 v51, v9;
	v51 =	vld [tilespmem:s18+$0xFFFFFE70]  }
0x316: {  	v3 =	vadd.f32 v7, v1;
	v1 =	vld [tilespmem:$0x1FCC0]  }
0x317: {  	v4 =	vadd.f32 v57, v17;
	_ =	sdelay $0x1  }
0x318: {  	v30 =	vmul.f32 v49, v41;
	v4 =	vadd.f32 v15, v4;
	_ =	sdelay $0x1  }
0x319: {  	v4 =	vadd.f32 v46, v4;
	v14 =	vmul.f32 v51, v9;
	v1 =	vadd.f32 v30, v1  }
0x31a: {  	v7 =	vmul.f32 v51, v0;
	v0 =	vld [tilespmem:$0x1FCB0];
	v3 =	vadd.f32 v47, v3  }
0x31b: {  	v4 =	vadd.f32 v5, v4;
	v1 =	vadd.f32 v14, v1;
	v14 =	vld [tilespmem:s18+$0xFFFFFF70]  }
0x31c: {  	v3 =	vadd.f32 v52, v3  }
0x31d: {  	v58 =	vld [tilespmem:s18+$0xFFFFFEB0];
	v4 =	vadd.f32 v50, v4  }
0x31e: {  	v3 =	vadd.f32 v48, v3  }
0x31f: {  	v4 =	vadd.f32 v40, v4  }
0x320: {  	v0 =	vadd.f32 v44, v0;
	v3 =	vadd.f32 v6, v3;
	v6 =	vmul.f32 v14, v2;
	v2 =	vld [tilespmem:$0x1FC80]  }
0x321: {  	v4 =	vadd.f32 v26, v4  }
0x322: {  	v0 =	vadd.f32 v7, v0;
	v7 =	vmul.f32 v58, v8;
	v8 =	vld [tilespmem:$0x1FC60]  }
0x323: {  	v4 =	vadd.f32 v20, v4  }
0x324: {  	v3 =	vadd.f32 v45, v3  }
0x325: {  	v4 =	vadd.f32 v2, v4;
	v2 =	vld [tilespmem:$0x1FC90]  }
0x326: {  	v3 =	vadd.f32 v27, v3  }
0x327: {  	v4 =	vadd.f32 v8, v4;
	v8 =	vld [tilespmem:$0x1FC70]  }
0x328: {  	v3 =	vadd.f32 v21, v3;
	_ =	sdelay $0x1  }
0x329: {  	v2 =	vadd.f32 v2, v3;
	_ =	sdelay $0x1  }
0x32a: {  	v2 =	vadd.f32 v8, v2;
	v8 =	vld [tilespmem:$0x1FC40]  }
0x32b: {  	v49 =	vld [tilespmem:s18+$0xFFFFFEF0];
	_ =	sdelay $0x1  }
0x32c: {  	v30 =	vld [tilespmem:s18+$0xFFFFFF30]  }
0x32d: {  	v15 =	vmul.f32 v58, v12  }
0x32e: {  	v4 =	vadd.f32 v8, v4;
	v8 =	vld [tilespmem:$0x1FC50]  }
0x32f: {  	v36 =	vmul.f32 v49, v36;
	v0 =	vadd.f32 v15, v0  }
0x330: {  	v1 =	vadd.f32 v7, v1;
	v7 =	vmul.f32 v49, v11;
	v15 =	vld [tilespmem:s18+$0xFFFFFFB0]  }
0x331: {  	v5 =	vmul.f32 v30, v16;
	v0 =	vadd.f32 v36, v0  }
0x332: {  	v1 =	vadd.f32 v7, v1;
	v7 =	vmul.f32 v30, v13;
	v30 =	vld [tilespmem:s18+$0xFFFFFFF0]  }
0x333: {  	v0 =	vadd.f32 v5, v0;
	v2 =	vadd.f32 v8, v2;
	v8 =	vld [tilespmem:$0x1FC20]  }
0x334: {  	v1 =	vadd.f32 v7, v1;
	v5 =	vmul.f32 v14, v63;
	v7 =	vld [tilespmem:s18+$0x30]  }
0x335: {  	v14 =	vmul.f32 v15, v43;
	v0 =	vadd.f32 v6, v0  }
0x336: {  	v1 =	vadd.f32 v5, v1;
	v5 =	vmul.f32 v15, v42  }
0x337: {  	v6 =	vld [tilespmem:s18+$0x70];
	v15 =	vmul.f32 v30, v61;
	v0 =	vadd.f32 v14, v0  }
0x338: {  	v1 =	vadd.f32 v5, v1;
	v5 =	vmul.f32 v30, v38;
	v4 =	vadd.f32 v8, v4;
	v8 =	vld [tilespmem:$0x1FC30]  }
0x339: {  	v14 =	vld [tilespmem:s18+$0xB0];
	v20 =	vmul.f32 v7, v37;
	v0 =	vadd.f32 v15, v0  }
0x33a: {  	v1 =	vadd.f32 v5, v1;
	v5 =	vmul.f32 v7, v60  }
0x33b: {  	v7 =	vld [tilespmem:s18+$0xF0];
	v0 =	vadd.f32 v20, v0  }
0x33c: {  	v1 =	vadd.f32 v5, v1;
	v5 =	vmul.f32 v6, v33;
	v3 =	vmul.f32 v6, v34;
	v6 =	vld [tilespmem:s18+$0x130]  }
0x33d: {  	v2 =	vadd.f32 v8, v2;
	v8 =	vld [tilespmem:$0x1FC00]  }
0x33e: {  	v1 =	vadd.f32 v5, v1;
	v0 =	vadd.f32 v3, v0;
	v3 =	vmul.f32 v14, v55  }
0x33f: {  	s19 =	sadd.s32 $0x10, s19;
	v5 =	vld [tilespmem:s18+$0x170]  }
0x340: {  	v15 =	vmul.f32 v14, v56;
	v14 =	vld [tilespmem:s19+$0x0];
	v1 =	vadd.f32 v3, v1;
	v3 =	vmul.f32 v7, v29  }
0x341: {  	v13 =	vmul.f32 v7, v31;
	v7 =	vld [tilespmem:s18+$0x1B0]  }
0x342: {  	v1 =	vadd.f32 v3, v1;
	v3 =	vmul.f32 v6, v25;
	v4 =	vadd.f32 v8, v4;
	v8 =	vld [tilespmem:$0x1FC10];
	_ =	sdelay $0x1  }
0x343: {  	v1 =	vadd.f32 v3, v1;
	v3 =	vmul.f32 v5, v53  }
0x344: {  	v0 =	vadd.f32 v15, v0;
	v11 =	vmul.f32 v6, v28;
	v9 =	vmul.f32 v5, v24  }
0x345: {  	v63 =	vbroadcast v14, $0xF;
	v28 =	vbroadcast v14, $0xC;
	v1 =	vadd.f32 v3, v1  }
0x346: {  	s20 =	sadd.s32 $0x10, s20;
	v3 =	vmul.f32 v7, v22;
	v2 =	vadd.f32 v8, v2;
	v8 =	vmul.f32 v7, v23;
	v7 =	vld [tilespmem:$0x1FB90]  }
0x347: {  	v31 =	vbroadcast v14, $0xB;
	v56 =	vbroadcast v14, $0xA;
	v5 =	vld [tilespmem:s20+$0x0]  }
0x348: {  	v0 =	vadd.f32 v13, v0;
	v34 =	vbroadcast v14, $0x9;
	v38 =	vbroadcast v14, $0x8  }
0x349: {  	v48 =	vbroadcast v14, $0x7;
	v43 =	vbroadcast v14, $0x6;
	v2 =	vadd.f32 v62, v2  }
0x34a: {  	v6 =	vld [tilespmem:s18+$0x1F0];
	v45 =	vbroadcast v14, $0x5;
	v39 =	vbroadcast v14, $0x4;
	v0 =	vadd.f32 v11, v0  }
0x34b: {  	v36 =	vbroadcast v14, $0x3;
	v49 =	vbroadcast v14, $0x2;
	v2 =	vadd.f32 v7, v2  }
0x34c: {  	v0 =	vadd.f32 v9, v0;
	v22 =	vbroadcast v14, $0x1;
	v24 =	vbroadcast v5, $0xD  }
0x34d: {  	v25 =	vbroadcast v5, $0xC;
	v4 =	vadd.f32 v59, v4;
	v2 =	vadd.f32 v54, v2  }
0x34e: {  	s18 =	sadd.s32 $0x400, s18;
	v29 =	vbroadcast v5, $0xB;
	v55 =	vbroadcast v5, $0xA  }
0x34f: {  	v4 =	vadd.f32 v35, v4;
	v0 =	vadd.f32 v8, v0;
	v7 =	vmul.f32 v6, v18;
	[tilespmem:$0x1FCA0] =	vst v2;
	v2 =	vld [tilespmem:s18+$0x1C0]  }
0x350: {  	v1 =	vadd.f32 v3, v1;
	v33 =	vbroadcast v5, $0x9;
	v37 =	vbroadcast v5, $0x8  }
0x351: {  	v3 =	vadd.f32 v32, v4;
	v4 =	vld [tilespmem:s18+$0x1D0];
	v6 =	vmul.f32 v6, v19;
	v0 =	vadd.f32 v7, v0  }
0x352: {  	v51 =	vbroadcast v5, $0x7;
	v42 =	vbroadcast v5, $0x6  }
0x353: {  	v30 =	vbroadcast v5, $0x5;
	v15 =	vbroadcast v5, $0x4;
	[tilespmem:$0x1FCB0] =	vst v0;
	v0 =	vadd.f32 v6, v1;
	v6 =	vld [tilespmem:s18+$0x1E0]  }
0x354: {  	v47 =	vbroadcast v5, $0x3;
	v8 =	vmul.f32 v2, v63  }
0x355: {  	v44 =	vbroadcast v5, $0x2;
	v41 =	vbroadcast v5, $0x0;
	[tilespmem:$0x1FA70] =	vst v3;
	v7 =	vld [tilespmem:s18+$0x180]  }
0x356: {  	v23 =	vbroadcast v5, $0x1;
	[tilespmem:$0x1FB20] =	vst v8;
	v8 =	vmul.f32 v4, v63  }
0x357: {  	v3 =	vbroadcast v5, $0xF;
	[tilespmem:$0x1FCC0] =	vst v0;
	v0 =	vbroadcast v5, $0xE;
	v5 =	vld [tilespmem:s18+$0x190]  }
0x358: {  	v1 =	vbroadcast v14, $0xE;
	[tilespmem:$0x1FB40] =	vst v8;
	v8 =	vmul.f32 v6, v63  }
0x359: {  	v32 =	vbroadcast v14, $0xD;
	v18 =	vbroadcast v14, $0x0;
	v14 =	vld [tilespmem:s18+$0x1A0]  }
0x35a: {  	[tilespmem:$0x1FA30] =	vst v8;
	v8 =	vmul.f32 v7, v1  }
0x35b: {  	v2 =	vmul.f32 v2, v3  }
0x35c: {  	[tilespmem:$0x1FA00] =	vst v8;
	v8 =	vmul.f32 v5, v1  }
0x35d: {  	[tilespmem:$0x1FB30] =	vst v2;
	v2 =	vld [tilespmem:s18+$0x140];
	v4 =	vmul.f32 v4, v3  }
0x35e: {  	[tilespmem:$0x1FB70] =	vst v8;
	v8 =	vmul.f32 v14, v1  }
0x35f: {  	[tilespmem:$0x1FB50] =	vst v4;
	v4 =	vld [tilespmem:s18+$0x150];
	v7 =	vmul.f32 v7, v0  }
0x360: {  	[tilespmem:$0x1FA20] =	vst v8;
	v8 =	vmul.f32 v14, v0  }
0x361: {  	[tilespmem:$0x1FB60] =	vst v7;
	v7 =	vld [tilespmem:s18+$0x100];
	v5 =	vmul.f32 v5, v0  }
0x362: {  	[tilespmem:$0x1FB90] =	vst v8;
	v8 =	vmul.f32 v2, v32  }
0x363: {  	[tilespmem:$0x1FB80] =	vst v5;
	v5 =	vld [tilespmem:s18+$0x110]  }
0x364: {  	[tilespmem:$0x1FBA0] =	vst v8;
	v8 =	vmul.f32 v4, v32  }
0x365: {  	v20 =	vld [tilespmem:s18+$0x120];
	v6 =	vmul.f32 v6, v3  }
0x366: {  	[tilespmem:$0x1FA10] =	vst v8;
	v8 =	vmul.f32 v7, v28  }
0x367: {  	[tilespmem:$0x1FA40] =	vst v6;
	v2 =	vmul.f32 v2, v24  }
0x368: {  	v6 =	vld [tilespmem:s18+$0x160];
	[tilespmem:$0x1FAE0] =	vst v8;
	v8 =	vmul.f32 v5, v28  }
0x369: {  	[tilespmem:$0x1FBB0] =	vst v2;
	v2 =	vld [tilespmem:s18+$0xC0];
	v4 =	vmul.f32 v4, v24  }
0x36a: {  	[tilespmem:$0x1FB00] =	vst v8;
	v8 =	vmul.f32 v20, v28  }
0x36b: {  	[tilespmem:$0x1FBC0] =	vst v4;
	v4 =	vld [tilespmem:s18+$0xD0]  }
0x36c: {  	[tilespmem:$0x1FC00] =	vst v8;
	v8 =	vmul.f32 v20, v25  }
0x36d: {  	v50 =	vmul.f32 v6, v32;
	v46 =	vmul.f32 v6, v24;
	v6 =	vld [tilespmem:s18+$0xE0]  }
0x36e: {  	[tilespmem:$0x1FC10] =	vst v8;
	v8 =	vmul.f32 v2, v31  }
0x36f: {  	v7 =	vmul.f32 v7, v25  }
0x370: {  	[tilespmem:$0x1FAA0] =	vst v8;
	v8 =	vmul.f32 v4, v31;
	v4 =	vmul.f32 v4, v29  }
0x371: {  	[tilespmem:$0x1FAF0] =	vst v7;
	v7 =	vld [tilespmem:s18+$0x80]  }
0x372: {  	[tilespmem:$0x1FAD0] =	vst v4;
	v4 =	vmul.f32 v6, v31;
	_ =	sdelay $0x1  }
0x373: {  	[tilespmem:$0x1FC20] =	vst v4;
	v4 =	vmul.f32 v6, v29  }
0x374: {  	v14 =	vmul.f32 v5, v25;
	v5 =	vld [tilespmem:s18+$0x90]  }
0x375: {  	[tilespmem:$0x1FC30] =	vst v4;
	v4 =	vmul.f32 v7, v56  }
0x376: {  	v12 =	vld [tilespmem:s18+$0xFFFFFE00]  }
0x377: {  	v20 =	vld [tilespmem:s18+$0xA0];
	[tilespmem:$0x1FA50] =	vst v4;
	v4 =	vmul.f32 v7, v55  }
0x378: {  	v6 =	vld [tilespmem:$0x1F9C0]  }
0x379: {  	[tilespmem:$0x1FA60] =	vst v4;
	v4 =	vmul.f32 v5, v56;
	_ =	sdelay $0x1  }
0x37a: {  	v17 =	vmul.f32 v12, v18;
	[tilespmem:$0x1FA80] =	vst v4;
	v4 =	vmul.f32 v5, v55  }
0x37b: {  	v61 =	vld [tilespmem:s18+$0x10]  }
0x37c: {  	v17 =	vadd.f32 v17, v6;
	v6 =	vld [tilespmem:$0x1F9D0];
	[tilespmem:$0x1FA90] =	vst v4;
	v4 =	vmul.f32 v20, v56  }
0x37d: {  	v57 =	vld [tilespmem:s18+$0xFFFFFE10]  }
0x37e: {  	v2 =	vmul.f32 v2, v29;
	[tilespmem:$0x1FC40] =	vst v4;
	v4 =	vmul.f32 v20, v55;
	v20 =	vld [tilespmem:s18+$0x20]  }
0x37f: {  	v9 =	vld [tilespmem:s18+$0xFFFFFEC0];
	v12 =	vmul.f32 v41, v12  }
0x380: {  	[tilespmem:$0x1FAB0] =	vst v2;
	v2 =	vld [tilespmem:s18+$0x40]  }
0x381: {  	v12 =	vadd.f32 v12, v6;
	v6 =	vld [tilespmem:$0x1F9E0]  }
0x382: {  	v26 =	vld [tilespmem:s18+$0x60]  }
0x383: {  	v62 =	vld [tilespmem:s18+$0xFFFFFFC0];
	[tilespmem:$0x1FBD0] =	vst v18;
	v10 =	vmul.f32 v20, v38  }
0x384: {  	v59 =	vld [tilespmem:s18+$0xFFFFFE50];
	v18 =	vmul.f32 v57, v18;
	[tilespmem:$0x1FAC0] =	vst v8  }
0x385: {  	v40 =	vmul.f32 v61, v37;
	v8 =	vld [tilespmem:s18+$0xFFFFFF00];
	[tilespmem:$0x1FC80] =	vst v10;
	v10 =	vmul.f32 v20, v37  }
0x386: {  	v60 =	vmul.f32 v9, v36;
	v52 =	vmul.f32 v2, v33;
	[tilespmem:$0x1FC50] =	vst v4;
	v18 =	vadd.f32 v18, v6;
	v6 =	vld [tilespmem:$0x1F9F0]  }
0x387: {  	v4 =	vmul.f32 v2, v34;
	v2 =	vmul.f32 v26, v34;
	[tilespmem:$0x1FC90] =	vst v10;
	v10 =	vld [tilespmem:s18+$0xFFFFFE40]  }
0x388: {  	v9 =	vmul.f32 v9, v47;
	v35 =	vmul.f32 v62, v48  }
0x389: {  	v53 =	vmul.f32 v62, v51;
	[tilespmem:$0x1FC60] =	vst v2;
	v2 =	vmul.f32 v26, v33;
	v20 =	vld [tilespmem:s18+$0xFFFFFE80]  }
0x38a: {  	v16 =	vld [tilespmem:s18+$0xFFFFFE90];
	v57 =	vmul.f32 v57, v41;
	v58 =	vmul.f32 v8, v39  }
0x38b: {  	v21 =	vld [tilespmem:s18+$0x50];
	v8 =	vmul.f32 v8, v15;
	[tilespmem:$0x1FC70] =	vst v2;
	v2 =	vmul.f32 v61, v38  }
0x38c: {  	v19 =	vld [tilespmem:s18+$0xFFFFFED0];
	v57 =	vadd.f32 v57, v6;
	v6 =	vmul.f32 v59, v23;
	v62 =	vmul.f32 v10, v22  }
0x38d: {  	[tilespmem:$0x1FBE0] =	vst v22;
	v26 =	vld [tilespmem:s18+$0xFFFFFF40];
	v10 =	vmul.f32 v10, v23;
	v22 =	vmul.f32 v59, v22  }
0x38e: {  	[tilespmem:$0x1FBF0] =	vst v23;
	v61 =	vmul.f32 v20, v49;
	v20 =	vmul.f32 v20, v44;
	v23 =	vld [tilespmem:s18+$0xFFFFFF10];
	v17 =	vadd.f32 v62, v17  }
0x38f: {  	v27 =	vld [tilespmem:s18+$0x0];
	v10 =	vadd.f32 v10, v12;
	v12 =	vmul.f32 v16, v49;
	v18 =	vadd.f32 v22, v18  }
0x390: {  	v7 =	vmul.f32 v21, v33;
	v5 =	vmul.f32 v21, v34;
	v62 =	vmovc v46;
	v46 =	vld [tilespmem:s18+$0xFFFFFF50];
	v17 =	vadd.f32 v61, v17  }
0x391: {  	v21 =	vld [tilespmem:s18+$0xFFFFFF80];
	v10 =	vadd.f32 v20, v10;
	v20 =	vmul.f32 v19, v36;
	v12 =	vadd.f32 v12, v18  }
0x392: {  	v13 =	vmul.f32 v26, v45;
	v18 =	vmul.f32 v19, v47;
	v19 =	vld [tilespmem:s18+$0xFFFFFF90];
	v17 =	vadd.f32 v60, v17  }
0x393: {  	v9 =	vadd.f32 v9, v10;
	v10 =	vmul.f32 v23, v39;
	v12 =	vadd.f32 v20, v12  }
0x394: {  	v6 =	vadd.f32 v6, v57;
	v16 =	vmul.f32 v16, v44;
	v20 =	vld [tilespmem:s18+$0xFFFFFFD0];
	v17 =	vadd.f32 v58, v17  }
0x395: {  	v8 =	vadd.f32 v8, v9;
	v10 =	vadd.f32 v10, v12;
	v9 =	vmul.f32 v46, v45  }
0x396: {  	v11 =	vmul.f32 v21, v43;
	v16 =	vadd.f32 v16, v6;
	v13 =	vadd.f32 v13, v17  }
0x397: {  	v54 =	vmul.f32 v27, v38;
	v17 =	vmul.f32 v19, v43;
	v9 =	vadd.f32 v9, v10  }
0x398: {  	v16 =	vadd.f32 v18, v16;
	v18 =	vmul.f32 v23, v15;
	v11 =	vadd.f32 v11, v13  }
0x399: {  	v26 =	vmul.f32 v26, v30;
	v22 =	vmovc v0;
	v0 =	vmul.f32 v20, v48;
	v9 =	vadd.f32 v17, v9  }
0x39a: {  	v21 =	vmul.f32 v21, v42;
	v12 =	vadd.f32 v18, v16;
	v11 =	vadd.f32 v35, v11  }
0x39b: {  	v16 =	vmul.f32 v46, v30;
	v8 =	vadd.f32 v26, v8;
	v9 =	vadd.f32 v0, v9;
	v0 =	vld [tilespmem:$0x1FA50]  }
0x39c: {  	v11 =	vadd.f32 v54, v11  }
0x39d: {  	v10 =	vadd.f32 v16, v12;
	v12 =	vmul.f32 v19, v42;
	v8 =	vadd.f32 v21, v8  }
0x39e: {  	v27 =	vmul.f32 v27, v37;
	v11 =	vadd.f32 v4, v11  }
0x39f: {  	v10 =	vadd.f32 v12, v10;
	v12 =	vmul.f32 v20, v51;
	v8 =	vadd.f32 v53, v8  }
0x3a0: {  	v23 =	vmov v1;
	v1 =	vadd.f32 v0, v11;
	v0 =	vld [tilespmem:$0x1FA60]  }
0x3a1: {  	v10 =	vadd.f32 v12, v10;
	v8 =	vadd.f32 v27, v8;
	_ =	sdelay $0x1  }
0x3a2: {  	v10 =	vadd.f32 v40, v10;
	v8 =	vadd.f32 v52, v8;
	_ =	sdelay $0x1  }
0x3a3: {  	v10 =	vadd.f32 v7, v10;
	v7 =	vadd.f32 v0, v8;
	v0 =	vld [tilespmem:$0x1FA80]  }
0x3a4: {  	v9 =	vadd.f32 v2, v9;
	_ =	sdelay $0x1  }
0x3a5: {  	v9 =	vadd.f32 v5, v9;
	_ =	sdelay $0x1  }
0x3a6: {  	v4 =	vadd.f32 v0, v9;
	v0 =	vld [tilespmem:$0x1FA90];
	_ =	sdelay $0x4  }
0x3a7: {  	v8 =	vadd.f32 v0, v10;
	v0 =	vld [tilespmem:$0x1FAA0];
	_ =	sdelay $0x4  }
0x3a8: {  	v9 =	vadd.f32 v0, v1;
	v0 =	vld [tilespmem:$0x1FAB0];
	_ =	sdelay $0x4  }
0x3a9: {  	v10 =	vadd.f32 v0, v7;
	v0 =	vld [tilespmem:$0x1FAC0];
	_ =	sdelay $0x2  }
0x3aa: {  	v18 =	vld [tilespmem:s18+$0xFFFFFFE0]  }
0x3ab: {  	v12 =	vld [tilespmem:s18+$0xFFFFFEE0]  }
0x3ac: {  	v4 =	vadd.f32 v0, v4;
	v0 =	vld [tilespmem:$0x1FAD0]  }
0x3ad: {  	v57 =	vld [tilespmem:$0x1FA10]  }
0x3ae: {  	v58 =	vld [tilespmem:$0x1FA00]  }
0x3af: {  	v16 =	vld [tilespmem:s18+$0xFFFFFFA0]  }
0x3b0: {  	v61 =	vmov v48;
	v19 =	vld [tilespmem:s18+$0xFFFFFF60]  }
0x3b1: {  	v20 =	vmul.f32 v18, v48;
	v48 =	vmul.f32 v12, v47;
	v11 =	vmovc v47;
	v47 =	vadd.f32 v0, v8;
	v0 =	vld [tilespmem:$0x1FAE0]  }
0x3b2: {  	v17 =	vld [tilespmem:s18+$0xFFFFFF20]  }
0x3b3: {  	v60 =	vmovc v37;
	v37 =	vmov v38;
	v38 =	vmov v51;
	v21 =	vmul.f32 v18, v51;
	v51 =	vld [tilespmem:s18+$0xFFFFFE60]  }
0x3b4: {  	v35 =	vld [tilespmem:$0x1FA20]  }
0x3b5: {  	v18 =	vmov v63;
	v63 =	vmov v30;
	v52 =	vld [tilespmem:s18+$0xFFFFFEA0]  }
0x3b6: {  	p0 =	sne.s32 s21, $0x1;
	v2 =	vmovc v45;
	v40 =	vmul.f32 v19, v45;
	v45 =	vmul.f32 v19, v30;
	v30 =	vadd.f32 v0, v9;
	v0 =	vld [tilespmem:$0x1FAF0]  }
.Ltmp11:
0x3b7: {  	v53 =	vmov v24;
	v24 =	vmov v32;
	v32 =	vld [tilespmem:$0x1FA30];
	(pc) =	sbr.rel @p0 .LBB2_12-.Ltmp11, $4  }
0x3b8: {  	v54 =	vld [tilespmem:$0x1FA40]  }
0x3b9: {  	v59 =	vmov v50;
	v50 =	vmul.f32 v17, v39;
	v6 =	vmul.f32 v17, v15;
	v17 =	vld [tilespmem:$0x1FA70]  }
0x3ba: {  	v13 =	vmovc v15;
	v26 =	vmul.f32 v16, v43;
	v27 =	vmul.f32 v16, v42;
	v16 =	vmovc v39;
	v19 =	vmov v3;
	v7 =	vld [tilespmem:s18+$0xFFFFFE20]  }
0x3bb: {  	s21 =	sadd.s32 $0xFFFFFFFF, s21;
	v5 =	vmul.f32 v12, v36;
	v12 =	vmovc v49;
	v46 =	vmul.f32 v52, v49;
	v39 =	vadd.f32 v0, v10;
	v10 =	vld [tilespmem:$0x1FB00]  }
.LBB2_13:
0x3bc: {  	v0 =	vld [tilespmem:$0x1FBA0];
	_ =	sdelay $0x4  }
0x3bd: {  	v9 =	vadd.f32 v0, v30;
	v0 =	vld [tilespmem:$0x1FBB0];
	_ =	sdelay $0x4  }
0x3be: {  	v8 =	vadd.f32 v14, v47;
	v47 =	vadd.f32 v0, v39;
	v0 =	vld [tilespmem:$0x1FBC0];
	_ =	sdelay $0x4  }
0x3bf: {  	v8 =	vadd.f32 v0, v8;
	v0 =	vld [tilespmem:$0x1FB60];
	_ =	sdelay $0x4  }
0x3c0: {  	v4 =	vadd.f32 v10, v4;
	v10 =	vadd.f32 v0, v47;
	v0 =	vld [tilespmem:$0x1FB70];
	_ =	sdelay $0x2  }
0x3c1: {  	v4 =	vadd.f32 v57, v4;
	_ =	sdelay $0x1  }
0x3c2: {  	v4 =	vadd.f32 v0, v4;
	v0 =	vld [tilespmem:$0x1FB80];
	_ =	sdelay $0x4  }
0x3c3: {  	v8 =	vadd.f32 v0, v8;
	v0 =	vld [tilespmem:$0x1FB20];
	_ =	sdelay $0x2  }
0x3c4: {  	v9 =	vadd.f32 v58, v9;
	_ =	sdelay $0x1  }
0x3c5: {  	v9 =	vadd.f32 v0, v9;
	v0 =	vld [tilespmem:$0x1FB30];
	_ =	sdelay $0x3  }
0x3c6: {  	v49 =	vld [tilespmem:s18+$0xFFFFFE30]  }
0x3c7: {  	v14 =	vadd.f32 v0, v10;
	v0 =	vld [tilespmem:$0x1FBD0];
	_ =	sdelay $0x4  }
0x3c8: {  	v57 =	vmul.f32 v7, v0;
	v15 =	vmul.f32 v49, v0;
	v0 =	vmov v41  }
0x3c9: {  	v39 =	vmov v11;
	v11 =	vmul.f32 v49, v0;
	v0 =	vld [tilespmem:$0x1FB50]  }
0x3ca: {  	v1 =	vld [tilespmem:$0x1FB40];
	_ =	sdelay $0x3  }
0x3cb: {  	v30 =	vmov v13;
	v13 =	vmul.f32 v7, v41;
	v7 =	vadd.f32 v0, v8;
	v0 =	vld [tilespmem:$0x1FCA0]  }
0x3cc: {  	v4 =	vadd.f32 v1, v4;
	v1 =	vld [tilespmem:$0x1FCC0]  }
0x3cd: {  	v8 =	vadd.f32 v57, v17;
	v57 =	vld [tilespmem:$0x1FBE0]  }
0x3ce: {  	v49 =	vld [tilespmem:$0x1FBF0]  }
0x3cf: {  	v47 =	vmov v12;
	v12 =	vld [tilespmem:s18+$0xFFFFFE70]  }
0x3d0: {  	v3 =	vadd.f32 v13, v0;
	v0 =	vld [tilespmem:$0x1FCB0]  }
0x3d1: {  	v41 =	vmov v36;
	v36 =	vmov v16;
	v16 =	vld [tilespmem:s18+$0xFFFFFEB0]  }
0x3d2: {  	v58 =	vmul.f32 v51, v57  }
0x3d3: {  	v1 =	vadd.f32 v11, v1;
	v17 =	vld [tilespmem:s18+$0xFFFFFEF0];
	v13 =	vmul.f32 v51, v49  }
0x3d4: {  	v51 =	vmul.f32 v12, v57;
	v12 =	vmul.f32 v12, v49;
	v8 =	vadd.f32 v58, v8  }
0x3d5: {  	v57 =	vld [tilespmem:s18+$0xFFFFFF30];
	v3 =	vadd.f32 v13, v3;
	v0 =	vadd.f32 v15, v0  }
0x3d6: {  	v1 =	vadd.f32 v12, v1;
	v12 =	vmul.f32 v16, v44;
	v8 =	vadd.f32 v46, v8  }
0x3d7: {  	v58 =	vmul.f32 v52, v44;
	v13 =	vmul.f32 v16, v47;
	v15 =	vld [tilespmem:s18+$0xFFFFFF70];
	v0 =	vadd.f32 v51, v0  }
0x3d8: {  	v1 =	vadd.f32 v12, v1;
	v12 =	vmul.f32 v17, v39;
	v5 =	vadd.f32 v5, v8  }
0x3d9: {  	v3 =	vadd.f32 v58, v3;
	v46 =	vmul.f32 v17, v41;
	v0 =	vadd.f32 v13, v0  }
0x3da: {  	v10 =	vmul.f32 v57, v30;
	v8 =	vld [tilespmem:s18+$0xFFFFFFB0];
	v1 =	vadd.f32 v12, v1;
	v5 =	vadd.f32 v50, v5  }
0x3db: {  	v47 =	vmul.f32 v57, v36;
	v3 =	vadd.f32 v48, v3;
	v0 =	vadd.f32 v46, v0  }
0x3dc: {  	v12 =	vld [tilespmem:s18+$0xFFFFFFF0];
	v1 =	vadd.f32 v10, v1;
	v48 =	vmul.f32 v15, v63;
	v5 =	vadd.f32 v40, v5  }
0x3dd: {  	v49 =	vld [tilespmem:s18+$0x30];
	v3 =	vadd.f32 v6, v3;
	v6 =	vmul.f32 v15, v2;
	v0 =	vadd.f32 v47, v0  }
0x3de: {  	v2 =	vld [tilespmem:$0x1FC80];
	v1 =	vadd.f32 v48, v1;
	v5 =	vadd.f32 v26, v5  }
0x3df: {  	v0 =	vadd.f32 v6, v0;
	v6 =	vmul.f32 v8, v43;
	v8 =	vmul.f32 v8, v42;
	_ =	sdelay $0x1  }
0x3e0: {  	v5 =	vadd.f32 v20, v5;
	v1 =	vadd.f32 v8, v1;
	v8 =	vmul.f32 v12, v38  }
0x3e1: {  	v50 =	vld [tilespmem:s18+$0x70];
	v3 =	vadd.f32 v45, v3  }
0x3e2: {  	v5 =	vadd.f32 v2, v5;
	v2 =	vld [tilespmem:$0x1FC90];
	v1 =	vadd.f32 v8, v1;
	v8 =	vmul.f32 v49, v60  }
0x3e3: {  	v3 =	vadd.f32 v27, v3;
	v0 =	vadd.f32 v6, v0;
	v6 =	vmul.f32 v12, v61;
	v12 =	vld [tilespmem:s18+$0xB0]  }
0x3e4: {  	v1 =	vadd.f32 v8, v1;
	v8 =	vld [tilespmem:$0x1FC60]  }
0x3e5: {  	v3 =	vadd.f32 v21, v3;
	v0 =	vadd.f32 v6, v0;
	v6 =	vmul.f32 v49, v37  }
0x3e6: {  	v51 =	vld [tilespmem:s18+$0xF0]  }
0x3e7: {  	v2 =	vadd.f32 v2, v3;
	v0 =	vadd.f32 v6, v0;
	v3 =	vmul.f32 v50, v34  }
0x3e8: {  	v52 =	vld [tilespmem:$0x1FC70];
	v6 =	vmul.f32 v50, v33  }
0x3e9: {  	v0 =	vadd.f32 v3, v0;
	v3 =	vmul.f32 v12, v56;
	v5 =	vadd.f32 v8, v5;
	v8 =	vld [tilespmem:s18+$0x130]  }
0x3ea: {  	v57 =	vld [tilespmem:$0x1FC40];
	v1 =	vadd.f32 v6, v1;
	v6 =	vmul.f32 v12, v55  }
0x3eb: {  	v60 =	vld [tilespmem:$0x1FC20];
	v0 =	vadd.f32 v3, v0;
	v3 =	vmul.f32 v51, v31  }
0x3ec: {  	v12 =	vld [tilespmem:$0x1FC50];
	v1 =	vadd.f32 v6, v1;
	v6 =	vmul.f32 v51, v29  }
0x3ed: {  	v0 =	vadd.f32 v3, v0  }
0x3ee: {  	v1 =	vadd.f32 v6, v1;
	v3 =	vmul.f32 v8, v28;
	v6 =	vmul.f32 v8, v25;
	v8 =	vld [tilespmem:$0x1FC00]  }
0x3ef: {  	v2 =	vadd.f32 v52, v2;
	v5 =	vadd.f32 v57, v5;
	_ =	sdelay $0x1  }
0x3f0: {  	v2 =	vadd.f32 v12, v2;
	v12 =	vld [tilespmem:$0x1FC30];
	v5 =	vadd.f32 v60, v5  }
0x3f1: {  	v58 =	vld [tilespmem:s18+$0x170]  }
0x3f2: {  	v5 =	vadd.f32 v8, v5;
	v8 =	vld [tilespmem:$0x1FC10]  }
0x3f3: {  	v61 =	vld [tilespmem:s18+$0x1B0];
	_ =	sdelay $0x1  }
0x3f4: {  	v2 =	vadd.f32 v12, v2  }
0x3f5: {  	v63 =	vld [tilespmem:$0x1FB90];
	v1 =	vadd.f32 v6, v1;
	v6 =	vmul.f32 v58, v53  }
0x3f6: {  	v0 =	vadd.f32 v3, v0;
	v3 =	vld [tilespmem:s18+$0x1F0];
	v2 =	vadd.f32 v8, v2  }
0x3f7: {  	v1 =	vadd.f32 v6, v1;
	v6 =	vmul.f32 v61, v22;
	v8 =	vmul.f32 v58, v24  }
0x3f8: {  	v5 =	vadd.f32 v59, v5;
	v2 =	vadd.f32 v62, v2  }
.Ltmp12:
0x3f9: {  	v21 =	vld [tilespmem:$0x1FB10];
	v1 =	vadd.f32 v6, v1;
	v0 =	vadd.f32 v8, v0;
	v8 =	vmul.f32 v61, v23;
	(pc) =	sbr.rel .LBB2_14-.Ltmp12, $4  }
0x3fa: {  	v5 =	vadd.f32 v35, v5;
	v10 =	vadd.f32 v63, v2  }
0x3fb: {  	v6 =	vmul.f32 v3, v18;
	v0 =	vadd.f32 v8, v0;
	v8 =	vmul.f32 v3, v19  }
0x3fc: {  	v2 =	vadd.f32 v32, v5;
	v3 =	vadd.f32 v54, v10  }
0x3fd: {  	v17 =	vmov v9;
	v0 =	vadd.f32 v6, v0;
	v1 =	vadd.f32 v8, v1  }
.LBB2_16:
0x3fe: {  	_ =	sfence.sel $0x180000  }
0x3ff: {  	[bflag:$0x0] =	sbarrier.arrive $0xFFFF  }
0x400: {  	p0 =	sne.s32 s0, $0x0;
	_ =	strace $0x90000047  }
0x401: {  	s0 =	sadd.s32 @!p0 $0x100000, s1;
	[bflag:$0x2] =	sbarrier.arrive $0xFFFF  }
0x402: {  	[sflag:s0] =	ssyncadd.tile.s32 @!p0 $0x1;
	_ =	shalt  }
.Lfunc_end2:
_tile_overlayer_lowered:
.L_overlay_start_2:
0x403: {  	(tag) =	ssettag $0x2  }
0x404: {  	s0 =	rddreg [dreg:$0x0];
	s2 =	stileid.u32  }
0x405: {  	s1 =	rddreg [dreg:$0x1];
	p0 =	sne.s32 s2, $0x0  }
0x406: {  	s3 =	rddreg [dreg:$0x2];
	[bflag:$0x3] =	sbarrier.arrive $0xFFFF;
	s2 =	simm.s32 @!p0 $0x1C03  }
0x407: {  	[timem:s3], [sflag:s2] =	dma.local @!p0 [hbm:s0], s1  }
0x408: {  	s0 =	simm.s32 @!p0 $0x3  }
0x409: {  	_ =	swait.ge @!p0 [sflag:s0], s1  }
0x40a: {  	s1 =	ssub.s32 @!p0 $0x0, s1;
	[sflag:s0] =	ssyncset.done @!p0 $0x0  }
0x40b: {  	[sflag:s0] =	ssyncadd.s32 @!p0 s1  }
0x40c: {  	[bflag:$0x3] =	sbarrier.arrive $0xFFFF  }
0x40d: {  	_ =	shalt  }

</sc_bundles>
